<compile_context>
chip_gen: v7x
topology: tpu7x:2x2x1
jax: 0.10.2.dev20260603
libtpu: 0.0.44.dev20260713+nightly
codegen_flags: <defaults>
</compile_context>

<pallas_src>
import functools

import jax
import jax.numpy as jnp
from jax import lax
from jax.experimental import pallas as pl
from jax.experimental.pallas import tpu as pltpu
from jax.experimental.pallas import tpu_sc as plsc

_K_PERCENT = (10, 10)

_B, _C, _H, _W = 8, 2, 512, 512
_N = _B * _H * _W
_KK = int(_N * _K_PERCENT[0] / 100)
_NS = 16
_NT = _N // _NS
_CH = 16384
_NCHUNK = _NT // _CH
_BINS = 256
_L = 16
_CAPL = 1024



def _bce_body(p_ref, t_ref, out_ref):
    p = p_ref[...]
    t = t_ref[...]
    log_p = jnp.maximum(jnp.log(p), -100.0)
    log_1mp = jnp.maximum(jnp.log(1.0 - p), -100.0)
    out_ref[...] = (-(t * log_p + (1.0 - t) * log_1mp)).reshape(1, _H, _W)


def _bce_loss_channel_major(predict, target):
    return pl.pallas_call(
        _bce_body,
        grid=(_C, _B),
        in_specs=[
            pl.BlockSpec((1, 1, _H, _W), lambda c, b: (b, c, 0, 0)),
            pl.BlockSpec((1, 1, _H, _W), lambda c, b: (b, c, 0, 0)),
        ],
        out_specs=pl.BlockSpec((1, _H, _W), lambda c, b: (c, b, 0)),
        out_shape=jax.ShapeDtypeStruct((_C, _B * _H, _W), jnp.float32),
    )(predict, target)



def _sc_body(loss_ref, out_ref, buf, cnt, sm, cbuf, mbuf, macc, stage, mc,
             ms, sema, semb, sh_cnt, sh_sum, sh_mc, sh_ms):
    ch = lax.axis_index("c")
    s = lax.axis_index("s")
    lane = lax.iota(jnp.int32, _L)
    ones = jnp.ones((_L,), jnp.float32)
    zeros16 = jnp.zeros((_L,), jnp.float32)
    lane_base = lane * _CAPL

    rem = jnp.full((_L,), float(_KK), jnp.float32)
    s_inc = jnp.zeros((_L,), jnp.float32)
    pref = jnp.zeros((_L,), jnp.int32)
    sacc = jnp.zeros((_L,), jnp.float32)
    offs = jnp.zeros((_L,), jnp.int32)

    rows_per_tile = _NT // _W
    rows_per_chunk = _CH // _W

    def chunk_src(j):
        return loss_ref.at[
            ch, pl.ds(s * rows_per_tile + j * rows_per_chunk, rows_per_chunk), :]

    def merge_and_scan(with_sums, rem, s_inc):
        plsc.subcore_barrier()
        pairs = ((sh_cnt, sh_mc), (sh_sum, sh_ms)) if with_sums else (
            (sh_cnt, sh_mc),)
        for src, dst in pairs:
            pltpu.sync_copy(src.at[:, pl.ds(s * _BINS, _BINS)], mbuf)

            @plsc.parallel_loop(0, _L, 1, unroll=4)
            def zacc(q):
                macc[pl.ds(q * _L, _L)] = zeros16

            def row_body(r, _):
                @plsc.parallel_loop(0, _L, 1, unroll=4)
                def q_body(q):
                    macc[pl.ds(q * _L, _L)] = (
                        macc[pl.ds(q * _L, _L)] + mbuf[r, pl.ds(q * _L, _L)])
                return 0
            lax.fori_loop(0, _NS, row_body, 0)

            def lred(k, tot):
                return jnp.where(lane == k,
                                 jnp.sum(macc[pl.ds(k * _L, _L)]), tot)
            totv = lax.fori_loop(0, _L, lred, zeros16)
            stage[...] = totv
            pltpu.sync_copy(stage, dst.at[pl.ds(s * _L, _L)])
        plsc.subcore_barrier()

        pltpu.sync_copy(sh_mc, mc)
        if with_sums:
            pltpu.sync_copy(sh_ms, ms)

        def scan_body(gi, carry):
            if with_sums:
                c0, s1, rem1, binv, found = carry
            else:
                c0, rem1, binv, found = carry
            g = 15 - gi
            cv = mc[pl.ds(g * _L, _L)]
            rv = lax.rev(cv, (0,))
            cum = plsc.cumsum(rv)
            gtot = jnp.sum(cv)
            any_hit = (c0 + gtot) >= rem1
            hit = jnp.logical_and(jnp.logical_not(found),
                                  (c0 + cum) >= rem1)
            i = plsc.all_reduce_ffs(hit)
            sel = lane == i
            rv_i = jnp.sum(jnp.where(sel, rv, 0.0))
            cum_i = jnp.sum(jnp.where(sel, cum, 0.0))
            in_group = jnp.logical_and(jnp.logical_not(found), any_hit)
            rem2 = jnp.where(in_group, rem1 - (c0 + cum_i - rv_i), rem1)
            binv2 = jnp.where(in_group, g * _L + (15 - i), binv)
            found2 = jnp.logical_or(found, in_group)
            if with_sums:
                sv = ms[pl.ds(g * _L, _L)]
                rs = lax.rev(sv, (0,))
                cums = plsc.cumsum(rs)
                gstot = jnp.sum(sv)
                cums_i = jnp.sum(jnp.where(sel, cums, 0.0))
                rs_i = jnp.sum(jnp.where(sel, rs, 0.0))
                take_all = jnp.logical_and(jnp.logical_not(found),
                                           jnp.logical_not(any_hit))
                s2 = jnp.where(in_group, s1 + (cums_i - rs_i),
                               jnp.where(take_all, s1 + gstot, s1))
                return (c0 + gtot, s2, rem2, binv2, found2)
            return (c0 + gtot, rem2, binv2, found2)

        zi = jnp.zeros((_L,), jnp.int32)
        zb = jnp.zeros((_L,), jnp.bool_)
        if with_sums:
            init = (zeros16, s_inc, rem, zi, zb)
            _, s_inc, rem, binstar, _ = lax.fori_loop(0, _L, scan_body, init)
        else:
            init = (zeros16, rem, zi, zb)
            _, rem, binstar, _ = lax.fori_loop(0, _L, scan_body, init)
        return rem, s_inc, binstar

    for shift in (24, 16, 8):
        compact = shift == 8

        @plsc.parallel_loop(0, _BINS, 1, unroll=8)
        def zero_body(q):
            cnt[pl.ds(q * _L, _L)] = zeros16

        pref_now = pref
        pref_hi = pref_now | 255

        def process(p, acc):
            @plsc.parallel_loop(0, _CH // _L, 1, unroll=8, carry=acc)
            def it_body(i, a):
                r = lax.shift_right_logical(i, 5)
                col = (i & 31) * _L
                v = buf[p, r, pl.ds(col, _L)]
                bits = lax.bitcast_convert_type(v, jnp.int32)
                b = lax.shift_right_logical(bits, shift) & 255
                idx = b * _L + lane
                if shift == 24:
                    plsc.addupdate_scatter(cnt, [idx], ones)
                    return a
                hi = lax.shift_right_logical(bits, shift + 8)
                m = hi == pref_now
                plsc.addupdate_scatter(cnt, [idx], ones, mask=m)
                if shift == 16:
                    m_above = hi > pref_now
                else:
                    m_above = jnp.logical_and(hi > pref_now, hi <= pref_hi)
                av, off = a
                av = av + jnp.where(m_above, v, 0.0)
                if compact:
                    slot = lane_base + jnp.minimum(off, _CAPL - 1)
                    plsc.store_scatter(cbuf, [slot], v, mask=m)
                    off = off + jnp.where(m, 1, 0)
                return (av, off)
            return it_body

        pltpu.async_copy(chunk_src(0), buf.at[0], sema)
        pltpu.async_copy(chunk_src(1), buf.at[1], semb)

        def dchunk_body(m_, acc):
            j0 = 2 * m_
            pltpu.make_async_copy(chunk_src(j0), buf.at[0], sema).wait()
            acc = process(0, acc)
            pltpu.async_copy(chunk_src(j0 + 2), buf.at[0], sema)
            pltpu.make_async_copy(chunk_src(j0 + 1), buf.at[1], semb).wait()
            acc = process(1, acc)
            pltpu.async_copy(chunk_src(j0 + 3), buf.at[1], semb)
            return acc
        if shift == 24:
            sacc = lax.fori_loop(0, _NCHUNK // 2 - 1, dchunk_body, sacc)
        else:
            sacc, offs = lax.fori_loop(
                0, _NCHUNK // 2 - 1, dchunk_body, (sacc, offs))
        pltpu.make_async_copy(chunk_src(_NCHUNK - 2), buf.at[0], sema).wait()
        acc_t = sacc if shift == 24 else (sacc, offs)
        acc_t = process(0, acc_t)
        pltpu.make_async_copy(chunk_src(_NCHUNK - 1), buf.at[1], semb).wait()
        acc_t = process(1, acc_t)
        if shift == 24:
            sacc = acc_t
        else:
            sacc, offs = acc_t

        pltpu.sync_copy(cnt, sh_cnt.at[s])
        rem, s_inc, binstar = merge_and_scan(False, rem, s_inc)
        pref = lax.shift_left(pref, 8) | binstar

    @plsc.parallel_loop(0, _BINS, 1, unroll=8)
    def zero4_body(q):
        cnt[pl.ds(q * _L, _L)] = zeros16
        sm[pl.ds(q * _L, _L)] = zeros16

    pref24 = pref
    maxoff = jnp.max(offs)

    def cbody(i, a):
        slot = lane_base + i
        valid = i < offs
        v = plsc.load_gather(cbuf, [slot], mask=valid)
        bits = lax.bitcast_convert_type(v, jnp.int32)
        hi8 = lax.shift_right_logical(bits, 8)
        m = jnp.logical_and(valid, hi8 == pref24)
        b = bits & 255
        idx = b * _L + lane
        plsc.addupdate_scatter(cnt, [idx], ones, mask=m)
        plsc.addupdate_scatter(sm, [idx], v, mask=m)
        m_above = jnp.logical_and(valid, hi8 > pref24)
        return a + jnp.where(m_above, v, 0.0)
    sacc = lax.fori_loop(0, maxoff, cbody, sacc)

    pltpu.sync_copy(cnt, sh_cnt.at[s])
    pltpu.sync_copy(sm, sh_sum.at[s])
    rem, s_inc, binstar = merge_and_scan(True, rem, s_inc)
    pref = lax.shift_left(pref, 8) | binstar

    plsc.subcore_barrier()
    stage[...] = sacc
    pltpu.sync_copy(stage, sh_mc.at[pl.ds(s * _L, _L)])
    plsc.subcore_barrier()
    pltpu.sync_copy(sh_mc, mc)

    def sred(q, tot):
        return tot + mc[pl.ds(q * _L, _L)]
    sacc_rows = lax.fori_loop(0, _L, sred, zeros16)
    s_above = jnp.sum(sacc_rows)

    tval = lax.bitcast_convert_type(pref, jnp.float32)
    res = s_inc + s_above + rem * tval

    @pl.when(s == 0)
    def _():
        stage[...] = res
        pltpu.sync_copy(stage, out_ref.at[ch])


def _sc_topk_sums(loss):
    mesh = plsc.VectorSubcoreMesh(core_axis_name="c", subcore_axis_name="s")
    f = pl.kernel(
        _sc_body,
        out_type=jax.ShapeDtypeStruct((_C, _L), jnp.float32),
        mesh=mesh,
        compiler_params=pltpu.CompilerParams(
            needs_layout_passes=False, use_tc_tiling_on_sc=True),
        scratch_types=[
            pltpu.VMEM((2, _CH // _W, _W), jnp.float32),
            pltpu.VMEM((_BINS * _L,), jnp.float32),
            pltpu.VMEM((_BINS * _L,), jnp.float32),
            pltpu.VMEM((_L * _CAPL,), jnp.float32),
            pltpu.VMEM((_NS, _BINS), jnp.float32),
            pltpu.VMEM((_BINS,), jnp.float32),
            pltpu.VMEM((_L,), jnp.float32),
            pltpu.VMEM((_BINS,), jnp.float32),
            pltpu.VMEM((_BINS,), jnp.float32),
            pltpu.SemaphoreType.DMA,
            pltpu.SemaphoreType.DMA,
            pltpu.VMEM_SHARED((_NS, _BINS * _L), jnp.float32),
            pltpu.VMEM_SHARED((_NS, _BINS * _L), jnp.float32),
            pltpu.VMEM_SHARED((_BINS,), jnp.float32),
            pltpu.VMEM_SHARED((_BINS,), jnp.float32),
        ],
    )
    return f(loss)


def kernel(predict, target, is_average):
    loss = _bce_loss_channel_major(predict, target)
    sums = _sc_topk_sums(loss)
    total = (sums[0, 0] + sums[1, 0]) / (_KK * _C)
    return jnp.where(is_average, total, total * _B)

# --- scband reference (transcript-rebuilt; emitter-appended) ---
"""Pipeline reference for scband-top-kloss-82867099009821 (READ-ONLY COPY).

The authoritative reference and input builder live on the scoring server;
editing this copy changes nothing except your own understanding.
"""

import jax, jax.numpy as jnp
import numpy as np

K = (10, 10)

def setup_inputs(seed: int = 0) -> dict:
    key = jax.random.key(seed)
    k1, k2 = jax.random.split(key)
    predict = jax.random.uniform(k1, (8, 2, 512, 512), dtype=jnp.float32)
    target = jax.random.uniform(k2, (8, 2, 512, 512), dtype=jnp.float32)
    return {"predict": predict, "target": target, "is_average": jnp.asarray(True)}

def _flatten_bce(p, t):
    # torch BCELoss clamps log terms at -100 for numerical stability
    log_p = jnp.clip(jnp.log(p), -100.0, None)
    log_1mp = jnp.clip(jnp.log(1.0 - p), -100.0, None)
    return -(t * log_p + (1.0 - t) * log_1mp)

def reference(predict, target, is_average=True):
    batch = predict.shape[0]
    num_channel = predict.shape[1]
    assert len(K) == num_channel
    all_loss = 0.0
    for i in range(num_channel):
        p = predict[:, i].reshape(-1)
        t = target[:, i].reshape(-1)
        loss = _flatten_bce(p, t)
        num_voxels = loss.shape[0]
        kk = int(num_voxels * K[i] / 100)
        topk_vals, _ = jax.lax.top_k(loss, kk)
        all_loss = all_loss + topk_vals.mean()
    all_loss = all_loss / num_channel
    all_loss = jnp.where(is_average, all_loss, all_loss * batch)
    return all_loss

if __name__ == "__main__":
    import jax
    _d = setup_inputs()
    print(jax.jit(kernel)(*tuple(_d.values())))

</pallas_src>

<mosaic_0001>
#map = affine_map<(d0, d1) -> (0, 0, 0)>
#map1 = affine_map<(d0, d1) -> (0, 0)>
module attributes {stable_mosaic.version = 14 : i64} {
  func.func @_sc_body(%arg0: i32, %arg1: i32, %arg2: memref<2x4096x512xf32, #tpu.memory_space<hbm>>, %arg3: memref<2x16xf32, #tpu.memory_space<hbm>>, %arg4: memref<2x32x512xf32, #tpu.memory_space<vmem>>, %arg5: memref<4096xf32, #tpu.memory_space<vmem>>, %arg6: memref<4096xf32, #tpu.memory_space<vmem>>, %arg7: memref<16384xf32, #tpu.memory_space<vmem>>, %arg8: memref<16x256xf32, #tpu.memory_space<vmem>>, %arg9: memref<256xf32, #tpu.memory_space<vmem>>, %arg10: memref<16xf32, #tpu.memory_space<vmem>>, %arg11: memref<256xf32, #tpu.memory_space<vmem>>, %arg12: memref<256xf32, #tpu.memory_space<vmem>>, %arg13: memref<!tpu.dma_semaphore, #tpu.memory_space<semaphore_mem>>, %arg14: memref<!tpu.dma_semaphore, #tpu.memory_space<semaphore_mem>>, %arg15: memref<16x4096xf32, #tpu.memory_space<vmem_shared>>, %arg16: memref<16x4096xf32, #tpu.memory_space<vmem_shared>>, %arg17: memref<256xf32, #tpu.memory_space<vmem_shared>>, %arg18: memref<256xf32, #tpu.memory_space<vmem_shared>>) attributes {dimension_semantics = [#tpu.dimension_semantics<core_parallel>, #tpu.dimension_semantics<subcore_parallel>], iteration_bounds = array<i64: 2, 16>, scalar_prefetch = 0 : i64, scratch_operands = 15 : i64, tpu.core_type = #tpu.core_type<sc_vector_subcore>, window_params = [{transform_indices = #map}, {transform_indices = #map1}]} {
    %iota3A = tpu.iota {dimensions = array<i32: 0>} : vector<16xi32>
    %broadcast_in_dim3A = arith.constant 1.000000e+00 : f32
    %broadcast_in_dim3A_0 = vector.broadcast %broadcast_in_dim3A : f32 to vector<16xf32>
    %broadcast_in_dim3A_1 = arith.constant 0.000000e+00 : f32
    %broadcast_in_dim3A_2 = vector.broadcast %broadcast_in_dim3A_1 : f32 to vector<16xf32>
    %mul3A = arith.constant 1024 : i32
    %mul3A_3 = vector.broadcast %mul3A : i32 to vector<16xi32>
    %mul3A_4 = arith.muli %iota3A, %mul3A_3 : vector<16xi32>
    %broadcast_in_dim3A_5 = arith.constant 2.097150e+05 : f32
    %broadcast_in_dim3A_6 = vector.broadcast %broadcast_in_dim3A_5 : f32 to vector<16xf32>
    %broadcast_in_dim3A_7 = arith.constant 0.000000e+00 : f32
    %broadcast_in_dim3A_8 = vector.broadcast %broadcast_in_dim3A_7 : f32 to vector<16xf32>
    %broadcast_in_dim3A_9 = arith.constant 0 : i32
    %broadcast_in_dim3A_10 = vector.broadcast %broadcast_in_dim3A_9 : i32 to vector<16xi32>
    %broadcast_in_dim3A_11 = arith.constant 0.000000e+00 : f32
    %broadcast_in_dim3A_12 = vector.broadcast %broadcast_in_dim3A_11 : f32 to vector<16xf32>
    %broadcast_in_dim3A_13 = arith.constant 0 : i32
    %broadcast_in_dim3A_14 = vector.broadcast %broadcast_in_dim3A_13 : i32 to vector<16xi32>
    %parallel_loop3A = arith.constant 0 : i32
    %parallel_loop3A_15 = arith.constant 256 : i32
    %parallel_loop3A_16 = arith.constant 1 : i32
    scf.for %parallel_loop3A_509 = %parallel_loop3A to %parallel_loop3A_15 step %parallel_loop3A_16  : i32 {
      %parallel_loop3A_510 = arith.constant 16 : i32
      %parallel_loop3A_511 = arith.muli %parallel_loop3A_509, %parallel_loop3A_510 : i32
      %parallel_loop3A_512 = arith.index_cast %parallel_loop3A_511 : i32 to index
      %parallel_loop3A_513 = tpu.vector_load %arg5[%parallel_loop3A_512] {strides = array<i32>} : memref<4096xf32, #tpu.memory_space<vmem>>, vector<16xf32>,
      tpu.vector_store %arg5[%parallel_loop3A_512], %broadcast_in_dim3A_2 {strides = array<i32>} : memref<4096xf32, #tpu.memory_space<vmem>>, vector<16xf32>,
    } {sc.loop_unroll_factor = 8 : i64, sc.parallel_access}
    %or3A = arith.constant 255 : i32
    %or3A_17 = vector.broadcast %or3A : i32 to vector<16xi32>
    %or3A_18 = arith.ori %broadcast_in_dim3A_10, %or3A_17 : vector<16xi32>
    %mul3A_19 = arith.constant 256 : i32
    %mul3A_20 = arith.muli %arg1, %mul3A_19 : i32
    %add3A = arith.constant 0 : i32
    %add3A_21 = arith.addi %mul3A_20, %add3A : i32
    %dma_start3A = arith.constant 0 : i32
    %dma_start3A_22 = arith.constant 0 : i32
    %dma_start3A_23 = arith.constant 0 : i32
    %dma_start3A_24 = tpu.memref_slice %arg4[%dma_start3A, %dma_start3A_22, %dma_start3A_23] : memref<2x32x512xf32, #tpu.memory_space<vmem>> -> memref<1x32x512xf32, #tpu.memory_space<vmem>>
    %dma_start3A_25 = tpu.memref_squeeze %dma_start3A_24 : memref<1x32x512xf32, #tpu.memory_space<vmem>> -> memref<32x512xf32, #tpu.memory_space<vmem>>
    %dma_start3A_26 = arith.constant 0 : i32
    %dma_start3A_27 = tpu.memref_slice %arg2[%arg0, %add3A_21, %dma_start3A_26] : memref<2x4096x512xf32, #tpu.memory_space<hbm>> -> memref<1x32x512xf32, #tpu.memory_space<hbm>>
    %dma_start3A_28 = tpu.memref_squeeze %dma_start3A_27 : memref<1x32x512xf32, #tpu.memory_space<hbm>> -> memref<32x512xf32, #tpu.memory_space<hbm>>
    %dma_start3A_29 = arith.constant 0 : i32
    %dma_start3A_30 = arith.constant 0 : i32
    %dma_start3A_31 = tpu.memref_slice %arg4[%dma_start3A, %dma_start3A_29, %dma_start3A_30] : memref<2x32x512xf32, #tpu.memory_space<vmem>> -> memref<1x32x512xf32, #tpu.memory_space<vmem>>
    %dma_start3A_32 = tpu.memref_squeeze %dma_start3A_31 : memref<1x32x512xf32, #tpu.memory_space<vmem>> -> memref<32x512xf32, #tpu.memory_space<vmem>>
    %dma_start3A_33 = arith.constant 0 : i32
    %dma_start3A_34 = tpu.memref_slice %arg2[%arg0, %add3A_21, %dma_start3A_33] : memref<2x4096x512xf32, #tpu.memory_space<hbm>> -> memref<1x32x512xf32, #tpu.memory_space<hbm>>
    %dma_start3A_35 = tpu.memref_squeeze %dma_start3A_34 : memref<1x32x512xf32, #tpu.memory_space<hbm>> -> memref<32x512xf32, #tpu.memory_space<hbm>>
    tpu.enqueue_dma source(%dma_start3A_35 : memref<32x512xf32, #tpu.memory_space<hbm>>) target(%dma_start3A_32 : memref<32x512xf32, #tpu.memory_space<vmem>>) target_semaphore(%arg13 : memref<!tpu.dma_semaphore, #tpu.memory_space<semaphore_mem>>)
    %mul3A_36 = arith.constant 256 : i32
    %mul3A_37 = arith.muli %arg1, %mul3A_36 : i32
    %add3A_38 = arith.constant 32 : i32
    %add3A_39 = arith.addi %mul3A_37, %add3A_38 : i32
    %dma_start3A_40 = arith.constant 1 : i32
    %dma_start3A_41 = arith.constant 0 : i32
    %dma_start3A_42 = arith.constant 0 : i32
    %dma_start3A_43 = tpu.memref_slice %arg4[%dma_start3A_40, %dma_start3A_41, %dma_start3A_42] : memref<2x32x512xf32, #tpu.memory_space<vmem>> -> memref<1x32x512xf32, #tpu.memory_space<vmem>>
    %dma_start3A_44 = tpu.memref_squeeze %dma_start3A_43 : memref<1x32x512xf32, #tpu.memory_space<vmem>> -> memref<32x512xf32, #tpu.memory_space<vmem>>
    %dma_start3A_45 = arith.constant 0 : i32
    %dma_start3A_46 = tpu.memref_slice %arg2[%arg0, %add3A_39, %dma_start3A_45] : memref<2x4096x512xf32, #tpu.memory_space<hbm>> -> memref<1x32x512xf32, #tpu.memory_space<hbm>>
    %dma_start3A_47 = tpu.memref_squeeze %dma_start3A_46 : memref<1x32x512xf32, #tpu.memory_space<hbm>> -> memref<32x512xf32, #tpu.memory_space<hbm>>
    %dma_start3A_48 = arith.constant 0 : i32
    %dma_start3A_49 = arith.constant 0 : i32
    %dma_start3A_50 = tpu.memref_slice %arg4[%dma_start3A_40, %dma_start3A_48, %dma_start3A_49] : memref<2x32x512xf32, #tpu.memory_space<vmem>> -> memref<1x32x512xf32, #tpu.memory_space<vmem>>
    %dma_start3A_51 = tpu.memref_squeeze %dma_start3A_50 : memref<1x32x512xf32, #tpu.memory_space<vmem>> -> memref<32x512xf32, #tpu.memory_space<vmem>>
    %dma_start3A_52 = arith.constant 0 : i32
    %dma_start3A_53 = tpu.memref_slice %arg2[%arg0, %add3A_39, %dma_start3A_52] : memref<2x4096x512xf32, #tpu.memory_space<hbm>> -> memref<1x32x512xf32, #tpu.memory_space<hbm>>
    %dma_start3A_54 = tpu.memref_squeeze %dma_start3A_53 : memref<1x32x512xf32, #tpu.memory_space<hbm>> -> memref<32x512xf32, #tpu.memory_space<hbm>>
    tpu.enqueue_dma source(%dma_start3A_54 : memref<32x512xf32, #tpu.memory_space<hbm>>) target(%dma_start3A_51 : memref<32x512xf32, #tpu.memory_space<vmem>>) target_semaphore(%arg14 : memref<!tpu.dma_semaphore, #tpu.memory_space<semaphore_mem>>)
    %scan3A = arith.constant 0 : i32
    %scan3A_55 = arith.constant 3 : i32
    %scan3A_56 = arith.addi %scan3A, %scan3A_55 : i32
    %scan3A_57 = arith.constant 1 : i32
    %scan3A_58 = scf.for %scan3A_509 = %scan3A to %scan3A_56 step %scan3A_57 iter_args(%scan3A_510 = %broadcast_in_dim3A_12) -> (vector<16xf32>)  : i32 {
      %mul3A_511 = arith.constant 2 : i32
      %mul3A_512 = arith.muli %mul3A_511, %scan3A_509 : i32
      %mul3A_513 = arith.constant 256 : i32
      %mul3A_514 = arith.muli %arg1, %mul3A_513 : i32
      %mul3A_515 = arith.constant 32 : i32
      %mul3A_516 = arith.muli %mul3A_512, %mul3A_515 : i32
      %add3A_517 = arith.addi %mul3A_514, %mul3A_516 : i32
      %dma_wait3A_518 = arith.constant 0 : i32
      %dma_wait3A_519 = arith.constant 0 : i32
      %dma_wait3A_520 = arith.constant 0 : i32
      %dma_wait3A_521 = tpu.memref_slice %arg4[%dma_wait3A_518, %dma_wait3A_519, %dma_wait3A_520] : memref<2x32x512xf32, #tpu.memory_space<vmem>> -> memref<1x32x512xf32, #tpu.memory_space<vmem>>
      %dma_wait3A_522 = tpu.memref_squeeze %dma_wait3A_521 : memref<1x32x512xf32, #tpu.memory_space<vmem>> -> memref<32x512xf32, #tpu.memory_space<vmem>>
      %dma_wait3A_523 = arith.constant 0 : i32
      %dma_wait3A_524 = tpu.memref_slice %arg2[%arg0, %add3A_517, %dma_wait3A_523] : memref<2x4096x512xf32, #tpu.memory_space<hbm>> -> memref<1x32x512xf32, #tpu.memory_space<hbm>>
      %dma_wait3A_525 = tpu.memref_squeeze %dma_wait3A_524 : memref<1x32x512xf32, #tpu.memory_space<hbm>> -> memref<32x512xf32, #tpu.memory_space<hbm>>
      %dma_wait3A_526 = arith.constant 0 : i32
      %dma_wait3A_527 = arith.constant 0 : i32
      %dma_wait3A_528 = tpu.memref_slice %arg4[%dma_wait3A_518, %dma_wait3A_526, %dma_wait3A_527] : memref<2x32x512xf32, #tpu.memory_space<vmem>> -> memref<1x32x512xf32, #tpu.memory_space<vmem>>
      %dma_wait3A_529 = tpu.memref_squeeze %dma_wait3A_528 : memref<1x32x512xf32, #tpu.memory_space<vmem>> -> memref<32x512xf32, #tpu.memory_space<vmem>>
      %dma_wait3A_530 = arith.constant 0 : i32
      %dma_wait3A_531 = tpu.memref_slice %arg2[%arg0, %add3A_517, %dma_wait3A_530] : memref<2x4096x512xf32, #tpu.memory_space<hbm>> -> memref<1x32x512xf32, #tpu.memory_space<hbm>>
      %dma_wait3A_532 = tpu.memref_squeeze %dma_wait3A_531 : memref<1x32x512xf32, #tpu.memory_space<hbm>> -> memref<32x512xf32, #tpu.memory_space<hbm>>
      tpu.wait_dma2 semaphore(%arg13 : memref<!tpu.dma_semaphore, #tpu.memory_space<semaphore_mem>>) src(%dma_wait3A_532 : memref<32x512xf32, #tpu.memory_space<hbm>>) dst(%dma_wait3A_529 : memref<32x512xf32, #tpu.memory_space<vmem>>)
      %parallel_loop3A_533 = arith.constant 0 : i32
      %parallel_loop3A_534 = arith.constant 1024 : i32
      %parallel_loop3A_535 = arith.constant 1 : i32
      %parallel_loop3A_536 = scf.for %parallel_loop3A_607 = %parallel_loop3A_533 to %parallel_loop3A_534 step %parallel_loop3A_535 iter_args(%parallel_loop3A_608 = %scan3A_510) -> (vector<16xf32>)  : i32 {
        %parallel_loop3A_609 = arith.constant 5 : i32
        %parallel_loop3A_610 = arith.shrui %parallel_loop3A_607, %parallel_loop3A_609 : i32
        %parallel_loop3A_611 = arith.constant 31 : i32
        %parallel_loop3A_612 = arith.andi %parallel_loop3A_607, %parallel_loop3A_611 : i32
        %parallel_loop3A_613 = arith.constant 16 : i32
        %parallel_loop3A_614 = arith.muli %parallel_loop3A_612, %parallel_loop3A_613 : i32
        %parallel_loop3A_615 = arith.constant 0 : i32
        %parallel_loop3A_616 = arith.index_cast %parallel_loop3A_615 : i32 to index
        %parallel_loop3A_617 = arith.index_cast %parallel_loop3A_610 : i32 to index
        %parallel_loop3A_618 = arith.index_cast %parallel_loop3A_614 : i32 to index
        %parallel_loop3A_619 = tpu.vector_load %arg4[%parallel_loop3A_616, %parallel_loop3A_617, %parallel_loop3A_618] {strides = array<i32>} : memref<2x32x512xf32, #tpu.memory_space<vmem>>, vector<16xf32>,
        %parallel_loop3A_620 = tpu.bitcast %parallel_loop3A_619 : vector<16xf32> -> vector<16xi32>
        %parallel_loop3A_621 = arith.constant 24 : i32
        %parallel_loop3A_622 = vector.broadcast %parallel_loop3A_621 : i32 to vector<16xi32>
        %parallel_loop3A_623 = arith.shrui %parallel_loop3A_620, %parallel_loop3A_622 : vector<16xi32>
        %parallel_loop3A_624 = arith.constant 255 : i32
        %parallel_loop3A_625 = vector.broadcast %parallel_loop3A_624 : i32 to vector<16xi32>
        %parallel_loop3A_626 = arith.andi %parallel_loop3A_623, %parallel_loop3A_625 : vector<16xi32>
        %parallel_loop3A_627 = arith.constant 16 : i32
        %parallel_loop3A_628 = vector.broadcast %parallel_loop3A_627 : i32 to vector<16xi32>
        %parallel_loop3A_629 = arith.muli %parallel_loop3A_626, %parallel_loop3A_628 : vector<16xi32>
        %parallel_loop3A_630 = arith.addi %parallel_loop3A_629, %iota3A : vector<16xi32>
        tpu.vector_store_idx %arg5[%parallel_loop3A_630], %broadcast_in_dim3A_0 {add = true} : memref<4096xf32, #tpu.memory_space<vmem>>[vector<16xi32>], vector<16xf32>,
        scf.yield %parallel_loop3A_608 : vector<16xf32>
      } {sc.loop_unroll_factor = 8 : i64, sc.parallel_access}
      %add3A_537 = arith.constant 2 : i32
      %add3A_538 = arith.addi %mul3A_512, %add3A_537 : i32
      %mul3A_539 = arith.constant 256 : i32
      %mul3A_540 = arith.muli %arg1, %mul3A_539 : i32
      %mul3A_541 = arith.constant 32 : i32
      %mul3A_542 = arith.muli %add3A_538, %mul3A_541 : i32
      %add3A_543 = arith.addi %mul3A_540, %mul3A_542 : i32
      %dma_start3A_544 = arith.constant 0 : i32
      %dma_start3A_545 = arith.constant 0 : i32
      %dma_start3A_546 = arith.constant 0 : i32
      %dma_start3A_547 = tpu.memref_slice %arg4[%dma_start3A_544, %dma_start3A_545, %dma_start3A_546] : memref<2x32x512xf32, #tpu.memory_space<vmem>> -> memref<1x32x512xf32, #tpu.memory_space<vmem>>
      %dma_start3A_548 = tpu.memref_squeeze %dma_start3A_547 : memref<1x32x512xf32, #tpu.memory_space<vmem>> -> memref<32x512xf32, #tpu.memory_space<vmem>>
      %dma_start3A_549 = arith.constant 0 : i32
      %dma_start3A_550 = tpu.memref_slice %arg2[%arg0, %add3A_543, %dma_start3A_549] : memref<2x4096x512xf32, #tpu.memory_space<hbm>> -> memref<1x32x512xf32, #tpu.memory_space<hbm>>
      %dma_start3A_551 = tpu.memref_squeeze %dma_start3A_550 : memref<1x32x512xf32, #tpu.memory_space<hbm>> -> memref<32x512xf32, #tpu.memory_space<hbm>>
      %dma_start3A_552 = arith.constant 0 : i32
      %dma_start3A_553 = arith.constant 0 : i32
      %dma_start3A_554 = tpu.memref_slice %arg4[%dma_start3A_544, %dma_start3A_552, %dma_start3A_553] : memref<2x32x512xf32, #tpu.memory_space<vmem>> -> memref<1x32x512xf32, #tpu.memory_space<vmem>>
      %dma_start3A_555 = tpu.memref_squeeze %dma_start3A_554 : memref<1x32x512xf32, #tpu.memory_space<vmem>> -> memref<32x512xf32, #tpu.memory_space<vmem>>
      %dma_start3A_556 = arith.constant 0 : i32
      %dma_start3A_557 = tpu.memref_slice %arg2[%arg0, %add3A_543, %dma_start3A_556] : memref<2x4096x512xf32, #tpu.memory_space<hbm>> -> memref<1x32x512xf32, #tpu.memory_space<hbm>>
      %dma_start3A_558 = tpu.memref_squeeze %dma_start3A_557 : memref<1x32x512xf32, #tpu.memory_space<hbm>> -> memref<32x512xf32, #tpu.memory_space<hbm>>
      tpu.enqueue_dma source(%dma_start3A_558 : memref<32x512xf32, #tpu.memory_space<hbm>>) target(%dma_start3A_555 : memref<32x512xf32, #tpu.memory_space<vmem>>) target_semaphore(%arg13 : memref<!tpu.dma_semaphore, #tpu.memory_space<semaphore_mem>>)
      %add3A_559 = arith.constant 1 : i32
      %add3A_560 = arith.addi %mul3A_512, %add3A_559 : i32
      %mul3A_561 = arith.constant 256 : i32
      %mul3A_562 = arith.muli %arg1, %mul3A_561 : i32
      %mul3A_563 = arith.constant 32 : i32
      %mul3A_564 = arith.muli %add3A_560, %mul3A_563 : i32
      %add3A_565 = arith.addi %mul3A_562, %mul3A_564 : i32
      %dma_wait3A_566 = arith.constant 1 : i32
      %dma_wait3A_567 = arith.constant 0 : i32
      %dma_wait3A_568 = arith.constant 0 : i32
      %dma_wait3A_569 = tpu.memref_slice %arg4[%dma_wait3A_566, %dma_wait3A_567, %dma_wait3A_568] : memref<2x32x512xf32, #tpu.memory_space<vmem>> -> memref<1x32x512xf32, #tpu.memory_space<vmem>>
      %dma_wait3A_570 = tpu.memref_squeeze %dma_wait3A_569 : memref<1x32x512xf32, #tpu.memory_space<vmem>> -> memref<32x512xf32, #tpu.memory_space<vmem>>
      %dma_wait3A_571 = arith.constant 0 : i32
      %dma_wait3A_572 = tpu.memref_slice %arg2[%arg0, %add3A_565, %dma_wait3A_571] : memref<2x4096x512xf32, #tpu.memory_space<hbm>> -> memref<1x32x512xf32, #tpu.memory_space<hbm>>
      %dma_wait3A_573 = tpu.memref_squeeze %dma_wait3A_572 : memref<1x32x512xf32, #tpu.memory_space<hbm>> -> memref<32x512xf32, #tpu.memory_space<hbm>>
      %dma_wait3A_574 = arith.constant 0 : i32
      %dma_wait3A_575 = arith.constant 0 : i32
      %dma_wait3A_576 = tpu.memref_slice %arg4[%dma_wait3A_566, %dma_wait3A_574, %dma_wait3A_575] : memref<2x32x512xf32, #tpu.memory_space<vmem>> -> memref<1x32x512xf32, #tpu.memory_space<vmem>>
      %dma_wait3A_577 = tpu.memref_squeeze %dma_wait3A_576 : memref<1x32x512xf32, #tpu.memory_space<vmem>> -> memref<32x512xf32, #tpu.memory_space<vmem>>
      %dma_wait3A_578 = arith.constant 0 : i32
      %dma_wait3A_579 = tpu.memref_slice %arg2[%arg0, %add3A_565, %dma_wait3A_578] : memref<2x4096x512xf32, #tpu.memory_space<hbm>> -> memref<1x32x512xf32, #tpu.memory_space<hbm>>
      %dma_wait3A_580 = tpu.memref_squeeze %dma_wait3A_579 : memref<1x32x512xf32, #tpu.memory_space<hbm>> -> memref<32x512xf32, #tpu.memory_space<hbm>>
      tpu.wait_dma2 semaphore(%arg14 : memref<!tpu.dma_semaphore, #tpu.memory_space<semaphore_mem>>) src(%dma_wait3A_580 : memref<32x512xf32, #tpu.memory_space<hbm>>) dst(%dma_wait3A_577 : memref<32x512xf32, #tpu.memory_space<vmem>>)
      %parallel_loop3A_581 = arith.constant 0 : i32
      %parallel_loop3A_582 = arith.constant 1024 : i32
      %parallel_loop3A_583 = arith.constant 1 : i32
      %parallel_loop3A_584 = scf.for %parallel_loop3A_607 = %parallel_loop3A_581 to %parallel_loop3A_582 step %parallel_loop3A_583 iter_args(%parallel_loop3A_608 = %parallel_loop3A_536) -> (vector<16xf32>)  : i32 {
        %parallel_loop3A_609 = arith.constant 5 : i32
        %parallel_loop3A_610 = arith.shrui %parallel_loop3A_607, %parallel_loop3A_609 : i32
        %parallel_loop3A_611 = arith.constant 31 : i32
        %parallel_loop3A_612 = arith.andi %parallel_loop3A_607, %parallel_loop3A_611 : i32
        %parallel_loop3A_613 = arith.constant 16 : i32
        %parallel_loop3A_614 = arith.muli %parallel_loop3A_612, %parallel_loop3A_613 : i32
        %parallel_loop3A_615 = arith.constant 1 : i32
        %parallel_loop3A_616 = arith.index_cast %parallel_loop3A_615 : i32 to index
        %parallel_loop3A_617 = arith.index_cast %parallel_loop3A_610 : i32 to index
        %parallel_loop3A_618 = arith.index_cast %parallel_loop3A_614 : i32 to index
        %parallel_loop3A_619 = tpu.vector_load %arg4[%parallel_loop3A_616, %parallel_loop3A_617, %parallel_loop3A_618] {strides = array<i32>} : memref<2x32x512xf32, #tpu.memory_space<vmem>>, vector<16xf32>,
        %parallel_loop3A_620 = tpu.bitcast %parallel_loop3A_619 : vector<16xf32> -> vector<16xi32>
        %parallel_loop3A_621 = arith.constant 24 : i32
        %parallel_loop3A_622 = vector.broadcast %parallel_loop3A_621 : i32 to vector<16xi32>
        %parallel_loop3A_623 = arith.shrui %parallel_loop3A_620, %parallel_loop3A_622 : vector<16xi32>
        %parallel_loop3A_624 = arith.constant 255 : i32
        %parallel_loop3A_625 = vector.broadcast %parallel_loop3A_624 : i32 to vector<16xi32>
        %parallel_loop3A_626 = arith.andi %parallel_loop3A_623, %parallel_loop3A_625 : vector<16xi32>
        %parallel_loop3A_627 = arith.constant 16 : i32
        %parallel_loop3A_628 = vector.broadcast %parallel_loop3A_627 : i32 to vector<16xi32>
        %parallel_loop3A_629 = arith.muli %parallel_loop3A_626, %parallel_loop3A_628 : vector<16xi32>
        %parallel_loop3A_630 = arith.addi %parallel_loop3A_629, %iota3A : vector<16xi32>
        tpu.vector_store_idx %arg5[%parallel_loop3A_630], %broadcast_in_dim3A_0 {add = true} : memref<4096xf32, #tpu.memory_space<vmem>>[vector<16xi32>], vector<16xf32>,
        scf.yield %parallel_loop3A_608 : vector<16xf32>
      } {sc.loop_unroll_factor = 8 : i64, sc.parallel_access}
      %add3A_585 = arith.constant 3 : i32
      %add3A_586 = arith.addi %mul3A_512, %add3A_585 : i32
      %mul3A_587 = arith.constant 256 : i32
      %mul3A_588 = arith.muli %arg1, %mul3A_587 : i32
      %mul3A_589 = arith.constant 32 : i32
      %mul3A_590 = arith.muli %add3A_586, %mul3A_589 : i32
      %add3A_591 = arith.addi %mul3A_588, %mul3A_590 : i32
      %dma_start3A_592 = arith.constant 1 : i32
      %dma_start3A_593 = arith.constant 0 : i32
      %dma_start3A_594 = arith.constant 0 : i32
      %dma_start3A_595 = tpu.memref_slice %arg4[%dma_start3A_592, %dma_start3A_593, %dma_start3A_594] : memref<2x32x512xf32, #tpu.memory_space<vmem>> -> memref<1x32x512xf32, #tpu.memory_space<vmem>>
      %dma_start3A_596 = tpu.memref_squeeze %dma_start3A_595 : memref<1x32x512xf32, #tpu.memory_space<vmem>> -> memref<32x512xf32, #tpu.memory_space<vmem>>
      %dma_start3A_597 = arith.constant 0 : i32
      %dma_start3A_598 = tpu.memref_slice %arg2[%arg0, %add3A_591, %dma_start3A_597] : memref<2x4096x512xf32, #tpu.memory_space<hbm>> -> memref<1x32x512xf32, #tpu.memory_space<hbm>>
      %dma_start3A_599 = tpu.memref_squeeze %dma_start3A_598 : memref<1x32x512xf32, #tpu.memory_space<hbm>> -> memref<32x512xf32, #tpu.memory_space<hbm>>
      %dma_start3A_600 = arith.constant 0 : i32
      %dma_start3A_601 = arith.constant 0 : i32
      %dma_start3A_602 = tpu.memref_slice %arg4[%dma_start3A_592, %dma_start3A_600, %dma_start3A_601] : memref<2x32x512xf32, #tpu.memory_space<vmem>> -> memref<1x32x512xf32, #tpu.memory_space<vmem>>
      %dma_start3A_603 = tpu.memref_squeeze %dma_start3A_602 : memref<1x32x512xf32, #tpu.memory_space<vmem>> -> memref<32x512xf32, #tpu.memory_space<vmem>>
      %dma_start3A_604 = arith.constant 0 : i32
      %dma_start3A_605 = tpu.memref_slice %arg2[%arg0, %add3A_591, %dma_start3A_604] : memref<2x4096x512xf32, #tpu.memory_space<hbm>> -> memref<1x32x512xf32, #tpu.memory_space<hbm>>
      %dma_start3A_606 = tpu.memref_squeeze %dma_start3A_605 : memref<1x32x512xf32, #tpu.memory_space<hbm>> -> memref<32x512xf32, #tpu.memory_space<hbm>>
      tpu.enqueue_dma source(%dma_start3A_606 : memref<32x512xf32, #tpu.memory_space<hbm>>) target(%dma_start3A_603 : memref<32x512xf32, #tpu.memory_space<vmem>>) target_semaphore(%arg14 : memref<!tpu.dma_semaphore, #tpu.memory_space<semaphore_mem>>)
      scf.yield %parallel_loop3A_584 : vector<16xf32>
    }
    %scan3A_59 = arith.constant 3 : i32
    %mul3A_60 = arith.constant 256 : i32
    %mul3A_61 = arith.muli %arg1, %mul3A_60 : i32
    %add3A_62 = arith.constant 192 : i32
    %add3A_63 = arith.addi %mul3A_61, %add3A_62 : i32
    %dma_wait3A = arith.constant 0 : i32
    %dma_wait3A_64 = arith.constant 0 : i32
    %dma_wait3A_65 = arith.constant 0 : i32
    %dma_wait3A_66 = tpu.memref_slice %arg4[%dma_wait3A, %dma_wait3A_64, %dma_wait3A_65] : memref<2x32x512xf32, #tpu.memory_space<vmem>> -> memref<1x32x512xf32, #tpu.memory_space<vmem>>
    %dma_wait3A_67 = tpu.memref_squeeze %dma_wait3A_66 : memref<1x32x512xf32, #tpu.memory_space<vmem>> -> memref<32x512xf32, #tpu.memory_space<vmem>>
    %dma_wait3A_68 = arith.constant 0 : i32
    %dma_wait3A_69 = tpu.memref_slice %arg2[%arg0, %add3A_63, %dma_wait3A_68] : memref<2x4096x512xf32, #tpu.memory_space<hbm>> -> memref<1x32x512xf32, #tpu.memory_space<hbm>>
    %dma_wait3A_70 = tpu.memref_squeeze %dma_wait3A_69 : memref<1x32x512xf32, #tpu.memory_space<hbm>> -> memref<32x512xf32, #tpu.memory_space<hbm>>
    %dma_wait3A_71 = arith.constant 0 : i32
    %dma_wait3A_72 = arith.constant 0 : i32
    %dma_wait3A_73 = tpu.memref_slice %arg4[%dma_wait3A, %dma_wait3A_71, %dma_wait3A_72] : memref<2x32x512xf32, #tpu.memory_space<vmem>> -> memref<1x32x512xf32, #tpu.memory_space<vmem>>
    %dma_wait3A_74 = tpu.memref_squeeze %dma_wait3A_73 : memref<1x32x512xf32, #tpu.memory_space<vmem>> -> memref<32x512xf32, #tpu.memory_space<vmem>>
    %dma_wait3A_75 = arith.constant 0 : i32
    %dma_wait3A_76 = tpu.memref_slice %arg2[%arg0, %add3A_63, %dma_wait3A_75] : memref<2x4096x512xf32, #tpu.memory_space<hbm>> -> memref<1x32x512xf32, #tpu.memory_space<hbm>>
    %dma_wait3A_77 = tpu.memref_squeeze %dma_wait3A_76 : memref<1x32x512xf32, #tpu.memory_space<hbm>> -> memref<32x512xf32, #tpu.memory_space<hbm>>
    tpu.wait_dma2 semaphore(%arg13 : memref<!tpu.dma_semaphore, #tpu.memory_space<semaphore_mem>>) src(%dma_wait3A_77 : memref<32x512xf32, #tpu.memory_space<hbm>>) dst(%dma_wait3A_74 : memref<32x512xf32, #tpu.memory_space<vmem>>)
    %parallel_loop3A_78 = arith.constant 0 : i32
    %parallel_loop3A_79 = arith.constant 1024 : i32
    %parallel_loop3A_80 = arith.constant 1 : i32
    %parallel_loop3A_81 = scf.for %parallel_loop3A_509 = %parallel_loop3A_78 to %parallel_loop3A_79 step %parallel_loop3A_80 iter_args(%parallel_loop3A_510 = %scan3A_58) -> (vector<16xf32>)  : i32 {
      %parallel_loop3A_511 = arith.constant 5 : i32
      %parallel_loop3A_512 = arith.shrui %parallel_loop3A_509, %parallel_loop3A_511 : i32
      %parallel_loop3A_513 = arith.constant 31 : i32
      %parallel_loop3A_514 = arith.andi %parallel_loop3A_509, %parallel_loop3A_513 : i32
      %parallel_loop3A_515 = arith.constant 16 : i32
      %parallel_loop3A_516 = arith.muli %parallel_loop3A_514, %parallel_loop3A_515 : i32
      %parallel_loop3A_517 = arith.constant 0 : i32
      %parallel_loop3A_518 = arith.index_cast %parallel_loop3A_517 : i32 to index
      %parallel_loop3A_519 = arith.index_cast %parallel_loop3A_512 : i32 to index
      %parallel_loop3A_520 = arith.index_cast %parallel_loop3A_516 : i32 to index
      %parallel_loop3A_521 = tpu.vector_load %arg4[%parallel_loop3A_518, %parallel_loop3A_519, %parallel_loop3A_520] {strides = array<i32>} : memref<2x32x512xf32, #tpu.memory_space<vmem>>, vector<16xf32>,
      %parallel_loop3A_522 = tpu.bitcast %parallel_loop3A_521 : vector<16xf32> -> vector<16xi32>
      %parallel_loop3A_523 = arith.constant 24 : i32
      %parallel_loop3A_524 = vector.broadcast %parallel_loop3A_523 : i32 to vector<16xi32>
      %parallel_loop3A_525 = arith.shrui %parallel_loop3A_522, %parallel_loop3A_524 : vector<16xi32>
      %parallel_loop3A_526 = arith.constant 255 : i32
      %parallel_loop3A_527 = vector.broadcast %parallel_loop3A_526 : i32 to vector<16xi32>
      %parallel_loop3A_528 = arith.andi %parallel_loop3A_525, %parallel_loop3A_527 : vector<16xi32>
      %parallel_loop3A_529 = arith.constant 16 : i32
      %parallel_loop3A_530 = vector.broadcast %parallel_loop3A_529 : i32 to vector<16xi32>
      %parallel_loop3A_531 = arith.muli %parallel_loop3A_528, %parallel_loop3A_530 : vector<16xi32>
      %parallel_loop3A_532 = arith.addi %parallel_loop3A_531, %iota3A : vector<16xi32>
      tpu.vector_store_idx %arg5[%parallel_loop3A_532], %broadcast_in_dim3A_0 {add = true} : memref<4096xf32, #tpu.memory_space<vmem>>[vector<16xi32>], vector<16xf32>,
      scf.yield %parallel_loop3A_510 : vector<16xf32>
    } {sc.loop_unroll_factor = 8 : i64, sc.parallel_access}
    %mul3A_82 = arith.constant 256 : i32
    %mul3A_83 = arith.muli %arg1, %mul3A_82 : i32
    %add3A_84 = arith.constant 224 : i32
    %add3A_85 = arith.addi %mul3A_83, %add3A_84 : i32
    %dma_wait3A_86 = arith.constant 1 : i32
    %dma_wait3A_87 = arith.constant 0 : i32
    %dma_wait3A_88 = arith.constant 0 : i32
    %dma_wait3A_89 = tpu.memref_slice %arg4[%dma_wait3A_86, %dma_wait3A_87, %dma_wait3A_88] : memref<2x32x512xf32, #tpu.memory_space<vmem>> -> memref<1x32x512xf32, #tpu.memory_space<vmem>>
    %dma_wait3A_90 = tpu.memref_squeeze %dma_wait3A_89 : memref<1x32x512xf32, #tpu.memory_space<vmem>> -> memref<32x512xf32, #tpu.memory_space<vmem>>
    %dma_wait3A_91 = arith.constant 0 : i32
    %dma_wait3A_92 = tpu.memref_slice %arg2[%arg0, %add3A_85, %dma_wait3A_91] : memref<2x4096x512xf32, #tpu.memory_space<hbm>> -> memref<1x32x512xf32, #tpu.memory_space<hbm>>
    %dma_wait3A_93 = tpu.memref_squeeze %dma_wait3A_92 : memref<1x32x512xf32, #tpu.memory_space<hbm>> -> memref<32x512xf32, #tpu.memory_space<hbm>>
    %dma_wait3A_94 = arith.constant 0 : i32
    %dma_wait3A_95 = arith.constant 0 : i32
    %dma_wait3A_96 = tpu.memref_slice %arg4[%dma_wait3A_86, %dma_wait3A_94, %dma_wait3A_95] : memref<2x32x512xf32, #tpu.memory_space<vmem>> -> memref<1x32x512xf32, #tpu.memory_space<vmem>>
    %dma_wait3A_97 = tpu.memref_squeeze %dma_wait3A_96 : memref<1x32x512xf32, #tpu.memory_space<vmem>> -> memref<32x512xf32, #tpu.memory_space<vmem>>
    %dma_wait3A_98 = arith.constant 0 : i32
    %dma_wait3A_99 = tpu.memref_slice %arg2[%arg0, %add3A_85, %dma_wait3A_98] : memref<2x4096x512xf32, #tpu.memory_space<hbm>> -> memref<1x32x512xf32, #tpu.memory_space<hbm>>
    %dma_wait3A_100 = tpu.memref_squeeze %dma_wait3A_99 : memref<1x32x512xf32, #tpu.memory_space<hbm>> -> memref<32x512xf32, #tpu.memory_space<hbm>>
    tpu.wait_dma2 semaphore(%arg14 : memref<!tpu.dma_semaphore, #tpu.memory_space<semaphore_mem>>) src(%dma_wait3A_100 : memref<32x512xf32, #tpu.memory_space<hbm>>) dst(%dma_wait3A_97 : memref<32x512xf32, #tpu.memory_space<vmem>>)
    %parallel_loop3A_101 = arith.constant 0 : i32
    %parallel_loop3A_102 = arith.constant 1024 : i32
    %parallel_loop3A_103 = arith.constant 1 : i32
    %parallel_loop3A_104 = scf.for %parallel_loop3A_509 = %parallel_loop3A_101 to %parallel_loop3A_102 step %parallel_loop3A_103 iter_args(%parallel_loop3A_510 = %parallel_loop3A_81) -> (vector<16xf32>)  : i32 {
      %parallel_loop3A_511 = arith.constant 5 : i32
      %parallel_loop3A_512 = arith.shrui %parallel_loop3A_509, %parallel_loop3A_511 : i32
      %parallel_loop3A_513 = arith.constant 31 : i32
      %parallel_loop3A_514 = arith.andi %parallel_loop3A_509, %parallel_loop3A_513 : i32
      %parallel_loop3A_515 = arith.constant 16 : i32
      %parallel_loop3A_516 = arith.muli %parallel_loop3A_514, %parallel_loop3A_515 : i32
      %parallel_loop3A_517 = arith.constant 1 : i32
      %parallel_loop3A_518 = arith.index_cast %parallel_loop3A_517 : i32 to index
      %parallel_loop3A_519 = arith.index_cast %parallel_loop3A_512 : i32 to index
      %parallel_loop3A_520 = arith.index_cast %parallel_loop3A_516 : i32 to index
      %parallel_loop3A_521 = tpu.vector_load %arg4[%parallel_loop3A_518, %parallel_loop3A_519, %parallel_loop3A_520] {strides = array<i32>} : memref<2x32x512xf32, #tpu.memory_space<vmem>>, vector<16xf32>,
      %parallel_loop3A_522 = tpu.bitcast %parallel_loop3A_521 : vector<16xf32> -> vector<16xi32>
      %parallel_loop3A_523 = arith.constant 24 : i32
      %parallel_loop3A_524 = vector.broadcast %parallel_loop3A_523 : i32 to vector<16xi32>
      %parallel_loop3A_525 = arith.shrui %parallel_loop3A_522, %parallel_loop3A_524 : vector<16xi32>
      %parallel_loop3A_526 = arith.constant 255 : i32
      %parallel_loop3A_527 = vector.broadcast %parallel_loop3A_526 : i32 to vector<16xi32>
      %parallel_loop3A_528 = arith.andi %parallel_loop3A_525, %parallel_loop3A_527 : vector<16xi32>
      %parallel_loop3A_529 = arith.constant 16 : i32
      %parallel_loop3A_530 = vector.broadcast %parallel_loop3A_529 : i32 to vector<16xi32>
      %parallel_loop3A_531 = arith.muli %parallel_loop3A_528, %parallel_loop3A_530 : vector<16xi32>
      %parallel_loop3A_532 = arith.addi %parallel_loop3A_531, %iota3A : vector<16xi32>
      tpu.vector_store_idx %arg5[%parallel_loop3A_532], %broadcast_in_dim3A_0 {add = true} : memref<4096xf32, #tpu.memory_space<vmem>>[vector<16xi32>], vector<16xf32>,
      scf.yield %parallel_loop3A_510 : vector<16xf32>
    } {sc.loop_unroll_factor = 8 : i64, sc.parallel_access}
    "tpu.region"() ({
      %run_scoped3A = tpu.sem_alloc : memref<!tpu.dma_semaphore, #tpu.memory_space<semaphore_mem>>
      %dma_start3A_509 = arith.constant 0 : i32
      %dma_start3A_510 = tpu.memref_slice %arg15[%arg1, %dma_start3A_509] : memref<16x4096xf32, #tpu.memory_space<vmem_shared>> -> memref<1x4096xf32, #tpu.memory_space<vmem_shared>>
      %dma_start3A_511 = tpu.memref_squeeze %dma_start3A_510 : memref<1x4096xf32, #tpu.memory_space<vmem_shared>> -> memref<4096xf32, #tpu.memory_space<vmem_shared>>
      %dma_start3A_512 = arith.constant 0 : i32
      %dma_start3A_513 = tpu.memref_slice %arg15[%arg1, %dma_start3A_512] : memref<16x4096xf32, #tpu.memory_space<vmem_shared>> -> memref<1x4096xf32, #tpu.memory_space<vmem_shared>>
      %dma_start3A_514 = tpu.memref_squeeze %dma_start3A_513 : memref<1x4096xf32, #tpu.memory_space<vmem_shared>> -> memref<4096xf32, #tpu.memory_space<vmem_shared>>
      tpu.enqueue_dma source(%arg5 : memref<4096xf32, #tpu.memory_space<vmem>>) target(%dma_start3A_514 : memref<4096xf32, #tpu.memory_space<vmem_shared>>) target_semaphore(%run_scoped3A : memref<!tpu.dma_semaphore, #tpu.memory_space<semaphore_mem>>)
      %dma_wait3A_515 = arith.constant 0 : i32
      %dma_wait3A_516 = tpu.memref_slice %arg15[%arg1, %dma_wait3A_515] : memref<16x4096xf32, #tpu.memory_space<vmem_shared>> -> memref<1x4096xf32, #tpu.memory_space<vmem_shared>>
      %dma_wait3A_517 = tpu.memref_squeeze %dma_wait3A_516 : memref<1x4096xf32, #tpu.memory_space<vmem_shared>> -> memref<4096xf32, #tpu.memory_space<vmem_shared>>
      %dma_wait3A_518 = arith.constant 0 : i32
      %dma_wait3A_519 = tpu.memref_slice %arg15[%arg1, %dma_wait3A_518] : memref<16x4096xf32, #tpu.memory_space<vmem_shared>> -> memref<1x4096xf32, #tpu.memory_space<vmem_shared>>
      %dma_wait3A_520 = tpu.memref_squeeze %dma_wait3A_519 : memref<1x4096xf32, #tpu.memory_space<vmem_shared>> -> memref<4096xf32, #tpu.memory_space<vmem_shared>>
      tpu.wait_dma2 semaphore(%run_scoped3A : memref<!tpu.dma_semaphore, #tpu.memory_space<semaphore_mem>>) src(%arg5 : memref<4096xf32, #tpu.memory_space<vmem>>) dst(%dma_wait3A_520 : memref<4096xf32, #tpu.memory_space<vmem_shared>>)
      tpu.yield
    }) : () -> ()
    %barrier3A = arith.constant 0 : index
    tpu.barrier barrier_id(%barrier3A)
    %mul3A_105 = arith.constant 256 : i32
    %mul3A_106 = arith.muli %arg1, %mul3A_105 : i32
    "tpu.region"() ({
      %run_scoped3A = tpu.sem_alloc : memref<!tpu.dma_semaphore, #tpu.memory_space<semaphore_mem>>
      %dma_start3A_509 = arith.constant 0 : i32
      %dma_start3A_510 = tpu.memref_slice %arg15[%dma_start3A_509, %mul3A_106] : memref<16x4096xf32, #tpu.memory_space<vmem_shared>> -> memref<16x256xf32, #tpu.memory_space<vmem_shared>>
      %dma_start3A_511 = arith.constant 0 : i32
      %dma_start3A_512 = tpu.memref_slice %arg15[%dma_start3A_511, %mul3A_106] : memref<16x4096xf32, #tpu.memory_space<vmem_shared>> -> memref<16x256xf32, #tpu.memory_space<vmem_shared>>
      tpu.enqueue_dma source(%dma_start3A_512 : memref<16x256xf32, #tpu.memory_space<vmem_shared>>) target(%arg8 : memref<16x256xf32, #tpu.memory_space<vmem>>) target_semaphore(%run_scoped3A : memref<!tpu.dma_semaphore, #tpu.memory_space<semaphore_mem>>)
      %dma_wait3A_513 = arith.constant 0 : i32
      %dma_wait3A_514 = tpu.memref_slice %arg15[%dma_wait3A_513, %mul3A_106] : memref<16x4096xf32, #tpu.memory_space<vmem_shared>> -> memref<16x256xf32, #tpu.memory_space<vmem_shared>>
      %dma_wait3A_515 = arith.constant 0 : i32
      %dma_wait3A_516 = tpu.memref_slice %arg15[%dma_wait3A_515, %mul3A_106] : memref<16x4096xf32, #tpu.memory_space<vmem_shared>> -> memref<16x256xf32, #tpu.memory_space<vmem_shared>>
      tpu.wait_dma2 semaphore(%run_scoped3A : memref<!tpu.dma_semaphore, #tpu.memory_space<semaphore_mem>>) src(%dma_wait3A_516 : memref<16x256xf32, #tpu.memory_space<vmem_shared>>) dst(%arg8 : memref<16x256xf32, #tpu.memory_space<vmem>>)
      tpu.yield
    }) : () -> ()
    %parallel_loop3A_107 = arith.constant 0 : i32
    %parallel_loop3A_108 = arith.constant 16 : i32
    %parallel_loop3A_109 = arith.constant 1 : i32
    scf.for %parallel_loop3A_509 = %parallel_loop3A_107 to %parallel_loop3A_108 step %parallel_loop3A_109  : i32 {
      %parallel_loop3A_510 = arith.constant 16 : i32
      %parallel_loop3A_511 = arith.muli %parallel_loop3A_509, %parallel_loop3A_510 : i32
      %parallel_loop3A_512 = arith.index_cast %parallel_loop3A_511 : i32 to index
      %parallel_loop3A_513 = tpu.vector_load %arg9[%parallel_loop3A_512] {strides = array<i32>} : memref<256xf32, #tpu.memory_space<vmem>>, vector<16xf32>,
      tpu.vector_store %arg9[%parallel_loop3A_512], %broadcast_in_dim3A_2 {strides = array<i32>} : memref<256xf32, #tpu.memory_space<vmem>>, vector<16xf32>,
    } {sc.loop_unroll_factor = 4 : i64, sc.parallel_access}
    %scan3A_110 = arith.constant 0 : i32
    %scan3A_111 = arith.constant 0 : i32
    %scan3A_112 = arith.constant 16 : i32
    %scan3A_113 = arith.addi %scan3A_111, %scan3A_112 : i32
    %scan3A_114 = arith.constant 1 : i32
    %scan3A_115 = scf.for %scan3A_509 = %scan3A_111 to %scan3A_113 step %scan3A_114 iter_args(%scan3A_510 = %scan3A_110) -> (i32)  : i32 {
      %parallel_loop3A_511 = arith.constant 0 : i32
      %parallel_loop3A_512 = arith.constant 16 : i32
      %parallel_loop3A_513 = arith.constant 1 : i32
      scf.for %parallel_loop3A_515 = %parallel_loop3A_511 to %parallel_loop3A_512 step %parallel_loop3A_513  : i32 {
        %parallel_loop3A_516 = arith.constant 16 : i32
        %parallel_loop3A_517 = arith.muli %parallel_loop3A_515, %parallel_loop3A_516 : i32
        %parallel_loop3A_518 = arith.index_cast %parallel_loop3A_517 : i32 to index
        %parallel_loop3A_519 = tpu.vector_load %arg9[%parallel_loop3A_518] {strides = array<i32>} : memref<256xf32, #tpu.memory_space<vmem>>, vector<16xf32>,
        %parallel_loop3A_520 = arith.constant 16 : i32
        %parallel_loop3A_521 = arith.muli %parallel_loop3A_515, %parallel_loop3A_520 : i32
        %parallel_loop3A_522 = arith.index_cast %scan3A_509 : i32 to index
        %parallel_loop3A_523 = arith.index_cast %parallel_loop3A_521 : i32 to index
        %parallel_loop3A_524 = tpu.vector_load %arg8[%parallel_loop3A_522, %parallel_loop3A_523] {strides = array<i32>} : memref<16x256xf32, #tpu.memory_space<vmem>>, vector<16xf32>,
        %parallel_loop3A_525 = arith.addf %parallel_loop3A_519, %parallel_loop3A_524 : vector<16xf32>
        %parallel_loop3A_526 = arith.constant 16 : i32
        %parallel_loop3A_527 = arith.muli %parallel_loop3A_515, %parallel_loop3A_526 : i32
        %parallel_loop3A_528 = arith.index_cast %parallel_loop3A_527 : i32 to index
        %parallel_loop3A_529 = tpu.vector_load %arg9[%parallel_loop3A_528] {strides = array<i32>} : memref<256xf32, #tpu.memory_space<vmem>>, vector<16xf32>,
        tpu.vector_store %arg9[%parallel_loop3A_528], %parallel_loop3A_525 {strides = array<i32>} : memref<256xf32, #tpu.memory_space<vmem>>, vector<16xf32>,
      } {sc.loop_unroll_factor = 4 : i64, sc.parallel_access}
      %scan3A_514 = arith.constant 0 : i32
      scf.yield %scan3A_514 : i32
    }
    %scan3A_116 = arith.constant 16 : i32
    %scan3A_117 = arith.constant 0 : i32
    %scan3A_118 = arith.constant 16 : i32
    %scan3A_119 = arith.addi %scan3A_117, %scan3A_118 : i32
    %scan3A_120 = arith.constant 1 : i32
    %scan3A_121 = scf.for %scan3A_509 = %scan3A_117 to %scan3A_119 step %scan3A_120 iter_args(%scan3A_510 = %broadcast_in_dim3A_2) -> (vector<16xf32>)  : i32 {
      %eq3A_511 = vector.broadcast %scan3A_509 : i32 to vector<16xi32>
      %eq3A_512 = arith.cmpi eq, %iota3A, %eq3A_511 : vector<16xi32>
      %mul3A_513 = arith.constant 16 : i32
      %mul3A_514 = arith.muli %scan3A_509, %mul3A_513 : i32
      %get3A = arith.index_cast %mul3A_514 : i32 to index
      %get3A_515 = tpu.vector_load %arg9[%get3A] {strides = array<i32>} : memref<256xf32, #tpu.memory_space<vmem>>, vector<16xf32>,
      %reduce_sum3A_516 = arith.constant true
      %reduce_sum3A_517 = vector.broadcast %reduce_sum3A_516 : i1 to vector<16xi1>
      %reduce_sum3A_518 = tpu.scan <sum>, %get3A_515 masked %reduce_sum3A_517 : vector<16xf32>, vector<16xi1> -> vector<16xf32>
      %reduce_sum3A_519 = vector.extract %reduce_sum3A_518[15] : f32 from vector<16xf32>
      %broadcast_in_dim3A_520 = vector.broadcast %reduce_sum3A_519 : f32 to vector<16xf32>
      %select_n3A = arith.select %eq3A_512, %broadcast_in_dim3A_520, %scan3A_510 : vector<16xi1>, vector<16xf32>
      scf.yield %select_n3A : vector<16xf32>
    }
    %scan3A_122 = arith.constant 16 : i32
    %swap3A = arith.constant 0 : index
    %swap3A_123 = tpu.vector_load %arg10[%swap3A] {strides = array<i32>} : memref<16xf32, #tpu.memory_space<vmem>>, vector<16xf32>,
    tpu.vector_store %arg10[%swap3A], %scan3A_121 {strides = array<i32>} : memref<16xf32, #tpu.memory_space<vmem>>, vector<16xf32>,
    %mul3A_124 = arith.constant 16 : i32
    %mul3A_125 = arith.muli %arg1, %mul3A_124 : i32
    "tpu.region"() ({
      %run_scoped3A = tpu.sem_alloc : memref<!tpu.dma_semaphore, #tpu.memory_space<semaphore_mem>>
      %dma_start3A_509 = tpu.memref_slice %arg17[%mul3A_125] : memref<256xf32, #tpu.memory_space<vmem_shared>> -> memref<16xf32, #tpu.memory_space<vmem_shared>>
      %dma_start3A_510 = tpu.memref_slice %arg17[%mul3A_125] : memref<256xf32, #tpu.memory_space<vmem_shared>> -> memref<16xf32, #tpu.memory_space<vmem_shared>>
      tpu.enqueue_dma source(%arg10 : memref<16xf32, #tpu.memory_space<vmem>>) target(%dma_start3A_510 : memref<16xf32, #tpu.memory_space<vmem_shared>>) target_semaphore(%run_scoped3A : memref<!tpu.dma_semaphore, #tpu.memory_space<semaphore_mem>>)
      %dma_wait3A_511 = tpu.memref_slice %arg17[%mul3A_125] : memref<256xf32, #tpu.memory_space<vmem_shared>> -> memref<16xf32, #tpu.memory_space<vmem_shared>>
      %dma_wait3A_512 = tpu.memref_slice %arg17[%mul3A_125] : memref<256xf32, #tpu.memory_space<vmem_shared>> -> memref<16xf32, #tpu.memory_space<vmem_shared>>
      tpu.wait_dma2 semaphore(%run_scoped3A : memref<!tpu.dma_semaphore, #tpu.memory_space<semaphore_mem>>) src(%arg10 : memref<16xf32, #tpu.memory_space<vmem>>) dst(%dma_wait3A_512 : memref<16xf32, #tpu.memory_space<vmem_shared>>)
      tpu.yield
    }) : () -> ()
    %barrier3A_126 = arith.constant 0 : index
    tpu.barrier barrier_id(%barrier3A_126)
    "tpu.region"() ({
      %run_scoped3A = tpu.sem_alloc : memref<!tpu.dma_semaphore, #tpu.memory_space<semaphore_mem>>
      tpu.enqueue_dma source(%arg17 : memref<256xf32, #tpu.memory_space<vmem_shared>>) target(%arg11 : memref<256xf32, #tpu.memory_space<vmem>>) target_semaphore(%run_scoped3A : memref<!tpu.dma_semaphore, #tpu.memory_space<semaphore_mem>>)
      tpu.wait_dma2 semaphore(%run_scoped3A : memref<!tpu.dma_semaphore, #tpu.memory_space<semaphore_mem>>) src(%arg17 : memref<256xf32, #tpu.memory_space<vmem_shared>>) dst(%arg11 : memref<256xf32, #tpu.memory_space<vmem>>)
      tpu.yield
    }) : () -> ()
    %broadcast_in_dim3A_127 = arith.constant 0 : i32
    %broadcast_in_dim3A_128 = vector.broadcast %broadcast_in_dim3A_127 : i32 to vector<16xi32>
    %broadcast_in_dim3A_129 = arith.constant false
    %broadcast_in_dim3A_130 = vector.broadcast %broadcast_in_dim3A_129 : i1 to vector<16xi1>
    %scan3A_131 = arith.constant 0 : i32
    %scan3A_132 = arith.constant 16 : i32
    %scan3A_133 = arith.addi %scan3A_131, %scan3A_132 : i32
    %scan3A_134 = arith.constant 1 : i32
    %scan3A_135:4 = scf.for %scan3A_509 = %scan3A_131 to %scan3A_133 step %scan3A_134 iter_args(%scan3A_510 = %broadcast_in_dim3A_2, %scan3A_511 = %broadcast_in_dim3A_6, %scan3A_512 = %broadcast_in_dim3A_128, %scan3A_513 = %broadcast_in_dim3A_130) -> (vector<16xf32>, vector<16xf32>, vector<16xi32>, vector<16xi1>)  : i32 {
      %sub3A = arith.constant 15 : i32
      %sub3A_514 = arith.subi %sub3A, %scan3A_509 : i32
      %mul3A_515 = arith.constant 16 : i32
      %mul3A_516 = arith.muli %sub3A_514, %mul3A_515 : i32
      %get3A = arith.index_cast %mul3A_516 : i32 to index
      %get3A_517 = tpu.vector_load %arg11[%get3A] {strides = array<i32>} : memref<256xf32, #tpu.memory_space<vmem>>, vector<16xf32>,
      %rev3A = arith.constant 15 : i32
      %rev3A_518 = vector.broadcast %rev3A : i32 to vector<16xi32>
      %rev3A_519 = tpu.iota {dimensions = array<i32: 0>} : vector<16xi32>
      %rev3A_520 = arith.subi %rev3A_518, %rev3A_519 : vector<16xi32>
      %rev3A_521 = tpu.dynamic_gather %get3A_517[%rev3A_520] in [0] : vector<16xf32>, vector<16xi32> -> vector<16xf32>
      %broadcast_in_dim3A_522 = arith.constant true
      %broadcast_in_dim3A_523 = vector.broadcast %broadcast_in_dim3A_522 : i1 to vector<16xi1>
      %masked_cumsum3A = tpu.scan <sum>, %rev3A_521 masked %broadcast_in_dim3A_523 : vector<16xf32>, vector<16xi1> -> vector<16xf32>
      %reduce_sum3A_524 = arith.constant true
      %reduce_sum3A_525 = vector.broadcast %reduce_sum3A_524 : i1 to vector<16xi1>
      %reduce_sum3A_526 = tpu.scan <sum>, %get3A_517 masked %reduce_sum3A_525 : vector<16xf32>, vector<16xi1> -> vector<16xf32>
      %reduce_sum3A_527 = vector.extract %reduce_sum3A_526[15] : f32 from vector<16xf32>
      %add3A_528 = vector.broadcast %reduce_sum3A_527 : f32 to vector<16xf32>
      %add3A_529 = arith.addf %scan3A_510, %add3A_528 : vector<16xf32>
      %ge3A = arith.cmpf oge, %add3A_529, %scan3A_511 : vector<16xf32>
      %not3A = arith.constant dense<true> : vector<16xi1>
      %not3A_530 = arith.xori %scan3A_513, %not3A : vector<16xi1>
      %add3A_531 = arith.addf %scan3A_510, %masked_cumsum3A : vector<16xf32>
      %ge3A_532 = arith.cmpf oge, %add3A_531, %scan3A_511 : vector<16xf32>
      %and3A = arith.andi %not3A_530, %ge3A_532 : vector<16xi1>
      %all_reduce_ffs3A = tpu.all_reduce %and3A {dim = 0 : i64, kind = #tpu.reduction_kind<find_first_set>} : vector<16xi1> -> vector<16xi32>
      %eq3A_533 = arith.cmpi eq, %iota3A, %all_reduce_ffs3A : vector<16xi32>
      %jit3A = arith.constant 0.000000e+00 : f32
      %broadcast_in_dim3A_534 = vector.broadcast %jit3A : f32 to vector<16xf32>
      %select_n3A = arith.select %eq3A_533, %rev3A_521, %broadcast_in_dim3A_534 : vector<16xi1>, vector<16xf32>
      %reduce_sum3A_535 = arith.constant true
      %reduce_sum3A_536 = vector.broadcast %reduce_sum3A_535 : i1 to vector<16xi1>
      %reduce_sum3A_537 = tpu.scan <sum>, %select_n3A masked %reduce_sum3A_536 : vector<16xf32>, vector<16xi1> -> vector<16xf32>
      %reduce_sum3A_538 = vector.extract %reduce_sum3A_537[15] : f32 from vector<16xf32>
      %jit3A_539 = arith.constant 0.000000e+00 : f32
      %broadcast_in_dim3A_540 = vector.broadcast %jit3A_539 : f32 to vector<16xf32>
      %select_n3A_541 = arith.select %eq3A_533, %masked_cumsum3A, %broadcast_in_dim3A_540 : vector<16xi1>, vector<16xf32>
      %reduce_sum3A_542 = arith.constant true
      %reduce_sum3A_543 = vector.broadcast %reduce_sum3A_542 : i1 to vector<16xi1>
      %reduce_sum3A_544 = tpu.scan <sum>, %select_n3A_541 masked %reduce_sum3A_543 : vector<16xf32>, vector<16xi1> -> vector<16xf32>
      %reduce_sum3A_545 = vector.extract %reduce_sum3A_544[15] : f32 from vector<16xf32>
      %not3A_546 = arith.constant dense<true> : vector<16xi1>
      %not3A_547 = arith.xori %scan3A_513, %not3A_546 : vector<16xi1>
      %and3A_548 = arith.andi %not3A_547, %ge3A : vector<16xi1>
      %add3A_549 = vector.broadcast %reduce_sum3A_545 : f32 to vector<16xf32>
      %add3A_550 = arith.addf %scan3A_510, %add3A_549 : vector<16xf32>
      %sub3A_551 = vector.broadcast %reduce_sum3A_538 : f32 to vector<16xf32>
      %sub3A_552 = arith.subf %add3A_550, %sub3A_551 : vector<16xf32>
      %sub3A_553 = arith.subf %scan3A_511, %sub3A_552 : vector<16xf32>
      %select_n3A_554 = arith.select %and3A_548, %sub3A_553, %scan3A_511 : vector<16xi1>, vector<16xf32>
      %mul3A_555 = arith.constant 16 : i32
      %mul3A_556 = arith.muli %sub3A_514, %mul3A_555 : i32
      %sub3A_557 = arith.constant 15 : i32
      %sub3A_558 = vector.broadcast %sub3A_557 : i32 to vector<16xi32>
      %sub3A_559 = arith.subi %sub3A_558, %all_reduce_ffs3A : vector<16xi32>
      %add3A_560 = vector.broadcast %mul3A_556 : i32 to vector<16xi32>
      %add3A_561 = arith.addi %add3A_560, %sub3A_559 : vector<16xi32>
      %select_n3A_562 = arith.select %and3A_548, %add3A_561, %scan3A_512 : vector<16xi1>, vector<16xi32>
      %or3A_563 = arith.ori %scan3A_513, %and3A_548 : vector<16xi1>
      %add3A_564 = vector.broadcast %reduce_sum3A_527 : f32 to vector<16xf32>
      %add3A_565 = arith.addf %scan3A_510, %add3A_564 : vector<16xf32>
      scf.yield %add3A_565, %select_n3A_554, %select_n3A_562, %or3A_563 : vector<16xf32>, vector<16xf32>, vector<16xi32>, vector<16xi1>
    }
    %scan3A_136 = arith.constant 16 : i32
    %shift_left3A = arith.constant 8 : i32
    %shift_left3A_137 = vector.broadcast %shift_left3A : i32 to vector<16xi32>
    %shift_left3A_138 = arith.shli %broadcast_in_dim3A_10, %shift_left3A_137 : vector<16xi32>
    %or3A_139 = arith.ori %shift_left3A_138, %scan3A_135#2 : vector<16xi32>
    %parallel_loop3A_140 = arith.constant 0 : i32
    %parallel_loop3A_141 = arith.constant 256 : i32
    %parallel_loop3A_142 = arith.constant 1 : i32
    scf.for %parallel_loop3A_509 = %parallel_loop3A_140 to %parallel_loop3A_141 step %parallel_loop3A_142  : i32 {
      %parallel_loop3A_510 = arith.constant 16 : i32
      %parallel_loop3A_511 = arith.muli %parallel_loop3A_509, %parallel_loop3A_510 : i32
      %parallel_loop3A_512 = arith.index_cast %parallel_loop3A_511 : i32 to index
      %parallel_loop3A_513 = tpu.vector_load %arg5[%parallel_loop3A_512] {strides = array<i32>} : memref<4096xf32, #tpu.memory_space<vmem>>, vector<16xf32>,
      tpu.vector_store %arg5[%parallel_loop3A_512], %broadcast_in_dim3A_2 {strides = array<i32>} : memref<4096xf32, #tpu.memory_space<vmem>>, vector<16xf32>,
    } {sc.loop_unroll_factor = 8 : i64, sc.parallel_access}
    %or3A_143 = arith.constant 255 : i32
    %or3A_144 = vector.broadcast %or3A_143 : i32 to vector<16xi32>
    %or3A_145 = arith.ori %or3A_139, %or3A_144 : vector<16xi32>
    %mul3A_146 = arith.constant 256 : i32
    %mul3A_147 = arith.muli %arg1, %mul3A_146 : i32
    %add3A_148 = arith.constant 0 : i32
    %add3A_149 = arith.addi %mul3A_147, %add3A_148 : i32
    %dma_start3A_150 = arith.constant 0 : i32
    %dma_start3A_151 = arith.constant 0 : i32
    %dma_start3A_152 = arith.constant 0 : i32
    %dma_start3A_153 = tpu.memref_slice %arg4[%dma_start3A_150, %dma_start3A_151, %dma_start3A_152] : memref<2x32x512xf32, #tpu.memory_space<vmem>> -> memref<1x32x512xf32, #tpu.memory_space<vmem>>
    %dma_start3A_154 = tpu.memref_squeeze %dma_start3A_153 : memref<1x32x512xf32, #tpu.memory_space<vmem>> -> memref<32x512xf32, #tpu.memory_space<vmem>>
    %dma_start3A_155 = arith.constant 0 : i32
    %dma_start3A_156 = tpu.memref_slice %arg2[%arg0, %add3A_149, %dma_start3A_155] : memref<2x4096x512xf32, #tpu.memory_space<hbm>> -> memref<1x32x512xf32, #tpu.memory_space<hbm>>
    %dma_start3A_157 = tpu.memref_squeeze %dma_start3A_156 : memref<1x32x512xf32, #tpu.memory_space<hbm>> -> memref<32x512xf32, #tpu.memory_space<hbm>>
    %dma_start3A_158 = arith.constant 0 : i32
    %dma_start3A_159 = arith.constant 0 : i32
    %dma_start3A_160 = tpu.memref_slice %arg4[%dma_start3A_150, %dma_start3A_158, %dma_start3A_159] : memref<2x32x512xf32, #tpu.memory_space<vmem>> -> memref<1x32x512xf32, #tpu.memory_space<vmem>>
    %dma_start3A_161 = tpu.memref_squeeze %dma_start3A_160 : memref<1x32x512xf32, #tpu.memory_space<vmem>> -> memref<32x512xf32, #tpu.memory_space<vmem>>
    %dma_start3A_162 = arith.constant 0 : i32
    %dma_start3A_163 = tpu.memref_slice %arg2[%arg0, %add3A_149, %dma_start3A_162] : memref<2x4096x512xf32, #tpu.memory_space<hbm>> -> memref<1x32x512xf32, #tpu.memory_space<hbm>>
    %dma_start3A_164 = tpu.memref_squeeze %dma_start3A_163 : memref<1x32x512xf32, #tpu.memory_space<hbm>> -> memref<32x512xf32, #tpu.memory_space<hbm>>
    tpu.enqueue_dma source(%dma_start3A_164 : memref<32x512xf32, #tpu.memory_space<hbm>>) target(%dma_start3A_161 : memref<32x512xf32, #tpu.memory_space<vmem>>) target_semaphore(%arg13 : memref<!tpu.dma_semaphore, #tpu.memory_space<semaphore_mem>>)
    %mul3A_165 = arith.constant 256 : i32
    %mul3A_166 = arith.muli %arg1, %mul3A_165 : i32
    %add3A_167 = arith.constant 32 : i32
    %add3A_168 = arith.addi %mul3A_166, %add3A_167 : i32
    %dma_start3A_169 = arith.constant 1 : i32
    %dma_start3A_170 = arith.constant 0 : i32
    %dma_start3A_171 = arith.constant 0 : i32
    %dma_start3A_172 = tpu.memref_slice %arg4[%dma_start3A_169, %dma_start3A_170, %dma_start3A_171] : memref<2x32x512xf32, #tpu.memory_space<vmem>> -> memref<1x32x512xf32, #tpu.memory_space<vmem>>
    %dma_start3A_173 = tpu.memref_squeeze %dma_start3A_172 : memref<1x32x512xf32, #tpu.memory_space<vmem>> -> memref<32x512xf32, #tpu.memory_space<vmem>>
    %dma_start3A_174 = arith.constant 0 : i32
    %dma_start3A_175 = tpu.memref_slice %arg2[%arg0, %add3A_168, %dma_start3A_174] : memref<2x4096x512xf32, #tpu.memory_space<hbm>> -> memref<1x32x512xf32, #tpu.memory_space<hbm>>
    %dma_start3A_176 = tpu.memref_squeeze %dma_start3A_175 : memref<1x32x512xf32, #tpu.memory_space<hbm>> -> memref<32x512xf32, #tpu.memory_space<hbm>>
    %dma_start3A_177 = arith.constant 0 : i32
    %dma_start3A_178 = arith.constant 0 : i32
    %dma_start3A_179 = tpu.memref_slice %arg4[%dma_start3A_169, %dma_start3A_177, %dma_start3A_178] : memref<2x32x512xf32, #tpu.memory_space<vmem>> -> memref<1x32x512xf32, #tpu.memory_space<vmem>>
    %dma_start3A_180 = tpu.memref_squeeze %dma_start3A_179 : memref<1x32x512xf32, #tpu.memory_space<vmem>> -> memref<32x512xf32, #tpu.memory_space<vmem>>
    %dma_start3A_181 = arith.constant 0 : i32
    %dma_start3A_182 = tpu.memref_slice %arg2[%arg0, %add3A_168, %dma_start3A_181] : memref<2x4096x512xf32, #tpu.memory_space<hbm>> -> memref<1x32x512xf32, #tpu.memory_space<hbm>>
    %dma_start3A_183 = tpu.memref_squeeze %dma_start3A_182 : memref<1x32x512xf32, #tpu.memory_space<hbm>> -> memref<32x512xf32, #tpu.memory_space<hbm>>
    tpu.enqueue_dma source(%dma_start3A_183 : memref<32x512xf32, #tpu.memory_space<hbm>>) target(%dma_start3A_180 : memref<32x512xf32, #tpu.memory_space<vmem>>) target_semaphore(%arg14 : memref<!tpu.dma_semaphore, #tpu.memory_space<semaphore_mem>>)
    %scan3A_184 = arith.constant 0 : i32
    %scan3A_185 = arith.constant 3 : i32
    %scan3A_186 = arith.addi %scan3A_184, %scan3A_185 : i32
    %scan3A_187 = arith.constant 1 : i32
    %scan3A_188:2 = scf.for %scan3A_509 = %scan3A_184 to %scan3A_186 step %scan3A_187 iter_args(%scan3A_510 = %parallel_loop3A_104, %scan3A_511 = %broadcast_in_dim3A_14) -> (vector<16xf32>, vector<16xi32>)  : i32 {
      %mul3A_512 = arith.constant 2 : i32
      %mul3A_513 = arith.muli %mul3A_512, %scan3A_509 : i32
      %mul3A_514 = arith.constant 256 : i32
      %mul3A_515 = arith.muli %arg1, %mul3A_514 : i32
      %mul3A_516 = arith.constant 32 : i32
      %mul3A_517 = arith.muli %mul3A_513, %mul3A_516 : i32
      %add3A_518 = arith.addi %mul3A_515, %mul3A_517 : i32
      %dma_wait3A_519 = arith.constant 0 : i32
      %dma_wait3A_520 = arith.constant 0 : i32
      %dma_wait3A_521 = arith.constant 0 : i32
      %dma_wait3A_522 = tpu.memref_slice %arg4[%dma_wait3A_519, %dma_wait3A_520, %dma_wait3A_521] : memref<2x32x512xf32, #tpu.memory_space<vmem>> -> memref<1x32x512xf32, #tpu.memory_space<vmem>>
      %dma_wait3A_523 = tpu.memref_squeeze %dma_wait3A_522 : memref<1x32x512xf32, #tpu.memory_space<vmem>> -> memref<32x512xf32, #tpu.memory_space<vmem>>
      %dma_wait3A_524 = arith.constant 0 : i32
      %dma_wait3A_525 = tpu.memref_slice %arg2[%arg0, %add3A_518, %dma_wait3A_524] : memref<2x4096x512xf32, #tpu.memory_space<hbm>> -> memref<1x32x512xf32, #tpu.memory_space<hbm>>
      %dma_wait3A_526 = tpu.memref_squeeze %dma_wait3A_525 : memref<1x32x512xf32, #tpu.memory_space<hbm>> -> memref<32x512xf32, #tpu.memory_space<hbm>>
      %dma_wait3A_527 = arith.constant 0 : i32
      %dma_wait3A_528 = arith.constant 0 : i32
      %dma_wait3A_529 = tpu.memref_slice %arg4[%dma_wait3A_519, %dma_wait3A_527, %dma_wait3A_528] : memref<2x32x512xf32, #tpu.memory_space<vmem>> -> memref<1x32x512xf32, #tpu.memory_space<vmem>>
      %dma_wait3A_530 = tpu.memref_squeeze %dma_wait3A_529 : memref<1x32x512xf32, #tpu.memory_space<vmem>> -> memref<32x512xf32, #tpu.memory_space<vmem>>
      %dma_wait3A_531 = arith.constant 0 : i32
      %dma_wait3A_532 = tpu.memref_slice %arg2[%arg0, %add3A_518, %dma_wait3A_531] : memref<2x4096x512xf32, #tpu.memory_space<hbm>> -> memref<1x32x512xf32, #tpu.memory_space<hbm>>
      %dma_wait3A_533 = tpu.memref_squeeze %dma_wait3A_532 : memref<1x32x512xf32, #tpu.memory_space<hbm>> -> memref<32x512xf32, #tpu.memory_space<hbm>>
      tpu.wait_dma2 semaphore(%arg13 : memref<!tpu.dma_semaphore, #tpu.memory_space<semaphore_mem>>) src(%dma_wait3A_533 : memref<32x512xf32, #tpu.memory_space<hbm>>) dst(%dma_wait3A_530 : memref<32x512xf32, #tpu.memory_space<vmem>>)
      %parallel_loop3A_534 = arith.constant 0 : i32
      %parallel_loop3A_535 = arith.constant 1024 : i32
      %parallel_loop3A_536 = arith.constant 1 : i32
      %parallel_loop3A_537:2 = scf.for %parallel_loop3A_608 = %parallel_loop3A_534 to %parallel_loop3A_535 step %parallel_loop3A_536 iter_args(%parallel_loop3A_609 = %scan3A_510, %parallel_loop3A_610 = %scan3A_511) -> (vector<16xf32>, vector<16xi32>)  : i32 {
        %parallel_loop3A_611 = arith.constant 5 : i32
        %parallel_loop3A_612 = arith.shrui %parallel_loop3A_608, %parallel_loop3A_611 : i32
        %parallel_loop3A_613 = arith.constant 31 : i32
        %parallel_loop3A_614 = arith.andi %parallel_loop3A_608, %parallel_loop3A_613 : i32
        %parallel_loop3A_615 = arith.constant 16 : i32
        %parallel_loop3A_616 = arith.muli %parallel_loop3A_614, %parallel_loop3A_615 : i32
        %parallel_loop3A_617 = arith.constant 0 : i32
        %parallel_loop3A_618 = arith.index_cast %parallel_loop3A_617 : i32 to index
        %parallel_loop3A_619 = arith.index_cast %parallel_loop3A_612 : i32 to index
        %parallel_loop3A_620 = arith.index_cast %parallel_loop3A_616 : i32 to index
        %parallel_loop3A_621 = tpu.vector_load %arg4[%parallel_loop3A_618, %parallel_loop3A_619, %parallel_loop3A_620] {strides = array<i32>} : memref<2x32x512xf32, #tpu.memory_space<vmem>>, vector<16xf32>,
        %parallel_loop3A_622 = tpu.bitcast %parallel_loop3A_621 : vector<16xf32> -> vector<16xi32>
        %parallel_loop3A_623 = arith.constant 16 : i32
        %parallel_loop3A_624 = vector.broadcast %parallel_loop3A_623 : i32 to vector<16xi32>
        %parallel_loop3A_625 = arith.shrui %parallel_loop3A_622, %parallel_loop3A_624 : vector<16xi32>
        %parallel_loop3A_626 = arith.constant 255 : i32
        %parallel_loop3A_627 = vector.broadcast %parallel_loop3A_626 : i32 to vector<16xi32>
        %parallel_loop3A_628 = arith.andi %parallel_loop3A_625, %parallel_loop3A_627 : vector<16xi32>
        %parallel_loop3A_629 = arith.constant 16 : i32
        %parallel_loop3A_630 = vector.broadcast %parallel_loop3A_629 : i32 to vector<16xi32>
        %parallel_loop3A_631 = arith.muli %parallel_loop3A_628, %parallel_loop3A_630 : vector<16xi32>
        %parallel_loop3A_632 = arith.addi %parallel_loop3A_631, %iota3A : vector<16xi32>
        %parallel_loop3A_633 = arith.constant 24 : i32
        %parallel_loop3A_634 = vector.broadcast %parallel_loop3A_633 : i32 to vector<16xi32>
        %parallel_loop3A_635 = arith.shrui %parallel_loop3A_622, %parallel_loop3A_634 : vector<16xi32>
        %parallel_loop3A_636 = arith.cmpi eq, %parallel_loop3A_635, %or3A_139 : vector<16xi32>
        tpu.vector_store_idx %arg5[%parallel_loop3A_632], %broadcast_in_dim3A_0 masked %parallel_loop3A_636 {add = true} : memref<4096xf32, #tpu.memory_space<vmem>>[vector<16xi32>], vector<16xf32>, vector<16xi1>
        %parallel_loop3A_637 = arith.cmpi sgt, %parallel_loop3A_635, %or3A_139 : vector<16xi32>
        %parallel_loop3A_638 = arith.constant 0.000000e+00 : f32
        %parallel_loop3A_639 = vector.broadcast %parallel_loop3A_638 : f32 to vector<16xf32>
        %parallel_loop3A_640 = arith.select %parallel_loop3A_637, %parallel_loop3A_621, %parallel_loop3A_639 : vector<16xi1>, vector<16xf32>
        %parallel_loop3A_641 = arith.addf %parallel_loop3A_609, %parallel_loop3A_640 : vector<16xf32>
        scf.yield %parallel_loop3A_641, %parallel_loop3A_610 : vector<16xf32>, vector<16xi32>
      } {sc.loop_unroll_factor = 8 : i64, sc.parallel_access}
      %add3A_538 = arith.constant 2 : i32
      %add3A_539 = arith.addi %mul3A_513, %add3A_538 : i32
      %mul3A_540 = arith.constant 256 : i32
      %mul3A_541 = arith.muli %arg1, %mul3A_540 : i32
      %mul3A_542 = arith.constant 32 : i32
      %mul3A_543 = arith.muli %add3A_539, %mul3A_542 : i32
      %add3A_544 = arith.addi %mul3A_541, %mul3A_543 : i32
      %dma_start3A_545 = arith.constant 0 : i32
      %dma_start3A_546 = arith.constant 0 : i32
      %dma_start3A_547 = arith.constant 0 : i32
      %dma_start3A_548 = tpu.memref_slice %arg4[%dma_start3A_545, %dma_start3A_546, %dma_start3A_547] : memref<2x32x512xf32, #tpu.memory_space<vmem>> -> memref<1x32x512xf32, #tpu.memory_space<vmem>>
      %dma_start3A_549 = tpu.memref_squeeze %dma_start3A_548 : memref<1x32x512xf32, #tpu.memory_space<vmem>> -> memref<32x512xf32, #tpu.memory_space<vmem>>
      %dma_start3A_550 = arith.constant 0 : i32
      %dma_start3A_551 = tpu.memref_slice %arg2[%arg0, %add3A_544, %dma_start3A_550] : memref<2x4096x512xf32, #tpu.memory_space<hbm>> -> memref<1x32x512xf32, #tpu.memory_space<hbm>>
      %dma_start3A_552 = tpu.memref_squeeze %dma_start3A_551 : memref<1x32x512xf32, #tpu.memory_space<hbm>> -> memref<32x512xf32, #tpu.memory_space<hbm>>
      %dma_start3A_553 = arith.constant 0 : i32
      %dma_start3A_554 = arith.constant 0 : i32
      %dma_start3A_555 = tpu.memref_slice %arg4[%dma_start3A_545, %dma_start3A_553, %dma_start3A_554] : memref<2x32x512xf32, #tpu.memory_space<vmem>> -> memref<1x32x512xf32, #tpu.memory_space<vmem>>
      %dma_start3A_556 = tpu.memref_squeeze %dma_start3A_555 : memref<1x32x512xf32, #tpu.memory_space<vmem>> -> memref<32x512xf32, #tpu.memory_space<vmem>>
      %dma_start3A_557 = arith.constant 0 : i32
      %dma_start3A_558 = tpu.memref_slice %arg2[%arg0, %add3A_544, %dma_start3A_557] : memref<2x4096x512xf32, #tpu.memory_space<hbm>> -> memref<1x32x512xf32, #tpu.memory_space<hbm>>
      %dma_start3A_559 = tpu.memref_squeeze %dma_start3A_558 : memref<1x32x512xf32, #tpu.memory_space<hbm>> -> memref<32x512xf32, #tpu.memory_space<hbm>>
      tpu.enqueue_dma source(%dma_start3A_559 : memref<32x512xf32, #tpu.memory_space<hbm>>) target(%dma_start3A_556 : memref<32x512xf32, #tpu.memory_space<vmem>>) target_semaphore(%arg13 : memref<!tpu.dma_semaphore, #tpu.memory_space<semaphore_mem>>)
      %add3A_560 = arith.constant 1 : i32
      %add3A_561 = arith.addi %mul3A_513, %add3A_560 : i32
      %mul3A_562 = arith.constant 256 : i32
      %mul3A_563 = arith.muli %arg1, %mul3A_562 : i32
      %mul3A_564 = arith.constant 32 : i32
      %mul3A_565 = arith.muli %add3A_561, %mul3A_564 : i32
      %add3A_566 = arith.addi %mul3A_563, %mul3A_565 : i32
      %dma_wait3A_567 = arith.constant 1 : i32
      %dma_wait3A_568 = arith.constant 0 : i32
      %dma_wait3A_569 = arith.constant 0 : i32
      %dma_wait3A_570 = tpu.memref_slice %arg4[%dma_wait3A_567, %dma_wait3A_568, %dma_wait3A_569] : memref<2x32x512xf32, #tpu.memory_space<vmem>> -> memref<1x32x512xf32, #tpu.memory_space<vmem>>
      %dma_wait3A_571 = tpu.memref_squeeze %dma_wait3A_570 : memref<1x32x512xf32, #tpu.memory_space<vmem>> -> memref<32x512xf32, #tpu.memory_space<vmem>>
      %dma_wait3A_572 = arith.constant 0 : i32
      %dma_wait3A_573 = tpu.memref_slice %arg2[%arg0, %add3A_566, %dma_wait3A_572] : memref<2x4096x512xf32, #tpu.memory_space<hbm>> -> memref<1x32x512xf32, #tpu.memory_space<hbm>>
      %dma_wait3A_574 = tpu.memref_squeeze %dma_wait3A_573 : memref<1x32x512xf32, #tpu.memory_space<hbm>> -> memref<32x512xf32, #tpu.memory_space<hbm>>
      %dma_wait3A_575 = arith.constant 0 : i32
      %dma_wait3A_576 = arith.constant 0 : i32
      %dma_wait3A_577 = tpu.memref_slice %arg4[%dma_wait3A_567, %dma_wait3A_575, %dma_wait3A_576] : memref<2x32x512xf32, #tpu.memory_space<vmem>> -> memref<1x32x512xf32, #tpu.memory_space<vmem>>
      %dma_wait3A_578 = tpu.memref_squeeze %dma_wait3A_577 : memref<1x32x512xf32, #tpu.memory_space<vmem>> -> memref<32x512xf32, #tpu.memory_space<vmem>>
      %dma_wait3A_579 = arith.constant 0 : i32
      %dma_wait3A_580 = tpu.memref_slice %arg2[%arg0, %add3A_566, %dma_wait3A_579] : memref<2x4096x512xf32, #tpu.memory_space<hbm>> -> memref<1x32x512xf32, #tpu.memory_space<hbm>>
      %dma_wait3A_581 = tpu.memref_squeeze %dma_wait3A_580 : memref<1x32x512xf32, #tpu.memory_space<hbm>> -> memref<32x512xf32, #tpu.memory_space<hbm>>
      tpu.wait_dma2 semaphore(%arg14 : memref<!tpu.dma_semaphore, #tpu.memory_space<semaphore_mem>>) src(%dma_wait3A_581 : memref<32x512xf32, #tpu.memory_space<hbm>>) dst(%dma_wait3A_578 : memref<32x512xf32, #tpu.memory_space<vmem>>)
      %parallel_loop3A_582 = arith.constant 0 : i32
      %parallel_loop3A_583 = arith.constant 1024 : i32
      %parallel_loop3A_584 = arith.constant 1 : i32
      %parallel_loop3A_585:2 = scf.for %parallel_loop3A_608 = %parallel_loop3A_582 to %parallel_loop3A_583 step %parallel_loop3A_584 iter_args(%parallel_loop3A_609 = %parallel_loop3A_537#0, %parallel_loop3A_610 = %parallel_loop3A_537#1) -> (vector<16xf32>, vector<16xi32>)  : i32 {
        %parallel_loop3A_611 = arith.constant 5 : i32
        %parallel_loop3A_612 = arith.shrui %parallel_loop3A_608, %parallel_loop3A_611 : i32
        %parallel_loop3A_613 = arith.constant 31 : i32
        %parallel_loop3A_614 = arith.andi %parallel_loop3A_608, %parallel_loop3A_613 : i32
        %parallel_loop3A_615 = arith.constant 16 : i32
        %parallel_loop3A_616 = arith.muli %parallel_loop3A_614, %parallel_loop3A_615 : i32
        %parallel_loop3A_617 = arith.constant 1 : i32
        %parallel_loop3A_618 = arith.index_cast %parallel_loop3A_617 : i32 to index
        %parallel_loop3A_619 = arith.index_cast %parallel_loop3A_612 : i32 to index
        %parallel_loop3A_620 = arith.index_cast %parallel_loop3A_616 : i32 to index
        %parallel_loop3A_621 = tpu.vector_load %arg4[%parallel_loop3A_618, %parallel_loop3A_619, %parallel_loop3A_620] {strides = array<i32>} : memref<2x32x512xf32, #tpu.memory_space<vmem>>, vector<16xf32>,
        %parallel_loop3A_622 = tpu.bitcast %parallel_loop3A_621 : vector<16xf32> -> vector<16xi32>
        %parallel_loop3A_623 = arith.constant 16 : i32
        %parallel_loop3A_624 = vector.broadcast %parallel_loop3A_623 : i32 to vector<16xi32>
        %parallel_loop3A_625 = arith.shrui %parallel_loop3A_622, %parallel_loop3A_624 : vector<16xi32>
        %parallel_loop3A_626 = arith.constant 255 : i32
        %parallel_loop3A_627 = vector.broadcast %parallel_loop3A_626 : i32 to vector<16xi32>
        %parallel_loop3A_628 = arith.andi %parallel_loop3A_625, %parallel_loop3A_627 : vector<16xi32>
        %parallel_loop3A_629 = arith.constant 16 : i32
        %parallel_loop3A_630 = vector.broadcast %parallel_loop3A_629 : i32 to vector<16xi32>
        %parallel_loop3A_631 = arith.muli %parallel_loop3A_628, %parallel_loop3A_630 : vector<16xi32>
        %parallel_loop3A_632 = arith.addi %parallel_loop3A_631, %iota3A : vector<16xi32>
        %parallel_loop3A_633 = arith.constant 24 : i32
        %parallel_loop3A_634 = vector.broadcast %parallel_loop3A_633 : i32 to vector<16xi32>
        %parallel_loop3A_635 = arith.shrui %parallel_loop3A_622, %parallel_loop3A_634 : vector<16xi32>
        %parallel_loop3A_636 = arith.cmpi eq, %parallel_loop3A_635, %or3A_139 : vector<16xi32>
        tpu.vector_store_idx %arg5[%parallel_loop3A_632], %broadcast_in_dim3A_0 masked %parallel_loop3A_636 {add = true} : memref<4096xf32, #tpu.memory_space<vmem>>[vector<16xi32>], vector<16xf32>, vector<16xi1>
        %parallel_loop3A_637 = arith.cmpi sgt, %parallel_loop3A_635, %or3A_139 : vector<16xi32>
        %parallel_loop3A_638 = arith.constant 0.000000e+00 : f32
        %parallel_loop3A_639 = vector.broadcast %parallel_loop3A_638 : f32 to vector<16xf32>
        %parallel_loop3A_640 = arith.select %parallel_loop3A_637, %parallel_loop3A_621, %parallel_loop3A_639 : vector<16xi1>, vector<16xf32>
        %parallel_loop3A_641 = arith.addf %parallel_loop3A_609, %parallel_loop3A_640 : vector<16xf32>
        scf.yield %parallel_loop3A_641, %parallel_loop3A_610 : vector<16xf32>, vector<16xi32>
      } {sc.loop_unroll_factor = 8 : i64, sc.parallel_access}
      %add3A_586 = arith.constant 3 : i32
      %add3A_587 = arith.addi %mul3A_513, %add3A_586 : i32
      %mul3A_588 = arith.constant 256 : i32
      %mul3A_589 = arith.muli %arg1, %mul3A_588 : i32
      %mul3A_590 = arith.constant 32 : i32
      %mul3A_591 = arith.muli %add3A_587, %mul3A_590 : i32
      %add3A_592 = arith.addi %mul3A_589, %mul3A_591 : i32
      %dma_start3A_593 = arith.constant 1 : i32
      %dma_start3A_594 = arith.constant 0 : i32
      %dma_start3A_595 = arith.constant 0 : i32
      %dma_start3A_596 = tpu.memref_slice %arg4[%dma_start3A_593, %dma_start3A_594, %dma_start3A_595] : memref<2x32x512xf32, #tpu.memory_space<vmem>> -> memref<1x32x512xf32, #tpu.memory_space<vmem>>
      %dma_start3A_597 = tpu.memref_squeeze %dma_start3A_596 : memref<1x32x512xf32, #tpu.memory_space<vmem>> -> memref<32x512xf32, #tpu.memory_space<vmem>>
      %dma_start3A_598 = arith.constant 0 : i32
      %dma_start3A_599 = tpu.memref_slice %arg2[%arg0, %add3A_592, %dma_start3A_598] : memref<2x4096x512xf32, #tpu.memory_space<hbm>> -> memref<1x32x512xf32, #tpu.memory_space<hbm>>
      %dma_start3A_600 = tpu.memref_squeeze %dma_start3A_599 : memref<1x32x512xf32, #tpu.memory_space<hbm>> -> memref<32x512xf32, #tpu.memory_space<hbm>>
      %dma_start3A_601 = arith.constant 0 : i32
      %dma_start3A_602 = arith.constant 0 : i32
      %dma_start3A_603 = tpu.memref_slice %arg4[%dma_start3A_593, %dma_start3A_601, %dma_start3A_602] : memref<2x32x512xf32, #tpu.memory_space<vmem>> -> memref<1x32x512xf32, #tpu.memory_space<vmem>>
      %dma_start3A_604 = tpu.memref_squeeze %dma_start3A_603 : memref<1x32x512xf32, #tpu.memory_space<vmem>> -> memref<32x512xf32, #tpu.memory_space<vmem>>
      %dma_start3A_605 = arith.constant 0 : i32
      %dma_start3A_606 = tpu.memref_slice %arg2[%arg0, %add3A_592, %dma_start3A_605] : memref<2x4096x512xf32, #tpu.memory_space<hbm>> -> memref<1x32x512xf32, #tpu.memory_space<hbm>>
      %dma_start3A_607 = tpu.memref_squeeze %dma_start3A_606 : memref<1x32x512xf32, #tpu.memory_space<hbm>> -> memref<32x512xf32, #tpu.memory_space<hbm>>
      tpu.enqueue_dma source(%dma_start3A_607 : memref<32x512xf32, #tpu.memory_space<hbm>>) target(%dma_start3A_604 : memref<32x512xf32, #tpu.memory_space<vmem>>) target_semaphore(%arg14 : memref<!tpu.dma_semaphore, #tpu.memory_space<semaphore_mem>>)
      scf.yield %parallel_loop3A_585#0, %parallel_loop3A_585#1 : vector<16xf32>, vector<16xi32>
    }
    %scan3A_189 = arith.constant 3 : i32
    %mul3A_190 = arith.constant 256 : i32
    %mul3A_191 = arith.muli %arg1, %mul3A_190 : i32
    %add3A_192 = arith.constant 192 : i32
    %add3A_193 = arith.addi %mul3A_191, %add3A_192 : i32
    %dma_wait3A_194 = arith.constant 0 : i32
    %dma_wait3A_195 = arith.constant 0 : i32
    %dma_wait3A_196 = arith.constant 0 : i32
    %dma_wait3A_197 = tpu.memref_slice %arg4[%dma_wait3A_194, %dma_wait3A_195, %dma_wait3A_196] : memref<2x32x512xf32, #tpu.memory_space<vmem>> -> memref<1x32x512xf32, #tpu.memory_space<vmem>>
    %dma_wait3A_198 = tpu.memref_squeeze %dma_wait3A_197 : memref<1x32x512xf32, #tpu.memory_space<vmem>> -> memref<32x512xf32, #tpu.memory_space<vmem>>
    %dma_wait3A_199 = arith.constant 0 : i32
    %dma_wait3A_200 = tpu.memref_slice %arg2[%arg0, %add3A_193, %dma_wait3A_199] : memref<2x4096x512xf32, #tpu.memory_space<hbm>> -> memref<1x32x512xf32, #tpu.memory_space<hbm>>
    %dma_wait3A_201 = tpu.memref_squeeze %dma_wait3A_200 : memref<1x32x512xf32, #tpu.memory_space<hbm>> -> memref<32x512xf32, #tpu.memory_space<hbm>>
    %dma_wait3A_202 = arith.constant 0 : i32
    %dma_wait3A_203 = arith.constant 0 : i32
    %dma_wait3A_204 = tpu.memref_slice %arg4[%dma_wait3A_194, %dma_wait3A_202, %dma_wait3A_203] : memref<2x32x512xf32, #tpu.memory_space<vmem>> -> memref<1x32x512xf32, #tpu.memory_space<vmem>>
    %dma_wait3A_205 = tpu.memref_squeeze %dma_wait3A_204 : memref<1x32x512xf32, #tpu.memory_space<vmem>> -> memref<32x512xf32, #tpu.memory_space<vmem>>
    %dma_wait3A_206 = arith.constant 0 : i32
    %dma_wait3A_207 = tpu.memref_slice %arg2[%arg0, %add3A_193, %dma_wait3A_206] : memref<2x4096x512xf32, #tpu.memory_space<hbm>> -> memref<1x32x512xf32, #tpu.memory_space<hbm>>
    %dma_wait3A_208 = tpu.memref_squeeze %dma_wait3A_207 : memref<1x32x512xf32, #tpu.memory_space<hbm>> -> memref<32x512xf32, #tpu.memory_space<hbm>>
    tpu.wait_dma2 semaphore(%arg13 : memref<!tpu.dma_semaphore, #tpu.memory_space<semaphore_mem>>) src(%dma_wait3A_208 : memref<32x512xf32, #tpu.memory_space<hbm>>) dst(%dma_wait3A_205 : memref<32x512xf32, #tpu.memory_space<vmem>>)
    %parallel_loop3A_209 = arith.constant 0 : i32
    %parallel_loop3A_210 = arith.constant 1024 : i32
    %parallel_loop3A_211 = arith.constant 1 : i32
    %parallel_loop3A_212:2 = scf.for %parallel_loop3A_509 = %parallel_loop3A_209 to %parallel_loop3A_210 step %parallel_loop3A_211 iter_args(%parallel_loop3A_510 = %scan3A_188#0, %parallel_loop3A_511 = %scan3A_188#1) -> (vector<16xf32>, vector<16xi32>)  : i32 {
      %parallel_loop3A_512 = arith.constant 5 : i32
      %parallel_loop3A_513 = arith.shrui %parallel_loop3A_509, %parallel_loop3A_512 : i32
      %parallel_loop3A_514 = arith.constant 31 : i32
      %parallel_loop3A_515 = arith.andi %parallel_loop3A_509, %parallel_loop3A_514 : i32
      %parallel_loop3A_516 = arith.constant 16 : i32
      %parallel_loop3A_517 = arith.muli %parallel_loop3A_515, %parallel_loop3A_516 : i32
      %parallel_loop3A_518 = arith.constant 0 : i32
      %parallel_loop3A_519 = arith.index_cast %parallel_loop3A_518 : i32 to index
      %parallel_loop3A_520 = arith.index_cast %parallel_loop3A_513 : i32 to index
      %parallel_loop3A_521 = arith.index_cast %parallel_loop3A_517 : i32 to index
      %parallel_loop3A_522 = tpu.vector_load %arg4[%parallel_loop3A_519, %parallel_loop3A_520, %parallel_loop3A_521] {strides = array<i32>} : memref<2x32x512xf32, #tpu.memory_space<vmem>>, vector<16xf32>,
      %parallel_loop3A_523 = tpu.bitcast %parallel_loop3A_522 : vector<16xf32> -> vector<16xi32>
      %parallel_loop3A_524 = arith.constant 16 : i32
      %parallel_loop3A_525 = vector.broadcast %parallel_loop3A_524 : i32 to vector<16xi32>
      %parallel_loop3A_526 = arith.shrui %parallel_loop3A_523, %parallel_loop3A_525 : vector<16xi32>
      %parallel_loop3A_527 = arith.constant 255 : i32
      %parallel_loop3A_528 = vector.broadcast %parallel_loop3A_527 : i32 to vector<16xi32>
      %parallel_loop3A_529 = arith.andi %parallel_loop3A_526, %parallel_loop3A_528 : vector<16xi32>
      %parallel_loop3A_530 = arith.constant 16 : i32
      %parallel_loop3A_531 = vector.broadcast %parallel_loop3A_530 : i32 to vector<16xi32>
      %parallel_loop3A_532 = arith.muli %parallel_loop3A_529, %parallel_loop3A_531 : vector<16xi32>
      %parallel_loop3A_533 = arith.addi %parallel_loop3A_532, %iota3A : vector<16xi32>
      %parallel_loop3A_534 = arith.constant 24 : i32
      %parallel_loop3A_535 = vector.broadcast %parallel_loop3A_534 : i32 to vector<16xi32>
      %parallel_loop3A_536 = arith.shrui %parallel_loop3A_523, %parallel_loop3A_535 : vector<16xi32>
      %parallel_loop3A_537 = arith.cmpi eq, %parallel_loop3A_536, %or3A_139 : vector<16xi32>
      tpu.vector_store_idx %arg5[%parallel_loop3A_533], %broadcast_in_dim3A_0 masked %parallel_loop3A_537 {add = true} : memref<4096xf32, #tpu.memory_space<vmem>>[vector<16xi32>], vector<16xf32>, vector<16xi1>
      %parallel_loop3A_538 = arith.cmpi sgt, %parallel_loop3A_536, %or3A_139 : vector<16xi32>
      %parallel_loop3A_539 = arith.constant 0.000000e+00 : f32
      %parallel_loop3A_540 = vector.broadcast %parallel_loop3A_539 : f32 to vector<16xf32>
      %parallel_loop3A_541 = arith.select %parallel_loop3A_538, %parallel_loop3A_522, %parallel_loop3A_540 : vector<16xi1>, vector<16xf32>
      %parallel_loop3A_542 = arith.addf %parallel_loop3A_510, %parallel_loop3A_541 : vector<16xf32>
      scf.yield %parallel_loop3A_542, %parallel_loop3A_511 : vector<16xf32>, vector<16xi32>
    } {sc.loop_unroll_factor = 8 : i64, sc.parallel_access}
    %mul3A_213 = arith.constant 256 : i32
    %mul3A_214 = arith.muli %arg1, %mul3A_213 : i32
    %add3A_215 = arith.constant 224 : i32
    %add3A_216 = arith.addi %mul3A_214, %add3A_215 : i32
    %dma_wait3A_217 = arith.constant 1 : i32
    %dma_wait3A_218 = arith.constant 0 : i32
    %dma_wait3A_219 = arith.constant 0 : i32
    %dma_wait3A_220 = tpu.memref_slice %arg4[%dma_wait3A_217, %dma_wait3A_218, %dma_wait3A_219] : memref<2x32x512xf32, #tpu.memory_space<vmem>> -> memref<1x32x512xf32, #tpu.memory_space<vmem>>
    %dma_wait3A_221 = tpu.memref_squeeze %dma_wait3A_220 : memref<1x32x512xf32, #tpu.memory_space<vmem>> -> memref<32x512xf32, #tpu.memory_space<vmem>>
    %dma_wait3A_222 = arith.constant 0 : i32
    %dma_wait3A_223 = tpu.memref_slice %arg2[%arg0, %add3A_216, %dma_wait3A_222] : memref<2x4096x512xf32, #tpu.memory_space<hbm>> -> memref<1x32x512xf32, #tpu.memory_space<hbm>>
    %dma_wait3A_224 = tpu.memref_squeeze %dma_wait3A_223 : memref<1x32x512xf32, #tpu.memory_space<hbm>> -> memref<32x512xf32, #tpu.memory_space<hbm>>
    %dma_wait3A_225 = arith.constant 0 : i32
    %dma_wait3A_226 = arith.constant 0 : i32
    %dma_wait3A_227 = tpu.memref_slice %arg4[%dma_wait3A_217, %dma_wait3A_225, %dma_wait3A_226] : memref<2x32x512xf32, #tpu.memory_space<vmem>> -> memref<1x32x512xf32, #tpu.memory_space<vmem>>
    %dma_wait3A_228 = tpu.memref_squeeze %dma_wait3A_227 : memref<1x32x512xf32, #tpu.memory_space<vmem>> -> memref<32x512xf32, #tpu.memory_space<vmem>>
    %dma_wait3A_229 = arith.constant 0 : i32
    %dma_wait3A_230 = tpu.memref_slice %arg2[%arg0, %add3A_216, %dma_wait3A_229] : memref<2x4096x512xf32, #tpu.memory_space<hbm>> -> memref<1x32x512xf32, #tpu.memory_space<hbm>>
    %dma_wait3A_231 = tpu.memref_squeeze %dma_wait3A_230 : memref<1x32x512xf32, #tpu.memory_space<hbm>> -> memref<32x512xf32, #tpu.memory_space<hbm>>
    tpu.wait_dma2 semaphore(%arg14 : memref<!tpu.dma_semaphore, #tpu.memory_space<semaphore_mem>>) src(%dma_wait3A_231 : memref<32x512xf32, #tpu.memory_space<hbm>>) dst(%dma_wait3A_228 : memref<32x512xf32, #tpu.memory_space<vmem>>)
    %parallel_loop3A_232 = arith.constant 0 : i32
    %parallel_loop3A_233 = arith.constant 1024 : i32
    %parallel_loop3A_234 = arith.constant 1 : i32
    %parallel_loop3A_235:2 = scf.for %parallel_loop3A_509 = %parallel_loop3A_232 to %parallel_loop3A_233 step %parallel_loop3A_234 iter_args(%parallel_loop3A_510 = %parallel_loop3A_212#0, %parallel_loop3A_511 = %parallel_loop3A_212#1) -> (vector<16xf32>, vector<16xi32>)  : i32 {
      %parallel_loop3A_512 = arith.constant 5 : i32
      %parallel_loop3A_513 = arith.shrui %parallel_loop3A_509, %parallel_loop3A_512 : i32
      %parallel_loop3A_514 = arith.constant 31 : i32
      %parallel_loop3A_515 = arith.andi %parallel_loop3A_509, %parallel_loop3A_514 : i32
      %parallel_loop3A_516 = arith.constant 16 : i32
      %parallel_loop3A_517 = arith.muli %parallel_loop3A_515, %parallel_loop3A_516 : i32
      %parallel_loop3A_518 = arith.constant 1 : i32
      %parallel_loop3A_519 = arith.index_cast %parallel_loop3A_518 : i32 to index
      %parallel_loop3A_520 = arith.index_cast %parallel_loop3A_513 : i32 to index
      %parallel_loop3A_521 = arith.index_cast %parallel_loop3A_517 : i32 to index
      %parallel_loop3A_522 = tpu.vector_load %arg4[%parallel_loop3A_519, %parallel_loop3A_520, %parallel_loop3A_521] {strides = array<i32>} : memref<2x32x512xf32, #tpu.memory_space<vmem>>, vector<16xf32>,
      %parallel_loop3A_523 = tpu.bitcast %parallel_loop3A_522 : vector<16xf32> -> vector<16xi32>
      %parallel_loop3A_524 = arith.constant 16 : i32
      %parallel_loop3A_525 = vector.broadcast %parallel_loop3A_524 : i32 to vector<16xi32>
      %parallel_loop3A_526 = arith.shrui %parallel_loop3A_523, %parallel_loop3A_525 : vector<16xi32>
      %parallel_loop3A_527 = arith.constant 255 : i32
      %parallel_loop3A_528 = vector.broadcast %parallel_loop3A_527 : i32 to vector<16xi32>
      %parallel_loop3A_529 = arith.andi %parallel_loop3A_526, %parallel_loop3A_528 : vector<16xi32>
      %parallel_loop3A_530 = arith.constant 16 : i32
      %parallel_loop3A_531 = vector.broadcast %parallel_loop3A_530 : i32 to vector<16xi32>
      %parallel_loop3A_532 = arith.muli %parallel_loop3A_529, %parallel_loop3A_531 : vector<16xi32>
      %parallel_loop3A_533 = arith.addi %parallel_loop3A_532, %iota3A : vector<16xi32>
      %parallel_loop3A_534 = arith.constant 24 : i32
      %parallel_loop3A_535 = vector.broadcast %parallel_loop3A_534 : i32 to vector<16xi32>
      %parallel_loop3A_536 = arith.shrui %parallel_loop3A_523, %parallel_loop3A_535 : vector<16xi32>
      %parallel_loop3A_537 = arith.cmpi eq, %parallel_loop3A_536, %or3A_139 : vector<16xi32>
      tpu.vector_store_idx %arg5[%parallel_loop3A_533], %broadcast_in_dim3A_0 masked %parallel_loop3A_537 {add = true} : memref<4096xf32, #tpu.memory_space<vmem>>[vector<16xi32>], vector<16xf32>, vector<16xi1>
      %parallel_loop3A_538 = arith.cmpi sgt, %parallel_loop3A_536, %or3A_139 : vector<16xi32>
      %parallel_loop3A_539 = arith.constant 0.000000e+00 : f32
      %parallel_loop3A_540 = vector.broadcast %parallel_loop3A_539 : f32 to vector<16xf32>
      %parallel_loop3A_541 = arith.select %parallel_loop3A_538, %parallel_loop3A_522, %parallel_loop3A_540 : vector<16xi1>, vector<16xf32>
      %parallel_loop3A_542 = arith.addf %parallel_loop3A_510, %parallel_loop3A_541 : vector<16xf32>
      scf.yield %parallel_loop3A_542, %parallel_loop3A_511 : vector<16xf32>, vector<16xi32>
    } {sc.loop_unroll_factor = 8 : i64, sc.parallel_access}
    "tpu.region"() ({
      %run_scoped3A = tpu.sem_alloc : memref<!tpu.dma_semaphore, #tpu.memory_space<semaphore_mem>>
      %dma_start3A_509 = arith.constant 0 : i32
      %dma_start3A_510 = tpu.memref_slice %arg15[%arg1, %dma_start3A_509] : memref<16x4096xf32, #tpu.memory_space<vmem_shared>> -> memref<1x4096xf32, #tpu.memory_space<vmem_shared>>
      %dma_start3A_511 = tpu.memref_squeeze %dma_start3A_510 : memref<1x4096xf32, #tpu.memory_space<vmem_shared>> -> memref<4096xf32, #tpu.memory_space<vmem_shared>>
      %dma_start3A_512 = arith.constant 0 : i32
      %dma_start3A_513 = tpu.memref_slice %arg15[%arg1, %dma_start3A_512] : memref<16x4096xf32, #tpu.memory_space<vmem_shared>> -> memref<1x4096xf32, #tpu.memory_space<vmem_shared>>
      %dma_start3A_514 = tpu.memref_squeeze %dma_start3A_513 : memref<1x4096xf32, #tpu.memory_space<vmem_shared>> -> memref<4096xf32, #tpu.memory_space<vmem_shared>>
      tpu.enqueue_dma source(%arg5 : memref<4096xf32, #tpu.memory_space<vmem>>) target(%dma_start3A_514 : memref<4096xf32, #tpu.memory_space<vmem_shared>>) target_semaphore(%run_scoped3A : memref<!tpu.dma_semaphore, #tpu.memory_space<semaphore_mem>>)
      %dma_wait3A_515 = arith.constant 0 : i32
      %dma_wait3A_516 = tpu.memref_slice %arg15[%arg1, %dma_wait3A_515] : memref<16x4096xf32, #tpu.memory_space<vmem_shared>> -> memref<1x4096xf32, #tpu.memory_space<vmem_shared>>
      %dma_wait3A_517 = tpu.memref_squeeze %dma_wait3A_516 : memref<1x4096xf32, #tpu.memory_space<vmem_shared>> -> memref<4096xf32, #tpu.memory_space<vmem_shared>>
      %dma_wait3A_518 = arith.constant 0 : i32
      %dma_wait3A_519 = tpu.memref_slice %arg15[%arg1, %dma_wait3A_518] : memref<16x4096xf32, #tpu.memory_space<vmem_shared>> -> memref<1x4096xf32, #tpu.memory_space<vmem_shared>>
      %dma_wait3A_520 = tpu.memref_squeeze %dma_wait3A_519 : memref<1x4096xf32, #tpu.memory_space<vmem_shared>> -> memref<4096xf32, #tpu.memory_space<vmem_shared>>
      tpu.wait_dma2 semaphore(%run_scoped3A : memref<!tpu.dma_semaphore, #tpu.memory_space<semaphore_mem>>) src(%arg5 : memref<4096xf32, #tpu.memory_space<vmem>>) dst(%dma_wait3A_520 : memref<4096xf32, #tpu.memory_space<vmem_shared>>)
      tpu.yield
    }) : () -> ()
    %barrier3A_236 = arith.constant 0 : index
    tpu.barrier barrier_id(%barrier3A_236)
    %mul3A_237 = arith.constant 256 : i32
    %mul3A_238 = arith.muli %arg1, %mul3A_237 : i32
    "tpu.region"() ({
      %run_scoped3A = tpu.sem_alloc : memref<!tpu.dma_semaphore, #tpu.memory_space<semaphore_mem>>
      %dma_start3A_509 = arith.constant 0 : i32
      %dma_start3A_510 = tpu.memref_slice %arg15[%dma_start3A_509, %mul3A_238] : memref<16x4096xf32, #tpu.memory_space<vmem_shared>> -> memref<16x256xf32, #tpu.memory_space<vmem_shared>>
      %dma_start3A_511 = arith.constant 0 : i32
      %dma_start3A_512 = tpu.memref_slice %arg15[%dma_start3A_511, %mul3A_238] : memref<16x4096xf32, #tpu.memory_space<vmem_shared>> -> memref<16x256xf32, #tpu.memory_space<vmem_shared>>
      tpu.enqueue_dma source(%dma_start3A_512 : memref<16x256xf32, #tpu.memory_space<vmem_shared>>) target(%arg8 : memref<16x256xf32, #tpu.memory_space<vmem>>) target_semaphore(%run_scoped3A : memref<!tpu.dma_semaphore, #tpu.memory_space<semaphore_mem>>)
      %dma_wait3A_513 = arith.constant 0 : i32
      %dma_wait3A_514 = tpu.memref_slice %arg15[%dma_wait3A_513, %mul3A_238] : memref<16x4096xf32, #tpu.memory_space<vmem_shared>> -> memref<16x256xf32, #tpu.memory_space<vmem_shared>>
      %dma_wait3A_515 = arith.constant 0 : i32
      %dma_wait3A_516 = tpu.memref_slice %arg15[%dma_wait3A_515, %mul3A_238] : memref<16x4096xf32, #tpu.memory_space<vmem_shared>> -> memref<16x256xf32, #tpu.memory_space<vmem_shared>>
      tpu.wait_dma2 semaphore(%run_scoped3A : memref<!tpu.dma_semaphore, #tpu.memory_space<semaphore_mem>>) src(%dma_wait3A_516 : memref<16x256xf32, #tpu.memory_space<vmem_shared>>) dst(%arg8 : memref<16x256xf32, #tpu.memory_space<vmem>>)
      tpu.yield
    }) : () -> ()
    %parallel_loop3A_239 = arith.constant 0 : i32
    %parallel_loop3A_240 = arith.constant 16 : i32
    %parallel_loop3A_241 = arith.constant 1 : i32
    scf.for %parallel_loop3A_509 = %parallel_loop3A_239 to %parallel_loop3A_240 step %parallel_loop3A_241  : i32 {
      %parallel_loop3A_510 = arith.constant 16 : i32
      %parallel_loop3A_511 = arith.muli %parallel_loop3A_509, %parallel_loop3A_510 : i32
      %parallel_loop3A_512 = arith.index_cast %parallel_loop3A_511 : i32 to index
      %parallel_loop3A_513 = tpu.vector_load %arg9[%parallel_loop3A_512] {strides = array<i32>} : memref<256xf32, #tpu.memory_space<vmem>>, vector<16xf32>,
      tpu.vector_store %arg9[%parallel_loop3A_512], %broadcast_in_dim3A_2 {strides = array<i32>} : memref<256xf32, #tpu.memory_space<vmem>>, vector<16xf32>,
    } {sc.loop_unroll_factor = 4 : i64, sc.parallel_access}
    %scan3A_242 = arith.constant 0 : i32
    %scan3A_243 = arith.constant 0 : i32
    %scan3A_244 = arith.constant 16 : i32
    %scan3A_245 = arith.addi %scan3A_243, %scan3A_244 : i32
    %scan3A_246 = arith.constant 1 : i32
    %scan3A_247 = scf.for %scan3A_509 = %scan3A_243 to %scan3A_245 step %scan3A_246 iter_args(%scan3A_510 = %scan3A_242) -> (i32)  : i32 {
      %parallel_loop3A_511 = arith.constant 0 : i32
      %parallel_loop3A_512 = arith.constant 16 : i32
      %parallel_loop3A_513 = arith.constant 1 : i32
      scf.for %parallel_loop3A_515 = %parallel_loop3A_511 to %parallel_loop3A_512 step %parallel_loop3A_513  : i32 {
        %parallel_loop3A_516 = arith.constant 16 : i32
        %parallel_loop3A_517 = arith.muli %parallel_loop3A_515, %parallel_loop3A_516 : i32
        %parallel_loop3A_518 = arith.index_cast %parallel_loop3A_517 : i32 to index
        %parallel_loop3A_519 = tpu.vector_load %arg9[%parallel_loop3A_518] {strides = array<i32>} : memref<256xf32, #tpu.memory_space<vmem>>, vector<16xf32>,
        %parallel_loop3A_520 = arith.constant 16 : i32
        %parallel_loop3A_521 = arith.muli %parallel_loop3A_515, %parallel_loop3A_520 : i32
        %parallel_loop3A_522 = arith.index_cast %scan3A_509 : i32 to index
        %parallel_loop3A_523 = arith.index_cast %parallel_loop3A_521 : i32 to index
        %parallel_loop3A_524 = tpu.vector_load %arg8[%parallel_loop3A_522, %parallel_loop3A_523] {strides = array<i32>} : memref<16x256xf32, #tpu.memory_space<vmem>>, vector<16xf32>,
        %parallel_loop3A_525 = arith.addf %parallel_loop3A_519, %parallel_loop3A_524 : vector<16xf32>
        %parallel_loop3A_526 = arith.constant 16 : i32
        %parallel_loop3A_527 = arith.muli %parallel_loop3A_515, %parallel_loop3A_526 : i32
        %parallel_loop3A_528 = arith.index_cast %parallel_loop3A_527 : i32 to index
        %parallel_loop3A_529 = tpu.vector_load %arg9[%parallel_loop3A_528] {strides = array<i32>} : memref<256xf32, #tpu.memory_space<vmem>>, vector<16xf32>,
        tpu.vector_store %arg9[%parallel_loop3A_528], %parallel_loop3A_525 {strides = array<i32>} : memref<256xf32, #tpu.memory_space<vmem>>, vector<16xf32>,
      } {sc.loop_unroll_factor = 4 : i64, sc.parallel_access}
      %scan3A_514 = arith.constant 0 : i32
      scf.yield %scan3A_514 : i32
    }
    %scan3A_248 = arith.constant 16 : i32
    %scan3A_249 = arith.constant 0 : i32
    %scan3A_250 = arith.constant 16 : i32
    %scan3A_251 = arith.addi %scan3A_249, %scan3A_250 : i32
    %scan3A_252 = arith.constant 1 : i32
    %scan3A_253 = scf.for %scan3A_509 = %scan3A_249 to %scan3A_251 step %scan3A_252 iter_args(%scan3A_510 = %broadcast_in_dim3A_2) -> (vector<16xf32>)  : i32 {
      %eq3A_511 = vector.broadcast %scan3A_509 : i32 to vector<16xi32>
      %eq3A_512 = arith.cmpi eq, %iota3A, %eq3A_511 : vector<16xi32>
      %mul3A_513 = arith.constant 16 : i32
      %mul3A_514 = arith.muli %scan3A_509, %mul3A_513 : i32
      %get3A = arith.index_cast %mul3A_514 : i32 to index
      %get3A_515 = tpu.vector_load %arg9[%get3A] {strides = array<i32>} : memref<256xf32, #tpu.memory_space<vmem>>, vector<16xf32>,
      %reduce_sum3A_516 = arith.constant true
      %reduce_sum3A_517 = vector.broadcast %reduce_sum3A_516 : i1 to vector<16xi1>
      %reduce_sum3A_518 = tpu.scan <sum>, %get3A_515 masked %reduce_sum3A_517 : vector<16xf32>, vector<16xi1> -> vector<16xf32>
      %reduce_sum3A_519 = vector.extract %reduce_sum3A_518[15] : f32 from vector<16xf32>
      %broadcast_in_dim3A_520 = vector.broadcast %reduce_sum3A_519 : f32 to vector<16xf32>
      %select_n3A = arith.select %eq3A_512, %broadcast_in_dim3A_520, %scan3A_510 : vector<16xi1>, vector<16xf32>
      scf.yield %select_n3A : vector<16xf32>
    }
    %scan3A_254 = arith.constant 16 : i32
    %swap3A_255 = arith.constant 0 : index
    %swap3A_256 = tpu.vector_load %arg10[%swap3A_255] {strides = array<i32>} : memref<16xf32, #tpu.memory_space<vmem>>, vector<16xf32>,
    tpu.vector_store %arg10[%swap3A_255], %scan3A_253 {strides = array<i32>} : memref<16xf32, #tpu.memory_space<vmem>>, vector<16xf32>,
    %mul3A_257 = arith.constant 16 : i32
    %mul3A_258 = arith.muli %arg1, %mul3A_257 : i32
    "tpu.region"() ({
      %run_scoped3A = tpu.sem_alloc : memref<!tpu.dma_semaphore, #tpu.memory_space<semaphore_mem>>
      %dma_start3A_509 = tpu.memref_slice %arg17[%mul3A_258] : memref<256xf32, #tpu.memory_space<vmem_shared>> -> memref<16xf32, #tpu.memory_space<vmem_shared>>
      %dma_start3A_510 = tpu.memref_slice %arg17[%mul3A_258] : memref<256xf32, #tpu.memory_space<vmem_shared>> -> memref<16xf32, #tpu.memory_space<vmem_shared>>
      tpu.enqueue_dma source(%arg10 : memref<16xf32, #tpu.memory_space<vmem>>) target(%dma_start3A_510 : memref<16xf32, #tpu.memory_space<vmem_shared>>) target_semaphore(%run_scoped3A : memref<!tpu.dma_semaphore, #tpu.memory_space<semaphore_mem>>)
      %dma_wait3A_511 = tpu.memref_slice %arg17[%mul3A_258] : memref<256xf32, #tpu.memory_space<vmem_shared>> -> memref<16xf32, #tpu.memory_space<vmem_shared>>
      %dma_wait3A_512 = tpu.memref_slice %arg17[%mul3A_258] : memref<256xf32, #tpu.memory_space<vmem_shared>> -> memref<16xf32, #tpu.memory_space<vmem_shared>>
      tpu.wait_dma2 semaphore(%run_scoped3A : memref<!tpu.dma_semaphore, #tpu.memory_space<semaphore_mem>>) src(%arg10 : memref<16xf32, #tpu.memory_space<vmem>>) dst(%dma_wait3A_512 : memref<16xf32, #tpu.memory_space<vmem_shared>>)
      tpu.yield
    }) : () -> ()
    %barrier3A_259 = arith.constant 0 : index
    tpu.barrier barrier_id(%barrier3A_259)
    "tpu.region"() ({
      %run_scoped3A = tpu.sem_alloc : memref<!tpu.dma_semaphore, #tpu.memory_space<semaphore_mem>>
      tpu.enqueue_dma source(%arg17 : memref<256xf32, #tpu.memory_space<vmem_shared>>) target(%arg11 : memref<256xf32, #tpu.memory_space<vmem>>) target_semaphore(%run_scoped3A : memref<!tpu.dma_semaphore, #tpu.memory_space<semaphore_mem>>)
      tpu.wait_dma2 semaphore(%run_scoped3A : memref<!tpu.dma_semaphore, #tpu.memory_space<semaphore_mem>>) src(%arg17 : memref<256xf32, #tpu.memory_space<vmem_shared>>) dst(%arg11 : memref<256xf32, #tpu.memory_space<vmem>>)
      tpu.yield
    }) : () -> ()
    %broadcast_in_dim3A_260 = arith.constant 0 : i32
    %broadcast_in_dim3A_261 = vector.broadcast %broadcast_in_dim3A_260 : i32 to vector<16xi32>
    %broadcast_in_dim3A_262 = arith.constant false
    %broadcast_in_dim3A_263 = vector.broadcast %broadcast_in_dim3A_262 : i1 to vector<16xi1>
    %scan3A_264 = arith.constant 0 : i32
    %scan3A_265 = arith.constant 16 : i32
    %scan3A_266 = arith.addi %scan3A_264, %scan3A_265 : i32
    %scan3A_267 = arith.constant 1 : i32
    %scan3A_268:4 = scf.for %scan3A_509 = %scan3A_264 to %scan3A_266 step %scan3A_267 iter_args(%scan3A_510 = %broadcast_in_dim3A_2, %scan3A_511 = %scan3A_135#1, %scan3A_512 = %broadcast_in_dim3A_261, %scan3A_513 = %broadcast_in_dim3A_263) -> (vector<16xf32>, vector<16xf32>, vector<16xi32>, vector<16xi1>)  : i32 {
      %sub3A = arith.constant 15 : i32
      %sub3A_514 = arith.subi %sub3A, %scan3A_509 : i32
      %mul3A_515 = arith.constant 16 : i32
      %mul3A_516 = arith.muli %sub3A_514, %mul3A_515 : i32
      %get3A = arith.index_cast %mul3A_516 : i32 to index
      %get3A_517 = tpu.vector_load %arg11[%get3A] {strides = array<i32>} : memref<256xf32, #tpu.memory_space<vmem>>, vector<16xf32>,
      %rev3A = arith.constant 15 : i32
      %rev3A_518 = vector.broadcast %rev3A : i32 to vector<16xi32>
      %rev3A_519 = tpu.iota {dimensions = array<i32: 0>} : vector<16xi32>
      %rev3A_520 = arith.subi %rev3A_518, %rev3A_519 : vector<16xi32>
      %rev3A_521 = tpu.dynamic_gather %get3A_517[%rev3A_520] in [0] : vector<16xf32>, vector<16xi32> -> vector<16xf32>
      %broadcast_in_dim3A_522 = arith.constant true
      %broadcast_in_dim3A_523 = vector.broadcast %broadcast_in_dim3A_522 : i1 to vector<16xi1>
      %masked_cumsum3A = tpu.scan <sum>, %rev3A_521 masked %broadcast_in_dim3A_523 : vector<16xf32>, vector<16xi1> -> vector<16xf32>
      %reduce_sum3A_524 = arith.constant true
      %reduce_sum3A_525 = vector.broadcast %reduce_sum3A_524 : i1 to vector<16xi1>
      %reduce_sum3A_526 = tpu.scan <sum>, %get3A_517 masked %reduce_sum3A_525 : vector<16xf32>, vector<16xi1> -> vector<16xf32>
      %reduce_sum3A_527 = vector.extract %reduce_sum3A_526[15] : f32 from vector<16xf32>
      %add3A_528 = vector.broadcast %reduce_sum3A_527 : f32 to vector<16xf32>
      %add3A_529 = arith.addf %scan3A_510, %add3A_528 : vector<16xf32>
      %ge3A = arith.cmpf oge, %add3A_529, %scan3A_511 : vector<16xf32>
      %not3A = arith.constant dense<true> : vector<16xi1>
      %not3A_530 = arith.xori %scan3A_513, %not3A : vector<16xi1>
      %add3A_531 = arith.addf %scan3A_510, %masked_cumsum3A : vector<16xf32>
      %ge3A_532 = arith.cmpf oge, %add3A_531, %scan3A_511 : vector<16xf32>
      %and3A = arith.andi %not3A_530, %ge3A_532 : vector<16xi1>
      %all_reduce_ffs3A = tpu.all_reduce %and3A {dim = 0 : i64, kind = #tpu.reduction_kind<find_first_set>} : vector<16xi1> -> vector<16xi32>
      %eq3A_533 = arith.cmpi eq, %iota3A, %all_reduce_ffs3A : vector<16xi32>
      %jit3A = arith.constant 0.000000e+00 : f32
      %broadcast_in_dim3A_534 = vector.broadcast %jit3A : f32 to vector<16xf32>
      %select_n3A = arith.select %eq3A_533, %rev3A_521, %broadcast_in_dim3A_534 : vector<16xi1>, vector<16xf32>
      %reduce_sum3A_535 = arith.constant true
      %reduce_sum3A_536 = vector.broadcast %reduce_sum3A_535 : i1 to vector<16xi1>
      %reduce_sum3A_537 = tpu.scan <sum>, %select_n3A masked %reduce_sum3A_536 : vector<16xf32>, vector<16xi1> -> vector<16xf32>
      %reduce_sum3A_538 = vector.extract %reduce_sum3A_537[15] : f32 from vector<16xf32>
      %jit3A_539 = arith.constant 0.000000e+00 : f32
      %broadcast_in_dim3A_540 = vector.broadcast %jit3A_539 : f32 to vector<16xf32>
      %select_n3A_541 = arith.select %eq3A_533, %masked_cumsum3A, %broadcast_in_dim3A_540 : vector<16xi1>, vector<16xf32>
      %reduce_sum3A_542 = arith.constant true
      %reduce_sum3A_543 = vector.broadcast %reduce_sum3A_542 : i1 to vector<16xi1>
      %reduce_sum3A_544 = tpu.scan <sum>, %select_n3A_541 masked %reduce_sum3A_543 : vector<16xf32>, vector<16xi1> -> vector<16xf32>
      %reduce_sum3A_545 = vector.extract %reduce_sum3A_544[15] : f32 from vector<16xf32>
      %not3A_546 = arith.constant dense<true> : vector<16xi1>
      %not3A_547 = arith.xori %scan3A_513, %not3A_546 : vector<16xi1>
      %and3A_548 = arith.andi %not3A_547, %ge3A : vector<16xi1>
      %add3A_549 = vector.broadcast %reduce_sum3A_545 : f32 to vector<16xf32>
      %add3A_550 = arith.addf %scan3A_510, %add3A_549 : vector<16xf32>
      %sub3A_551 = vector.broadcast %reduce_sum3A_538 : f32 to vector<16xf32>
      %sub3A_552 = arith.subf %add3A_550, %sub3A_551 : vector<16xf32>
      %sub3A_553 = arith.subf %scan3A_511, %sub3A_552 : vector<16xf32>
      %select_n3A_554 = arith.select %and3A_548, %sub3A_553, %scan3A_511 : vector<16xi1>, vector<16xf32>
      %mul3A_555 = arith.constant 16 : i32
      %mul3A_556 = arith.muli %sub3A_514, %mul3A_555 : i32
      %sub3A_557 = arith.constant 15 : i32
      %sub3A_558 = vector.broadcast %sub3A_557 : i32 to vector<16xi32>
      %sub3A_559 = arith.subi %sub3A_558, %all_reduce_ffs3A : vector<16xi32>
      %add3A_560 = vector.broadcast %mul3A_556 : i32 to vector<16xi32>
      %add3A_561 = arith.addi %add3A_560, %sub3A_559 : vector<16xi32>
      %select_n3A_562 = arith.select %and3A_548, %add3A_561, %scan3A_512 : vector<16xi1>, vector<16xi32>
      %or3A_563 = arith.ori %scan3A_513, %and3A_548 : vector<16xi1>
      %add3A_564 = vector.broadcast %reduce_sum3A_527 : f32 to vector<16xf32>
      %add3A_565 = arith.addf %scan3A_510, %add3A_564 : vector<16xf32>
      scf.yield %add3A_565, %select_n3A_554, %select_n3A_562, %or3A_563 : vector<16xf32>, vector<16xf32>, vector<16xi32>, vector<16xi1>
    }
    %scan3A_269 = arith.constant 16 : i32
    %shift_left3A_270 = arith.constant 8 : i32
    %shift_left3A_271 = vector.broadcast %shift_left3A_270 : i32 to vector<16xi32>
    %shift_left3A_272 = arith.shli %or3A_139, %shift_left3A_271 : vector<16xi32>
    %or3A_273 = arith.ori %shift_left3A_272, %scan3A_268#2 : vector<16xi32>
    %parallel_loop3A_274 = arith.constant 0 : i32
    %parallel_loop3A_275 = arith.constant 256 : i32
    %parallel_loop3A_276 = arith.constant 1 : i32
    scf.for %parallel_loop3A_509 = %parallel_loop3A_274 to %parallel_loop3A_275 step %parallel_loop3A_276  : i32 {
      %parallel_loop3A_510 = arith.constant 16 : i32
      %parallel_loop3A_511 = arith.muli %parallel_loop3A_509, %parallel_loop3A_510 : i32
      %parallel_loop3A_512 = arith.index_cast %parallel_loop3A_511 : i32 to index
      %parallel_loop3A_513 = tpu.vector_load %arg5[%parallel_loop3A_512] {strides = array<i32>} : memref<4096xf32, #tpu.memory_space<vmem>>, vector<16xf32>,
      tpu.vector_store %arg5[%parallel_loop3A_512], %broadcast_in_dim3A_2 {strides = array<i32>} : memref<4096xf32, #tpu.memory_space<vmem>>, vector<16xf32>,
    } {sc.loop_unroll_factor = 8 : i64, sc.parallel_access}
    %or3A_277 = arith.constant 255 : i32
    %or3A_278 = vector.broadcast %or3A_277 : i32 to vector<16xi32>
    %or3A_279 = arith.ori %or3A_273, %or3A_278 : vector<16xi32>
    %mul3A_280 = arith.constant 256 : i32
    %mul3A_281 = arith.muli %arg1, %mul3A_280 : i32
    %add3A_282 = arith.constant 0 : i32
    %add3A_283 = arith.addi %mul3A_281, %add3A_282 : i32
    %dma_start3A_284 = arith.constant 0 : i32
    %dma_start3A_285 = arith.constant 0 : i32
    %dma_start3A_286 = arith.constant 0 : i32
    %dma_start3A_287 = tpu.memref_slice %arg4[%dma_start3A_284, %dma_start3A_285, %dma_start3A_286] : memref<2x32x512xf32, #tpu.memory_space<vmem>> -> memref<1x32x512xf32, #tpu.memory_space<vmem>>
    %dma_start3A_288 = tpu.memref_squeeze %dma_start3A_287 : memref<1x32x512xf32, #tpu.memory_space<vmem>> -> memref<32x512xf32, #tpu.memory_space<vmem>>
    %dma_start3A_289 = arith.constant 0 : i32
    %dma_start3A_290 = tpu.memref_slice %arg2[%arg0, %add3A_283, %dma_start3A_289] : memref<2x4096x512xf32, #tpu.memory_space<hbm>> -> memref<1x32x512xf32, #tpu.memory_space<hbm>>
    %dma_start3A_291 = tpu.memref_squeeze %dma_start3A_290 : memref<1x32x512xf32, #tpu.memory_space<hbm>> -> memref<32x512xf32, #tpu.memory_space<hbm>>
    %dma_start3A_292 = arith.constant 0 : i32
    %dma_start3A_293 = arith.constant 0 : i32
    %dma_start3A_294 = tpu.memref_slice %arg4[%dma_start3A_284, %dma_start3A_292, %dma_start3A_293] : memref<2x32x512xf32, #tpu.memory_space<vmem>> -> memref<1x32x512xf32, #tpu.memory_space<vmem>>
    %dma_start3A_295 = tpu.memref_squeeze %dma_start3A_294 : memref<1x32x512xf32, #tpu.memory_space<vmem>> -> memref<32x512xf32, #tpu.memory_space<vmem>>
    %dma_start3A_296 = arith.constant 0 : i32
    %dma_start3A_297 = tpu.memref_slice %arg2[%arg0, %add3A_283, %dma_start3A_296] : memref<2x4096x512xf32, #tpu.memory_space<hbm>> -> memref<1x32x512xf32, #tpu.memory_space<hbm>>
    %dma_start3A_298 = tpu.memref_squeeze %dma_start3A_297 : memref<1x32x512xf32, #tpu.memory_space<hbm>> -> memref<32x512xf32, #tpu.memory_space<hbm>>
    tpu.enqueue_dma source(%dma_start3A_298 : memref<32x512xf32, #tpu.memory_space<hbm>>) target(%dma_start3A_295 : memref<32x512xf32, #tpu.memory_space<vmem>>) target_semaphore(%arg13 : memref<!tpu.dma_semaphore, #tpu.memory_space<semaphore_mem>>)
    %mul3A_299 = arith.constant 256 : i32
    %mul3A_300 = arith.muli %arg1, %mul3A_299 : i32
    %add3A_301 = arith.constant 32 : i32
    %add3A_302 = arith.addi %mul3A_300, %add3A_301 : i32
    %dma_start3A_303 = arith.constant 1 : i32
    %dma_start3A_304 = arith.constant 0 : i32
    %dma_start3A_305 = arith.constant 0 : i32
    %dma_start3A_306 = tpu.memref_slice %arg4[%dma_start3A_303, %dma_start3A_304, %dma_start3A_305] : memref<2x32x512xf32, #tpu.memory_space<vmem>> -> memref<1x32x512xf32, #tpu.memory_space<vmem>>
    %dma_start3A_307 = tpu.memref_squeeze %dma_start3A_306 : memref<1x32x512xf32, #tpu.memory_space<vmem>> -> memref<32x512xf32, #tpu.memory_space<vmem>>
    %dma_start3A_308 = arith.constant 0 : i32
    %dma_start3A_309 = tpu.memref_slice %arg2[%arg0, %add3A_302, %dma_start3A_308] : memref<2x4096x512xf32, #tpu.memory_space<hbm>> -> memref<1x32x512xf32, #tpu.memory_space<hbm>>
    %dma_start3A_310 = tpu.memref_squeeze %dma_start3A_309 : memref<1x32x512xf32, #tpu.memory_space<hbm>> -> memref<32x512xf32, #tpu.memory_space<hbm>>
    %dma_start3A_311 = arith.constant 0 : i32
    %dma_start3A_312 = arith.constant 0 : i32
    %dma_start3A_313 = tpu.memref_slice %arg4[%dma_start3A_303, %dma_start3A_311, %dma_start3A_312] : memref<2x32x512xf32, #tpu.memory_space<vmem>> -> memref<1x32x512xf32, #tpu.memory_space<vmem>>
    %dma_start3A_314 = tpu.memref_squeeze %dma_start3A_313 : memref<1x32x512xf32, #tpu.memory_space<vmem>> -> memref<32x512xf32, #tpu.memory_space<vmem>>
    %dma_start3A_315 = arith.constant 0 : i32
    %dma_start3A_316 = tpu.memref_slice %arg2[%arg0, %add3A_302, %dma_start3A_315] : memref<2x4096x512xf32, #tpu.memory_space<hbm>> -> memref<1x32x512xf32, #tpu.memory_space<hbm>>
    %dma_start3A_317 = tpu.memref_squeeze %dma_start3A_316 : memref<1x32x512xf32, #tpu.memory_space<hbm>> -> memref<32x512xf32, #tpu.memory_space<hbm>>
    tpu.enqueue_dma source(%dma_start3A_317 : memref<32x512xf32, #tpu.memory_space<hbm>>) target(%dma_start3A_314 : memref<32x512xf32, #tpu.memory_space<vmem>>) target_semaphore(%arg14 : memref<!tpu.dma_semaphore, #tpu.memory_space<semaphore_mem>>)
    %scan3A_318 = arith.constant 0 : i32
    %scan3A_319 = arith.constant 3 : i32
    %scan3A_320 = arith.addi %scan3A_318, %scan3A_319 : i32
    %scan3A_321 = arith.constant 1 : i32
    %scan3A_322:2 = scf.for %scan3A_509 = %scan3A_318 to %scan3A_320 step %scan3A_321 iter_args(%scan3A_510 = %parallel_loop3A_235#0, %scan3A_511 = %parallel_loop3A_235#1) -> (vector<16xf32>, vector<16xi32>)  : i32 {
      %mul3A_512 = arith.constant 2 : i32
      %mul3A_513 = arith.muli %mul3A_512, %scan3A_509 : i32
      %mul3A_514 = arith.constant 256 : i32
      %mul3A_515 = arith.muli %arg1, %mul3A_514 : i32
      %mul3A_516 = arith.constant 32 : i32
      %mul3A_517 = arith.muli %mul3A_513, %mul3A_516 : i32
      %add3A_518 = arith.addi %mul3A_515, %mul3A_517 : i32
      %dma_wait3A_519 = arith.constant 0 : i32
      %dma_wait3A_520 = arith.constant 0 : i32
      %dma_wait3A_521 = arith.constant 0 : i32
      %dma_wait3A_522 = tpu.memref_slice %arg4[%dma_wait3A_519, %dma_wait3A_520, %dma_wait3A_521] : memref<2x32x512xf32, #tpu.memory_space<vmem>> -> memref<1x32x512xf32, #tpu.memory_space<vmem>>
      %dma_wait3A_523 = tpu.memref_squeeze %dma_wait3A_522 : memref<1x32x512xf32, #tpu.memory_space<vmem>> -> memref<32x512xf32, #tpu.memory_space<vmem>>
      %dma_wait3A_524 = arith.constant 0 : i32
      %dma_wait3A_525 = tpu.memref_slice %arg2[%arg0, %add3A_518, %dma_wait3A_524] : memref<2x4096x512xf32, #tpu.memory_space<hbm>> -> memref<1x32x512xf32, #tpu.memory_space<hbm>>
      %dma_wait3A_526 = tpu.memref_squeeze %dma_wait3A_525 : memref<1x32x512xf32, #tpu.memory_space<hbm>> -> memref<32x512xf32, #tpu.memory_space<hbm>>
      %dma_wait3A_527 = arith.constant 0 : i32
      %dma_wait3A_528 = arith.constant 0 : i32
      %dma_wait3A_529 = tpu.memref_slice %arg4[%dma_wait3A_519, %dma_wait3A_527, %dma_wait3A_528] : memref<2x32x512xf32, #tpu.memory_space<vmem>> -> memref<1x32x512xf32, #tpu.memory_space<vmem>>
      %dma_wait3A_530 = tpu.memref_squeeze %dma_wait3A_529 : memref<1x32x512xf32, #tpu.memory_space<vmem>> -> memref<32x512xf32, #tpu.memory_space<vmem>>
      %dma_wait3A_531 = arith.constant 0 : i32
      %dma_wait3A_532 = tpu.memref_slice %arg2[%arg0, %add3A_518, %dma_wait3A_531] : memref<2x4096x512xf32, #tpu.memory_space<hbm>> -> memref<1x32x512xf32, #tpu.memory_space<hbm>>
      %dma_wait3A_533 = tpu.memref_squeeze %dma_wait3A_532 : memref<1x32x512xf32, #tpu.memory_space<hbm>> -> memref<32x512xf32, #tpu.memory_space<hbm>>
      tpu.wait_dma2 semaphore(%arg13 : memref<!tpu.dma_semaphore, #tpu.memory_space<semaphore_mem>>) src(%dma_wait3A_533 : memref<32x512xf32, #tpu.memory_space<hbm>>) dst(%dma_wait3A_530 : memref<32x512xf32, #tpu.memory_space<vmem>>)
      %parallel_loop3A_534 = arith.constant 0 : i32
      %parallel_loop3A_535 = arith.constant 1024 : i32
      %parallel_loop3A_536 = arith.constant 1 : i32
      %parallel_loop3A_537:2 = scf.for %parallel_loop3A_608 = %parallel_loop3A_534 to %parallel_loop3A_535 step %parallel_loop3A_536 iter_args(%parallel_loop3A_609 = %scan3A_510, %parallel_loop3A_610 = %scan3A_511) -> (vector<16xf32>, vector<16xi32>)  : i32 {
        %parallel_loop3A_611 = arith.constant 5 : i32
        %parallel_loop3A_612 = arith.shrui %parallel_loop3A_608, %parallel_loop3A_611 : i32
        %parallel_loop3A_613 = arith.constant 31 : i32
        %parallel_loop3A_614 = arith.andi %parallel_loop3A_608, %parallel_loop3A_613 : i32
        %parallel_loop3A_615 = arith.constant 16 : i32
        %parallel_loop3A_616 = arith.muli %parallel_loop3A_614, %parallel_loop3A_615 : i32
        %parallel_loop3A_617 = arith.constant 0 : i32
        %parallel_loop3A_618 = arith.index_cast %parallel_loop3A_617 : i32 to index
        %parallel_loop3A_619 = arith.index_cast %parallel_loop3A_612 : i32 to index
        %parallel_loop3A_620 = arith.index_cast %parallel_loop3A_616 : i32 to index
        %parallel_loop3A_621 = tpu.vector_load %arg4[%parallel_loop3A_618, %parallel_loop3A_619, %parallel_loop3A_620] {strides = array<i32>} : memref<2x32x512xf32, #tpu.memory_space<vmem>>, vector<16xf32>,
        %parallel_loop3A_622 = tpu.bitcast %parallel_loop3A_621 : vector<16xf32> -> vector<16xi32>
        %parallel_loop3A_623 = arith.constant 8 : i32
        %parallel_loop3A_624 = vector.broadcast %parallel_loop3A_623 : i32 to vector<16xi32>
        %parallel_loop3A_625 = arith.shrui %parallel_loop3A_622, %parallel_loop3A_624 : vector<16xi32>
        %parallel_loop3A_626 = arith.constant 255 : i32
        %parallel_loop3A_627 = vector.broadcast %parallel_loop3A_626 : i32 to vector<16xi32>
        %parallel_loop3A_628 = arith.andi %parallel_loop3A_625, %parallel_loop3A_627 : vector<16xi32>
        %parallel_loop3A_629 = arith.constant 16 : i32
        %parallel_loop3A_630 = vector.broadcast %parallel_loop3A_629 : i32 to vector<16xi32>
        %parallel_loop3A_631 = arith.muli %parallel_loop3A_628, %parallel_loop3A_630 : vector<16xi32>
        %parallel_loop3A_632 = arith.addi %parallel_loop3A_631, %iota3A : vector<16xi32>
        %parallel_loop3A_633 = arith.constant 16 : i32
        %parallel_loop3A_634 = vector.broadcast %parallel_loop3A_633 : i32 to vector<16xi32>
        %parallel_loop3A_635 = arith.shrui %parallel_loop3A_622, %parallel_loop3A_634 : vector<16xi32>
        %parallel_loop3A_636 = arith.cmpi eq, %parallel_loop3A_635, %or3A_273 : vector<16xi32>
        tpu.vector_store_idx %arg5[%parallel_loop3A_632], %broadcast_in_dim3A_0 masked %parallel_loop3A_636 {add = true} : memref<4096xf32, #tpu.memory_space<vmem>>[vector<16xi32>], vector<16xf32>, vector<16xi1>
        %parallel_loop3A_637 = arith.cmpi sgt, %parallel_loop3A_635, %or3A_273 : vector<16xi32>
        %parallel_loop3A_638 = arith.cmpi sle, %parallel_loop3A_635, %or3A_279 : vector<16xi32>
        %parallel_loop3A_639 = arith.andi %parallel_loop3A_637, %parallel_loop3A_638 : vector<16xi1>
        %parallel_loop3A_640 = arith.constant 0.000000e+00 : f32
        %parallel_loop3A_641 = vector.broadcast %parallel_loop3A_640 : f32 to vector<16xf32>
        %parallel_loop3A_642 = arith.select %parallel_loop3A_639, %parallel_loop3A_621, %parallel_loop3A_641 : vector<16xi1>, vector<16xf32>
        %parallel_loop3A_643 = arith.addf %parallel_loop3A_609, %parallel_loop3A_642 : vector<16xf32>
        %parallel_loop3A_644 = arith.constant 1023 : i32
        %parallel_loop3A_645 = vector.broadcast %parallel_loop3A_644 : i32 to vector<16xi32>
        %parallel_loop3A_646 = arith.minsi %parallel_loop3A_610, %parallel_loop3A_645 : vector<16xi32>
        %parallel_loop3A_647 = arith.addi %mul3A_4, %parallel_loop3A_646 : vector<16xi32>
        tpu.vector_store_idx %arg7[%parallel_loop3A_647], %parallel_loop3A_621 masked %parallel_loop3A_636 : memref<16384xf32, #tpu.memory_space<vmem>>[vector<16xi32>], vector<16xf32>, vector<16xi1>
        %parallel_loop3A_648 = arith.constant 1 : i32
        %parallel_loop3A_649 = arith.constant 0 : i32
        %parallel_loop3A_650 = vector.broadcast %parallel_loop3A_648 : i32 to vector<16xi32>
        %parallel_loop3A_651 = vector.broadcast %parallel_loop3A_649 : i32 to vector<16xi32>
        %parallel_loop3A_652 = arith.select %parallel_loop3A_636, %parallel_loop3A_650, %parallel_loop3A_651 : vector<16xi1>, vector<16xi32>
        %parallel_loop3A_653 = arith.addi %parallel_loop3A_610, %parallel_loop3A_652 : vector<16xi32>
        scf.yield %parallel_loop3A_643, %parallel_loop3A_653 : vector<16xf32>, vector<16xi32>
      } {sc.loop_unroll_factor = 8 : i64, sc.parallel_access}
      %add3A_538 = arith.constant 2 : i32
      %add3A_539 = arith.addi %mul3A_513, %add3A_538 : i32
      %mul3A_540 = arith.constant 256 : i32
      %mul3A_541 = arith.muli %arg1, %mul3A_540 : i32
      %mul3A_542 = arith.constant 32 : i32
      %mul3A_543 = arith.muli %add3A_539, %mul3A_542 : i32
      %add3A_544 = arith.addi %mul3A_541, %mul3A_543 : i32
      %dma_start3A_545 = arith.constant 0 : i32
      %dma_start3A_546 = arith.constant 0 : i32
      %dma_start3A_547 = arith.constant 0 : i32
      %dma_start3A_548 = tpu.memref_slice %arg4[%dma_start3A_545, %dma_start3A_546, %dma_start3A_547] : memref<2x32x512xf32, #tpu.memory_space<vmem>> -> memref<1x32x512xf32, #tpu.memory_space<vmem>>
      %dma_start3A_549 = tpu.memref_squeeze %dma_start3A_548 : memref<1x32x512xf32, #tpu.memory_space<vmem>> -> memref<32x512xf32, #tpu.memory_space<vmem>>
      %dma_start3A_550 = arith.constant 0 : i32
      %dma_start3A_551 = tpu.memref_slice %arg2[%arg0, %add3A_544, %dma_start3A_550] : memref<2x4096x512xf32, #tpu.memory_space<hbm>> -> memref<1x32x512xf32, #tpu.memory_space<hbm>>
      %dma_start3A_552 = tpu.memref_squeeze %dma_start3A_551 : memref<1x32x512xf32, #tpu.memory_space<hbm>> -> memref<32x512xf32, #tpu.memory_space<hbm>>
      %dma_start3A_553 = arith.constant 0 : i32
      %dma_start3A_554 = arith.constant 0 : i32
      %dma_start3A_555 = tpu.memref_slice %arg4[%dma_start3A_545, %dma_start3A_553, %dma_start3A_554] : memref<2x32x512xf32, #tpu.memory_space<vmem>> -> memref<1x32x512xf32, #tpu.memory_space<vmem>>
      %dma_start3A_556 = tpu.memref_squeeze %dma_start3A_555 : memref<1x32x512xf32, #tpu.memory_space<vmem>> -> memref<32x512xf32, #tpu.memory_space<vmem>>
      %dma_start3A_557 = arith.constant 0 : i32
      %dma_start3A_558 = tpu.memref_slice %arg2[%arg0, %add3A_544, %dma_start3A_557] : memref<2x4096x512xf32, #tpu.memory_space<hbm>> -> memref<1x32x512xf32, #tpu.memory_space<hbm>>
      %dma_start3A_559 = tpu.memref_squeeze %dma_start3A_558 : memref<1x32x512xf32, #tpu.memory_space<hbm>> -> memref<32x512xf32, #tpu.memory_space<hbm>>
      tpu.enqueue_dma source(%dma_start3A_559 : memref<32x512xf32, #tpu.memory_space<hbm>>) target(%dma_start3A_556 : memref<32x512xf32, #tpu.memory_space<vmem>>) target_semaphore(%arg13 : memref<!tpu.dma_semaphore, #tpu.memory_space<semaphore_mem>>)
      %add3A_560 = arith.constant 1 : i32
      %add3A_561 = arith.addi %mul3A_513, %add3A_560 : i32
      %mul3A_562 = arith.constant 256 : i32
      %mul3A_563 = arith.muli %arg1, %mul3A_562 : i32
      %mul3A_564 = arith.constant 32 : i32
      %mul3A_565 = arith.muli %add3A_561, %mul3A_564 : i32
      %add3A_566 = arith.addi %mul3A_563, %mul3A_565 : i32
      %dma_wait3A_567 = arith.constant 1 : i32
      %dma_wait3A_568 = arith.constant 0 : i32
      %dma_wait3A_569 = arith.constant 0 : i32
      %dma_wait3A_570 = tpu.memref_slice %arg4[%dma_wait3A_567, %dma_wait3A_568, %dma_wait3A_569] : memref<2x32x512xf32, #tpu.memory_space<vmem>> -> memref<1x32x512xf32, #tpu.memory_space<vmem>>
      %dma_wait3A_571 = tpu.memref_squeeze %dma_wait3A_570 : memref<1x32x512xf32, #tpu.memory_space<vmem>> -> memref<32x512xf32, #tpu.memory_space<vmem>>
      %dma_wait3A_572 = arith.constant 0 : i32
      %dma_wait3A_573 = tpu.memref_slice %arg2[%arg0, %add3A_566, %dma_wait3A_572] : memref<2x4096x512xf32, #tpu.memory_space<hbm>> -> memref<1x32x512xf32, #tpu.memory_space<hbm>>
      %dma_wait3A_574 = tpu.memref_squeeze %dma_wait3A_573 : memref<1x32x512xf32, #tpu.memory_space<hbm>> -> memref<32x512xf32, #tpu.memory_space<hbm>>
      %dma_wait3A_575 = arith.constant 0 : i32
      %dma_wait3A_576 = arith.constant 0 : i32
      %dma_wait3A_577 = tpu.memref_slice %arg4[%dma_wait3A_567, %dma_wait3A_575, %dma_wait3A_576] : memref<2x32x512xf32, #tpu.memory_space<vmem>> -> memref<1x32x512xf32, #tpu.memory_space<vmem>>
      %dma_wait3A_578 = tpu.memref_squeeze %dma_wait3A_577 : memref<1x32x512xf32, #tpu.memory_space<vmem>> -> memref<32x512xf32, #tpu.memory_space<vmem>>
      %dma_wait3A_579 = arith.constant 0 : i32
      %dma_wait3A_580 = tpu.memref_slice %arg2[%arg0, %add3A_566, %dma_wait3A_579] : memref<2x4096x512xf32, #tpu.memory_space<hbm>> -> memref<1x32x512xf32, #tpu.memory_space<hbm>>
      %dma_wait3A_581 = tpu.memref_squeeze %dma_wait3A_580 : memref<1x32x512xf32, #tpu.memory_space<hbm>> -> memref<32x512xf32, #tpu.memory_space<hbm>>
      tpu.wait_dma2 semaphore(%arg14 : memref<!tpu.dma_semaphore, #tpu.memory_space<semaphore_mem>>) src(%dma_wait3A_581 : memref<32x512xf32, #tpu.memory_space<hbm>>) dst(%dma_wait3A_578 : memref<32x512xf32, #tpu.memory_space<vmem>>)
      %parallel_loop3A_582 = arith.constant 0 : i32
      %parallel_loop3A_583 = arith.constant 1024 : i32
      %parallel_loop3A_584 = arith.constant 1 : i32
      %parallel_loop3A_585:2 = scf.for %parallel_loop3A_608 = %parallel_loop3A_582 to %parallel_loop3A_583 step %parallel_loop3A_584 iter_args(%parallel_loop3A_609 = %parallel_loop3A_537#0, %parallel_loop3A_610 = %parallel_loop3A_537#1) -> (vector<16xf32>, vector<16xi32>)  : i32 {
        %parallel_loop3A_611 = arith.constant 5 : i32
        %parallel_loop3A_612 = arith.shrui %parallel_loop3A_608, %parallel_loop3A_611 : i32
        %parallel_loop3A_613 = arith.constant 31 : i32
        %parallel_loop3A_614 = arith.andi %parallel_loop3A_608, %parallel_loop3A_613 : i32
        %parallel_loop3A_615 = arith.constant 16 : i32
        %parallel_loop3A_616 = arith.muli %parallel_loop3A_614, %parallel_loop3A_615 : i32
        %parallel_loop3A_617 = arith.constant 1 : i32
        %parallel_loop3A_618 = arith.index_cast %parallel_loop3A_617 : i32 to index
        %parallel_loop3A_619 = arith.index_cast %parallel_loop3A_612 : i32 to index
        %parallel_loop3A_620 = arith.index_cast %parallel_loop3A_616 : i32 to index
        %parallel_loop3A_621 = tpu.vector_load %arg4[%parallel_loop3A_618, %parallel_loop3A_619, %parallel_loop3A_620] {strides = array<i32>} : memref<2x32x512xf32, #tpu.memory_space<vmem>>, vector<16xf32>,
        %parallel_loop3A_622 = tpu.bitcast %parallel_loop3A_621 : vector<16xf32> -> vector<16xi32>
        %parallel_loop3A_623 = arith.constant 8 : i32
        %parallel_loop3A_624 = vector.broadcast %parallel_loop3A_623 : i32 to vector<16xi32>
        %parallel_loop3A_625 = arith.shrui %parallel_loop3A_622, %parallel_loop3A_624 : vector<16xi32>
        %parallel_loop3A_626 = arith.constant 255 : i32
        %parallel_loop3A_627 = vector.broadcast %parallel_loop3A_626 : i32 to vector<16xi32>
        %parallel_loop3A_628 = arith.andi %parallel_loop3A_625, %parallel_loop3A_627 : vector<16xi32>
        %parallel_loop3A_629 = arith.constant 16 : i32
        %parallel_loop3A_630 = vector.broadcast %parallel_loop3A_629 : i32 to vector<16xi32>
        %parallel_loop3A_631 = arith.muli %parallel_loop3A_628, %parallel_loop3A_630 : vector<16xi32>
        %parallel_loop3A_632 = arith.addi %parallel_loop3A_631, %iota3A : vector<16xi32>
        %parallel_loop3A_633 = arith.constant 16 : i32
        %parallel_loop3A_634 = vector.broadcast %parallel_loop3A_633 : i32 to vector<16xi32>
        %parallel_loop3A_635 = arith.shrui %parallel_loop3A_622, %parallel_loop3A_634 : vector<16xi32>
        %parallel_loop3A_636 = arith.cmpi eq, %parallel_loop3A_635, %or3A_273 : vector<16xi32>
        tpu.vector_store_idx %arg5[%parallel_loop3A_632], %broadcast_in_dim3A_0 masked %parallel_loop3A_636 {add = true} : memref<4096xf32, #tpu.memory_space<vmem>>[vector<16xi32>], vector<16xf32>, vector<16xi1>
        %parallel_loop3A_637 = arith.cmpi sgt, %parallel_loop3A_635, %or3A_273 : vector<16xi32>
        %parallel_loop3A_638 = arith.cmpi sle, %parallel_loop3A_635, %or3A_279 : vector<16xi32>
        %parallel_loop3A_639 = arith.andi %parallel_loop3A_637, %parallel_loop3A_638 : vector<16xi1>
        %parallel_loop3A_640 = arith.constant 0.000000e+00 : f32
        %parallel_loop3A_641 = vector.broadcast %parallel_loop3A_640 : f32 to vector<16xf32>
        %parallel_loop3A_642 = arith.select %parallel_loop3A_639, %parallel_loop3A_621, %parallel_loop3A_641 : vector<16xi1>, vector<16xf32>
        %parallel_loop3A_643 = arith.addf %parallel_loop3A_609, %parallel_loop3A_642 : vector<16xf32>
        %parallel_loop3A_644 = arith.constant 1023 : i32
        %parallel_loop3A_645 = vector.broadcast %parallel_loop3A_644 : i32 to vector<16xi32>
        %parallel_loop3A_646 = arith.minsi %parallel_loop3A_610, %parallel_loop3A_645 : vector<16xi32>
        %parallel_loop3A_647 = arith.addi %mul3A_4, %parallel_loop3A_646 : vector<16xi32>
        tpu.vector_store_idx %arg7[%parallel_loop3A_647], %parallel_loop3A_621 masked %parallel_loop3A_636 : memref<16384xf32, #tpu.memory_space<vmem>>[vector<16xi32>], vector<16xf32>, vector<16xi1>
        %parallel_loop3A_648 = arith.constant 1 : i32
        %parallel_loop3A_649 = arith.constant 0 : i32
        %parallel_loop3A_650 = vector.broadcast %parallel_loop3A_648 : i32 to vector<16xi32>
        %parallel_loop3A_651 = vector.broadcast %parallel_loop3A_649 : i32 to vector<16xi32>
        %parallel_loop3A_652 = arith.select %parallel_loop3A_636, %parallel_loop3A_650, %parallel_loop3A_651 : vector<16xi1>, vector<16xi32>
        %parallel_loop3A_653 = arith.addi %parallel_loop3A_610, %parallel_loop3A_652 : vector<16xi32>
        scf.yield %parallel_loop3A_643, %parallel_loop3A_653 : vector<16xf32>, vector<16xi32>
      } {sc.loop_unroll_factor = 8 : i64, sc.parallel_access}
      %add3A_586 = arith.constant 3 : i32
      %add3A_587 = arith.addi %mul3A_513, %add3A_586 : i32
      %mul3A_588 = arith.constant 256 : i32
      %mul3A_589 = arith.muli %arg1, %mul3A_588 : i32
      %mul3A_590 = arith.constant 32 : i32
      %mul3A_591 = arith.muli %add3A_587, %mul3A_590 : i32
      %add3A_592 = arith.addi %mul3A_589, %mul3A_591 : i32
      %dma_start3A_593 = arith.constant 1 : i32
      %dma_start3A_594 = arith.constant 0 : i32
      %dma_start3A_595 = arith.constant 0 : i32
      %dma_start3A_596 = tpu.memref_slice %arg4[%dma_start3A_593, %dma_start3A_594, %dma_start3A_595] : memref<2x32x512xf32, #tpu.memory_space<vmem>> -> memref<1x32x512xf32, #tpu.memory_space<vmem>>
      %dma_start3A_597 = tpu.memref_squeeze %dma_start3A_596 : memref<1x32x512xf32, #tpu.memory_space<vmem>> -> memref<32x512xf32, #tpu.memory_space<vmem>>
      %dma_start3A_598 = arith.constant 0 : i32
      %dma_start3A_599 = tpu.memref_slice %arg2[%arg0, %add3A_592, %dma_start3A_598] : memref<2x4096x512xf32, #tpu.memory_space<hbm>> -> memref<1x32x512xf32, #tpu.memory_space<hbm>>
      %dma_start3A_600 = tpu.memref_squeeze %dma_start3A_599 : memref<1x32x512xf32, #tpu.memory_space<hbm>> -> memref<32x512xf32, #tpu.memory_space<hbm>>
      %dma_start3A_601 = arith.constant 0 : i32
      %dma_start3A_602 = arith.constant 0 : i32
      %dma_start3A_603 = tpu.memref_slice %arg4[%dma_start3A_593, %dma_start3A_601, %dma_start3A_602] : memref<2x32x512xf32, #tpu.memory_space<vmem>> -> memref<1x32x512xf32, #tpu.memory_space<vmem>>
      %dma_start3A_604 = tpu.memref_squeeze %dma_start3A_603 : memref<1x32x512xf32, #tpu.memory_space<vmem>> -> memref<32x512xf32, #tpu.memory_space<vmem>>
      %dma_start3A_605 = arith.constant 0 : i32
      %dma_start3A_606 = tpu.memref_slice %arg2[%arg0, %add3A_592, %dma_start3A_605] : memref<2x4096x512xf32, #tpu.memory_space<hbm>> -> memref<1x32x512xf32, #tpu.memory_space<hbm>>
      %dma_start3A_607 = tpu.memref_squeeze %dma_start3A_606 : memref<1x32x512xf32, #tpu.memory_space<hbm>> -> memref<32x512xf32, #tpu.memory_space<hbm>>
      tpu.enqueue_dma source(%dma_start3A_607 : memref<32x512xf32, #tpu.memory_space<hbm>>) target(%dma_start3A_604 : memref<32x512xf32, #tpu.memory_space<vmem>>) target_semaphore(%arg14 : memref<!tpu.dma_semaphore, #tpu.memory_space<semaphore_mem>>)
      scf.yield %parallel_loop3A_585#0, %parallel_loop3A_585#1 : vector<16xf32>, vector<16xi32>
    }
    %scan3A_323 = arith.constant 3 : i32
    %mul3A_324 = arith.constant 256 : i32
    %mul3A_325 = arith.muli %arg1, %mul3A_324 : i32
    %add3A_326 = arith.constant 192 : i32
    %add3A_327 = arith.addi %mul3A_325, %add3A_326 : i32
    %dma_wait3A_328 = arith.constant 0 : i32
    %dma_wait3A_329 = arith.constant 0 : i32
    %dma_wait3A_330 = arith.constant 0 : i32
    %dma_wait3A_331 = tpu.memref_slice %arg4[%dma_wait3A_328, %dma_wait3A_329, %dma_wait3A_330] : memref<2x32x512xf32, #tpu.memory_space<vmem>> -> memref<1x32x512xf32, #tpu.memory_space<vmem>>
    %dma_wait3A_332 = tpu.memref_squeeze %dma_wait3A_331 : memref<1x32x512xf32, #tpu.memory_space<vmem>> -> memref<32x512xf32, #tpu.memory_space<vmem>>
    %dma_wait3A_333 = arith.constant 0 : i32
    %dma_wait3A_334 = tpu.memref_slice %arg2[%arg0, %add3A_327, %dma_wait3A_333] : memref<2x4096x512xf32, #tpu.memory_space<hbm>> -> memref<1x32x512xf32, #tpu.memory_space<hbm>>
    %dma_wait3A_335 = tpu.memref_squeeze %dma_wait3A_334 : memref<1x32x512xf32, #tpu.memory_space<hbm>> -> memref<32x512xf32, #tpu.memory_space<hbm>>
    %dma_wait3A_336 = arith.constant 0 : i32
    %dma_wait3A_337 = arith.constant 0 : i32
    %dma_wait3A_338 = tpu.memref_slice %arg4[%dma_wait3A_328, %dma_wait3A_336, %dma_wait3A_337] : memref<2x32x512xf32, #tpu.memory_space<vmem>> -> memref<1x32x512xf32, #tpu.memory_space<vmem>>
    %dma_wait3A_339 = tpu.memref_squeeze %dma_wait3A_338 : memref<1x32x512xf32, #tpu.memory_space<vmem>> -> memref<32x512xf32, #tpu.memory_space<vmem>>
    %dma_wait3A_340 = arith.constant 0 : i32
    %dma_wait3A_341 = tpu.memref_slice %arg2[%arg0, %add3A_327, %dma_wait3A_340] : memref<2x4096x512xf32, #tpu.memory_space<hbm>> -> memref<1x32x512xf32, #tpu.memory_space<hbm>>
    %dma_wait3A_342 = tpu.memref_squeeze %dma_wait3A_341 : memref<1x32x512xf32, #tpu.memory_space<hbm>> -> memref<32x512xf32, #tpu.memory_space<hbm>>
    tpu.wait_dma2 semaphore(%arg13 : memref<!tpu.dma_semaphore, #tpu.memory_space<semaphore_mem>>) src(%dma_wait3A_342 : memref<32x512xf32, #tpu.memory_space<hbm>>) dst(%dma_wait3A_339 : memref<32x512xf32, #tpu.memory_space<vmem>>)
    %parallel_loop3A_343 = arith.constant 0 : i32
    %parallel_loop3A_344 = arith.constant 1024 : i32
    %parallel_loop3A_345 = arith.constant 1 : i32
    %parallel_loop3A_346:2 = scf.for %parallel_loop3A_509 = %parallel_loop3A_343 to %parallel_loop3A_344 step %parallel_loop3A_345 iter_args(%parallel_loop3A_510 = %scan3A_322#0, %parallel_loop3A_511 = %scan3A_322#1) -> (vector<16xf32>, vector<16xi32>)  : i32 {
      %parallel_loop3A_512 = arith.constant 5 : i32
      %parallel_loop3A_513 = arith.shrui %parallel_loop3A_509, %parallel_loop3A_512 : i32
      %parallel_loop3A_514 = arith.constant 31 : i32
      %parallel_loop3A_515 = arith.andi %parallel_loop3A_509, %parallel_loop3A_514 : i32
      %parallel_loop3A_516 = arith.constant 16 : i32
      %parallel_loop3A_517 = arith.muli %parallel_loop3A_515, %parallel_loop3A_516 : i32
      %parallel_loop3A_518 = arith.constant 0 : i32
      %parallel_loop3A_519 = arith.index_cast %parallel_loop3A_518 : i32 to index
      %parallel_loop3A_520 = arith.index_cast %parallel_loop3A_513 : i32 to index
      %parallel_loop3A_521 = arith.index_cast %parallel_loop3A_517 : i32 to index
      %parallel_loop3A_522 = tpu.vector_load %arg4[%parallel_loop3A_519, %parallel_loop3A_520, %parallel_loop3A_521] {strides = array<i32>} : memref<2x32x512xf32, #tpu.memory_space<vmem>>, vector<16xf32>,
      %parallel_loop3A_523 = tpu.bitcast %parallel_loop3A_522 : vector<16xf32> -> vector<16xi32>
      %parallel_loop3A_524 = arith.constant 8 : i32
      %parallel_loop3A_525 = vector.broadcast %parallel_loop3A_524 : i32 to vector<16xi32>
      %parallel_loop3A_526 = arith.shrui %parallel_loop3A_523, %parallel_loop3A_525 : vector<16xi32>
      %parallel_loop3A_527 = arith.constant 255 : i32
      %parallel_loop3A_528 = vector.broadcast %parallel_loop3A_527 : i32 to vector<16xi32>
      %parallel_loop3A_529 = arith.andi %parallel_loop3A_526, %parallel_loop3A_528 : vector<16xi32>
      %parallel_loop3A_530 = arith.constant 16 : i32
      %parallel_loop3A_531 = vector.broadcast %parallel_loop3A_530 : i32 to vector<16xi32>
      %parallel_loop3A_532 = arith.muli %parallel_loop3A_529, %parallel_loop3A_531 : vector<16xi32>
      %parallel_loop3A_533 = arith.addi %parallel_loop3A_532, %iota3A : vector<16xi32>
      %parallel_loop3A_534 = arith.constant 16 : i32
      %parallel_loop3A_535 = vector.broadcast %parallel_loop3A_534 : i32 to vector<16xi32>
      %parallel_loop3A_536 = arith.shrui %parallel_loop3A_523, %parallel_loop3A_535 : vector<16xi32>
      %parallel_loop3A_537 = arith.cmpi eq, %parallel_loop3A_536, %or3A_273 : vector<16xi32>
      tpu.vector_store_idx %arg5[%parallel_loop3A_533], %broadcast_in_dim3A_0 masked %parallel_loop3A_537 {add = true} : memref<4096xf32, #tpu.memory_space<vmem>>[vector<16xi32>], vector<16xf32>, vector<16xi1>
      %parallel_loop3A_538 = arith.cmpi sgt, %parallel_loop3A_536, %or3A_273 : vector<16xi32>
      %parallel_loop3A_539 = arith.cmpi sle, %parallel_loop3A_536, %or3A_279 : vector<16xi32>
      %parallel_loop3A_540 = arith.andi %parallel_loop3A_538, %parallel_loop3A_539 : vector<16xi1>
      %parallel_loop3A_541 = arith.constant 0.000000e+00 : f32
      %parallel_loop3A_542 = vector.broadcast %parallel_loop3A_541 : f32 to vector<16xf32>
      %parallel_loop3A_543 = arith.select %parallel_loop3A_540, %parallel_loop3A_522, %parallel_loop3A_542 : vector<16xi1>, vector<16xf32>
      %parallel_loop3A_544 = arith.addf %parallel_loop3A_510, %parallel_loop3A_543 : vector<16xf32>
      %parallel_loop3A_545 = arith.constant 1023 : i32
      %parallel_loop3A_546 = vector.broadcast %parallel_loop3A_545 : i32 to vector<16xi32>
      %parallel_loop3A_547 = arith.minsi %parallel_loop3A_511, %parallel_loop3A_546 : vector<16xi32>
      %parallel_loop3A_548 = arith.addi %mul3A_4, %parallel_loop3A_547 : vector<16xi32>
      tpu.vector_store_idx %arg7[%parallel_loop3A_548], %parallel_loop3A_522 masked %parallel_loop3A_537 : memref<16384xf32, #tpu.memory_space<vmem>>[vector<16xi32>], vector<16xf32>, vector<16xi1>
      %parallel_loop3A_549 = arith.constant 1 : i32
      %parallel_loop3A_550 = arith.constant 0 : i32
      %parallel_loop3A_551 = vector.broadcast %parallel_loop3A_549 : i32 to vector<16xi32>
      %parallel_loop3A_552 = vector.broadcast %parallel_loop3A_550 : i32 to vector<16xi32>
      %parallel_loop3A_553 = arith.select %parallel_loop3A_537, %parallel_loop3A_551, %parallel_loop3A_552 : vector<16xi1>, vector<16xi32>
      %parallel_loop3A_554 = arith.addi %parallel_loop3A_511, %parallel_loop3A_553 : vector<16xi32>
      scf.yield %parallel_loop3A_544, %parallel_loop3A_554 : vector<16xf32>, vector<16xi32>
    } {sc.loop_unroll_factor = 8 : i64, sc.parallel_access}
    %mul3A_347 = arith.constant 256 : i32
    %mul3A_348 = arith.muli %arg1, %mul3A_347 : i32
    %add3A_349 = arith.constant 224 : i32
    %add3A_350 = arith.addi %mul3A_348, %add3A_349 : i32
    %dma_wait3A_351 = arith.constant 1 : i32
    %dma_wait3A_352 = arith.constant 0 : i32
    %dma_wait3A_353 = arith.constant 0 : i32
    %dma_wait3A_354 = tpu.memref_slice %arg4[%dma_wait3A_351, %dma_wait3A_352, %dma_wait3A_353] : memref<2x32x512xf32, #tpu.memory_space<vmem>> -> memref<1x32x512xf32, #tpu.memory_space<vmem>>
    %dma_wait3A_355 = tpu.memref_squeeze %dma_wait3A_354 : memref<1x32x512xf32, #tpu.memory_space<vmem>> -> memref<32x512xf32, #tpu.memory_space<vmem>>
    %dma_wait3A_356 = arith.constant 0 : i32
    %dma_wait3A_357 = tpu.memref_slice %arg2[%arg0, %add3A_350, %dma_wait3A_356] : memref<2x4096x512xf32, #tpu.memory_space<hbm>> -> memref<1x32x512xf32, #tpu.memory_space<hbm>>
    %dma_wait3A_358 = tpu.memref_squeeze %dma_wait3A_357 : memref<1x32x512xf32, #tpu.memory_space<hbm>> -> memref<32x512xf32, #tpu.memory_space<hbm>>
    %dma_wait3A_359 = arith.constant 0 : i32
    %dma_wait3A_360 = arith.constant 0 : i32
    %dma_wait3A_361 = tpu.memref_slice %arg4[%dma_wait3A_351, %dma_wait3A_359, %dma_wait3A_360] : memref<2x32x512xf32, #tpu.memory_space<vmem>> -> memref<1x32x512xf32, #tpu.memory_space<vmem>>
    %dma_wait3A_362 = tpu.memref_squeeze %dma_wait3A_361 : memref<1x32x512xf32, #tpu.memory_space<vmem>> -> memref<32x512xf32, #tpu.memory_space<vmem>>
    %dma_wait3A_363 = arith.constant 0 : i32
    %dma_wait3A_364 = tpu.memref_slice %arg2[%arg0, %add3A_350, %dma_wait3A_363] : memref<2x4096x512xf32, #tpu.memory_space<hbm>> -> memref<1x32x512xf32, #tpu.memory_space<hbm>>
    %dma_wait3A_365 = tpu.memref_squeeze %dma_wait3A_364 : memref<1x32x512xf32, #tpu.memory_space<hbm>> -> memref<32x512xf32, #tpu.memory_space<hbm>>
    tpu.wait_dma2 semaphore(%arg14 : memref<!tpu.dma_semaphore, #tpu.memory_space<semaphore_mem>>) src(%dma_wait3A_365 : memref<32x512xf32, #tpu.memory_space<hbm>>) dst(%dma_wait3A_362 : memref<32x512xf32, #tpu.memory_space<vmem>>)
    %parallel_loop3A_366 = arith.constant 0 : i32
    %parallel_loop3A_367 = arith.constant 1024 : i32
    %parallel_loop3A_368 = arith.constant 1 : i32
    %parallel_loop3A_369:2 = scf.for %parallel_loop3A_509 = %parallel_loop3A_366 to %parallel_loop3A_367 step %parallel_loop3A_368 iter_args(%parallel_loop3A_510 = %parallel_loop3A_346#0, %parallel_loop3A_511 = %parallel_loop3A_346#1) -> (vector<16xf32>, vector<16xi32>)  : i32 {
      %parallel_loop3A_512 = arith.constant 5 : i32
      %parallel_loop3A_513 = arith.shrui %parallel_loop3A_509, %parallel_loop3A_512 : i32
      %parallel_loop3A_514 = arith.constant 31 : i32
      %parallel_loop3A_515 = arith.andi %parallel_loop3A_509, %parallel_loop3A_514 : i32
      %parallel_loop3A_516 = arith.constant 16 : i32
      %parallel_loop3A_517 = arith.muli %parallel_loop3A_515, %parallel_loop3A_516 : i32
      %parallel_loop3A_518 = arith.constant 1 : i32
      %parallel_loop3A_519 = arith.index_cast %parallel_loop3A_518 : i32 to index
      %parallel_loop3A_520 = arith.index_cast %parallel_loop3A_513 : i32 to index
      %parallel_loop3A_521 = arith.index_cast %parallel_loop3A_517 : i32 to index
      %parallel_loop3A_522 = tpu.vector_load %arg4[%parallel_loop3A_519, %parallel_loop3A_520, %parallel_loop3A_521] {strides = array<i32>} : memref<2x32x512xf32, #tpu.memory_space<vmem>>, vector<16xf32>,
      %parallel_loop3A_523 = tpu.bitcast %parallel_loop3A_522 : vector<16xf32> -> vector<16xi32>
      %parallel_loop3A_524 = arith.constant 8 : i32
      %parallel_loop3A_525 = vector.broadcast %parallel_loop3A_524 : i32 to vector<16xi32>
      %parallel_loop3A_526 = arith.shrui %parallel_loop3A_523, %parallel_loop3A_525 : vector<16xi32>
      %parallel_loop3A_527 = arith.constant 255 : i32
      %parallel_loop3A_528 = vector.broadcast %parallel_loop3A_527 : i32 to vector<16xi32>
      %parallel_loop3A_529 = arith.andi %parallel_loop3A_526, %parallel_loop3A_528 : vector<16xi32>
      %parallel_loop3A_530 = arith.constant 16 : i32
      %parallel_loop3A_531 = vector.broadcast %parallel_loop3A_530 : i32 to vector<16xi32>
      %parallel_loop3A_532 = arith.muli %parallel_loop3A_529, %parallel_loop3A_531 : vector<16xi32>
      %parallel_loop3A_533 = arith.addi %parallel_loop3A_532, %iota3A : vector<16xi32>
      %parallel_loop3A_534 = arith.constant 16 : i32
      %parallel_loop3A_535 = vector.broadcast %parallel_loop3A_534 : i32 to vector<16xi32>
      %parallel_loop3A_536 = arith.shrui %parallel_loop3A_523, %parallel_loop3A_535 : vector<16xi32>
      %parallel_loop3A_537 = arith.cmpi eq, %parallel_loop3A_536, %or3A_273 : vector<16xi32>
      tpu.vector_store_idx %arg5[%parallel_loop3A_533], %broadcast_in_dim3A_0 masked %parallel_loop3A_537 {add = true} : memref<4096xf32, #tpu.memory_space<vmem>>[vector<16xi32>], vector<16xf32>, vector<16xi1>
      %parallel_loop3A_538 = arith.cmpi sgt, %parallel_loop3A_536, %or3A_273 : vector<16xi32>
      %parallel_loop3A_539 = arith.cmpi sle, %parallel_loop3A_536, %or3A_279 : vector<16xi32>
      %parallel_loop3A_540 = arith.andi %parallel_loop3A_538, %parallel_loop3A_539 : vector<16xi1>
      %parallel_loop3A_541 = arith.constant 0.000000e+00 : f32
      %parallel_loop3A_542 = vector.broadcast %parallel_loop3A_541 : f32 to vector<16xf32>
      %parallel_loop3A_543 = arith.select %parallel_loop3A_540, %parallel_loop3A_522, %parallel_loop3A_542 : vector<16xi1>, vector<16xf32>
      %parallel_loop3A_544 = arith.addf %parallel_loop3A_510, %parallel_loop3A_543 : vector<16xf32>
      %parallel_loop3A_545 = arith.constant 1023 : i32
      %parallel_loop3A_546 = vector.broadcast %parallel_loop3A_545 : i32 to vector<16xi32>
      %parallel_loop3A_547 = arith.minsi %parallel_loop3A_511, %parallel_loop3A_546 : vector<16xi32>
      %parallel_loop3A_548 = arith.addi %mul3A_4, %parallel_loop3A_547 : vector<16xi32>
      tpu.vector_store_idx %arg7[%parallel_loop3A_548], %parallel_loop3A_522 masked %parallel_loop3A_537 : memref<16384xf32, #tpu.memory_space<vmem>>[vector<16xi32>], vector<16xf32>, vector<16xi1>
      %parallel_loop3A_549 = arith.constant 1 : i32
      %parallel_loop3A_550 = arith.constant 0 : i32
      %parallel_loop3A_551 = vector.broadcast %parallel_loop3A_549 : i32 to vector<16xi32>
      %parallel_loop3A_552 = vector.broadcast %parallel_loop3A_550 : i32 to vector<16xi32>
      %parallel_loop3A_553 = arith.select %parallel_loop3A_537, %parallel_loop3A_551, %parallel_loop3A_552 : vector<16xi1>, vector<16xi32>
      %parallel_loop3A_554 = arith.addi %parallel_loop3A_511, %parallel_loop3A_553 : vector<16xi32>
      scf.yield %parallel_loop3A_544, %parallel_loop3A_554 : vector<16xf32>, vector<16xi32>
    } {sc.loop_unroll_factor = 8 : i64, sc.parallel_access}
    "tpu.region"() ({
      %run_scoped3A = tpu.sem_alloc : memref<!tpu.dma_semaphore, #tpu.memory_space<semaphore_mem>>
      %dma_start3A_509 = arith.constant 0 : i32
      %dma_start3A_510 = tpu.memref_slice %arg15[%arg1, %dma_start3A_509] : memref<16x4096xf32, #tpu.memory_space<vmem_shared>> -> memref<1x4096xf32, #tpu.memory_space<vmem_shared>>
      %dma_start3A_511 = tpu.memref_squeeze %dma_start3A_510 : memref<1x4096xf32, #tpu.memory_space<vmem_shared>> -> memref<4096xf32, #tpu.memory_space<vmem_shared>>
      %dma_start3A_512 = arith.constant 0 : i32
      %dma_start3A_513 = tpu.memref_slice %arg15[%arg1, %dma_start3A_512] : memref<16x4096xf32, #tpu.memory_space<vmem_shared>> -> memref<1x4096xf32, #tpu.memory_space<vmem_shared>>
      %dma_start3A_514 = tpu.memref_squeeze %dma_start3A_513 : memref<1x4096xf32, #tpu.memory_space<vmem_shared>> -> memref<4096xf32, #tpu.memory_space<vmem_shared>>
      tpu.enqueue_dma source(%arg5 : memref<4096xf32, #tpu.memory_space<vmem>>) target(%dma_start3A_514 : memref<4096xf32, #tpu.memory_space<vmem_shared>>) target_semaphore(%run_scoped3A : memref<!tpu.dma_semaphore, #tpu.memory_space<semaphore_mem>>)
      %dma_wait3A_515 = arith.constant 0 : i32
      %dma_wait3A_516 = tpu.memref_slice %arg15[%arg1, %dma_wait3A_515] : memref<16x4096xf32, #tpu.memory_space<vmem_shared>> -> memref<1x4096xf32, #tpu.memory_space<vmem_shared>>
      %dma_wait3A_517 = tpu.memref_squeeze %dma_wait3A_516 : memref<1x4096xf32, #tpu.memory_space<vmem_shared>> -> memref<4096xf32, #tpu.memory_space<vmem_shared>>
      %dma_wait3A_518 = arith.constant 0 : i32
      %dma_wait3A_519 = tpu.memref_slice %arg15[%arg1, %dma_wait3A_518] : memref<16x4096xf32, #tpu.memory_space<vmem_shared>> -> memref<1x4096xf32, #tpu.memory_space<vmem_shared>>
      %dma_wait3A_520 = tpu.memref_squeeze %dma_wait3A_519 : memref<1x4096xf32, #tpu.memory_space<vmem_shared>> -> memref<4096xf32, #tpu.memory_space<vmem_shared>>
      tpu.wait_dma2 semaphore(%run_scoped3A : memref<!tpu.dma_semaphore, #tpu.memory_space<semaphore_mem>>) src(%arg5 : memref<4096xf32, #tpu.memory_space<vmem>>) dst(%dma_wait3A_520 : memref<4096xf32, #tpu.memory_space<vmem_shared>>)
      tpu.yield
    }) : () -> ()
    %barrier3A_370 = arith.constant 0 : index
    tpu.barrier barrier_id(%barrier3A_370)
    %mul3A_371 = arith.constant 256 : i32
    %mul3A_372 = arith.muli %arg1, %mul3A_371 : i32
    "tpu.region"() ({
      %run_scoped3A = tpu.sem_alloc : memref<!tpu.dma_semaphore, #tpu.memory_space<semaphore_mem>>
      %dma_start3A_509 = arith.constant 0 : i32
      %dma_start3A_510 = tpu.memref_slice %arg15[%dma_start3A_509, %mul3A_372] : memref<16x4096xf32, #tpu.memory_space<vmem_shared>> -> memref<16x256xf32, #tpu.memory_space<vmem_shared>>
      %dma_start3A_511 = arith.constant 0 : i32
      %dma_start3A_512 = tpu.memref_slice %arg15[%dma_start3A_511, %mul3A_372] : memref<16x4096xf32, #tpu.memory_space<vmem_shared>> -> memref<16x256xf32, #tpu.memory_space<vmem_shared>>
      tpu.enqueue_dma source(%dma_start3A_512 : memref<16x256xf32, #tpu.memory_space<vmem_shared>>) target(%arg8 : memref<16x256xf32, #tpu.memory_space<vmem>>) target_semaphore(%run_scoped3A : memref<!tpu.dma_semaphore, #tpu.memory_space<semaphore_mem>>)
      %dma_wait3A_513 = arith.constant 0 : i32
      %dma_wait3A_514 = tpu.memref_slice %arg15[%dma_wait3A_513, %mul3A_372] : memref<16x4096xf32, #tpu.memory_space<vmem_shared>> -> memref<16x256xf32, #tpu.memory_space<vmem_shared>>
      %dma_wait3A_515 = arith.constant 0 : i32
      %dma_wait3A_516 = tpu.memref_slice %arg15[%dma_wait3A_515, %mul3A_372] : memref<16x4096xf32, #tpu.memory_space<vmem_shared>> -> memref<16x256xf32, #tpu.memory_space<vmem_shared>>
      tpu.wait_dma2 semaphore(%run_scoped3A : memref<!tpu.dma_semaphore, #tpu.memory_space<semaphore_mem>>) src(%dma_wait3A_516 : memref<16x256xf32, #tpu.memory_space<vmem_shared>>) dst(%arg8 : memref<16x256xf32, #tpu.memory_space<vmem>>)
      tpu.yield
    }) : () -> ()
    %parallel_loop3A_373 = arith.constant 0 : i32
    %parallel_loop3A_374 = arith.constant 16 : i32
    %parallel_loop3A_375 = arith.constant 1 : i32
    scf.for %parallel_loop3A_509 = %parallel_loop3A_373 to %parallel_loop3A_374 step %parallel_loop3A_375  : i32 {
      %parallel_loop3A_510 = arith.constant 16 : i32
      %parallel_loop3A_511 = arith.muli %parallel_loop3A_509, %parallel_loop3A_510 : i32
      %parallel_loop3A_512 = arith.index_cast %parallel_loop3A_511 : i32 to index
      %parallel_loop3A_513 = tpu.vector_load %arg9[%parallel_loop3A_512] {strides = array<i32>} : memref<256xf32, #tpu.memory_space<vmem>>, vector<16xf32>,
      tpu.vector_store %arg9[%parallel_loop3A_512], %broadcast_in_dim3A_2 {strides = array<i32>} : memref<256xf32, #tpu.memory_space<vmem>>, vector<16xf32>,
    } {sc.loop_unroll_factor = 4 : i64, sc.parallel_access}
    %scan3A_376 = arith.constant 0 : i32
    %scan3A_377 = arith.constant 0 : i32
    %scan3A_378 = arith.constant 16 : i32
    %scan3A_379 = arith.addi %scan3A_377, %scan3A_378 : i32
    %scan3A_380 = arith.constant 1 : i32
    %scan3A_381 = scf.for %scan3A_509 = %scan3A_377 to %scan3A_379 step %scan3A_380 iter_args(%scan3A_510 = %scan3A_376) -> (i32)  : i32 {
      %parallel_loop3A_511 = arith.constant 0 : i32
      %parallel_loop3A_512 = arith.constant 16 : i32
      %parallel_loop3A_513 = arith.constant 1 : i32
      scf.for %parallel_loop3A_515 = %parallel_loop3A_511 to %parallel_loop3A_512 step %parallel_loop3A_513  : i32 {
        %parallel_loop3A_516 = arith.constant 16 : i32
        %parallel_loop3A_517 = arith.muli %parallel_loop3A_515, %parallel_loop3A_516 : i32
        %parallel_loop3A_518 = arith.index_cast %parallel_loop3A_517 : i32 to index
        %parallel_loop3A_519 = tpu.vector_load %arg9[%parallel_loop3A_518] {strides = array<i32>} : memref<256xf32, #tpu.memory_space<vmem>>, vector<16xf32>,
        %parallel_loop3A_520 = arith.constant 16 : i32
        %parallel_loop3A_521 = arith.muli %parallel_loop3A_515, %parallel_loop3A_520 : i32
        %parallel_loop3A_522 = arith.index_cast %scan3A_509 : i32 to index
        %parallel_loop3A_523 = arith.index_cast %parallel_loop3A_521 : i32 to index
        %parallel_loop3A_524 = tpu.vector_load %arg8[%parallel_loop3A_522, %parallel_loop3A_523] {strides = array<i32>} : memref<16x256xf32, #tpu.memory_space<vmem>>, vector<16xf32>,
        %parallel_loop3A_525 = arith.addf %parallel_loop3A_519, %parallel_loop3A_524 : vector<16xf32>
        %parallel_loop3A_526 = arith.constant 16 : i32
        %parallel_loop3A_527 = arith.muli %parallel_loop3A_515, %parallel_loop3A_526 : i32
        %parallel_loop3A_528 = arith.index_cast %parallel_loop3A_527 : i32 to index
        %parallel_loop3A_529 = tpu.vector_load %arg9[%parallel_loop3A_528] {strides = array<i32>} : memref<256xf32, #tpu.memory_space<vmem>>, vector<16xf32>,
        tpu.vector_store %arg9[%parallel_loop3A_528], %parallel_loop3A_525 {strides = array<i32>} : memref<256xf32, #tpu.memory_space<vmem>>, vector<16xf32>,
      } {sc.loop_unroll_factor = 4 : i64, sc.parallel_access}
      %scan3A_514 = arith.constant 0 : i32
      scf.yield %scan3A_514 : i32
    }
    %scan3A_382 = arith.constant 16 : i32
    %scan3A_383 = arith.constant 0 : i32
    %scan3A_384 = arith.constant 16 : i32
    %scan3A_385 = arith.addi %scan3A_383, %scan3A_384 : i32
    %scan3A_386 = arith.constant 1 : i32
    %scan3A_387 = scf.for %scan3A_509 = %scan3A_383 to %scan3A_385 step %scan3A_386 iter_args(%scan3A_510 = %broadcast_in_dim3A_2) -> (vector<16xf32>)  : i32 {
      %eq3A_511 = vector.broadcast %scan3A_509 : i32 to vector<16xi32>
      %eq3A_512 = arith.cmpi eq, %iota3A, %eq3A_511 : vector<16xi32>
      %mul3A_513 = arith.constant 16 : i32
      %mul3A_514 = arith.muli %scan3A_509, %mul3A_513 : i32
      %get3A = arith.index_cast %mul3A_514 : i32 to index
      %get3A_515 = tpu.vector_load %arg9[%get3A] {strides = array<i32>} : memref<256xf32, #tpu.memory_space<vmem>>, vector<16xf32>,
      %reduce_sum3A_516 = arith.constant true
      %reduce_sum3A_517 = vector.broadcast %reduce_sum3A_516 : i1 to vector<16xi1>
      %reduce_sum3A_518 = tpu.scan <sum>, %get3A_515 masked %reduce_sum3A_517 : vector<16xf32>, vector<16xi1> -> vector<16xf32>
      %reduce_sum3A_519 = vector.extract %reduce_sum3A_518[15] : f32 from vector<16xf32>
      %broadcast_in_dim3A_520 = vector.broadcast %reduce_sum3A_519 : f32 to vector<16xf32>
      %select_n3A = arith.select %eq3A_512, %broadcast_in_dim3A_520, %scan3A_510 : vector<16xi1>, vector<16xf32>
      scf.yield %select_n3A : vector<16xf32>
    }
    %scan3A_388 = arith.constant 16 : i32
    %swap3A_389 = arith.constant 0 : index
    %swap3A_390 = tpu.vector_load %arg10[%swap3A_389] {strides = array<i32>} : memref<16xf32, #tpu.memory_space<vmem>>, vector<16xf32>,
    tpu.vector_store %arg10[%swap3A_389], %scan3A_387 {strides = array<i32>} : memref<16xf32, #tpu.memory_space<vmem>>, vector<16xf32>,
    %mul3A_391 = arith.constant 16 : i32
    %mul3A_392 = arith.muli %arg1, %mul3A_391 : i32
    "tpu.region"() ({
      %run_scoped3A = tpu.sem_alloc : memref<!tpu.dma_semaphore, #tpu.memory_space<semaphore_mem>>
      %dma_start3A_509 = tpu.memref_slice %arg17[%mul3A_392] : memref<256xf32, #tpu.memory_space<vmem_shared>> -> memref<16xf32, #tpu.memory_space<vmem_shared>>
      %dma_start3A_510 = tpu.memref_slice %arg17[%mul3A_392] : memref<256xf32, #tpu.memory_space<vmem_shared>> -> memref<16xf32, #tpu.memory_space<vmem_shared>>
      tpu.enqueue_dma source(%arg10 : memref<16xf32, #tpu.memory_space<vmem>>) target(%dma_start3A_510 : memref<16xf32, #tpu.memory_space<vmem_shared>>) target_semaphore(%run_scoped3A : memref<!tpu.dma_semaphore, #tpu.memory_space<semaphore_mem>>)
      %dma_wait3A_511 = tpu.memref_slice %arg17[%mul3A_392] : memref<256xf32, #tpu.memory_space<vmem_shared>> -> memref<16xf32, #tpu.memory_space<vmem_shared>>
      %dma_wait3A_512 = tpu.memref_slice %arg17[%mul3A_392] : memref<256xf32, #tpu.memory_space<vmem_shared>> -> memref<16xf32, #tpu.memory_space<vmem_shared>>
      tpu.wait_dma2 semaphore(%run_scoped3A : memref<!tpu.dma_semaphore, #tpu.memory_space<semaphore_mem>>) src(%arg10 : memref<16xf32, #tpu.memory_space<vmem>>) dst(%dma_wait3A_512 : memref<16xf32, #tpu.memory_space<vmem_shared>>)
      tpu.yield
    }) : () -> ()
    %barrier3A_393 = arith.constant 0 : index
    tpu.barrier barrier_id(%barrier3A_393)
    "tpu.region"() ({
      %run_scoped3A = tpu.sem_alloc : memref<!tpu.dma_semaphore, #tpu.memory_space<semaphore_mem>>
      tpu.enqueue_dma source(%arg17 : memref<256xf32, #tpu.memory_space<vmem_shared>>) target(%arg11 : memref<256xf32, #tpu.memory_space<vmem>>) target_semaphore(%run_scoped3A : memref<!tpu.dma_semaphore, #tpu.memory_space<semaphore_mem>>)
      tpu.wait_dma2 semaphore(%run_scoped3A : memref<!tpu.dma_semaphore, #tpu.memory_space<semaphore_mem>>) src(%arg17 : memref<256xf32, #tpu.memory_space<vmem_shared>>) dst(%arg11 : memref<256xf32, #tpu.memory_space<vmem>>)
      tpu.yield
    }) : () -> ()
    %broadcast_in_dim3A_394 = arith.constant 0 : i32
    %broadcast_in_dim3A_395 = vector.broadcast %broadcast_in_dim3A_394 : i32 to vector<16xi32>
    %broadcast_in_dim3A_396 = arith.constant false
    %broadcast_in_dim3A_397 = vector.broadcast %broadcast_in_dim3A_396 : i1 to vector<16xi1>
    %scan3A_398 = arith.constant 0 : i32
    %scan3A_399 = arith.constant 16 : i32
    %scan3A_400 = arith.addi %scan3A_398, %scan3A_399 : i32
    %scan3A_401 = arith.constant 1 : i32
    %scan3A_402:4 = scf.for %scan3A_509 = %scan3A_398 to %scan3A_400 step %scan3A_401 iter_args(%scan3A_510 = %broadcast_in_dim3A_2, %scan3A_511 = %scan3A_268#1, %scan3A_512 = %broadcast_in_dim3A_395, %scan3A_513 = %broadcast_in_dim3A_397) -> (vector<16xf32>, vector<16xf32>, vector<16xi32>, vector<16xi1>)  : i32 {
      %sub3A = arith.constant 15 : i32
      %sub3A_514 = arith.subi %sub3A, %scan3A_509 : i32
      %mul3A_515 = arith.constant 16 : i32
      %mul3A_516 = arith.muli %sub3A_514, %mul3A_515 : i32
      %get3A = arith.index_cast %mul3A_516 : i32 to index
      %get3A_517 = tpu.vector_load %arg11[%get3A] {strides = array<i32>} : memref<256xf32, #tpu.memory_space<vmem>>, vector<16xf32>,
      %rev3A = arith.constant 15 : i32
      %rev3A_518 = vector.broadcast %rev3A : i32 to vector<16xi32>
      %rev3A_519 = tpu.iota {dimensions = array<i32: 0>} : vector<16xi32>
      %rev3A_520 = arith.subi %rev3A_518, %rev3A_519 : vector<16xi32>
      %rev3A_521 = tpu.dynamic_gather %get3A_517[%rev3A_520] in [0] : vector<16xf32>, vector<16xi32> -> vector<16xf32>
      %broadcast_in_dim3A_522 = arith.constant true
      %broadcast_in_dim3A_523 = vector.broadcast %broadcast_in_dim3A_522 : i1 to vector<16xi1>
      %masked_cumsum3A = tpu.scan <sum>, %rev3A_521 masked %broadcast_in_dim3A_523 : vector<16xf32>, vector<16xi1> -> vector<16xf32>
      %reduce_sum3A_524 = arith.constant true
      %reduce_sum3A_525 = vector.broadcast %reduce_sum3A_524 : i1 to vector<16xi1>
      %reduce_sum3A_526 = tpu.scan <sum>, %get3A_517 masked %reduce_sum3A_525 : vector<16xf32>, vector<16xi1> -> vector<16xf32>
      %reduce_sum3A_527 = vector.extract %reduce_sum3A_526[15] : f32 from vector<16xf32>
      %add3A_528 = vector.broadcast %reduce_sum3A_527 : f32 to vector<16xf32>
      %add3A_529 = arith.addf %scan3A_510, %add3A_528 : vector<16xf32>
      %ge3A = arith.cmpf oge, %add3A_529, %scan3A_511 : vector<16xf32>
      %not3A = arith.constant dense<true> : vector<16xi1>
      %not3A_530 = arith.xori %scan3A_513, %not3A : vector<16xi1>
      %add3A_531 = arith.addf %scan3A_510, %masked_cumsum3A : vector<16xf32>
      %ge3A_532 = arith.cmpf oge, %add3A_531, %scan3A_511 : vector<16xf32>
      %and3A = arith.andi %not3A_530, %ge3A_532 : vector<16xi1>
      %all_reduce_ffs3A = tpu.all_reduce %and3A {dim = 0 : i64, kind = #tpu.reduction_kind<find_first_set>} : vector<16xi1> -> vector<16xi32>
      %eq3A_533 = arith.cmpi eq, %iota3A, %all_reduce_ffs3A : vector<16xi32>
      %jit3A = arith.constant 0.000000e+00 : f32
      %broadcast_in_dim3A_534 = vector.broadcast %jit3A : f32 to vector<16xf32>
      %select_n3A = arith.select %eq3A_533, %rev3A_521, %broadcast_in_dim3A_534 : vector<16xi1>, vector<16xf32>
      %reduce_sum3A_535 = arith.constant true
      %reduce_sum3A_536 = vector.broadcast %reduce_sum3A_535 : i1 to vector<16xi1>
      %reduce_sum3A_537 = tpu.scan <sum>, %select_n3A masked %reduce_sum3A_536 : vector<16xf32>, vector<16xi1> -> vector<16xf32>
      %reduce_sum3A_538 = vector.extract %reduce_sum3A_537[15] : f32 from vector<16xf32>
      %jit3A_539 = arith.constant 0.000000e+00 : f32
      %broadcast_in_dim3A_540 = vector.broadcast %jit3A_539 : f32 to vector<16xf32>
      %select_n3A_541 = arith.select %eq3A_533, %masked_cumsum3A, %broadcast_in_dim3A_540 : vector<16xi1>, vector<16xf32>
      %reduce_sum3A_542 = arith.constant true
      %reduce_sum3A_543 = vector.broadcast %reduce_sum3A_542 : i1 to vector<16xi1>
      %reduce_sum3A_544 = tpu.scan <sum>, %select_n3A_541 masked %reduce_sum3A_543 : vector<16xf32>, vector<16xi1> -> vector<16xf32>
      %reduce_sum3A_545 = vector.extract %reduce_sum3A_544[15] : f32 from vector<16xf32>
      %not3A_546 = arith.constant dense<true> : vector<16xi1>
      %not3A_547 = arith.xori %scan3A_513, %not3A_546 : vector<16xi1>
      %and3A_548 = arith.andi %not3A_547, %ge3A : vector<16xi1>
      %add3A_549 = vector.broadcast %reduce_sum3A_545 : f32 to vector<16xf32>
      %add3A_550 = arith.addf %scan3A_510, %add3A_549 : vector<16xf32>
      %sub3A_551 = vector.broadcast %reduce_sum3A_538 : f32 to vector<16xf32>
      %sub3A_552 = arith.subf %add3A_550, %sub3A_551 : vector<16xf32>
      %sub3A_553 = arith.subf %scan3A_511, %sub3A_552 : vector<16xf32>
      %select_n3A_554 = arith.select %and3A_548, %sub3A_553, %scan3A_511 : vector<16xi1>, vector<16xf32>
      %mul3A_555 = arith.constant 16 : i32
      %mul3A_556 = arith.muli %sub3A_514, %mul3A_555 : i32
      %sub3A_557 = arith.constant 15 : i32
      %sub3A_558 = vector.broadcast %sub3A_557 : i32 to vector<16xi32>
      %sub3A_559 = arith.subi %sub3A_558, %all_reduce_ffs3A : vector<16xi32>
      %add3A_560 = vector.broadcast %mul3A_556 : i32 to vector<16xi32>
      %add3A_561 = arith.addi %add3A_560, %sub3A_559 : vector<16xi32>
      %select_n3A_562 = arith.select %and3A_548, %add3A_561, %scan3A_512 : vector<16xi1>, vector<16xi32>
      %or3A_563 = arith.ori %scan3A_513, %and3A_548 : vector<16xi1>
      %add3A_564 = vector.broadcast %reduce_sum3A_527 : f32 to vector<16xf32>
      %add3A_565 = arith.addf %scan3A_510, %add3A_564 : vector<16xf32>
      scf.yield %add3A_565, %select_n3A_554, %select_n3A_562, %or3A_563 : vector<16xf32>, vector<16xf32>, vector<16xi32>, vector<16xi1>
    }
    %scan3A_403 = arith.constant 16 : i32
    %shift_left3A_404 = arith.constant 8 : i32
    %shift_left3A_405 = vector.broadcast %shift_left3A_404 : i32 to vector<16xi32>
    %shift_left3A_406 = arith.shli %or3A_273, %shift_left3A_405 : vector<16xi32>
    %or3A_407 = arith.ori %shift_left3A_406, %scan3A_402#2 : vector<16xi32>
    %parallel_loop3A_408 = arith.constant 0 : i32
    %parallel_loop3A_409 = arith.constant 256 : i32
    %parallel_loop3A_410 = arith.constant 1 : i32
    scf.for %parallel_loop3A_509 = %parallel_loop3A_408 to %parallel_loop3A_409 step %parallel_loop3A_410  : i32 {
      %parallel_loop3A_510 = arith.constant 16 : i32
      %parallel_loop3A_511 = arith.muli %parallel_loop3A_509, %parallel_loop3A_510 : i32
      %parallel_loop3A_512 = arith.index_cast %parallel_loop3A_511 : i32 to index
      %parallel_loop3A_513 = tpu.vector_load %arg5[%parallel_loop3A_512] {strides = array<i32>} : memref<4096xf32, #tpu.memory_space<vmem>>, vector<16xf32>,
      tpu.vector_store %arg5[%parallel_loop3A_512], %broadcast_in_dim3A_2 {strides = array<i32>} : memref<4096xf32, #tpu.memory_space<vmem>>, vector<16xf32>,
      %parallel_loop3A_514 = arith.constant 16 : i32
      %parallel_loop3A_515 = arith.muli %parallel_loop3A_509, %parallel_loop3A_514 : i32
      %parallel_loop3A_516 = arith.index_cast %parallel_loop3A_515 : i32 to index
      %parallel_loop3A_517 = tpu.vector_load %arg6[%parallel_loop3A_516] {strides = array<i32>} : memref<4096xf32, #tpu.memory_space<vmem>>, vector<16xf32>,
      tpu.vector_store %arg6[%parallel_loop3A_516], %broadcast_in_dim3A_2 {strides = array<i32>} : memref<4096xf32, #tpu.memory_space<vmem>>, vector<16xf32>,
    } {sc.loop_unroll_factor = 8 : i64, sc.parallel_access}
    %reduce_max3A = arith.constant true
    %reduce_max3A_411 = vector.broadcast %reduce_max3A : i1 to vector<16xi1>
    %reduce_max3A_412 = arith.constant -2147483648 : i32
    %reduce_max3A_413 = vector.broadcast %reduce_max3A_412 : i32 to vector<16xi32>
    %reduce_max3A_414 = arith.xori %parallel_loop3A_369#1, %reduce_max3A_413 : vector<16xi32>
    %reduce_max3A_415 = tpu.scan <max>, %reduce_max3A_414 masked %reduce_max3A_411 : vector<16xi32>, vector<16xi1> -> vector<16xi32>
    %reduce_max3A_416 = arith.xori %reduce_max3A_415, %reduce_max3A_413 : vector<16xi32>
    %reduce_max3A_417 = vector.extract %reduce_max3A_416[15] : i32 from vector<16xi32>
    %while3A = arith.constant 0 : i32
    %while3A_418 = arith.subi %reduce_max3A_417, %while3A : i32
    %while3A_419 = arith.addi %while3A, %while3A_418 : i32
    %while3A_420 = arith.constant 1 : i32
    %while3A_421 = arith.divsi %while3A_418, %while3A_420 : i32
    %while3A_422 = arith.muli %while3A_421, %while3A_420 : i32
    %while3A_423 = arith.addi %while3A, %while3A_422 : i32
    %while3A_424 = arith.constant 1 : i32
    %while3A_425 = scf.for %while3A_509 = %while3A to %while3A_423 step %while3A_424 iter_args(%while3A_510 = %parallel_loop3A_369#0) -> (vector<16xf32>)  : i32 {
      %add3A_511 = vector.broadcast %while3A_509 : i32 to vector<16xi32>
      %add3A_512 = arith.addi %mul3A_4, %add3A_511 : vector<16xi32>
      %lt3A = vector.broadcast %while3A_509 : i32 to vector<16xi32>
      %lt3A_513 = arith.cmpi slt, %lt3A, %parallel_loop3A_369#1 : vector<16xi32>
      %gather3A = tpu.vector_load_idx %arg7[%add3A_512] masked %lt3A_513 : memref<16384xf32, #tpu.memory_space<vmem>>[vector<16xi32>], vector<16xf32>, vector<16xi1>
      %bitcast_convert_type3A_514 = tpu.bitcast %gather3A : vector<16xf32> -> vector<16xi32>
      %shift_right_logical3A = arith.constant 8 : i32
      %shift_right_logical3A_515 = vector.broadcast %shift_right_logical3A : i32 to vector<16xi32>
      %shift_right_logical3A_516 = arith.shrui %bitcast_convert_type3A_514, %shift_right_logical3A_515 : vector<16xi32>
      %eq3A_517 = arith.cmpi eq, %shift_right_logical3A_516, %or3A_407 : vector<16xi32>
      %and3A = arith.andi %lt3A_513, %eq3A_517 : vector<16xi1>
      %and3A_518 = arith.constant 255 : i32
      %and3A_519 = vector.broadcast %and3A_518 : i32 to vector<16xi32>
      %and3A_520 = arith.andi %bitcast_convert_type3A_514, %and3A_519 : vector<16xi32>
      %mul3A_521 = arith.constant 16 : i32
      %mul3A_522 = vector.broadcast %mul3A_521 : i32 to vector<16xi32>
      %mul3A_523 = arith.muli %and3A_520, %mul3A_522 : vector<16xi32>
      %add3A_524 = arith.addi %mul3A_523, %iota3A : vector<16xi32>
      tpu.vector_store_idx %arg5[%add3A_524], %broadcast_in_dim3A_0 masked %and3A {add = true} : memref<4096xf32, #tpu.memory_space<vmem>>[vector<16xi32>], vector<16xf32>, vector<16xi1>
      tpu.vector_store_idx %arg6[%add3A_524], %gather3A masked %and3A {add = true} : memref<4096xf32, #tpu.memory_space<vmem>>[vector<16xi32>], vector<16xf32>, vector<16xi1>
      %gt3A = arith.cmpi sgt, %shift_right_logical3A_516, %or3A_407 : vector<16xi32>
      %and3A_525 = arith.andi %lt3A_513, %gt3A : vector<16xi1>
      %jit3A = arith.constant 0.000000e+00 : f32
      %broadcast_in_dim3A_526 = vector.broadcast %jit3A : f32 to vector<16xf32>
      %select_n3A = arith.select %and3A_525, %gather3A, %broadcast_in_dim3A_526 : vector<16xi1>, vector<16xf32>
      %add3A_527 = arith.addf %while3A_510, %select_n3A : vector<16xf32>
      scf.yield %add3A_527 : vector<16xf32>
    }
    %while3A_426 = arith.constant 1 : i32
    %while3A_427 = scf.for %while3A_509 = %while3A_423 to %while3A_419 step %while3A_426 iter_args(%while3A_510 = %while3A_425) -> (vector<16xf32>)  : i32 {
      %add3A_511 = vector.broadcast %while3A_509 : i32 to vector<16xi32>
      %add3A_512 = arith.addi %mul3A_4, %add3A_511 : vector<16xi32>
      %lt3A = vector.broadcast %while3A_509 : i32 to vector<16xi32>
      %lt3A_513 = arith.cmpi slt, %lt3A, %parallel_loop3A_369#1 : vector<16xi32>
      %gather3A = tpu.vector_load_idx %arg7[%add3A_512] masked %lt3A_513 : memref<16384xf32, #tpu.memory_space<vmem>>[vector<16xi32>], vector<16xf32>, vector<16xi1>
      %bitcast_convert_type3A_514 = tpu.bitcast %gather3A : vector<16xf32> -> vector<16xi32>
      %shift_right_logical3A = arith.constant 8 : i32
      %shift_right_logical3A_515 = vector.broadcast %shift_right_logical3A : i32 to vector<16xi32>
      %shift_right_logical3A_516 = arith.shrui %bitcast_convert_type3A_514, %shift_right_logical3A_515 : vector<16xi32>
      %eq3A_517 = arith.cmpi eq, %shift_right_logical3A_516, %or3A_407 : vector<16xi32>
      %and3A = arith.andi %lt3A_513, %eq3A_517 : vector<16xi1>
      %and3A_518 = arith.constant 255 : i32
      %and3A_519 = vector.broadcast %and3A_518 : i32 to vector<16xi32>
      %and3A_520 = arith.andi %bitcast_convert_type3A_514, %and3A_519 : vector<16xi32>
      %mul3A_521 = arith.constant 16 : i32
      %mul3A_522 = vector.broadcast %mul3A_521 : i32 to vector<16xi32>
      %mul3A_523 = arith.muli %and3A_520, %mul3A_522 : vector<16xi32>
      %add3A_524 = arith.addi %mul3A_523, %iota3A : vector<16xi32>
      tpu.vector_store_idx %arg5[%add3A_524], %broadcast_in_dim3A_0 masked %and3A {add = true} : memref<4096xf32, #tpu.memory_space<vmem>>[vector<16xi32>], vector<16xf32>, vector<16xi1>
      tpu.vector_store_idx %arg6[%add3A_524], %gather3A masked %and3A {add = true} : memref<4096xf32, #tpu.memory_space<vmem>>[vector<16xi32>], vector<16xf32>, vector<16xi1>
      %gt3A = arith.cmpi sgt, %shift_right_logical3A_516, %or3A_407 : vector<16xi32>
      %and3A_525 = arith.andi %lt3A_513, %gt3A : vector<16xi1>
      %jit3A = arith.constant 0.000000e+00 : f32
      %broadcast_in_dim3A_526 = vector.broadcast %jit3A : f32 to vector<16xf32>
      %select_n3A = arith.select %and3A_525, %gather3A, %broadcast_in_dim3A_526 : vector<16xi1>, vector<16xf32>
      %add3A_527 = arith.addf %while3A_510, %select_n3A : vector<16xf32>
      scf.yield %add3A_527 : vector<16xf32>
    }
    "tpu.region"() ({
      %run_scoped3A = tpu.sem_alloc : memref<!tpu.dma_semaphore, #tpu.memory_space<semaphore_mem>>
      %dma_start3A_509 = arith.constant 0 : i32
      %dma_start3A_510 = tpu.memref_slice %arg15[%arg1, %dma_start3A_509] : memref<16x4096xf32, #tpu.memory_space<vmem_shared>> -> memref<1x4096xf32, #tpu.memory_space<vmem_shared>>
      %dma_start3A_511 = tpu.memref_squeeze %dma_start3A_510 : memref<1x4096xf32, #tpu.memory_space<vmem_shared>> -> memref<4096xf32, #tpu.memory_space<vmem_shared>>
      %dma_start3A_512 = arith.constant 0 : i32
      %dma_start3A_513 = tpu.memref_slice %arg15[%arg1, %dma_start3A_512] : memref<16x4096xf32, #tpu.memory_space<vmem_shared>> -> memref<1x4096xf32, #tpu.memory_space<vmem_shared>>
      %dma_start3A_514 = tpu.memref_squeeze %dma_start3A_513 : memref<1x4096xf32, #tpu.memory_space<vmem_shared>> -> memref<4096xf32, #tpu.memory_space<vmem_shared>>
      tpu.enqueue_dma source(%arg5 : memref<4096xf32, #tpu.memory_space<vmem>>) target(%dma_start3A_514 : memref<4096xf32, #tpu.memory_space<vmem_shared>>) target_semaphore(%run_scoped3A : memref<!tpu.dma_semaphore, #tpu.memory_space<semaphore_mem>>)
      %dma_wait3A_515 = arith.constant 0 : i32
      %dma_wait3A_516 = tpu.memref_slice %arg15[%arg1, %dma_wait3A_515] : memref<16x4096xf32, #tpu.memory_space<vmem_shared>> -> memref<1x4096xf32, #tpu.memory_space<vmem_shared>>
      %dma_wait3A_517 = tpu.memref_squeeze %dma_wait3A_516 : memref<1x4096xf32, #tpu.memory_space<vmem_shared>> -> memref<4096xf32, #tpu.memory_space<vmem_shared>>
      %dma_wait3A_518 = arith.constant 0 : i32
      %dma_wait3A_519 = tpu.memref_slice %arg15[%arg1, %dma_wait3A_518] : memref<16x4096xf32, #tpu.memory_space<vmem_shared>> -> memref<1x4096xf32, #tpu.memory_space<vmem_shared>>
      %dma_wait3A_520 = tpu.memref_squeeze %dma_wait3A_519 : memref<1x4096xf32, #tpu.memory_space<vmem_shared>> -> memref<4096xf32, #tpu.memory_space<vmem_shared>>
      tpu.wait_dma2 semaphore(%run_scoped3A : memref<!tpu.dma_semaphore, #tpu.memory_space<semaphore_mem>>) src(%arg5 : memref<4096xf32, #tpu.memory_space<vmem>>) dst(%dma_wait3A_520 : memref<4096xf32, #tpu.memory_space<vmem_shared>>)
      tpu.yield
    }) : () -> ()
    "tpu.region"() ({
      %run_scoped3A = tpu.sem_alloc : memref<!tpu.dma_semaphore, #tpu.memory_space<semaphore_mem>>
      %dma_start3A_509 = arith.constant 0 : i32
      %dma_start3A_510 = tpu.memref_slice %arg16[%arg1, %dma_start3A_509] : memref<16x4096xf32, #tpu.memory_space<vmem_shared>> -> memref<1x4096xf32, #tpu.memory_space<vmem_shared>>
      %dma_start3A_511 = tpu.memref_squeeze %dma_start3A_510 : memref<1x4096xf32, #tpu.memory_space<vmem_shared>> -> memref<4096xf32, #tpu.memory_space<vmem_shared>>
      %dma_start3A_512 = arith.constant 0 : i32
      %dma_start3A_513 = tpu.memref_slice %arg16[%arg1, %dma_start3A_512] : memref<16x4096xf32, #tpu.memory_space<vmem_shared>> -> memref<1x4096xf32, #tpu.memory_space<vmem_shared>>
      %dma_start3A_514 = tpu.memref_squeeze %dma_start3A_513 : memref<1x4096xf32, #tpu.memory_space<vmem_shared>> -> memref<4096xf32, #tpu.memory_space<vmem_shared>>
      tpu.enqueue_dma source(%arg6 : memref<4096xf32, #tpu.memory_space<vmem>>) target(%dma_start3A_514 : memref<4096xf32, #tpu.memory_space<vmem_shared>>) target_semaphore(%run_scoped3A : memref<!tpu.dma_semaphore, #tpu.memory_space<semaphore_mem>>)
      %dma_wait3A_515 = arith.constant 0 : i32
      %dma_wait3A_516 = tpu.memref_slice %arg16[%arg1, %dma_wait3A_515] : memref<16x4096xf32, #tpu.memory_space<vmem_shared>> -> memref<1x4096xf32, #tpu.memory_space<vmem_shared>>
      %dma_wait3A_517 = tpu.memref_squeeze %dma_wait3A_516 : memref<1x4096xf32, #tpu.memory_space<vmem_shared>> -> memref<4096xf32, #tpu.memory_space<vmem_shared>>
      %dma_wait3A_518 = arith.constant 0 : i32
      %dma_wait3A_519 = tpu.memref_slice %arg16[%arg1, %dma_wait3A_518] : memref<16x4096xf32, #tpu.memory_space<vmem_shared>> -> memref<1x4096xf32, #tpu.memory_space<vmem_shared>>
      %dma_wait3A_520 = tpu.memref_squeeze %dma_wait3A_519 : memref<1x4096xf32, #tpu.memory_space<vmem_shared>> -> memref<4096xf32, #tpu.memory_space<vmem_shared>>
      tpu.wait_dma2 semaphore(%run_scoped3A : memref<!tpu.dma_semaphore, #tpu.memory_space<semaphore_mem>>) src(%arg6 : memref<4096xf32, #tpu.memory_space<vmem>>) dst(%dma_wait3A_520 : memref<4096xf32, #tpu.memory_space<vmem_shared>>)
      tpu.yield
    }) : () -> ()
    %barrier3A_428 = arith.constant 0 : index
    tpu.barrier barrier_id(%barrier3A_428)
    %mul3A_429 = arith.constant 256 : i32
    %mul3A_430 = arith.muli %arg1, %mul3A_429 : i32
    "tpu.region"() ({
      %run_scoped3A = tpu.sem_alloc : memref<!tpu.dma_semaphore, #tpu.memory_space<semaphore_mem>>
      %dma_start3A_509 = arith.constant 0 : i32
      %dma_start3A_510 = tpu.memref_slice %arg15[%dma_start3A_509, %mul3A_430] : memref<16x4096xf32, #tpu.memory_space<vmem_shared>> -> memref<16x256xf32, #tpu.memory_space<vmem_shared>>
      %dma_start3A_511 = arith.constant 0 : i32
      %dma_start3A_512 = tpu.memref_slice %arg15[%dma_start3A_511, %mul3A_430] : memref<16x4096xf32, #tpu.memory_space<vmem_shared>> -> memref<16x256xf32, #tpu.memory_space<vmem_shared>>
      tpu.enqueue_dma source(%dma_start3A_512 : memref<16x256xf32, #tpu.memory_space<vmem_shared>>) target(%arg8 : memref<16x256xf32, #tpu.memory_space<vmem>>) target_semaphore(%run_scoped3A : memref<!tpu.dma_semaphore, #tpu.memory_space<semaphore_mem>>)
      %dma_wait3A_513 = arith.constant 0 : i32
      %dma_wait3A_514 = tpu.memref_slice %arg15[%dma_wait3A_513, %mul3A_430] : memref<16x4096xf32, #tpu.memory_space<vmem_shared>> -> memref<16x256xf32, #tpu.memory_space<vmem_shared>>
      %dma_wait3A_515 = arith.constant 0 : i32
      %dma_wait3A_516 = tpu.memref_slice %arg15[%dma_wait3A_515, %mul3A_430] : memref<16x4096xf32, #tpu.memory_space<vmem_shared>> -> memref<16x256xf32, #tpu.memory_space<vmem_shared>>
      tpu.wait_dma2 semaphore(%run_scoped3A : memref<!tpu.dma_semaphore, #tpu.memory_space<semaphore_mem>>) src(%dma_wait3A_516 : memref<16x256xf32, #tpu.memory_space<vmem_shared>>) dst(%arg8 : memref<16x256xf32, #tpu.memory_space<vmem>>)
      tpu.yield
    }) : () -> ()
    %parallel_loop3A_431 = arith.constant 0 : i32
    %parallel_loop3A_432 = arith.constant 16 : i32
    %parallel_loop3A_433 = arith.constant 1 : i32
    scf.for %parallel_loop3A_509 = %parallel_loop3A_431 to %parallel_loop3A_432 step %parallel_loop3A_433  : i32 {
      %parallel_loop3A_510 = arith.constant 16 : i32
      %parallel_loop3A_511 = arith.muli %parallel_loop3A_509, %parallel_loop3A_510 : i32
      %parallel_loop3A_512 = arith.index_cast %parallel_loop3A_511 : i32 to index
      %parallel_loop3A_513 = tpu.vector_load %arg9[%parallel_loop3A_512] {strides = array<i32>} : memref<256xf32, #tpu.memory_space<vmem>>, vector<16xf32>,
      tpu.vector_store %arg9[%parallel_loop3A_512], %broadcast_in_dim3A_2 {strides = array<i32>} : memref<256xf32, #tpu.memory_space<vmem>>, vector<16xf32>,
    } {sc.loop_unroll_factor = 4 : i64, sc.parallel_access}
    %scan3A_434 = arith.constant 0 : i32
    %scan3A_435 = arith.constant 0 : i32
    %scan3A_436 = arith.constant 16 : i32
    %scan3A_437 = arith.addi %scan3A_435, %scan3A_436 : i32
    %scan3A_438 = arith.constant 1 : i32
    %scan3A_439 = scf.for %scan3A_509 = %scan3A_435 to %scan3A_437 step %scan3A_438 iter_args(%scan3A_510 = %scan3A_434) -> (i32)  : i32 {
      %parallel_loop3A_511 = arith.constant 0 : i32
      %parallel_loop3A_512 = arith.constant 16 : i32
      %parallel_loop3A_513 = arith.constant 1 : i32
      scf.for %parallel_loop3A_515 = %parallel_loop3A_511 to %parallel_loop3A_512 step %parallel_loop3A_513  : i32 {
        %parallel_loop3A_516 = arith.constant 16 : i32
        %parallel_loop3A_517 = arith.muli %parallel_loop3A_515, %parallel_loop3A_516 : i32
        %parallel_loop3A_518 = arith.index_cast %parallel_loop3A_517 : i32 to index
        %parallel_loop3A_519 = tpu.vector_load %arg9[%parallel_loop3A_518] {strides = array<i32>} : memref<256xf32, #tpu.memory_space<vmem>>, vector<16xf32>,
        %parallel_loop3A_520 = arith.constant 16 : i32
        %parallel_loop3A_521 = arith.muli %parallel_loop3A_515, %parallel_loop3A_520 : i32
        %parallel_loop3A_522 = arith.index_cast %scan3A_509 : i32 to index
        %parallel_loop3A_523 = arith.index_cast %parallel_loop3A_521 : i32 to index
        %parallel_loop3A_524 = tpu.vector_load %arg8[%parallel_loop3A_522, %parallel_loop3A_523] {strides = array<i32>} : memref<16x256xf32, #tpu.memory_space<vmem>>, vector<16xf32>,
        %parallel_loop3A_525 = arith.addf %parallel_loop3A_519, %parallel_loop3A_524 : vector<16xf32>
        %parallel_loop3A_526 = arith.constant 16 : i32
        %parallel_loop3A_527 = arith.muli %parallel_loop3A_515, %parallel_loop3A_526 : i32
        %parallel_loop3A_528 = arith.index_cast %parallel_loop3A_527 : i32 to index
        %parallel_loop3A_529 = tpu.vector_load %arg9[%parallel_loop3A_528] {strides = array<i32>} : memref<256xf32, #tpu.memory_space<vmem>>, vector<16xf32>,
        tpu.vector_store %arg9[%parallel_loop3A_528], %parallel_loop3A_525 {strides = array<i32>} : memref<256xf32, #tpu.memory_space<vmem>>, vector<16xf32>,
      } {sc.loop_unroll_factor = 4 : i64, sc.parallel_access}
      %scan3A_514 = arith.constant 0 : i32
      scf.yield %scan3A_514 : i32
    }
    %scan3A_440 = arith.constant 16 : i32
    %scan3A_441 = arith.constant 0 : i32
    %scan3A_442 = arith.constant 16 : i32
    %scan3A_443 = arith.addi %scan3A_441, %scan3A_442 : i32
    %scan3A_444 = arith.constant 1 : i32
    %scan3A_445 = scf.for %scan3A_509 = %scan3A_441 to %scan3A_443 step %scan3A_444 iter_args(%scan3A_510 = %broadcast_in_dim3A_2) -> (vector<16xf32>)  : i32 {
      %eq3A_511 = vector.broadcast %scan3A_509 : i32 to vector<16xi32>
      %eq3A_512 = arith.cmpi eq, %iota3A, %eq3A_511 : vector<16xi32>
      %mul3A_513 = arith.constant 16 : i32
      %mul3A_514 = arith.muli %scan3A_509, %mul3A_513 : i32
      %get3A = arith.index_cast %mul3A_514 : i32 to index
      %get3A_515 = tpu.vector_load %arg9[%get3A] {strides = array<i32>} : memref<256xf32, #tpu.memory_space<vmem>>, vector<16xf32>,
      %reduce_sum3A_516 = arith.constant true
      %reduce_sum3A_517 = vector.broadcast %reduce_sum3A_516 : i1 to vector<16xi1>
      %reduce_sum3A_518 = tpu.scan <sum>, %get3A_515 masked %reduce_sum3A_517 : vector<16xf32>, vector<16xi1> -> vector<16xf32>
      %reduce_sum3A_519 = vector.extract %reduce_sum3A_518[15] : f32 from vector<16xf32>
      %broadcast_in_dim3A_520 = vector.broadcast %reduce_sum3A_519 : f32 to vector<16xf32>
      %select_n3A = arith.select %eq3A_512, %broadcast_in_dim3A_520, %scan3A_510 : vector<16xi1>, vector<16xf32>
      scf.yield %select_n3A : vector<16xf32>
    }
    %scan3A_446 = arith.constant 16 : i32
    %swap3A_447 = arith.constant 0 : index
    %swap3A_448 = tpu.vector_load %arg10[%swap3A_447] {strides = array<i32>} : memref<16xf32, #tpu.memory_space<vmem>>, vector<16xf32>,
    tpu.vector_store %arg10[%swap3A_447], %scan3A_445 {strides = array<i32>} : memref<16xf32, #tpu.memory_space<vmem>>, vector<16xf32>,
    %mul3A_449 = arith.constant 16 : i32
    %mul3A_450 = arith.muli %arg1, %mul3A_449 : i32
    "tpu.region"() ({
      %run_scoped3A = tpu.sem_alloc : memref<!tpu.dma_semaphore, #tpu.memory_space<semaphore_mem>>
      %dma_start3A_509 = tpu.memref_slice %arg17[%mul3A_450] : memref<256xf32, #tpu.memory_space<vmem_shared>> -> memref<16xf32, #tpu.memory_space<vmem_shared>>
      %dma_start3A_510 = tpu.memref_slice %arg17[%mul3A_450] : memref<256xf32, #tpu.memory_space<vmem_shared>> -> memref<16xf32, #tpu.memory_space<vmem_shared>>
      tpu.enqueue_dma source(%arg10 : memref<16xf32, #tpu.memory_space<vmem>>) target(%dma_start3A_510 : memref<16xf32, #tpu.memory_space<vmem_shared>>) target_semaphore(%run_scoped3A : memref<!tpu.dma_semaphore, #tpu.memory_space<semaphore_mem>>)
      %dma_wait3A_511 = tpu.memref_slice %arg17[%mul3A_450] : memref<256xf32, #tpu.memory_space<vmem_shared>> -> memref<16xf32, #tpu.memory_space<vmem_shared>>
      %dma_wait3A_512 = tpu.memref_slice %arg17[%mul3A_450] : memref<256xf32, #tpu.memory_space<vmem_shared>> -> memref<16xf32, #tpu.memory_space<vmem_shared>>
      tpu.wait_dma2 semaphore(%run_scoped3A : memref<!tpu.dma_semaphore, #tpu.memory_space<semaphore_mem>>) src(%arg10 : memref<16xf32, #tpu.memory_space<vmem>>) dst(%dma_wait3A_512 : memref<16xf32, #tpu.memory_space<vmem_shared>>)
      tpu.yield
    }) : () -> ()
    %mul3A_451 = arith.constant 256 : i32
    %mul3A_452 = arith.muli %arg1, %mul3A_451 : i32
    "tpu.region"() ({
      %run_scoped3A = tpu.sem_alloc : memref<!tpu.dma_semaphore, #tpu.memory_space<semaphore_mem>>
      %dma_start3A_509 = arith.constant 0 : i32
      %dma_start3A_510 = tpu.memref_slice %arg16[%dma_start3A_509, %mul3A_452] : memref<16x4096xf32, #tpu.memory_space<vmem_shared>> -> memref<16x256xf32, #tpu.memory_space<vmem_shared>>
      %dma_start3A_511 = arith.constant 0 : i32
      %dma_start3A_512 = tpu.memref_slice %arg16[%dma_start3A_511, %mul3A_452] : memref<16x4096xf32, #tpu.memory_space<vmem_shared>> -> memref<16x256xf32, #tpu.memory_space<vmem_shared>>
      tpu.enqueue_dma source(%dma_start3A_512 : memref<16x256xf32, #tpu.memory_space<vmem_shared>>) target(%arg8 : memref<16x256xf32, #tpu.memory_space<vmem>>) target_semaphore(%run_scoped3A : memref<!tpu.dma_semaphore, #tpu.memory_space<semaphore_mem>>)
      %dma_wait3A_513 = arith.constant 0 : i32
      %dma_wait3A_514 = tpu.memref_slice %arg16[%dma_wait3A_513, %mul3A_452] : memref<16x4096xf32, #tpu.memory_space<vmem_shared>> -> memref<16x256xf32, #tpu.memory_space<vmem_shared>>
      %dma_wait3A_515 = arith.constant 0 : i32
      %dma_wait3A_516 = tpu.memref_slice %arg16[%dma_wait3A_515, %mul3A_452] : memref<16x4096xf32, #tpu.memory_space<vmem_shared>> -> memref<16x256xf32, #tpu.memory_space<vmem_shared>>
      tpu.wait_dma2 semaphore(%run_scoped3A : memref<!tpu.dma_semaphore, #tpu.memory_space<semaphore_mem>>) src(%dma_wait3A_516 : memref<16x256xf32, #tpu.memory_space<vmem_shared>>) dst(%arg8 : memref<16x256xf32, #tpu.memory_space<vmem>>)
      tpu.yield
    }) : () -> ()
    %parallel_loop3A_453 = arith.constant 0 : i32
    %parallel_loop3A_454 = arith.constant 16 : i32
    %parallel_loop3A_455 = arith.constant 1 : i32
    scf.for %parallel_loop3A_509 = %parallel_loop3A_453 to %parallel_loop3A_454 step %parallel_loop3A_455  : i32 {
      %parallel_loop3A_510 = arith.constant 16 : i32
      %parallel_loop3A_511 = arith.muli %parallel_loop3A_509, %parallel_loop3A_510 : i32
      %parallel_loop3A_512 = arith.index_cast %parallel_loop3A_511 : i32 to index
      %parallel_loop3A_513 = tpu.vector_load %arg9[%parallel_loop3A_512] {strides = array<i32>} : memref<256xf32, #tpu.memory_space<vmem>>, vector<16xf32>,
      tpu.vector_store %arg9[%parallel_loop3A_512], %broadcast_in_dim3A_2 {strides = array<i32>} : memref<256xf32, #tpu.memory_space<vmem>>, vector<16xf32>,
    } {sc.loop_unroll_factor = 4 : i64, sc.parallel_access}
    %scan3A_456 = arith.constant 0 : i32
    %scan3A_457 = arith.constant 0 : i32
    %scan3A_458 = arith.constant 16 : i32
    %scan3A_459 = arith.addi %scan3A_457, %scan3A_458 : i32
    %scan3A_460 = arith.constant 1 : i32
    %scan3A_461 = scf.for %scan3A_509 = %scan3A_457 to %scan3A_459 step %scan3A_460 iter_args(%scan3A_510 = %scan3A_456) -> (i32)  : i32 {
      %parallel_loop3A_511 = arith.constant 0 : i32
      %parallel_loop3A_512 = arith.constant 16 : i32
      %parallel_loop3A_513 = arith.constant 1 : i32
      scf.for %parallel_loop3A_515 = %parallel_loop3A_511 to %parallel_loop3A_512 step %parallel_loop3A_513  : i32 {
        %parallel_loop3A_516 = arith.constant 16 : i32
        %parallel_loop3A_517 = arith.muli %parallel_loop3A_515, %parallel_loop3A_516 : i32
        %parallel_loop3A_518 = arith.index_cast %parallel_loop3A_517 : i32 to index
        %parallel_loop3A_519 = tpu.vector_load %arg9[%parallel_loop3A_518] {strides = array<i32>} : memref<256xf32, #tpu.memory_space<vmem>>, vector<16xf32>,
        %parallel_loop3A_520 = arith.constant 16 : i32
        %parallel_loop3A_521 = arith.muli %parallel_loop3A_515, %parallel_loop3A_520 : i32
        %parallel_loop3A_522 = arith.index_cast %scan3A_509 : i32 to index
        %parallel_loop3A_523 = arith.index_cast %parallel_loop3A_521 : i32 to index
        %parallel_loop3A_524 = tpu.vector_load %arg8[%parallel_loop3A_522, %parallel_loop3A_523] {strides = array<i32>} : memref<16x256xf32, #tpu.memory_space<vmem>>, vector<16xf32>,
        %parallel_loop3A_525 = arith.addf %parallel_loop3A_519, %parallel_loop3A_524 : vector<16xf32>
        %parallel_loop3A_526 = arith.constant 16 : i32
        %parallel_loop3A_527 = arith.muli %parallel_loop3A_515, %parallel_loop3A_526 : i32
        %parallel_loop3A_528 = arith.index_cast %parallel_loop3A_527 : i32 to index
        %parallel_loop3A_529 = tpu.vector_load %arg9[%parallel_loop3A_528] {strides = array<i32>} : memref<256xf32, #tpu.memory_space<vmem>>, vector<16xf32>,
        tpu.vector_store %arg9[%parallel_loop3A_528], %parallel_loop3A_525 {strides = array<i32>} : memref<256xf32, #tpu.memory_space<vmem>>, vector<16xf32>,
      } {sc.loop_unroll_factor = 4 : i64, sc.parallel_access}
      %scan3A_514 = arith.constant 0 : i32
      scf.yield %scan3A_514 : i32
    }
    %scan3A_462 = arith.constant 16 : i32
    %scan3A_463 = arith.constant 0 : i32
    %scan3A_464 = arith.constant 16 : i32
    %scan3A_465 = arith.addi %scan3A_463, %scan3A_464 : i32
    %scan3A_466 = arith.constant 1 : i32
    %scan3A_467 = scf.for %scan3A_509 = %scan3A_463 to %scan3A_465 step %scan3A_466 iter_args(%scan3A_510 = %broadcast_in_dim3A_2) -> (vector<16xf32>)  : i32 {
      %eq3A_511 = vector.broadcast %scan3A_509 : i32 to vector<16xi32>
      %eq3A_512 = arith.cmpi eq, %iota3A, %eq3A_511 : vector<16xi32>
      %mul3A_513 = arith.constant 16 : i32
      %mul3A_514 = arith.muli %scan3A_509, %mul3A_513 : i32
      %get3A = arith.index_cast %mul3A_514 : i32 to index
      %get3A_515 = tpu.vector_load %arg9[%get3A] {strides = array<i32>} : memref<256xf32, #tpu.memory_space<vmem>>, vector<16xf32>,
      %reduce_sum3A_516 = arith.constant true
      %reduce_sum3A_517 = vector.broadcast %reduce_sum3A_516 : i1 to vector<16xi1>
      %reduce_sum3A_518 = tpu.scan <sum>, %get3A_515 masked %reduce_sum3A_517 : vector<16xf32>, vector<16xi1> -> vector<16xf32>
      %reduce_sum3A_519 = vector.extract %reduce_sum3A_518[15] : f32 from vector<16xf32>
      %broadcast_in_dim3A_520 = vector.broadcast %reduce_sum3A_519 : f32 to vector<16xf32>
      %select_n3A = arith.select %eq3A_512, %broadcast_in_dim3A_520, %scan3A_510 : vector<16xi1>, vector<16xf32>
      scf.yield %select_n3A : vector<16xf32>
    }
    %scan3A_468 = arith.constant 16 : i32
    %swap3A_469 = arith.constant 0 : index
    %swap3A_470 = tpu.vector_load %arg10[%swap3A_469] {strides = array<i32>} : memref<16xf32, #tpu.memory_space<vmem>>, vector<16xf32>,
    tpu.vector_store %arg10[%swap3A_469], %scan3A_467 {strides = array<i32>} : memref<16xf32, #tpu.memory_space<vmem>>, vector<16xf32>,
    %mul3A_471 = arith.constant 16 : i32
    %mul3A_472 = arith.muli %arg1, %mul3A_471 : i32
    "tpu.region"() ({
      %run_scoped3A = tpu.sem_alloc : memref<!tpu.dma_semaphore, #tpu.memory_space<semaphore_mem>>
      %dma_start3A_509 = tpu.memref_slice %arg18[%mul3A_472] : memref<256xf32, #tpu.memory_space<vmem_shared>> -> memref<16xf32, #tpu.memory_space<vmem_shared>>
      %dma_start3A_510 = tpu.memref_slice %arg18[%mul3A_472] : memref<256xf32, #tpu.memory_space<vmem_shared>> -> memref<16xf32, #tpu.memory_space<vmem_shared>>
      tpu.enqueue_dma source(%arg10 : memref<16xf32, #tpu.memory_space<vmem>>) target(%dma_start3A_510 : memref<16xf32, #tpu.memory_space<vmem_shared>>) target_semaphore(%run_scoped3A : memref<!tpu.dma_semaphore, #tpu.memory_space<semaphore_mem>>)
      %dma_wait3A_511 = tpu.memref_slice %arg18[%mul3A_472] : memref<256xf32, #tpu.memory_space<vmem_shared>> -> memref<16xf32, #tpu.memory_space<vmem_shared>>
      %dma_wait3A_512 = tpu.memref_slice %arg18[%mul3A_472] : memref<256xf32, #tpu.memory_space<vmem_shared>> -> memref<16xf32, #tpu.memory_space<vmem_shared>>
      tpu.wait_dma2 semaphore(%run_scoped3A : memref<!tpu.dma_semaphore, #tpu.memory_space<semaphore_mem>>) src(%arg10 : memref<16xf32, #tpu.memory_space<vmem>>) dst(%dma_wait3A_512 : memref<16xf32, #tpu.memory_space<vmem_shared>>)
      tpu.yield
    }) : () -> ()
    %barrier3A_473 = arith.constant 0 : index
    tpu.barrier barrier_id(%barrier3A_473)
    "tpu.region"() ({
      %run_scoped3A = tpu.sem_alloc : memref<!tpu.dma_semaphore, #tpu.memory_space<semaphore_mem>>
      tpu.enqueue_dma source(%arg17 : memref<256xf32, #tpu.memory_space<vmem_shared>>) target(%arg11 : memref<256xf32, #tpu.memory_space<vmem>>) target_semaphore(%run_scoped3A : memref<!tpu.dma_semaphore, #tpu.memory_space<semaphore_mem>>)
      tpu.wait_dma2 semaphore(%run_scoped3A : memref<!tpu.dma_semaphore, #tpu.memory_space<semaphore_mem>>) src(%arg17 : memref<256xf32, #tpu.memory_space<vmem_shared>>) dst(%arg11 : memref<256xf32, #tpu.memory_space<vmem>>)
      tpu.yield
    }) : () -> ()
    "tpu.region"() ({
      %run_scoped3A = tpu.sem_alloc : memref<!tpu.dma_semaphore, #tpu.memory_space<semaphore_mem>>
      tpu.enqueue_dma source(%arg18 : memref<256xf32, #tpu.memory_space<vmem_shared>>) target(%arg12 : memref<256xf32, #tpu.memory_space<vmem>>) target_semaphore(%run_scoped3A : memref<!tpu.dma_semaphore, #tpu.memory_space<semaphore_mem>>)
      tpu.wait_dma2 semaphore(%run_scoped3A : memref<!tpu.dma_semaphore, #tpu.memory_space<semaphore_mem>>) src(%arg18 : memref<256xf32, #tpu.memory_space<vmem_shared>>) dst(%arg12 : memref<256xf32, #tpu.memory_space<vmem>>)
      tpu.yield
    }) : () -> ()
    %broadcast_in_dim3A_474 = arith.constant 0 : i32
    %broadcast_in_dim3A_475 = vector.broadcast %broadcast_in_dim3A_474 : i32 to vector<16xi32>
    %broadcast_in_dim3A_476 = arith.constant false
    %broadcast_in_dim3A_477 = vector.broadcast %broadcast_in_dim3A_476 : i1 to vector<16xi1>
    %scan3A_478 = arith.constant 0 : i32
    %scan3A_479 = arith.constant 16 : i32
    %scan3A_480 = arith.addi %scan3A_478, %scan3A_479 : i32
    %scan3A_481 = arith.constant 1 : i32
    %scan3A_482:5 = scf.for %scan3A_509 = %scan3A_478 to %scan3A_480 step %scan3A_481 iter_args(%scan3A_510 = %broadcast_in_dim3A_2, %scan3A_511 = %broadcast_in_dim3A_8, %scan3A_512 = %scan3A_402#1, %scan3A_513 = %broadcast_in_dim3A_475, %scan3A_514 = %broadcast_in_dim3A_477) -> (vector<16xf32>, vector<16xf32>, vector<16xf32>, vector<16xi32>, vector<16xi1>)  : i32 {
      %sub3A = arith.constant 15 : i32
      %sub3A_515 = arith.subi %sub3A, %scan3A_509 : i32
      %mul3A_516 = arith.constant 16 : i32
      %mul3A_517 = arith.muli %sub3A_515, %mul3A_516 : i32
      %get3A = arith.index_cast %mul3A_517 : i32 to index
      %get3A_518 = tpu.vector_load %arg11[%get3A] {strides = array<i32>} : memref<256xf32, #tpu.memory_space<vmem>>, vector<16xf32>,
      %rev3A = arith.constant 15 : i32
      %rev3A_519 = vector.broadcast %rev3A : i32 to vector<16xi32>
      %rev3A_520 = tpu.iota {dimensions = array<i32: 0>} : vector<16xi32>
      %rev3A_521 = arith.subi %rev3A_519, %rev3A_520 : vector<16xi32>
      %rev3A_522 = tpu.dynamic_gather %get3A_518[%rev3A_521] in [0] : vector<16xf32>, vector<16xi32> -> vector<16xf32>
      %broadcast_in_dim3A_523 = arith.constant true
      %broadcast_in_dim3A_524 = vector.broadcast %broadcast_in_dim3A_523 : i1 to vector<16xi1>
      %masked_cumsum3A = tpu.scan <sum>, %rev3A_522 masked %broadcast_in_dim3A_524 : vector<16xf32>, vector<16xi1> -> vector<16xf32>
      %reduce_sum3A_525 = arith.constant true
      %reduce_sum3A_526 = vector.broadcast %reduce_sum3A_525 : i1 to vector<16xi1>
      %reduce_sum3A_527 = tpu.scan <sum>, %get3A_518 masked %reduce_sum3A_526 : vector<16xf32>, vector<16xi1> -> vector<16xf32>
      %reduce_sum3A_528 = vector.extract %reduce_sum3A_527[15] : f32 from vector<16xf32>
      %add3A_529 = vector.broadcast %reduce_sum3A_528 : f32 to vector<16xf32>
      %add3A_530 = arith.addf %scan3A_510, %add3A_529 : vector<16xf32>
      %ge3A = arith.cmpf oge, %add3A_530, %scan3A_512 : vector<16xf32>
      %not3A = arith.constant dense<true> : vector<16xi1>
      %not3A_531 = arith.xori %scan3A_514, %not3A : vector<16xi1>
      %add3A_532 = arith.addf %scan3A_510, %masked_cumsum3A : vector<16xf32>
      %ge3A_533 = arith.cmpf oge, %add3A_532, %scan3A_512 : vector<16xf32>
      %and3A = arith.andi %not3A_531, %ge3A_533 : vector<16xi1>
      %all_reduce_ffs3A = tpu.all_reduce %and3A {dim = 0 : i64, kind = #tpu.reduction_kind<find_first_set>} : vector<16xi1> -> vector<16xi32>
      %eq3A_534 = arith.cmpi eq, %iota3A, %all_reduce_ffs3A : vector<16xi32>
      %jit3A = arith.constant 0.000000e+00 : f32
      %broadcast_in_dim3A_535 = vector.broadcast %jit3A : f32 to vector<16xf32>
      %select_n3A = arith.select %eq3A_534, %rev3A_522, %broadcast_in_dim3A_535 : vector<16xi1>, vector<16xf32>
      %reduce_sum3A_536 = arith.constant true
      %reduce_sum3A_537 = vector.broadcast %reduce_sum3A_536 : i1 to vector<16xi1>
      %reduce_sum3A_538 = tpu.scan <sum>, %select_n3A masked %reduce_sum3A_537 : vector<16xf32>, vector<16xi1> -> vector<16xf32>
      %reduce_sum3A_539 = vector.extract %reduce_sum3A_538[15] : f32 from vector<16xf32>
      %jit3A_540 = arith.constant 0.000000e+00 : f32
      %broadcast_in_dim3A_541 = vector.broadcast %jit3A_540 : f32 to vector<16xf32>
      %select_n3A_542 = arith.select %eq3A_534, %masked_cumsum3A, %broadcast_in_dim3A_541 : vector<16xi1>, vector<16xf32>
      %reduce_sum3A_543 = arith.constant true
      %reduce_sum3A_544 = vector.broadcast %reduce_sum3A_543 : i1 to vector<16xi1>
      %reduce_sum3A_545 = tpu.scan <sum>, %select_n3A_542 masked %reduce_sum3A_544 : vector<16xf32>, vector<16xi1> -> vector<16xf32>
      %reduce_sum3A_546 = vector.extract %reduce_sum3A_545[15] : f32 from vector<16xf32>
      %not3A_547 = arith.constant dense<true> : vector<16xi1>
      %not3A_548 = arith.xori %scan3A_514, %not3A_547 : vector<16xi1>
      %and3A_549 = arith.andi %not3A_548, %ge3A : vector<16xi1>
      %add3A_550 = vector.broadcast %reduce_sum3A_546 : f32 to vector<16xf32>
      %add3A_551 = arith.addf %scan3A_510, %add3A_550 : vector<16xf32>
      %sub3A_552 = vector.broadcast %reduce_sum3A_539 : f32 to vector<16xf32>
      %sub3A_553 = arith.subf %add3A_551, %sub3A_552 : vector<16xf32>
      %sub3A_554 = arith.subf %scan3A_512, %sub3A_553 : vector<16xf32>
      %select_n3A_555 = arith.select %and3A_549, %sub3A_554, %scan3A_512 : vector<16xi1>, vector<16xf32>
      %mul3A_556 = arith.constant 16 : i32
      %mul3A_557 = arith.muli %sub3A_515, %mul3A_556 : i32
      %sub3A_558 = arith.constant 15 : i32
      %sub3A_559 = vector.broadcast %sub3A_558 : i32 to vector<16xi32>
      %sub3A_560 = arith.subi %sub3A_559, %all_reduce_ffs3A : vector<16xi32>
      %add3A_561 = vector.broadcast %mul3A_557 : i32 to vector<16xi32>
      %add3A_562 = arith.addi %add3A_561, %sub3A_560 : vector<16xi32>
      %select_n3A_563 = arith.select %and3A_549, %add3A_562, %scan3A_513 : vector<16xi1>, vector<16xi32>
      %or3A_564 = arith.ori %scan3A_514, %and3A_549 : vector<16xi1>
      %mul3A_565 = arith.constant 16 : i32
      %mul3A_566 = arith.muli %sub3A_515, %mul3A_565 : i32
      %get3A_567 = arith.index_cast %mul3A_566 : i32 to index
      %get3A_568 = tpu.vector_load %arg12[%get3A_567] {strides = array<i32>} : memref<256xf32, #tpu.memory_space<vmem>>, vector<16xf32>,
      %rev3A_569 = arith.constant 15 : i32
      %rev3A_570 = vector.broadcast %rev3A_569 : i32 to vector<16xi32>
      %rev3A_571 = tpu.iota {dimensions = array<i32: 0>} : vector<16xi32>
      %rev3A_572 = arith.subi %rev3A_570, %rev3A_571 : vector<16xi32>
      %rev3A_573 = tpu.dynamic_gather %get3A_568[%rev3A_572] in [0] : vector<16xf32>, vector<16xi32> -> vector<16xf32>
      %broadcast_in_dim3A_574 = arith.constant true
      %broadcast_in_dim3A_575 = vector.broadcast %broadcast_in_dim3A_574 : i1 to vector<16xi1>
      %masked_cumsum3A_576 = tpu.scan <sum>, %rev3A_573 masked %broadcast_in_dim3A_575 : vector<16xf32>, vector<16xi1> -> vector<16xf32>
      %reduce_sum3A_577 = arith.constant true
      %reduce_sum3A_578 = vector.broadcast %reduce_sum3A_577 : i1 to vector<16xi1>
      %reduce_sum3A_579 = tpu.scan <sum>, %get3A_568 masked %reduce_sum3A_578 : vector<16xf32>, vector<16xi1> -> vector<16xf32>
      %reduce_sum3A_580 = vector.extract %reduce_sum3A_579[15] : f32 from vector<16xf32>
      %jit3A_581 = arith.constant 0.000000e+00 : f32
      %broadcast_in_dim3A_582 = vector.broadcast %jit3A_581 : f32 to vector<16xf32>
      %select_n3A_583 = arith.select %eq3A_534, %masked_cumsum3A_576, %broadcast_in_dim3A_582 : vector<16xi1>, vector<16xf32>
      %reduce_sum3A_584 = arith.constant true
      %reduce_sum3A_585 = vector.broadcast %reduce_sum3A_584 : i1 to vector<16xi1>
      %reduce_sum3A_586 = tpu.scan <sum>, %select_n3A_583 masked %reduce_sum3A_585 : vector<16xf32>, vector<16xi1> -> vector<16xf32>
      %reduce_sum3A_587 = vector.extract %reduce_sum3A_586[15] : f32 from vector<16xf32>
      %jit3A_588 = arith.constant 0.000000e+00 : f32
      %broadcast_in_dim3A_589 = vector.broadcast %jit3A_588 : f32 to vector<16xf32>
      %select_n3A_590 = arith.select %eq3A_534, %rev3A_573, %broadcast_in_dim3A_589 : vector<16xi1>, vector<16xf32>
      %reduce_sum3A_591 = arith.constant true
      %reduce_sum3A_592 = vector.broadcast %reduce_sum3A_591 : i1 to vector<16xi1>
      %reduce_sum3A_593 = tpu.scan <sum>, %select_n3A_590 masked %reduce_sum3A_592 : vector<16xf32>, vector<16xi1> -> vector<16xf32>
      %reduce_sum3A_594 = vector.extract %reduce_sum3A_593[15] : f32 from vector<16xf32>
      %not3A_595 = arith.constant dense<true> : vector<16xi1>
      %not3A_596 = arith.xori %scan3A_514, %not3A_595 : vector<16xi1>
      %not3A_597 = arith.constant dense<true> : vector<16xi1>
      %not3A_598 = arith.xori %ge3A, %not3A_597 : vector<16xi1>
      %and3A_599 = arith.andi %not3A_596, %not3A_598 : vector<16xi1>
      %sub3A_600 = arith.subf %reduce_sum3A_587, %reduce_sum3A_594 : f32
      %add3A_601 = vector.broadcast %sub3A_600 : f32 to vector<16xf32>
      %add3A_602 = arith.addf %scan3A_511, %add3A_601 : vector<16xf32>
      %add3A_603 = vector.broadcast %reduce_sum3A_580 : f32 to vector<16xf32>
      %add3A_604 = arith.addf %scan3A_511, %add3A_603 : vector<16xf32>
      %select_n3A_605 = arith.select %and3A_599, %add3A_604, %scan3A_511 : vector<16xi1>, vector<16xf32>
      %select_n3A_606 = arith.select %and3A_549, %add3A_602, %select_n3A_605 : vector<16xi1>, vector<16xf32>
      %add3A_607 = vector.broadcast %reduce_sum3A_528 : f32 to vector<16xf32>
      %add3A_608 = arith.addf %scan3A_510, %add3A_607 : vector<16xf32>
      scf.yield %add3A_608, %select_n3A_606, %select_n3A_555, %select_n3A_563, %or3A_564 : vector<16xf32>, vector<16xf32>, vector<16xf32>, vector<16xi32>, vector<16xi1>
    }
    %scan3A_483 = arith.constant 16 : i32
    %shift_left3A_484 = arith.constant 8 : i32
    %shift_left3A_485 = vector.broadcast %shift_left3A_484 : i32 to vector<16xi32>
    %shift_left3A_486 = arith.shli %or3A_407, %shift_left3A_485 : vector<16xi32>
    %or3A_487 = arith.ori %shift_left3A_486, %scan3A_482#3 : vector<16xi32>
    %barrier3A_488 = arith.constant 0 : index
    tpu.barrier barrier_id(%barrier3A_488)
    %swap3A_489 = arith.constant 0 : index
    %swap3A_490 = tpu.vector_load %arg10[%swap3A_489] {strides = array<i32>} : memref<16xf32, #tpu.memory_space<vmem>>, vector<16xf32>,
    tpu.vector_store %arg10[%swap3A_489], %while3A_427 {strides = array<i32>} : memref<16xf32, #tpu.memory_space<vmem>>, vector<16xf32>,
    %mul3A_491 = arith.constant 16 : i32
    %mul3A_492 = arith.muli %arg1, %mul3A_491 : i32
    "tpu.region"() ({
      %run_scoped3A = tpu.sem_alloc : memref<!tpu.dma_semaphore, #tpu.memory_space<semaphore_mem>>
      %dma_start3A_509 = tpu.memref_slice %arg17[%mul3A_492] : memref<256xf32, #tpu.memory_space<vmem_shared>> -> memref<16xf32, #tpu.memory_space<vmem_shared>>
      %dma_start3A_510 = tpu.memref_slice %arg17[%mul3A_492] : memref<256xf32, #tpu.memory_space<vmem_shared>> -> memref<16xf32, #tpu.memory_space<vmem_shared>>
      tpu.enqueue_dma source(%arg10 : memref<16xf32, #tpu.memory_space<vmem>>) target(%dma_start3A_510 : memref<16xf32, #tpu.memory_space<vmem_shared>>) target_semaphore(%run_scoped3A : memref<!tpu.dma_semaphore, #tpu.memory_space<semaphore_mem>>)
      %dma_wait3A_511 = tpu.memref_slice %arg17[%mul3A_492] : memref<256xf32, #tpu.memory_space<vmem_shared>> -> memref<16xf32, #tpu.memory_space<vmem_shared>>
      %dma_wait3A_512 = tpu.memref_slice %arg17[%mul3A_492] : memref<256xf32, #tpu.memory_space<vmem_shared>> -> memref<16xf32, #tpu.memory_space<vmem_shared>>
      tpu.wait_dma2 semaphore(%run_scoped3A : memref<!tpu.dma_semaphore, #tpu.memory_space<semaphore_mem>>) src(%arg10 : memref<16xf32, #tpu.memory_space<vmem>>) dst(%dma_wait3A_512 : memref<16xf32, #tpu.memory_space<vmem_shared>>)
      tpu.yield
    }) : () -> ()
    %barrier3A_493 = arith.constant 0 : index
    tpu.barrier barrier_id(%barrier3A_493)
    "tpu.region"() ({
      %run_scoped3A = tpu.sem_alloc : memref<!tpu.dma_semaphore, #tpu.memory_space<semaphore_mem>>
      tpu.enqueue_dma source(%arg17 : memref<256xf32, #tpu.memory_space<vmem_shared>>) target(%arg11 : memref<256xf32, #tpu.memory_space<vmem>>) target_semaphore(%run_scoped3A : memref<!tpu.dma_semaphore, #tpu.memory_space<semaphore_mem>>)
      tpu.wait_dma2 semaphore(%run_scoped3A : memref<!tpu.dma_semaphore, #tpu.memory_space<semaphore_mem>>) src(%arg17 : memref<256xf32, #tpu.memory_space<vmem_shared>>) dst(%arg11 : memref<256xf32, #tpu.memory_space<vmem>>)
      tpu.yield
    }) : () -> ()
    %scan3A_494 = arith.constant 0 : i32
    %scan3A_495 = arith.constant 16 : i32
    %scan3A_496 = arith.addi %scan3A_494, %scan3A_495 : i32
    %scan3A_497 = arith.constant 1 : i32
    %scan3A_498 = scf.for %scan3A_509 = %scan3A_494 to %scan3A_496 step %scan3A_497 iter_args(%scan3A_510 = %broadcast_in_dim3A_2) -> (vector<16xf32>)  : i32 {
      %mul3A_511 = arith.constant 16 : i32
      %mul3A_512 = arith.muli %scan3A_509, %mul3A_511 : i32
      %get3A = arith.index_cast %mul3A_512 : i32 to index
      %get3A_513 = tpu.vector_load %arg11[%get3A] {strides = array<i32>} : memref<256xf32, #tpu.memory_space<vmem>>, vector<16xf32>,
      %add3A_514 = arith.addf %scan3A_510, %get3A_513 : vector<16xf32>
      scf.yield %add3A_514 : vector<16xf32>
    }
    %scan3A_499 = arith.constant 16 : i32
    %reduce_sum3A = arith.constant true
    %reduce_sum3A_500 = vector.broadcast %reduce_sum3A : i1 to vector<16xi1>
    %reduce_sum3A_501 = tpu.scan <sum>, %scan3A_498 masked %reduce_sum3A_500 : vector<16xf32>, vector<16xi1> -> vector<16xf32>
    %reduce_sum3A_502 = vector.extract %reduce_sum3A_501[15] : f32 from vector<16xf32>
    %bitcast_convert_type3A = tpu.bitcast %or3A_487 : vector<16xi32> -> vector<16xf32>
    %add3A_503 = vector.broadcast %reduce_sum3A_502 : f32 to vector<16xf32>
    %add3A_504 = arith.addf %scan3A_482#1, %add3A_503 : vector<16xf32>
    %mul3A_505 = arith.mulf %scan3A_482#2, %bitcast_convert_type3A : vector<16xf32>
    %add3A_506 = arith.addf %add3A_504, %mul3A_505 : vector<16xf32>
    %eq3A = arith.constant 0 : i32
    %eq3A_507 = arith.cmpi eq, %arg1, %eq3A : i32
    %convert_element_type3A = arith.extui %eq3A_507 : i1 to i32
    %cond3A = arith.constant 0 : i32
    %cond3A_508 = arith.cmpi ne, %convert_element_type3A, %cond3A : i32
    scf.if %cond3A_508 {
      %swap3A_509 = arith.constant 0 : index
      %swap3A_510 = tpu.vector_load %arg10[%swap3A_509] {strides = array<i32>} : memref<16xf32, #tpu.memory_space<vmem>>, vector<16xf32>,
      tpu.vector_store %arg10[%swap3A_509], %add3A_506 {strides = array<i32>} : memref<16xf32, #tpu.memory_space<vmem>>, vector<16xf32>,
      "tpu.region"() ({
        %run_scoped3A = tpu.sem_alloc : memref<!tpu.dma_semaphore, #tpu.memory_space<semaphore_mem>>
        %dma_start3A_511 = arith.constant 0 : i32
        %dma_start3A_512 = tpu.memref_slice %arg3[%arg0, %dma_start3A_511] : memref<2x16xf32, #tpu.memory_space<hbm>> -> memref<1x16xf32, #tpu.memory_space<hbm>>
        %dma_start3A_513 = tpu.memref_squeeze %dma_start3A_512 : memref<1x16xf32, #tpu.memory_space<hbm>> -> memref<16xf32, #tpu.memory_space<hbm>>
        %dma_start3A_514 = arith.constant 0 : i32
        %dma_start3A_515 = tpu.memref_slice %arg3[%arg0, %dma_start3A_514] : memref<2x16xf32, #tpu.memory_space<hbm>> -> memref<1x16xf32, #tpu.memory_space<hbm>>
        %dma_start3A_516 = tpu.memref_squeeze %dma_start3A_515 : memref<1x16xf32, #tpu.memory_space<hbm>> -> memref<16xf32, #tpu.memory_space<hbm>>
        tpu.enqueue_dma source(%arg10 : memref<16xf32, #tpu.memory_space<vmem>>) target(%dma_start3A_516 : memref<16xf32, #tpu.memory_space<hbm>>) target_semaphore(%run_scoped3A : memref<!tpu.dma_semaphore, #tpu.memory_space<semaphore_mem>>)
        %dma_wait3A_517 = arith.constant 0 : i32
        %dma_wait3A_518 = tpu.memref_slice %arg3[%arg0, %dma_wait3A_517] : memref<2x16xf32, #tpu.memory_space<hbm>> -> memref<1x16xf32, #tpu.memory_space<hbm>>
        %dma_wait3A_519 = tpu.memref_squeeze %dma_wait3A_518 : memref<1x16xf32, #tpu.memory_space<hbm>> -> memref<16xf32, #tpu.memory_space<hbm>>
        %dma_wait3A_520 = arith.constant 0 : i32
        %dma_wait3A_521 = tpu.memref_slice %arg3[%arg0, %dma_wait3A_520] : memref<2x16xf32, #tpu.memory_space<hbm>> -> memref<1x16xf32, #tpu.memory_space<hbm>>
        %dma_wait3A_522 = tpu.memref_squeeze %dma_wait3A_521 : memref<1x16xf32, #tpu.memory_space<hbm>> -> memref<16xf32, #tpu.memory_space<hbm>>
        tpu.wait_dma2 semaphore(%run_scoped3A : memref<!tpu.dma_semaphore, #tpu.memory_space<semaphore_mem>>) src(%arg10 : memref<16xf32, #tpu.memory_space<vmem>>) dst(%dma_wait3A_522 : memref<16xf32, #tpu.memory_space<hbm>>)
        tpu.yield
      }) : () -> ()
    } else {
    }
    return
  }
}

module attributes {stable_mosaic.version = 14 : i64} {
  func.func @_bce_body(%arg0: i32, %arg1: i32, %arg2: memref<1x1x512x512xf32, #tpu.memory_space<vmem>>, %arg3: memref<1x1x512x512xf32, #tpu.memory_space<vmem>>, %arg4: memref<1x512x512xf32, #tpu.memory_space<vmem>>) attributes {dimension_semantics = [#tpu.dimension_semantics<arbitrary>, #tpu.dimension_semantics<arbitrary>], iteration_bounds = array<i64: 2, 8>, scalar_prefetch = 0 : i64, scratch_operands = 0 : i64, tpu.core_type = #tpu.core_type<tc>, window_params = [{transform_indices = @transform_0, window_bounds = array<i64: 1, 1, 512, 512>}, {transform_indices = @transform_1, window_bounds = array<i64: 1, 1, 512, 512>}, {transform_indices = @transform_2, window_bounds = array<i64: 1, 512, 512>}]} {
    %get3A = arith.constant 0 : index
    %get3A_0 = arith.constant 0 : index
    %get3A_1 = arith.constant 0 : index
    %get3A_2 = arith.constant 0 : index
    %get3A_3 = vector.load %arg2[%get3A, %get3A_0, %get3A_1, %get3A_2] : memref<1x1x512x512xf32, #tpu.memory_space<vmem>>, vector<1x1x512x512xf32>
    %get3A_4 = arith.constant 0 : index
    %get3A_5 = arith.constant 0 : index
    %get3A_6 = arith.constant 0 : index
    %get3A_7 = arith.constant 0 : index
    %get3A_8 = vector.load %arg3[%get3A_4, %get3A_5, %get3A_6, %get3A_7] : memref<1x1x512x512xf32, #tpu.memory_space<vmem>>, vector<1x1x512x512xf32>
    %log3A = math.log %get3A_3 : vector<1x1x512x512xf32>
    %max3A = arith.constant -1.000000e+02 : f32
    %max3A_9 = vector.broadcast %max3A : f32 to vector<1x1x512x512xf32>
    %max3A_10 = arith.maximumf %log3A, %max3A_9 : vector<1x1x512x512xf32>
    %sub3A = arith.constant 1.000000e+00 : f32
    %sub3A_11 = vector.broadcast %sub3A : f32 to vector<1x1x512x512xf32>
    %sub3A_12 = arith.subf %sub3A_11, %get3A_3 : vector<1x1x512x512xf32>
    %log3A_13 = math.log %sub3A_12 : vector<1x1x512x512xf32>
    %max3A_14 = arith.constant -1.000000e+02 : f32
    %max3A_15 = vector.broadcast %max3A_14 : f32 to vector<1x1x512x512xf32>
    %max3A_16 = arith.maximumf %log3A_13, %max3A_15 : vector<1x1x512x512xf32>
    %mul3A = arith.mulf %get3A_8, %max3A_10 : vector<1x1x512x512xf32>
    %sub3A_17 = arith.constant 1.000000e+00 : f32
    %sub3A_18 = vector.broadcast %sub3A_17 : f32 to vector<1x1x512x512xf32>
    %sub3A_19 = arith.subf %sub3A_18, %get3A_8 : vector<1x1x512x512xf32>
    %mul3A_20 = arith.mulf %sub3A_19, %max3A_16 : vector<1x1x512x512xf32>
    %add3A = arith.addf %mul3A, %mul3A_20 : vector<1x1x512x512xf32>
    %neg3A = arith.constant 0.000000e+00 : f32
    %neg3A_21 = vector.broadcast %neg3A : f32 to vector<1x1x512x512xf32>
    %neg3A_22 = arith.subf %neg3A_21, %add3A : vector<1x1x512x512xf32>
    %reshape3A = vector.shape_cast %neg3A_22 : vector<1x1x512x512xf32> to vector<1x512x512xf32>
    %swap3A = arith.constant 0 : index
    %swap3A_23 = arith.constant 0 : index
    %swap3A_24 = arith.constant 0 : index
    %swap3A_25 = vector.load %arg4[%swap3A, %swap3A_23, %swap3A_24] : memref<1x512x512xf32, #tpu.memory_space<vmem>>, vector<1x512x512xf32>
    tpu.vector_store %arg4[%swap3A, %swap3A_23, %swap3A_24], %reshape3A {strides = array<i32>} : memref<1x512x512xf32, #tpu.memory_space<vmem>>, vector<1x512x512xf32>,
    return
  }
  func.func @transform_0(%arg0: i32, %arg1: i32) -> (i32, i32, i32, i32) {
    %c0_i32 = arith.constant 0 : i32
    %c0_i32_0 = arith.constant 0 : i32
    %c0_i32_1 = arith.constant 0 : i32
    return %arg1, %arg0, %c0_i32, %c0_i32_0 : i32, i32, i32, i32
  }
  func.func @transform_1(%arg0: i32, %arg1: i32) -> (i32, i32, i32, i32) {
    %c0_i32 = arith.constant 0 : i32
    %c0_i32_0 = arith.constant 0 : i32
    %c0_i32_1 = arith.constant 0 : i32
    return %arg1, %arg0, %c0_i32, %c0_i32_0 : i32, i32, i32, i32
  }
  func.func @transform_2(%arg0: i32, %arg1: i32) -> (i32, i32, i32) {
    %c0_i32 = arith.constant 0 : i32
    %c0_i32_0 = arith.constant 0 : i32
    return %arg0, %arg1, %c0_i32 : i32, i32, i32
  }
}

</mosaic_0001>

<sc_bundles>
// kernel: kernel.4.cloned.1.call-start
scs
__scs_entry_jumppad:
0x0: {  	(pc) =	sbr.rel $0x88, $3  }
0x1: {  	(tag) =	ssettag $0x0;
	lr =	simm.s32 $0x1  }
0x2: {  	[smem:$0x3F9E] =	sst lr;
	_ =	strace $0xD0000000  }
0x3: {  	_ = 	snop  }
0x4: {  	_ = 	snop  }
0x5: {  	_ = 	snop  }
0x6: {  	_ = 	snop  }
0x7: {  	_ = 	snop  }
__scs_overlays_trampoline_lowered:
0x8: {  	[smem:$0x3FAD] =	sst s0  }
0x9: {  	[smem:$0x3FAE] =	sst s1  }
0xa: {  	[smem:$0x3FAF] =	sst s2  }
0xb: {  	[smem:$0x3FB0] =	sst s3  }
0xc: {  	[smem:$0x3FB1] =	sst s4  }
0xd: {  	[smem:$0x3FB2] =	sst s5  }
0xe: {  	[smem:$0x3FB3] =	sst s6  }
0xf: {  	[smem:$0x3FB4] =	sst s7  }
0x10: {  	[smem:$0x3FB5] =	sst s8  }
0x11: {  	[smem:$0x3FB6] =	sst s9;
	s0 =	simm.s32 @!p0 $0x0  }
0x12: {  	s1 =	sld [smem:$0x3F9C];
	s0 =	simm.s32 @p0 $0x1  }
0x13: {  	[smem:$0x3FB7] =	sst s0;
	s0 =	simm.s32 @!p1 $0x0  }
0x14: {  	s2 =	sld [smem:$0x3F9B];
	s0 =	simm.s32 @p1 $0x1  }
0x15: {  	[smem:$0x3FB8] =	sst s0;
	s0 =	simm.s32 @!p2 $0x0  }
0x16: {  	s3 =	sld [smem:$0x3FDB];
	s0 =	simm.s32 @p2 $0x1  }
0x17: {  	s4 =	simm.s32 $0x1BF5;
	[smem:$0x3FBA] =	sst s0  }
0x18: {  	s0 =	sld [smem:$0x3F9D];
	_ =	swait.ge [sflag:s4], $0x0  }
0x19: {  	s7 =	sld [smem:$0x3F9E]  }
0x1a: {  	s8 =	sadd.s32 $0xFFFFE003, lr  }
0x1b: {  	s9 =	sadd.s32 $0xFFFFFEF7, lr;
	s5 =	simm.s32 $0xFFFFFFFF;
	p2 =	slt.u32 s8, $0xFFFFF086  }
0x1c: {  	p1 =	slt.u32 s9, $0xF7A;
	s5 =	simm.s32 @!p2 $0x0  }
0x1d: {  	s5 =	simm.s32 @p1 $0x1;
	p0 =	seq.s32 s7, s2  }
0x1e: {  	s7 =	smul.u32 @!p0 $0xF7A, s2;
	p2 =	seq.s32 @!p0 s5, $0x0  }
0x1f: {  	s9 =	smul.u32 $0xF7A, s1;
	s8 =	simm.s32 @!p0 $0x1BF5;
	p2 =	por !p2, p0  }
0x20: {  	[sflag:s8] =	ssyncset.s32 @!p0 $0xFFFFF086;
	s6 =	sadd.s32 @!p0 s3, s7;
	s7 =	simm.s32 @!p0 $0x108  }
0x21: {  	s3 =	sadd.s32 s3, s9;
	s6 =	sadd.s32 @!p0 $0x88, s6;
	s7 =	simm.s32 @p2 $0x1082  }
0x22: {  	[simem:s7], [sflag:s8] =	dma.local @!p0 [hbm:s6], $0xF7A  }
0x23: {  	s9 =	sor.u32 $0xD0000000, s2;
	s6 =	simm.s32 $0x108;
	_ =	swait.ge @!p0 [sflag:s8], $0x0  }
0x24: {  	s3 =	sadd.s32 $0x88, s3;
	s6 =	simm.s32 @!p1 $0x1082;
	[sflag:s4] =	ssyncset.s32 $0xFFFFF086  }
0x25: {  	[simem:s6], [sflag:s4] =	dma.local [hbm:s3], $0xF7A  }
0x26: {  	[smem:$0x3F9E] =	sst s1;
	(tag) =	ssettag s2;
	_ =	strace s9  }
0x27: {  	s1 =	sld [smem:$0x3FAE]  }
0x28: {  	s2 =	sld [smem:$0x3FAF]  }
0x29: {  	s4 =	sld [smem:$0x3FB1]  }
0x2a: {  	p0 =	seq.s32 s5, $0x0;
	s5 =	sld [smem:$0x3FB2]  }
0x2b: {  	s6 =	sld [smem:$0x3FB3]  }
0x2c: {  	s7 =	sld [smem:$0x3FB4]  }
0x2d: {  	s3 =	simm.s32 $0x108;
	s8 =	sld [smem:$0x3FB5]  }
0x2e: {  	s3 =	simm.s32 @!p0 $0x1082;
	s9 =	sld [smem:$0x3FB6]  }
0x2f: {  	lr =	sadd.s32 s0, s3;
	s0 =	sld [smem:$0x3FAD]  }
0x30: {  	s3 =	sld [smem:$0x3FB0]  }
0x31: {  	[smem:$0x3FB9] =	sst s10  }
0x32: {  	s10 =	sld [smem:$0x3FB7];
	_ =	sdelay $0x3  }
0x33: {  	p0 =	seq.s32 s10, $0x1;
	s10 =	sld [smem:$0x3FB9];
	_ =	sdelay $0x3  }
0x34: {  	[smem:$0x3FB9] =	sst s10  }
0x35: {  	s10 =	sld [smem:$0x3FB8];
	_ =	sdelay $0x3  }
0x36: {  	p1 =	seq.s32 s10, $0x1;
	s10 =	sld [smem:$0x3FB9];
	_ =	sdelay $0x3  }
0x37: {  	[smem:$0x3FB9] =	sst s10  }
0x38: {  	s10 =	sld [smem:$0x3FBA]  }
0x39: {  	_ = 	snop;
	(pc) =	sbr.ind lr, $3  }
0x3a: {  	_ = 	snop  }
0x3b: {  	_ = 	snop  }
0x3c: {  	p2 =	seq.s32 s10, $0x1;
	s10 =	sld [smem:$0x3FB9]  }
0x3d: {  	_ =	shalt  }
0x3e: {  	_ =	shalt  }
0x3f: {  	_ =	shalt  }
0x40: {  	_ =	shalt  }
0x41: {  	_ =	shalt  }
0x42: {  	_ =	shalt  }
0x43: {  	_ =	shalt  }
0x44: {  	_ =	shalt  }
0x45: {  	_ =	shalt  }
0x46: {  	_ =	shalt  }
0x47: {  	_ =	shalt  }
0x48: {  	_ =	shalt  }
0x49: {  	_ =	shalt  }
0x4a: {  	_ =	shalt  }
0x4b: {  	_ =	shalt  }
0x4c: {  	_ =	shalt  }
0x4d: {  	_ =	shalt  }
0x4e: {  	_ =	shalt  }
0x4f: {  	_ =	shalt  }
0x50: {  	_ =	shalt  }
0x51: {  	_ =	shalt  }
0x52: {  	_ =	shalt  }
0x53: {  	_ =	shalt  }
0x54: {  	_ =	shalt  }
0x55: {  	_ =	shalt  }
0x56: {  	_ =	shalt  }
0x57: {  	_ =	shalt  }
0x58: {  	_ =	shalt  }
0x59: {  	_ =	shalt  }
0x5a: {  	_ =	shalt  }
0x5b: {  	_ =	shalt  }
0x5c: {  	_ =	shalt  }
0x5d: {  	_ =	shalt  }
0x5e: {  	_ =	shalt  }
0x5f: {  	_ =	shalt  }
0x60: {  	_ =	shalt  }
0x61: {  	_ =	shalt  }
0x62: {  	_ =	shalt  }
0x63: {  	_ =	shalt  }
0x64: {  	_ =	shalt  }
0x65: {  	_ =	shalt  }
0x66: {  	_ =	shalt  }
0x67: {  	_ =	shalt  }
0x68: {  	_ =	shalt  }
0x69: {  	_ =	shalt  }
0x6a: {  	_ =	shalt  }
0x6b: {  	_ =	shalt  }
0x6c: {  	_ =	shalt  }
0x6d: {  	_ =	shalt  }
0x6e: {  	_ =	shalt  }
0x6f: {  	_ =	shalt  }
0x70: {  	_ =	shalt  }
0x71: {  	_ =	shalt  }
0x72: {  	_ =	shalt  }
0x73: {  	_ =	shalt  }
0x74: {  	_ =	shalt  }
0x75: {  	_ =	shalt  }
0x76: {  	_ =	shalt  }
0x77: {  	_ =	shalt  }
0x78: {  	_ =	shalt  }
0x79: {  	_ =	shalt  }
0x7a: {  	_ =	shalt  }
0x7b: {  	_ =	shalt  }
0x7c: {  	_ =	shalt  }
0x7d: {  	_ =	shalt  }
0x7e: {  	_ =	shalt  }
0x7f: {  	_ =	shalt  }
0x80: {  	_ =	shalt  }
0x81: {  	_ =	shalt  }
0x82: {  	_ =	shalt  }
0x83: {  	_ =	shalt  }
0x84: {  	_ =	shalt  }
0x85: {  	_ =	shalt  }
0x86: {  	_ =	shalt  }
0x87: {  	_ =	shalt  }
.Lfunc_end0:
.L_simem_size_0:
called_computation_lowered:
.L_overlay_start_0:
0x88: {  	s2 =	sld [smem:$0x3FD9]  }
0x89: {  	s3 =	sld [smem:$0x3FFE];
	_ =	sdelay $0x1  }
0x8a: {  	s1 =	srdreg.scid  }
0x8b: {  	s0 =	sand.u32 $0x1, s1  }
0x8c: {  	s16 =	sshll.u32 s0, $0xA;
	s2 =	sadd.s32 s3, s2  }
0x8d: {  	s2 =	sadd.s32 s2, s16  }
0x8e: {  	[smem:$0x3FC5] =	sst s2  }
0x8f: {  	_ = 	snop  }
0x90: {  	(tm) =	ssettm $0x1  }
0x91: {  	s17 =	sld [smem:$0x3FFB];
	_ =	sdelay $0x3  }
0x92: {  	_ =	strace s17  }
0x93: {  	s2 =	sld [smem:$0x3FFC];
	_ =	sdelay $0x3  }
0x94: {  	_ =	strace s2  }
0x95: {  	s2 =	sld [smem:$0x3FFD];
	_ =	sdelay $0x3  }
0x96: {  	_ =	strace s2  }
0x97: {  	_ =	strace $0x8FFFFFFF  }
0x98: {  	s18 =	sld [smem:$0x3FDB];
	_ =	sdelay $0x1  }
0x99: {  	s19 =	simm.s32 $_scs_section_size  }
0x9a: {  	s4 =	simm.s32 $_size__tile_overlayer_lowered;
	s5 =	simm.s32 $_tile_overlayer_lowered  }
0x9b: {  	s22 =	simm.s32 $0x1BFF;
	s21 =	sshll.u32 s5, $0x1;
	s2 =	sadd.s32 s19, s18  }
0x9c: {  	s6 =	simm.s32 $0x0;
	s20 =	sshll.u32 s4, $0x1;
	s4 =	sadd.s32 s21, s2  }
0x9d: {  	[timem:s6], [sflag:s22] =	dma.local [hbm:s4], s20  }
0x9e: {  	_ =	swait.ge [sflag:s22], s20  }
0x9f: {  	s3 =	ssub.s32 $0x0, s20;
	[sflag:s22] =	ssyncset.done $0x0  }
0xa0: {  	[sflag:s22] =	ssyncadd.s32 s3;
	_ =	sdelay $0x1  }
0xa1: {  	s23 =	simm.s32 $0x1B8B  }
0xa2: {  	_ =	swait.ge [sflag:s23], $0x1  }
0xa3: {  	[sflag:s23] =	ssyncset.done $0x0  }
0xa4: {  	s25 =	simm.s32 $0x1B8E;
	s24 =	sld [smem:$0x3FFE];
	[sflag:s23] =	ssyncadd.s32 $0xFFFFFFFF  }
0xa5: {  	s26 =	simm.s32 $execute0_lowered;
	[smem:$0x3FD2] =	sst s25  }
0xa6: {  	s4 =	sshll.u32 s26, $0x1;
	_ =	strace $0x80000046;
	[dreg:$0x1] =	wrdreg $0xFFFFFFFF  }
0xa7: {  	s28 =	simm.s32 $_size_execute0_lowered;
	s2 =	sadd.s32 s2, s4;
	[dreg:$0x0] =	wrdreg $0x0  }
0xa8: {  	s4 =	sshll.u32 s28, $0x1;
	[dreg:$0x2] =	wrdreg s2  }
0xa9: {  	[dreg:$0x3] =	wrdreg s4  }
0xaa: {  	[dreg:$0x4] =	wrdreg $0xC0  }
0xab: {  	_ =	task [dreg:s6], $0x5FFFF  }
0xac: {  	[dreg:$0x1] =	wrdreg $0xFFFFFFFF  }
0xad: {  	[dreg:$0x0] =	wrdreg $0x60  }
0xae: {  	[dreg:$0x2] =	wrdreg s24  }
0xaf: {  	[dreg:$0x3] =	wrdreg $0xF3800  }
0xb0: {  	[dreg:$0x4] =	wrdreg $0x113800  }
0xb1: {  	[dreg:$0x5] =	wrdreg $0x103800  }
0xb2: {  	[dreg:$0x6] =	wrdreg $0x113900  }
0xb3: {  	[dreg:$0x7] =	wrdreg $0x9  }
0xb4: {  	_ =	task.clear_ibuf [dreg:s6], $0x8FFFF;
	_ =	strace $0x90000046  }
0xb5: {  	s29 =	simm.s32 $0x9;
	_ =	strace $0x80000048  }
0xb6: {  	_ =	swait.ge [sflag:s29], $0x1  }
0xb7: {  	[sflag:s29] =	ssyncadd.s32 $0xFFFFFFFF  }
0xb8: {  	_ =	strace $0x90000048  }
0xb9: {  	_ =	sfence  }
0xba: {  	s30 =	sld [smem:$0x0];
	_ =	sdelay $0x2  }
0xbb: {  	s31 =	sshll.u32 s1, $0xD;
	s1 =	sshrl.u32 s1, $0x2  }
0xbc: {  	s3 =	sand.u32 $0x4000, s31;
	s1 =	sadd.s32 s1, s30  }
0xbd: {  	s0 =	sor.u32 s3, s0;
	s1 =	sshll.u32 s1, $0x11  }
0xbe: {  	s0 =	sor.u32 s1, s0  }
0xbf: {  	s0 =	sadd.s32 $0x8F2B, s0  }
0xc0: {  	[sflag:s0] =	ssyncadd.remote.s32 $0x1  }
0xc1: {  	_ =	sfence.sel $0xFFFF  }
0xc2: {  	[dreg:$0x0] =	wrdreg $0xFFFFFFFF;
	(pc) =	sbr.abs _section_cstart, $3  }
0xc3: {  	[dreg:$0x1] =	wrdreg $0xFFFFFFFF  }
0xc4: {  	_ =	task.clear_ibuf [dreg:s6], $0x2FFFF;
	_ =	strace $0x9FFFFFFF  }
0xc5: {  	(tm) =	ssettm $0x7FFFFFFF  }
tec
execute0_lowered:
.L_overlay_start_1:
0x0: {  	(tag) =	ssettag $0x1  }
0x1: {  	s0 =	rddreg [dreg:$0x0]  }
0x2: {  	s1 =	rddreg [dreg:$0x1]  }
0x3: {  	s12 =	rddreg [dreg:$0x2]  }
0x4: {  	s2 =	rddreg [dreg:$0x3]  }
0x5: {  	s16 =	rddreg [dreg:$0x4]  }
0x6: {  	s3 =	simm.s32 $0x0;
	s4 =	srdreg.scid;
	s7 =	stileid.u32  }
0x7: {  	s18 =	simm.s32 $0x4000;
	s19 =	simm.s32 $0x1;
	s20 =	simm.s32 $0x8000  }
0x8: {  	s21 =	simm.s32 $0x2;
	s30 =	simm.s32 $0xA000;
	s31 =	simm.s32 $0x9000  }
0x9: {  	[smem:$0x7FF] =	sst s3;
	s6 =	sand.u32 $0x1, s4;
	s4 =	sadd.s32 $0x800, s0  }
0xa: {  	s8 =	sshll.u32 s7, $0x11;
	s23 =	sshll.u32 s7, $0x8;
	s10 =	sshll.u32 s7, $0xC  }
0xb: {  	s11 =	sshll.u32 s7, $0x7;
	s14 =	sshll.u32 s7, $0xB;
	s15 =	sshll.u32 s7, $0x4  }
0xc: {  	p0 =	sne.s32 s7, $0x0;
	_ =	strace $0x80000047;
	s5 =	sshll.u32 s6, $0x15  }
0xd: {  	s9 =	sshll.u32 s6, $0x4;
	s6 =	ssub.s32 $0x2, s6;
	s24 =	sadd.s32 s15, s12  }
0xe: {  	s10 =	sor.u32 s11, s10;
	s26 =	sadd.s32 s14, s2;
	[dreg:$0xa] =	wrdreg s24  }
0xf: {  	s28 =	sadd.s32 s15, s16;
	s13 =	sand.u32 $0x8380, s10;
	[dreg:$0xc] =	wrdreg s26  }
0x10: {  	s8 =	sor.u32 s8, s5;
	[dreg:$0xd] =	wrdreg s28;
	s10 =	sadd.s32 s13, s1  }
0x11: {  	s0 =	sadd.s32 s9, s0;
	s1 =	sadd.s32 s14, s1;
	[dreg:$0x8] =	wrdreg s10  }
0x12: {  	s22 =	sshrl.u32 s6, $0x1;
	s25 =	sadd.s32 s13, s2;
	[dreg:$0x9] =	wrdreg s1  }
0x13: {  	s8 =	sshrl.u32 s8, $0x3;
	s0 =	sadd.s32 $0x80800, s0;
	[dreg:$0xb] =	wrdreg s25  }
0x14: {  	v0 =	vlaneseq.u32;
	s6 =	ssub.s32 s6, s22;
	s8 =	sadd.s32 s4, s8;
	[dreg:$0xe] =	wrdreg s0  }
0x15: {  	v3 =	vmul.u32 $0xFFFFFFFF, v0;
	s11 =	simm.s32 $0x3;
	s29 =	smax.u32 s6, $0x1;
	[dreg:$0x6] =	wrdreg s8  }
0x16: {  	v1 =	vimm.f32 $0.0e+00;
	v2 =	vimm.f32 $1.000000000e+00;
	s9 =	sor.u32 $0x60, s23;
	s8 =	sadd.s32 $0x800, s8;
	[dreg:$0xf] =	wrdreg s29  }
0x17: {  	vm10 =	vmxor vm10, vm10;
	v4 =	vimm.s32 $0x0;
	v3 =	vadd.s32 $0xF, v3;
	s2 =	simm.s32 $0x0;
	[dreg:$0x7] =	wrdreg s8;
	s8 =	sor.u32 $0x40, s23  }
.LBB2_1:
0x18: {  	[dreg:$0x10] =	wrdreg s2;
	s1 =	simm.s32 $0x8040  }
0x19: {  	[tilespmem:s1+$0xFFFFFFC0] =	vst v1  }
0x1a: {  	[tilespmem:s1+$0x30] =	vst v1  }
0x1b: {  	[tilespmem:s1+$0x20] =	vst v1  }
0x1c: {  	[tilespmem:s1+$0x10] =	vst v1  }
0x1d: {  	[tilespmem:s1+$0x0] =	vst v1  }
0x1e: {  	[tilespmem:s1+$0xFFFFFFF0] =	vst v1  }
0x1f: {  	s2 =	simm.s32 $0x0;
	[tilespmem:s1+$0xFFFFFFE0] =	vst v1  }
.LBB2_2:
0x20: {  	s2 =	sadd.s32 $0x8, s2;
	[tilespmem:s1+$0xFFFFFFD0] =	vst v1;
	s1 =	sadd.s32 $0x80, s1  }
0x21: {  	[tilespmem:s1+$0xFFFFFFC0] =	vst v1;
	p1 =	slt.u32 s2, $0xF8  }
0x22: {  	[tilespmem:s1+$0x30] =	vst v1  }
.Ltmp0:
0x23: {  	[tilespmem:s1+$0x20] =	vst v1;
	(pc) =	sbr.rel @p1 .LBB2_2-.Ltmp0, $4  }
0x24: {  	[tilespmem:s1+$0x10] =	vst v1  }
0x25: {  	[tilespmem:s1+$0x0] =	vst v1  }
0x26: {  	[tilespmem:s1+$0xFFFFFFF0] =	vst v1  }
0x27: {  	[tilespmem:s1+$0xFFFFFFE0] =	vst v1  }
0x28: {  	[tilespmem:s1+$0xFFFFFFD0] =	vst v1  }
0x29: {  	s2 =	simm.s32 $0x0;
	s0 =	rddreg [dreg:$0x6]  }
0x2a: {  	[tilespmem:s2], [sflag:$0x1] =	stream.linear.gather [hbm4b:s0+s2], $0x4000, $0x38;
	[tilespmem:$0x113A0] =	vst v63  }
0x2b: {  	s13 =	simm.s32 $0x0;
	s29 =	rddreg [dreg:$0x7]  }
0x2c: {  	[tilespmem:s18], [sflag:$0x2] =	stream.linear.gather [hbm4b:s29+s2], $0x4000, $0x38;
	[tilespmem:$0x113A0] =	vst v63  }
.LBB2_4:
0x2d: {  	_ =	swait.ge [sflag:s19], $0x4000;
	s1 =	sand.u32 $0x3000, s2;
	s6 =	sand.u32 $0xC00, s2  }
0x2e: {  	s7 =	sand.u32 $0x380, s2;
	[sflag:s19] =	ssyncset.done $0x0;
	s1 =	sor.u32 s6, s1  }
0x2f: {  	[sflag:s19] =	ssyncadd.s32 $0xFFFFC000;
	s1 =	sor.u32 s7, s1  }
0x30: {  	v5 =	vld [tilespmem:s1+$0x70]  }
0x31: {  	v6 =	vld [tilespmem:s1+$0x0]  }
0x32: {  	v7 =	vld [tilespmem:s1+$0x10]  }
0x33: {  	v8 =	vld [tilespmem:s1+$0x20]  }
0x34: {  	v10 =	vld [tilespmem:s1+$0x30]  }
0x35: {  	v12 =	vld [tilespmem:s1+$0x50]  }
0x36: {  	v11 =	vld [tilespmem:s1+$0x40];
	v5 =	vshrl.u32 v5, $0x14  }
0x37: {  	v6 =	vshrl.u32 v6, $0x14;
	v7 =	vshrl.u32 v7, $0x14;
	v5 =	vand.u32 $0xFF0, v5  }
0x38: {  	v13 =	vld [tilespmem:s1+$0x60];
	v6 =	vand.u32 $0xFF0, v6;
	v14 =	vor.u32 v0, v5;
	v5 =	vand.u32 $0xFF0, v7  }
0x39: {  	v9 =	vor.u32 v0, v6;
	v6 =	vshrl.u32 v8, $0x14;
	v7 =	vor.u32 v0, v5  }
0x3a: {  	v5 =	vand.u32 $0xFF0, v6;
	v6 =	vshrl.u32 v10, $0x14;
	v10 =	vshrl.u32 v12, $0x14  }
0x3b: {  	v8 =	vor.u32 v0, v5;
	v5 =	vand.u32 $0xFF0, v6;
	v6 =	vshrl.u32 v11, $0x14  }
0x3c: {  	s14 =	simm.s32 $0x20;
	v10 =	vand.u32 $0xFF0, v10;
	v6 =	vand.u32 $0xFF0, v6  }
0x3d: {  	s15 =	simm.s32 $0x400;
	s16 =	simm.s32 $0x80;
	s1 =	simm.s32 $0x0;
	v11 =	vshrl.u32 v13, $0x14;
	v5 =	vor.u32 v0, v5;
	v6 =	vor.u32 v0, v6;
	[tilespmem:v14+s20+$0x0] =	vst.idx.add.f32.msk $0xffff, v2  }
.LBB2_5:
0x3e: {  	s6 =	sand.u32 $0x3000, s16;
	s7 =	sand.u32 $0xC00, s15;
	s1 =	sadd.s32 $0x8, s1;
	[tilespmem:v9+s20+$0x0] =	vst.idx.add.f32.msk $0xffff, v2;
	v10 =	vor.u32 v0, v10;
	v9 =	vand.u32 $0xFF0, v11  }
0x3f: {  	s17 =	sand.u32 $0x380, s14;
	s6 =	sor.u32 s7, s6;
	p1 =	slt.u32 s1, $0x3F8;
	[tilespmem:v7+s20+$0x0] =	vst.idx.add.f32.msk $0xffff, v2;
	v11 =	vor.u32 v0, v9  }
0x40: {  	s6 =	sor.u32 s17, s6;
	[tilespmem:v8+s20+$0x0] =	vst.idx.add.f32.msk $0xffff, v2  }
0x41: {  	v7 =	vld [tilespmem:s6+$0x70]  }
0x42: {  	v8 =	vld [tilespmem:s6+$0x0]  }
0x43: {  	v9 =	vld [tilespmem:s6+$0x10]  }
0x44: {  	v12 =	vld [tilespmem:s6+$0x20]  }
0x45: {  	v13 =	vld [tilespmem:s6+$0x30]  }
0x46: {  	v14 =	vld [tilespmem:s6+$0x40];
	v7 =	vshrl.u32 v7, $0x14  }
0x47: {  	v8 =	vshrl.u32 v8, $0x14;
	v15 =	vld [tilespmem:s6+$0x50];
	v7 =	vand.u32 $0xFF0, v7  }
0x48: {  	v8 =	vand.u32 $0xFF0, v8;
	v16 =	vshrl.u32 v9, $0x14;
	v17 =	vld [tilespmem:s6+$0x60];
	v18 =	vor.u32 v0, v7  }
.Ltmp1:
0x49: {  	v9 =	vor.u32 v0, v8;
	v7 =	vand.u32 $0xFF0, v16;
	v8 =	vshrl.u32 v12, $0x14;
	[tilespmem:v5+s20+$0x0] =	vst.idx.add.f32.msk $0xffff, v2;
	(pc) =	sbr.rel @p1 .LBB2_5-.Ltmp1, $4  }
0x4a: {  	v7 =	vor.u32 v0, v7;
	v5 =	vand.u32 $0xFF0, v8;
	v12 =	vshrl.u32 v13, $0x14;
	[tilespmem:v6+s20+$0x0] =	vst.idx.add.f32.msk $0xffff, v2  }
0x4b: {  	v8 =	vor.u32 v0, v5;
	v5 =	vand.u32 $0xFF0, v12;
	v6 =	vshrl.u32 v14, $0x14;
	[tilespmem:v10+s20+$0x0] =	vst.idx.add.f32.msk $0xffff, v2  }
0x4c: {  	v5 =	vor.u32 v0, v5;
	v6 =	vand.u32 $0xFF0, v6;
	v10 =	vshrl.u32 v15, $0x14;
	[tilespmem:v11+s20+$0x0] =	vst.idx.add.f32.msk $0xffff, v2  }
0x4d: {  	s14 =	sadd.s32 $0x20, s14;
	s15 =	sadd.s32 $0x400, s15;
	s16 =	sadd.s32 $0x80, s16;
	v6 =	vor.u32 v0, v6;
	v10 =	vand.u32 $0xFF0, v10;
	v11 =	vshrl.u32 v17, $0x14;
	[tilespmem:v18+s20+$0x0] =	vst.idx.add.f32.msk $0xffff, v2  }
0x4e: {  	_ =	sdelay $0x3  }
0x4f: {  	[tilespmem:v9+s20+$0x0] =	vst.idx.add.f32.msk $0xffff, v2;
	v9 =	vor.u32 v0, v10;
	v10 =	vand.u32 $0xFF0, v11  }
0x50: {  	[tilespmem:v7+s20+$0x0] =	vst.idx.add.f32.msk $0xffff, v2;
	s1 =	sshll.u32 s13, $0x6;
	v7 =	vor.u32 v0, v10  }
0x51: {  	[tilespmem:v8+s20+$0x0] =	vst.idx.add.f32.msk $0xffff, v2;
	s6 =	sadd.s32 s1, s8  }
0x52: {  	[tilespmem:v5+s20+$0x0] =	vst.idx.add.f32.msk $0xffff, v2;
	s6 =	sshll.u32 s6, $0x9  }
0x53: {  	[tilespmem:v6+s20+$0x0] =	vst.idx.add.f32.msk $0xffff, v2;
	s6 =	sadd.s32 s5, s6  }
0x54: {  	s6 =	sshrl.u32 s6, $0x3;
	[tilespmem:v9+s20+$0x0] =	vst.idx.add.f32.msk $0xffff, v2  }
0x55: {  	s7 =	simm.s32 $0x0;
	s6 =	sadd.s32 s4, s6;
	[tilespmem:v7+s20+$0x0] =	vst.idx.add.f32.msk $0xffff, v2  }
0x56: {  	[tilespmem:s7], [sflag:$0x1] =	stream.linear.gather [hbm4b:s6+s7], $0x4000, $0x38;
	[tilespmem:$0x113A0] =	vst v63  }
0x57: {  	s29 =	sand.u32 $0x3000, s7;
	s14 =	sand.u32 $0xC00, s7;
	_ =	swait.ge [sflag:s21], $0x4000  }
0x58: {  	s7 =	sand.u32 $0x380, s7;
	s6 =	sor.u32 s14, s29;
	[sflag:s21] =	ssyncset.done $0x0  }
0x59: {  	s6 =	sor.u32 s7, s6;
	[sflag:s21] =	ssyncadd.s32 $0xFFFFC000  }
0x5a: {  	v5 =	vld [tilespmem:s6+$0x4070]  }
0x5b: {  	v6 =	vld [tilespmem:s6+$0x4000]  }
0x5c: {  	v7 =	vld [tilespmem:s6+$0x4010]  }
0x5d: {  	v9 =	vld [tilespmem:s6+$0x4020]  }
0x5e: {  	v10 =	vld [tilespmem:s6+$0x4030]  }
0x5f: {  	v12 =	vld [tilespmem:s6+$0x4050]  }
0x60: {  	v11 =	vld [tilespmem:s6+$0x4040];
	v5 =	vshrl.u32 v5, $0x14  }
0x61: {  	v6 =	vshrl.u32 v6, $0x14;
	v7 =	vshrl.u32 v7, $0x14;
	v5 =	vand.u32 $0xFF0, v5  }
0x62: {  	v13 =	vld [tilespmem:s6+$0x4060];
	v6 =	vand.u32 $0xFF0, v6;
	v14 =	vor.u32 v0, v5;
	v5 =	vand.u32 $0xFF0, v7  }
0x63: {  	v8 =	vor.u32 v0, v6;
	v6 =	vshrl.u32 v9, $0x14;
	v7 =	vor.u32 v0, v5  }
0x64: {  	v5 =	vand.u32 $0xFF0, v6;
	v6 =	vshrl.u32 v10, $0x14;
	v10 =	vshrl.u32 v12, $0x14  }
0x65: {  	v9 =	vor.u32 v0, v5;
	v5 =	vand.u32 $0xFF0, v6;
	v6 =	vshrl.u32 v11, $0x14  }
0x66: {  	s15 =	simm.s32 $0x20;
	v10 =	vand.u32 $0xFF0, v10;
	v6 =	vand.u32 $0xFF0, v6  }
0x67: {  	s16 =	simm.s32 $0x400;
	s17 =	simm.s32 $0x80;
	s14 =	simm.s32 $0x0;
	v11 =	vshrl.u32 v13, $0x14;
	v5 =	vor.u32 v0, v5;
	v6 =	vor.u32 v0, v6;
	[tilespmem:v14+s20+$0x0] =	vst.idx.add.f32.msk $0xffff, v2  }
.LBB2_7:
0x68: {  	s6 =	sand.u32 $0x3000, s17;
	s7 =	sand.u32 $0xC00, s16;
	s14 =	sadd.s32 $0x8, s14;
	[tilespmem:v8+s20+$0x0] =	vst.idx.add.f32.msk $0xffff, v2;
	v10 =	vor.u32 v0, v10;
	v8 =	vand.u32 $0xFF0, v11  }
0x69: {  	s22 =	sand.u32 $0x380, s15;
	s6 =	sor.u32 s7, s6;
	p1 =	slt.u32 s14, $0x3F8;
	[tilespmem:v7+s20+$0x0] =	vst.idx.add.f32.msk $0xffff, v2;
	v11 =	vor.u32 v0, v8  }
0x6a: {  	s6 =	sor.u32 s22, s6;
	[tilespmem:v9+s20+$0x0] =	vst.idx.add.f32.msk $0xffff, v2  }
0x6b: {  	v7 =	vld [tilespmem:s6+$0x4070]  }
0x6c: {  	v8 =	vld [tilespmem:s6+$0x4000]  }
0x6d: {  	v9 =	vld [tilespmem:s6+$0x4010]  }
0x6e: {  	v12 =	vld [tilespmem:s6+$0x4020]  }
0x6f: {  	v13 =	vld [tilespmem:s6+$0x4030]  }
0x70: {  	v14 =	vld [tilespmem:s6+$0x4040];
	v7 =	vshrl.u32 v7, $0x14  }
0x71: {  	v8 =	vshrl.u32 v8, $0x14;
	v15 =	vld [tilespmem:s6+$0x4050];
	v7 =	vand.u32 $0xFF0, v7  }
0x72: {  	v8 =	vand.u32 $0xFF0, v8;
	v9 =	vshrl.u32 v9, $0x14;
	v16 =	vld [tilespmem:s6+$0x4060];
	v17 =	vor.u32 v0, v7  }
.Ltmp2:
0x73: {  	v8 =	vor.u32 v0, v8;
	v7 =	vand.u32 $0xFF0, v9;
	v9 =	vshrl.u32 v12, $0x14;
	[tilespmem:v5+s20+$0x0] =	vst.idx.add.f32.msk $0xffff, v2;
	(pc) =	sbr.rel @p1 .LBB2_7-.Ltmp2, $4  }
0x74: {  	v7 =	vor.u32 v0, v7;
	v5 =	vand.u32 $0xFF0, v9;
	v12 =	vshrl.u32 v13, $0x14;
	[tilespmem:v6+s20+$0x0] =	vst.idx.add.f32.msk $0xffff, v2  }
0x75: {  	v9 =	vor.u32 v0, v5;
	v5 =	vand.u32 $0xFF0, v12;
	v6 =	vshrl.u32 v14, $0x14;
	[tilespmem:v10+s20+$0x0] =	vst.idx.add.f32.msk $0xffff, v2  }
0x76: {  	v5 =	vor.u32 v0, v5;
	v6 =	vand.u32 $0xFF0, v6;
	v10 =	vshrl.u32 v15, $0x14;
	[tilespmem:v11+s20+$0x0] =	vst.idx.add.f32.msk $0xffff, v2  }
0x77: {  	s15 =	sadd.s32 $0x20, s15;
	s16 =	sadd.s32 $0x400, s16;
	s17 =	sadd.s32 $0x80, s17;
	v6 =	vor.u32 v0, v6;
	v10 =	vand.u32 $0xFF0, v10;
	v11 =	vshrl.u32 v16, $0x14;
	[tilespmem:v17+s20+$0x0] =	vst.idx.add.f32.msk $0xffff, v2  }
0x78: {  	_ =	sdelay $0x3  }
0x79: {  	[tilespmem:v8+s20+$0x0] =	vst.idx.add.f32.msk $0xffff, v2;
	v62 =	vor.u32 v0, v10;
	v63 =	vand.u32 $0xFF0, v11  }
0x7a: {  	[tilespmem:v7+s20+$0x0] =	vst.idx.add.f32.msk $0xffff, v2;
	s13 =	sadd.s32 $0x1, s13;
	v7 =	vor.u32 v0, v63  }
0x7b: {  	[tilespmem:v9+s20+$0x0] =	vst.idx.add.f32.msk $0xffff, v2;
	s1 =	sadd.s32 s1, s9;
	p1 =	sne.s32 s13, $0x3  }
.Ltmp3:
0x7c: {  	[tilespmem:v5+s20+$0x0] =	vst.idx.add.f32.msk $0xffff, v2;
	s1 =	sshll.u32 s1, $0x9;
	(pc) =	sbr.rel @p1 .LBB2_4-.Ltmp3, $4  }
0x7d: {  	[tilespmem:v6+s20+$0x0] =	vst.idx.add.f32.msk $0xffff, v2;
	s1 =	sadd.s32 s5, s1  }
0x7e: {  	s1 =	sshrl.u32 s1, $0x3;
	[tilespmem:v62+s20+$0x0] =	vst.idx.add.f32.msk $0xffff, v2  }
0x7f: {  	s1 =	sadd.s32 s4, s1;
	[tilespmem:v7+s20+$0x0] =	vst.idx.add.f32.msk $0xffff, v2  }
0x80: {  	[tilespmem:s18], [sflag:$0x2] =	stream.linear.gather [hbm4b:s1+s3], $0x4000, $0x38;
	[tilespmem:$0x113A0] =	vst v63  }
0x81: {  	s1 =	simm.s32 $0x0  }
0x82: {  	_ =	swait.ge [sflag:s19], $0x4000;
	s2 =	sand.u32 $0x3000, s1;
	s6 =	sand.u32 $0xC00, s1  }
0x83: {  	[sflag:s19] =	ssyncset.done $0x0;
	s1 =	sand.u32 $0x380, s1;
	s2 =	sor.u32 s6, s2  }
0x84: {  	[sflag:s19] =	ssyncadd.s32 $0xFFFFC000;
	s1 =	sor.u32 s1, s2  }
0x85: {  	v5 =	vld [tilespmem:s1+$0x70]  }
0x86: {  	v6 =	vld [tilespmem:s1+$0x0]  }
0x87: {  	v7 =	vld [tilespmem:s1+$0x10]  }
0x88: {  	v9 =	vld [tilespmem:s1+$0x20]  }
0x89: {  	v10 =	vld [tilespmem:s1+$0x30]  }
0x8a: {  	v12 =	vld [tilespmem:s1+$0x50]  }
0x8b: {  	v11 =	vld [tilespmem:s1+$0x40];
	v5 =	vshrl.u32 v5, $0x14  }
0x8c: {  	v6 =	vshrl.u32 v6, $0x14;
	v7 =	vshrl.u32 v7, $0x14;
	v5 =	vand.u32 $0xFF0, v5  }
0x8d: {  	v13 =	vld [tilespmem:s1+$0x60];
	v6 =	vand.u32 $0xFF0, v6;
	v14 =	vor.u32 v0, v5;
	v5 =	vand.u32 $0xFF0, v7  }
0x8e: {  	v8 =	vor.u32 v0, v6;
	v6 =	vshrl.u32 v9, $0x14;
	v7 =	vor.u32 v0, v5  }
0x8f: {  	v5 =	vand.u32 $0xFF0, v6;
	v6 =	vshrl.u32 v10, $0x14;
	v10 =	vshrl.u32 v12, $0x14  }
0x90: {  	v9 =	vor.u32 v0, v5;
	v5 =	vand.u32 $0xFF0, v6;
	v6 =	vshrl.u32 v11, $0x14  }
0x91: {  	s13 =	simm.s32 $0x400;
	v10 =	vand.u32 $0xFF0, v10;
	v6 =	vand.u32 $0xFF0, v6  }
0x92: {  	s14 =	simm.s32 $0x80;
	s2 =	simm.s32 $0x20;
	s1 =	simm.s32 $0x0;
	v11 =	vshrl.u32 v13, $0x14;
	v5 =	vor.u32 v0, v5;
	v6 =	vor.u32 v0, v6;
	[tilespmem:v14+s20+$0x0] =	vst.idx.add.f32.msk $0xffff, v2  }
.LBB2_10:
0x93: {  	s6 =	sand.u32 $0x3000, s14;
	s7 =	sand.u32 $0xC00, s13;
	s1 =	sadd.s32 $0x8, s1;
	[tilespmem:v8+s20+$0x0] =	vst.idx.add.f32.msk $0xffff, v2;
	v10 =	vor.u32 v0, v10;
	v8 =	vand.u32 $0xFF0, v11  }
0x94: {  	s15 =	sand.u32 $0x380, s2;
	s6 =	sor.u32 s7, s6;
	p1 =	slt.u32 s1, $0x3F8;
	[tilespmem:v7+s20+$0x0] =	vst.idx.add.f32.msk $0xffff, v2;
	v11 =	vor.u32 v0, v8  }
0x95: {  	s6 =	sor.u32 s15, s6;
	[tilespmem:v9+s20+$0x0] =	vst.idx.add.f32.msk $0xffff, v2  }
0x96: {  	v7 =	vld [tilespmem:s6+$0x70]  }
0x97: {  	v8 =	vld [tilespmem:s6+$0x0]  }
0x98: {  	v9 =	vld [tilespmem:s6+$0x10]  }
0x99: {  	v12 =	vld [tilespmem:s6+$0x20]  }
0x9a: {  	v13 =	vld [tilespmem:s6+$0x30]  }
0x9b: {  	v14 =	vld [tilespmem:s6+$0x40];
	v7 =	vshrl.u32 v7, $0x14  }
0x9c: {  	v8 =	vshrl.u32 v8, $0x14;
	v15 =	vld [tilespmem:s6+$0x50];
	v7 =	vand.u32 $0xFF0, v7  }
0x9d: {  	v8 =	vand.u32 $0xFF0, v8;
	v9 =	vshrl.u32 v9, $0x14;
	v16 =	vld [tilespmem:s6+$0x60];
	v17 =	vor.u32 v0, v7  }
.Ltmp4:
0x9e: {  	v8 =	vor.u32 v0, v8;
	v7 =	vand.u32 $0xFF0, v9;
	v9 =	vshrl.u32 v12, $0x14;
	[tilespmem:v5+s20+$0x0] =	vst.idx.add.f32.msk $0xffff, v2;
	(pc) =	sbr.rel @p1 .LBB2_10-.Ltmp4, $4  }
0x9f: {  	v7 =	vor.u32 v0, v7;
	v5 =	vand.u32 $0xFF0, v9;
	v12 =	vshrl.u32 v13, $0x14;
	[tilespmem:v6+s20+$0x0] =	vst.idx.add.f32.msk $0xffff, v2  }
0xa0: {  	v9 =	vor.u32 v0, v5;
	v5 =	vand.u32 $0xFF0, v12;
	v6 =	vshrl.u32 v14, $0x14;
	[tilespmem:v10+s20+$0x0] =	vst.idx.add.f32.msk $0xffff, v2  }
0xa1: {  	v5 =	vor.u32 v0, v5;
	v6 =	vand.u32 $0xFF0, v6;
	v10 =	vshrl.u32 v15, $0x14;
	[tilespmem:v11+s20+$0x0] =	vst.idx.add.f32.msk $0xffff, v2  }
0xa2: {  	s2 =	sadd.s32 $0x20, s2;
	s13 =	sadd.s32 $0x400, s13;
	s14 =	sadd.s32 $0x80, s14;
	v6 =	vor.u32 v0, v6;
	v10 =	vand.u32 $0xFF0, v10;
	v11 =	vshrl.u32 v16, $0x14;
	[tilespmem:v17+s20+$0x0] =	vst.idx.add.f32.msk $0xffff, v2  }
0xa3: {  	_ =	sdelay $0x3  }
0xa4: {  	[tilespmem:v8+s20+$0x0] =	vst.idx.add.f32.msk $0xffff, v2;
	v8 =	vor.u32 v0, v10;
	v10 =	vand.u32 $0xFF0, v11  }
0xa5: {  	[tilespmem:v7+s20+$0x0] =	vst.idx.add.f32.msk $0xffff, v2;
	v7 =	vor.u32 v0, v10  }
0xa6: {  	[tilespmem:v9+s20+$0x0] =	vst.idx.add.f32.msk $0xffff, v2  }
0xa7: {  	[tilespmem:v5+s20+$0x0] =	vst.idx.add.f32.msk $0xffff, v2  }
0xa8: {  	[tilespmem:v6+s20+$0x0] =	vst.idx.add.f32.msk $0xffff, v2  }
0xa9: {  	[tilespmem:v8+s20+$0x0] =	vst.idx.add.f32.msk $0xffff, v2  }
0xaa: {  	s1 =	simm.s32 $0x0;
	[tilespmem:v7+s20+$0x0] =	vst.idx.add.f32.msk $0xffff, v2  }
0xab: {  	s2 =	sand.u32 $0x3000, s1;
	s6 =	sand.u32 $0xC00, s1;
	_ =	swait.ge [sflag:s21], $0x4000  }
0xac: {  	s1 =	sand.u32 $0x380, s1;
	s2 =	sor.u32 s6, s2;
	[sflag:s21] =	ssyncset.done $0x0  }
0xad: {  	s1 =	sor.u32 s1, s2;
	[sflag:s21] =	ssyncadd.s32 $0xFFFFC000  }
0xae: {  	v5 =	vld [tilespmem:s1+$0x4070]  }
0xaf: {  	v6 =	vld [tilespmem:s1+$0x4000]  }
0xb0: {  	v7 =	vld [tilespmem:s1+$0x4010]  }
0xb1: {  	v9 =	vld [tilespmem:s1+$0x4020]  }
0xb2: {  	v10 =	vld [tilespmem:s1+$0x4030]  }
0xb3: {  	v12 =	vld [tilespmem:s1+$0x4050]  }
0xb4: {  	v11 =	vld [tilespmem:s1+$0x4040];
	v5 =	vshrl.u32 v5, $0x14  }
0xb5: {  	v6 =	vshrl.u32 v6, $0x14;
	v7 =	vshrl.u32 v7, $0x14;
	v5 =	vand.u32 $0xFF0, v5  }
0xb6: {  	v13 =	vld [tilespmem:s1+$0x4060];
	v6 =	vand.u32 $0xFF0, v6;
	v14 =	vor.u32 v0, v5;
	v5 =	vand.u32 $0xFF0, v7  }
0xb7: {  	v8 =	vor.u32 v0, v6;
	v6 =	vshrl.u32 v9, $0x14;
	v7 =	vor.u32 v0, v5  }
0xb8: {  	v5 =	vand.u32 $0xFF0, v6;
	v6 =	vshrl.u32 v10, $0x14;
	v10 =	vshrl.u32 v12, $0x14  }
0xb9: {  	v9 =	vor.u32 v0, v5;
	v5 =	vand.u32 $0xFF0, v6;
	v6 =	vshrl.u32 v11, $0x14  }
0xba: {  	s13 =	simm.s32 $0x400;
	v10 =	vand.u32 $0xFF0, v10;
	v6 =	vand.u32 $0xFF0, v6  }
0xbb: {  	s14 =	simm.s32 $0x80;
	s2 =	simm.s32 $0x20;
	s1 =	simm.s32 $0x0;
	v11 =	vshrl.u32 v13, $0x14;
	v5 =	vor.u32 v0, v5;
	v6 =	vor.u32 v0, v6;
	[tilespmem:v14+s20+$0x0] =	vst.idx.add.f32.msk $0xffff, v2  }
.LBB2_12:
0xbc: {  	s6 =	sand.u32 $0x3000, s14;
	s7 =	sand.u32 $0xC00, s13;
	s1 =	sadd.s32 $0x8, s1;
	[tilespmem:v8+s20+$0x0] =	vst.idx.add.f32.msk $0xffff, v2;
	v10 =	vor.u32 v0, v10;
	v8 =	vand.u32 $0xFF0, v11  }
0xbd: {  	s15 =	sand.u32 $0x380, s2;
	s6 =	sor.u32 s7, s6;
	p1 =	slt.u32 s1, $0x3F8;
	[tilespmem:v7+s20+$0x0] =	vst.idx.add.f32.msk $0xffff, v2;
	v11 =	vor.u32 v0, v8  }
0xbe: {  	s6 =	sor.u32 s15, s6;
	[tilespmem:v9+s20+$0x0] =	vst.idx.add.f32.msk $0xffff, v2  }
0xbf: {  	v7 =	vld [tilespmem:s6+$0x4070]  }
0xc0: {  	v8 =	vld [tilespmem:s6+$0x4000]  }
0xc1: {  	v9 =	vld [tilespmem:s6+$0x4010]  }
0xc2: {  	v12 =	vld [tilespmem:s6+$0x4020]  }
0xc3: {  	v13 =	vld [tilespmem:s6+$0x4030]  }
0xc4: {  	v14 =	vld [tilespmem:s6+$0x4040];
	v7 =	vshrl.u32 v7, $0x14  }
0xc5: {  	v8 =	vshrl.u32 v8, $0x14;
	v15 =	vld [tilespmem:s6+$0x4050];
	v7 =	vand.u32 $0xFF0, v7  }
0xc6: {  	v8 =	vand.u32 $0xFF0, v8;
	v9 =	vshrl.u32 v9, $0x14;
	v16 =	vld [tilespmem:s6+$0x4060];
	v17 =	vor.u32 v0, v7  }
.Ltmp5:
0xc7: {  	v8 =	vor.u32 v0, v8;
	v7 =	vand.u32 $0xFF0, v9;
	v9 =	vshrl.u32 v12, $0x14;
	[tilespmem:v5+s20+$0x0] =	vst.idx.add.f32.msk $0xffff, v2;
	(pc) =	sbr.rel @p1 .LBB2_12-.Ltmp5, $4  }
0xc8: {  	v7 =	vor.u32 v0, v7;
	v5 =	vand.u32 $0xFF0, v9;
	v12 =	vshrl.u32 v13, $0x14;
	[tilespmem:v6+s20+$0x0] =	vst.idx.add.f32.msk $0xffff, v2  }
0xc9: {  	v9 =	vor.u32 v0, v5;
	v5 =	vand.u32 $0xFF0, v12;
	v6 =	vshrl.u32 v14, $0x14;
	[tilespmem:v10+s20+$0x0] =	vst.idx.add.f32.msk $0xffff, v2  }
0xca: {  	v5 =	vor.u32 v0, v5;
	v6 =	vand.u32 $0xFF0, v6;
	v10 =	vshrl.u32 v15, $0x14;
	[tilespmem:v11+s20+$0x0] =	vst.idx.add.f32.msk $0xffff, v2  }
0xcb: {  	s2 =	sadd.s32 $0x20, s2;
	s13 =	sadd.s32 $0x400, s13;
	s14 =	sadd.s32 $0x80, s14;
	v6 =	vor.u32 v0, v6;
	v10 =	vand.u32 $0xFF0, v10;
	v11 =	vshrl.u32 v16, $0x14;
	[tilespmem:v17+s20+$0x0] =	vst.idx.add.f32.msk $0xffff, v2  }
0xcc: {  	_ =	sdelay $0x3  }
0xcd: {  	[tilespmem:v8+s20+$0x0] =	vst.idx.add.f32.msk $0xffff, v2;
	v62 =	vor.u32 v0, v10;
	v63 =	vand.u32 $0xFF0, v11  }
0xce: {  	[tilespmem:v7+s20+$0x0] =	vst.idx.add.f32.msk $0xffff, v2;
	v7 =	vor.u32 v0, v63  }
0xcf: {  	[tilespmem:v9+s20+$0x0] =	vst.idx.add.f32.msk $0xffff, v2  }
0xd0: {  	[tilespmem:v5+s20+$0x0] =	vst.idx.add.f32.msk $0xffff, v2  }
0xd1: {  	[tilespmem:v6+s20+$0x0] =	vst.idx.add.f32.msk $0xffff, v2  }
0xd2: {  	[tilespmem:v62+s20+$0x0] =	vst.idx.add.f32.msk $0xffff, v2  }
0xd3: {  	[tilespmem:v7+s20+$0x0] =	vst.idx.add.f32.msk $0xffff, v2  }
0xd4: {  	s1 =	simm.s32 $0x80;
	s2 =	simm.s32 $0x400;
	s0 =	rddreg [dreg:$0x8]  }
0xd5: {  	[spmem:s0] =	stream.strided.scatter [tilespmem:s20], [sflag:$0x3], $0x1000, s2, s1, $0x38;
	[tilespmem:$0x113A0] =	vst v63  }
0xd6: {  	_ =	swait.ge [sflag:s11], $0x1000  }
0xd7: {  	[sflag:s11] =	ssyncset.done $0x0  }
0xd8: {  	[sflag:s11] =	ssyncadd.s32 $0xFFFFF000  }
0xd9: {  	[bflag:$0x0] =	sbarrier.arrive $0xFFFF  }
0xda: {  	s28 =	simm.s32 $0x800;
	s29 =	simm.s32 $0xE000;
	s26 =	rddreg [dreg:$0x9]  }
0xdb: {  	[tilespmem:s29], [sflag:$0x3] =	stream.strided.gather [spmem:s26], $0x1000, s20, s28, $0x38;
	[tilespmem:$0x113A0] =	vst v63  }
0xdc: {  	_ =	swait.ge [sflag:s11], $0x1000  }
0xdd: {  	[sflag:s11] =	ssyncset.done $0x0  }
0xde: {  	s1 =	simm.s32 $0xF020;
	[sflag:s11] =	ssyncadd.s32 $0xFFFFF000  }
0xdf: {  	[tilespmem:s1+$0xFFFFFFE0] =	vst v1  }
0xe0: {  	[tilespmem:s1+$0x10] =	vst v1  }
0xe1: {  	s2 =	simm.s32 $0x0;
	[tilespmem:s1+$0x0] =	vst v1  }
.LBB2_14:
0xe2: {  	s2 =	sadd.s32 $0x4, s2  }
0xe3: {  	[tilespmem:s1+$0xFFFFFFF0] =	vst v1;
	s1 =	sadd.s32 $0x40, s1;
	p1 =	slt.u32 s2, $0xC  }
.Ltmp6:
0xe4: {  	[tilespmem:s1+$0xFFFFFFE0] =	vst v1;
	(pc) =	sbr.rel @p1 .LBB2_14-.Ltmp6, $3  }
0xe5: {  	_ =	sdelay $0x1  }
0xe6: {  	[tilespmem:s1+$0x10] =	vst v1  }
0xe7: {  	[tilespmem:s1+$0x0] =	vst v1  }
0xe8: {  	[tilespmem:s1+$0xFFFFFFF0] =	vst v1;
	s1 =	simm.s32 $0x0;
	s2 =	simm.s32 $0x0  }
.LBB2_16:
0xe9: {  	s6 =	sshll.u32 s2, $0x8;
	s7 =	sshll.u32 s2, $0x7  }
0xea: {  	s24 =	sand.u32 $0x40, s1;
	s15 =	sand.u32 $0x80, s1;
	s16 =	sand.u32 $0x400, s1  }
0xeb: {  	s6 =	sand.u32 $0x800, s6;
	s13 =	sand.u32 $0x380, s7;
	s7 =	simm.s32 $0xF000  }
0xec: {  	s17 =	sor.u32 $0xF000, s15;
	s0 =	sor.u32 $0x30, s24;
	s14 =	sor.u32 $0xE000, s6  }
0xed: {  	v7 =	vld [tilespmem:s7+$0x0];
	s25 =	sor.u32 s0, s17;
	s6 =	sor.u32 $0x20, s24;
	s26 =	sadd.s32 s16, s14  }
0xee: {  	v6 =	vld [tilespmem:s25+$0x0];
	s22 =	sadd.s32 s13, s26;
	s26 =	sor.u32 s6, s17  }
0xef: {  	s15 =	sadd.s32 s0, s22;
	v13 =	vld [tilespmem:s26+$0x0]  }
0xf0: {  	s10 =	sor.u32 $0x10, s24;
	s23 =	sadd.s32 s24, s22;
	v8 =	vld [tilespmem:s15+$0x0]  }
0xf1: {  	s11 =	simm.s32 $0x40;
	s16 =	simm.s32 $0xF040;
	s28 =	sadd.s32 s10, s22;
	v9 =	vld [tilespmem:s23+$0x0]  }
0xf2: {  	s22 =	sadd.s32 s6, s22;
	s15 =	sor.u32 s10, s17;
	v10 =	vld [tilespmem:s28+$0x0];
	s17 =	simm.s32 $0x200  }
0xf3: {  	s6 =	sand.u32 $0x80, s11;
	v11 =	vld [tilespmem:s22+$0x0];
	s28 =	sand.u32 $0x40, s11;
	s12 =	sand.u32 $0x400, s17  }
0xf4: {  	s29 =	sor.u32 $0xF000, s6;
	v12 =	vld [tilespmem:s15+$0x0];
	s10 =	sor.u32 $0x30, s28;
	s23 =	sadd.s32 s12, s14  }
0xf5: {  	v5 =	vld [tilespmem:s16+$0x0];
	s6 =	sadd.s32 s13, s23;
	s23 =	sor.u32 s10, s29  }
0xf6: {  	s22 =	simm.s32 $0x4;
	s10 =	sadd.s32 s10, s6;
	v14 =	vadd.f32 v8, v6;
	v6 =	vld [tilespmem:s23+$0x0]  }
0xf7: {  	s11 =	sor.u32 $0x10, s28;
	s0 =	sor.u32 $0x20, s28;
	s12 =	sadd.s32 s28, s6;
	v7 =	vadd.f32 v9, v7;
	v8 =	vld [tilespmem:s10+$0x0]  }
0xf8: {  	s28 =	sor.u32 s11, s29;
	s24 =	sadd.s32 s11, s6;
	s6 =	sadd.s32 s0, s6;
	v9 =	vld [tilespmem:s12+$0x0];
	[tilespmem:s25+$0x0] =	vst v14  }
0xf9: {  	v11 =	vadd.f32 v11, v13;
	v10 =	vadd.f32 v10, v12;
	[tilespmem:s7+$0x0] =	vst v7;
	s25 =	sor.u32 s0, s29;
	v7 =	vld [tilespmem:s24+$0x0];
	s29 =	simm.s32 $0x80;
	s7 =	simm.s32 $0xF080  }
.LBB2_17:
0xfa: {  	s0 =	sand.u32 $0x40, s29;
	s10 =	sand.u32 $0x80, s29  }
0xfb: {  	v12 =	vld [tilespmem:s6+$0x0];
	s17 =	sadd.s32 $0x200, s17;
	[tilespmem:s15+$0x0] =	vst v10;
	s15 =	smov.u32 s28;
	s22 =	sadd.s32 $0x4, s22  }
0xfc: {  	s6 =	sand.u32 $0x400, s17;
	s10 =	sor.u32 $0xF000, s10;
	v10 =	vld [tilespmem:s15+$0x0];
	[tilespmem:s26+$0x0] =	vst v11;
	s11 =	sor.u32 $0x30, s0  }
0xfd: {  	p1 =	slt.u32 s22, $0xC;
	s12 =	sor.u32 $0x10, s0;
	s6 =	sadd.s32 s6, s14;
	v11 =	vld [tilespmem:s25+$0x0];
	v8 =	vadd.f32 v8, v6  }
.Ltmp7:
0xfe: {  	s26 =	sor.u32 s11, s10;
	s6 =	sadd.s32 s13, s6;
	v9 =	vadd.f32 v9, v5;
	v5 =	vld [tilespmem:s7+$0x0];
	(pc) =	sbr.rel @p1 .LBB2_17-.Ltmp7, $4  }
0xff: {  	s24 =	sadd.s32 s0, s6;
	s0 =	sor.u32 $0x20, s0;
	v6 =	vld [tilespmem:s26+$0x0];
	s11 =	sadd.s32 s11, s6;
	[tilespmem:s23+$0x0] =	vst v8  }
0x100: {  	s28 =	sor.u32 s12, s10;
	s12 =	sadd.s32 s12, s6;
	s6 =	sadd.s32 s0, s6;
	v8 =	vld [tilespmem:s11+$0x0];
	[tilespmem:s16+$0x0] =	vst v9  }
0x101: {  	s23 =	smov.u32 s26;
	s26 =	smov.u32 s25;
	s25 =	sor.u32 s0, s10;
	v9 =	vld [tilespmem:s24+$0x0];
	v10 =	vadd.f32 v7, v10  }
0x102: {  	s29 =	sadd.s32 $0x40, s29;
	s16 =	smov.u32 s7;
	s7 =	sadd.s32 $0x40, s7;
	v7 =	vld [tilespmem:s12+$0x0];
	v11 =	vadd.f32 v12, v11  }
0x103: {  	v12 =	vld [tilespmem:s6+$0x0]  }
0x104: {  	v13 =	vld [tilespmem:s28+$0x0]  }
0x105: {  	v14 =	vld [tilespmem:s25+$0x0]  }
0x106: {  	s2 =	sadd.s32 $0x1, s2  }
0x107: {  	[tilespmem:s15+$0x0] =	vst v10;
	p1 =	sne.s32 s2, $0x10;
	v6 =	vadd.f32 v8, v6  }
.Ltmp8:
0x108: {  	[tilespmem:s26+$0x0] =	vst v11;
	v5 =	vadd.f32 v9, v5;
	(pc) =	sbr.rel @p1 .LBB2_16-.Ltmp8, $4  }
0x109: {  	[tilespmem:s23+$0x0] =	vst v6;
	v6 =	vadd.f32 v7, v13  }
0x10a: {  	[tilespmem:s16+$0x0] =	vst v5;
	v5 =	vadd.f32 v12, v14  }
0x10b: {  	[tilespmem:s28+$0x0] =	vst v6  }
0x10c: {  	[tilespmem:s25+$0x0] =	vst v5  }
0x10d: {  	s0 =	simm.s32 $0xF000  }
0x10e: {  	v5 =	vld [tilespmem:s0+$0x0];
	_ =	sdelay $0x4  }
0x10f: {  	(xrf2) =	vadd.scan.msk.f32 $0xffff, v5;
	_ =	sdelay $0x1  }
0x110: {  	s26 =	simm.s32 $0xF010  }
0x111: {  	v5 =	vld [tilespmem:s26+$0x0]  }
0x112: {  	s28 =	simm.s32 $0xF020  }
0x113: {  	v7 =	vld [tilespmem:s28+$0x0];
	_ =	sdelay $0x2  }
0x114: {  	(xrf2) =	vadd.scan.msk.f32 $0xffff, v5;
	_ =	sdelay $0x1  }
0x115: {  	v6, _, _ =	vpop (xrf2);
	(xrf2) =	vadd.scan.msk.f32 $0xffff, v7;
	_ =	sdelay $0x1  }
0x116: {  	s29 =	simm.s32 $0x0  }
0x117: {  	s1 =	simm.s32 $0x1;
	v8 =	vmov s29;
	v6 =	vbroadcast v6, $0xF  }
0x118: {  	s2 =	simm.s32 $0x2;
	s6 =	simm.s32 $0x3;
	s7 =	simm.s32 $0xF030;
	vm0 =	veq.s32 v8, v0;
	v5 =	vimm.f32 $0.0e+00  }
.LBB2_20:
0x119: {  	v7 =	vld [tilespmem:s7+$0x0];
	p1 =	sne.s32 s6, $0xF;
	v5 =	vsel vm0, v6, v5;
	s0 =	smov.u32 s6;
	s6 =	sadd.s32 $0x1, s6  }
.Ltmp9:
0x11a: {  	(pc) =	sbr.rel @p1 .LBB2_20-.Ltmp9, $4  }
0x11b: {  	_ = 	snop  }
0x11c: {  	v6, _, _ =	vpop (xrf2)  }
0x11d: {  	v8 =	vmov s1;
	s1 =	smov.u32 s2;
	s2 =	smov.u32 s0;
	v6 =	vbroadcast v6, $0xF  }
0x11e: {  	s7 =	sadd.s32 $0x10, s7;
	vm0 =	veq.s32 v8, v0;
	(xrf2) =	vadd.scan.msk.f32 $0xffff, v7  }
0x11f: {  	_ =	sdelay $0x7  }
0x120: {  	v7, _, _ =	vpop (xrf2)  }
0x121: {  	v5 =	vsel vm0, v6, v5;
	v6 =	vmov s1;
	v7 =	vbroadcast v7, $0xF;
	v8, _, _ =	vpop (xrf2)  }
0x122: {  	vm0 =	veq.s32 v6, v0;
	v6 =	vmov s2;
	v8 =	vbroadcast v8, $0xF  }
0x123: {  	v5 =	vsel vm0, v7, v5;
	vm0 =	veq.s32 v6, v0  }
0x124: {  	v5 =	vsel vm0, v8, v5  }
0x125: {  	s0 =	rddreg [dreg:$0xa];
	s24 =	simm.s32 $0xF100;
	s10 =	simm.s32 $0x3;
	[tilespmem:$0xF100] =	vst v5  }
0x126: {  	[spmem:s0] =	stream.linear.scatter [tilespmem:s24], [sflag:$0x3], $0x10, $0x38;
	[tilespmem:$0x113A0] =	vst v63  }
0x127: {  	_ =	swait.ge [sflag:s10], $0x10  }
0x128: {  	[sflag:s10] =	ssyncset.done $0x0  }
0x129: {  	[sflag:s10] =	ssyncadd.s32 $0xFFFFFFF0  }
0x12a: {  	[bflag:$0x0] =	sbarrier.arrive $0xFFFF  }
0x12b: {  	s26 =	simm.s32 $0xF180;
	s25 =	rddreg [dreg:$0x2]  }
0x12c: {  	[tilespmem:s26], [sflag:$0x3] =	stream.linear.gather [spmem:s25], $0x100, $0x38;
	[tilespmem:$0x113A0] =	vst v63  }
0x12d: {  	_ =	swait.ge [sflag:s10], $0x100  }
0x12e: {  	[sflag:s10] =	ssyncset.done $0x0  }
0x12f: {  	s28 =	simm.s32 $0xF270;
	[sflag:s10] =	ssyncadd.s32 $0xFFFFFF00  }
0x130: {  	v5 =	vld [tilespmem:s28+$0x0];
	_ =	sdelay $0x4  }
0x131: {  	v6 =	vperm.xlane v5, v3  }
0x132: {  	(xrf2) =	vadd.scan.msk.f32 $0xffff, v5  }
0x133: {  	(xrf2) =	vadd.scan.msk.f32 $0xffff, v6;
	_ =	sdelay $0x6  }
0x134: {  	s1 =	simm.s32 $0xF260  }
0x135: {  	v9 =	vld [tilespmem:s1+$0x0]  }
0x136: {  	v5, _, _ =	vpop (xrf2)  }
0x137: {  	v8 =	vimm.f32 $0.0e+00;
	v10, _, _ =	vpop (xrf2)  }
0x138: {  	v11 =	vadd.f32 v10, v8  }
0x139: {  	v7 =	vimm.f32 $2.097150000e+05  }
0x13a: {  	vm1 =	vmneg vm10;
	(xrf2) =	vadd.scan.msk.f32 $0xffff, v9;
	vm0 =	vge.f32 v11, v7  }
0x13b: {  	v9 =	vperm.xlane v9, v3;
	vm0 =	vmand vm0, vm1  }
0x13c: {  	v12 =	vmctz.xlane vm0  }
0x13d: {  	(xrf2) =	vadd.scan.msk.f32 $0xffff, v9  }
0x13e: {  	s29 =	simm.s32 $0xF0;
	v5 =	vbroadcast v5, $0xF;
	vm0 =	veq.s32 v12, v0  }
0x13f: {  	v11 =	vmov s29;
	v10 =	vnsel vm0, $0x0, v10  }
0x140: {  	v5 =	vadd.f32 v5, v8;
	v11 =	vadd.s32 $0xF, v11;
	(xrf2) =	vadd.scan.msk.f32 $0xffff, v10  }
0x141: {  	v11 =	vbroadcast v11, $0x0  }
0x142: {  	vm2 =	vge.f32 v5, v7;
	v63 =	vnsel vm0, $0x0, v6  }
0x143: {  	v13 =	vimm.s32 $0x0;
	vm3 =	vmand vm2, vm1;
	v11 =	vsub.s32 v11, v12;
	(xrf2) =	vadd.scan.msk.f32 $0xffff, v63  }
0x144: {  	s13 =	simm.s32 $0xD0;
	s2 =	simm.s32 $0xE0;
	vm2 =	vmor vm10, vm2;
	v6 =	vsel vm3, v11, v13;
	v10, _, _ =	vpop (xrf2)  }
.LBB2_22:
0x145: {  	_ =	sdelay $0x1  }
0x146: {  	p1 =	sne.s32 s13, $0x0;
	s0 =	smov.u32 s13;
	s13 =	sadd.s32 $0xFFFFFFF0, s13;
	v11, _, _ =	vpop (xrf2)  }
0x147: {  	_ =	sdelay $0x1  }
0x148: {  	v12, _, _ =	vpop (xrf2)  }
0x149: {  	v12 =	vbroadcast v12, $0xF  }
0x14a: {  	v10 =	vbroadcast v10, $0xF  }
0x14b: {  	v12 =	vadd.f32 v12, v8;
	v13, _, _ =	vpop (xrf2);
	v8 =	vmov v5  }
0x14c: {  	v5 =	vadd.f32 v10, v5;
	v10 =	vbroadcast v13, $0xF  }
0x14d: {  	s1 =	sadd.s32 $0xFFFFFFF0, s1;
	v13 =	vadd.f32 v11, v8  }
0x14e: {  	v14 =	vld [tilespmem:s1+$0x0];
	v10 =	vsub.f32 v12, v10;
	_ =	sdelay $0x1  }
0x14f: {  	v10 =	vsub.f32 v7, v10;
	_ =	sdelay $0x1  }
0x150: {  	vm0 =	vmneg vm2;
	v12 =	vmov s2;
	s2 =	smov.u32 s0;
	v7 =	vsel vm3, v10, v7  }
0x151: {  	v10 =	vperm.xlane v14, v3;
	(xrf2) =	vadd.scan.msk.f32 $0xffff, v14;
	vm3 =	vge.f32 v5, v7;
	vm4 =	vge.f32 v13, v7  }
0x152: {  	v12 =	vadd.s32 $0xF, v12;
	vm4 =	vmand vm4, vm0;
	vm2 =	vmor vm2, vm3  }
0x153: {  	v12 =	vbroadcast v12, $0x0;
	v13 =	vmctz.xlane vm4  }
0x154: {  	(xrf2) =	vadd.scan.msk.f32 $0xffff, v10  }
0x155: {  	vm3 =	vmand vm3, vm0;
	vm4 =	veq.s32 v13, v0;
	v12 =	vsub.s32 v12, v13  }
0x156: {  	v13 =	vnsel vm4, $0x0, v9;
	v11 =	vnsel vm4, $0x0, v11;
	v6 =	vsel vm3, v12, v6;
	v9 =	vmovc v10  }
.Ltmp10:
0x157: {  	(xrf2) =	vadd.scan.msk.f32 $0xffff, v11;
	(pc) =	sbr.rel @p1 .LBB2_22-.Ltmp10, $3  }
0x158: {  	_ =	sdelay $0x1  }
0x159: {  	(xrf2) =	vadd.scan.msk.f32 $0xffff, v13  }
0x15a: {  	v10, _, _ =	vpop (xrf2)  }
0x15b: {  	_ =	sdelay $0x4  }
0x15c: {  	v11, _, _ =	vpop (xrf2)  }
0x15d: {  	v12, _, _ =	vpop (xrf2)  }
0x15e: {  	v12 =	vbroadcast v12, $0xF  }
0x15f: {  	v13, _, _ =	vpop (xrf2)  }
0x160: {  	v8 =	vadd.f32 v12, v8;
	v58 =	vbroadcast v13, $0xF;
	_ =	sdelay $0x1  }
0x161: {  	v8 =	vsub.f32 v8, v58;
	_ =	sdelay $0x1  }
0x162: {  	v8 =	vsub.f32 v7, v8  }
0x163: {  	v59 =	vadd.f32 v11, v5  }
0x164: {  	v7 =	vsel vm3, v8, v7  }
0x165: {  	vm0 =	vmneg vm2;
	vm2 =	vge.f32 v59, v7  }
0x166: {  	vm2 =	vmand vm2, vm0  }
0x167: {  	v8 =	vmctz.xlane vm2;
	_ =	sdelay $0x1  }
0x168: {  	vm2 =	veq.s32 v8, v0  }
0x169: {  	v11 =	vnsel vm2, $0x0, v11  }
0x16a: {  	(xrf2) =	vadd.scan.msk.f32 $0xffff, v11  }
0x16b: {  	v9 =	vnsel vm2, $0x0, v9  }
0x16c: {  	(xrf2) =	vadd.scan.msk.f32 $0xffff, v9;
	_ =	sdelay $0x7  }
0x16d: {  	v60, _, _ =	vpop (xrf2)  }
0x16e: {  	v9 =	vbroadcast v60, $0xF  }
0x16f: {  	s1 =	simm.s32 $0x8040;
	v61, _, _ =	vpop (xrf2)  }
0x170: {  	v10 =	vbroadcast v10, $0xF;
	[tilespmem:s1+$0xFFFFFFC0] =	vst v1;
	v11 =	vbroadcast v61, $0xF;
	v9 =	vadd.f32 v9, v5  }
0x171: {  	v62 =	vmov s2;
	[tilespmem:s1+$0x30] =	vst v1  }
0x172: {  	v63 =	vadd.s32 $0xF, v62;
	[tilespmem:s1+$0x20] =	vst v1;
	v5 =	vadd.f32 v10, v5;
	v9 =	vsub.f32 v9, v11  }
0x173: {  	[tilespmem:s1+$0x10] =	vst v1;
	v10 =	vbroadcast v63, $0x0  }
0x174: {  	[tilespmem:s1+$0x0] =	vst v1;
	vm2 =	vge.f32 v5, v7;
	v9 =	vsub.f32 v7, v9  }
0x175: {  	[tilespmem:s1+$0xFFFFFFF0] =	vst v1;
	v5 =	vsub.s32 v10, v8;
	vm0 =	vmand vm2, vm0  }
0x176: {  	s2 =	simm.s32 $0x0;
	[tilespmem:s1+$0xFFFFFFE0] =	vst v1;
	v5 =	vsel vm0, v5, v6;
	v6 =	vsel vm0, v9, v7  }
.LBB2_24:
0x177: {  	s2 =	sadd.s32 $0x8, s2;
	[tilespmem:s1+$0xFFFFFFD0] =	vst v1;
	s1 =	sadd.s32 $0x80, s1  }
0x178: {  	[tilespmem:s1+$0xFFFFFFC0] =	vst v1;
	p1 =	slt.u32 s2, $0xF8  }
0x179: {  	[tilespmem:s1+$0x30] =	vst v1  }
.Ltmp11:
0x17a: {  	[tilespmem:s1+$0x20] =	vst v1;
	(pc) =	sbr.rel @p1 .LBB2_24-.Ltmp11, $4  }
0x17b: {  	[tilespmem:s1+$0x10] =	vst v1  }
0x17c: {  	[tilespmem:s1+$0x0] =	vst v1  }
0x17d: {  	[tilespmem:s1+$0xFFFFFFF0] =	vst v1  }
0x17e: {  	[tilespmem:s1+$0xFFFFFFE0] =	vst v1  }
0x17f: {  	[tilespmem:s1+$0xFFFFFFD0] =	vst v1  }
0x180: {  	s2 =	simm.s32 $0x0;
	s0 =	rddreg [dreg:$0x6]  }
0x181: {  	[tilespmem:s2], [sflag:$0x1] =	stream.linear.gather [hbm4b:s0+s2], $0x4000, $0x38;
	[tilespmem:$0x113A0] =	vst v63  }
0x182: {  	s13 =	simm.s32 $0x0;
	s29 =	rddreg [dreg:$0x7]  }
0x183: {  	v9 =	vimm.f32 $0.0e+00;
	[tilespmem:s18], [sflag:$0x2] =	stream.linear.gather [hbm4b:s29+s2], $0x4000, $0x38;
	[tilespmem:$0x113A0] =	vst v63  }
.LBB2_26:
0x184: {  	_ =	swait.ge [sflag:s19], $0x4000;
	s0 =	sand.u32 $0x3000, s2;
	s1 =	sand.u32 $0xC00, s2  }
0x185: {  	s6 =	sand.u32 $0x380, s2;
	[sflag:s19] =	ssyncset.done $0x0;
	s0 =	sor.u32 s1, s0  }
0x186: {  	[sflag:s19] =	ssyncadd.s32 $0xFFFFC000;
	s0 =	sor.u32 s6, s0  }
0x187: {  	v8 =	vld [tilespmem:s0+$0x0];
	_ =	sdelay $0x1  }
0x188: {  	v10 =	vld [tilespmem:s0+$0x10];
	_ =	sdelay $0x1  }
0x189: {  	v12 =	vld [tilespmem:s0+$0x20]  }
0x18a: {  	v11 =	vshrl.u32 v8, $0x18  }
0x18b: {  	v14 =	vld [tilespmem:s0+$0x30];
	v7 =	vshrl.u32 v8, $0xC;
	vm0 =	vgt.s32 v11, v5  }
0x18c: {  	vm2 =	veq.s32 v11, v5;
	v11 =	vnsel vm0, $0x0, v8;
	v8 =	vshrl.u32 v10, $0x18  }
0x18d: {  	v18 =	vld [tilespmem:s0+$0x40];
	v13 =	vshrl.u32 v10, $0xC;
	v11 =	vadd.f32 v11, v9;
	vm0 =	vgt.s32 v8, v5  }
0x18e: {  	v9 =	vand.u32 $0xFF0, v13;
	v13 =	vnsel vm0, $0x0, v10;
	v10 =	vshrl.u32 v12, $0x18  }
0x18f: {  	v16 =	vadd.f32 v13, v11;
	vm0 =	vgt.s32 v10, v5  }
0x190: {  	v15 =	vshrl.u32 v12, $0xC;
	v13 =	vshrl.u32 v14, $0x18;
	v12 =	vnsel vm0, $0x0, v12  }
0x191: {  	v20 =	vld [tilespmem:s0+$0x50];
	v11 =	vand.u32 $0xFF0, v15;
	vm0 =	vgt.s32 v13, v5;
	v17 =	vadd.f32 v12, v16  }
0x192: {  	v15 =	vshrl.u32 v14, $0xC;
	v14 =	vnsel vm0, $0x0, v14;
	v16 =	vshrl.u32 v18, $0x18  }
0x193: {  	v19 =	vshrl.u32 v18, $0xC;
	v12 =	vld [tilespmem:s0+$0x60];
	vm0 =	vgt.s32 v16, v5;
	v14 =	vadd.f32 v14, v17  }
0x194: {  	v17 =	vand.u32 $0xFF0, v19;
	v19 =	vnsel vm0, $0x0, v18  }
0x195: {  	v22 =	vadd.f32 v19, v14;
	v14 =	vld [tilespmem:s0+$0x70]  }
0x196: {  	v21 =	vshrl.u32 v20, $0xC;
	v7 =	vand.u32 $0xFF0, v7;
	v18 =	vshrl.u32 v20, $0x18  }
0x197: {  	v15 =	vand.u32 $0xFF0, v15;
	vm0 =	vgt.s32 v18, v5;
	v19 =	vand.u32 $0xFF0, v21  }
0x198: {  	s14 =	simm.s32 $0x20;
	v20 =	vnsel vm0, $0x0, v20;
	v23 =	vshrl.u32 v12, $0xC;
	v21 =	vshrl.u32 v12, $0x18  }
0x199: {  	s15 =	simm.s32 $0x400;
	s16 =	simm.s32 $0x80;
	s1 =	simm.s32 $0x0;
	v20 =	vadd.f32 v20, v22;
	v22 =	vand.u32 $0xFF0, v23;
	vm3 =	vgt.s32 v21, v5  }
.LBB2_27:
0x19a: {  	s0 =	sand.u32 $0x3000, s16;
	s6 =	sand.u32 $0xC00, s15;
	s1 =	sadd.s32 $0x8, s1;
	v12 =	vnsel vm3, $0x0, v12;
	v23 =	vshrl.u32 v14, $0xC;
	v24 =	vshrl.u32 v14, $0x18  }
0x19b: {  	s7 =	sand.u32 $0x380, s14;
	s0 =	sor.u32 s6, s0;
	p1 =	slt.u32 s1, $0x3F8;
	v12 =	vadd.f32 v12, v20;
	v20 =	vand.u32 $0xFF0, v23;
	vm0 =	vgt.s32 v24, v5  }
0x19c: {  	v7 =	vor.u32 v0, v7;
	vm9 =	veq.s32 v8, v5;
	s17 =	sor.u32 s7, s0;
	v8 =	vnsel vm0, $0x0, v14  }
0x19d: {  	v9 =	vor.u32 v0, v9;
	vm8 =	veq.s32 v10, v5;
	v14 =	vld [tilespmem:s17+$0x0];
	v10 =	vadd.f32 v8, v12  }
0x19e: {  	v11 =	vor.u32 v0, v11;
	vm7 =	veq.s32 v13, v5;
	v12 =	vor.u32 v0, v15  }
0x19f: {  	vm6 =	veq.s32 v16, v5;
	v17 =	vor.u32 v0, v17;
	vm5 =	veq.s32 v18, v5;
	v13 =	vld [tilespmem:s17+$0x10]  }
0x1a0: {  	v19 =	vor.u32 v0, v19;
	vm4 =	veq.s32 v21, v5;
	v21 =	vor.u32 v0, v22  }
0x1a1: {  	vm3 =	veq.s32 v24, v5;
	v20 =	vor.u32 v0, v20;
	v15 =	vld [tilespmem:s17+$0x20]  }
0x1a2: {  	v8 =	vshrl.u32 v14, $0xC;
	v16 =	vshrl.u32 v14, $0x18;
	[tilespmem:v7+s20+$0x0] =	vst.idx.add.f32.msk vm2, v2  }
0x1a3: {  	vm2 =	veq.s32 v16, v5;
	v7 =	vand.u32 $0xFF0, v8;
	vm0 =	vgt.s32 v16, v5;
	v16 =	vld [tilespmem:s17+$0x30]  }
0x1a4: {  	v14 =	vnsel vm0, $0x0, v14;
	v18 =	vshrl.u32 v13, $0xC;
	v8 =	vshrl.u32 v13, $0x18;
	[tilespmem:v9+s20+$0x0] =	vst.idx.add.f32.msk vm9, v2  }
0x1a5: {  	v14 =	vadd.f32 v14, v10;
	v9 =	vand.u32 $0xFF0, v18;
	vm0 =	vgt.s32 v8, v5;
	v18 =	vld [tilespmem:s17+$0x40]  }
0x1a6: {  	v13 =	vnsel vm0, $0x0, v13;
	v22 =	vshrl.u32 v15, $0xC;
	v10 =	vshrl.u32 v15, $0x18;
	[tilespmem:v11+s20+$0x0] =	vst.idx.add.f32.msk vm8, v2  }
0x1a7: {  	v14 =	vadd.f32 v13, v14;
	v11 =	vand.u32 $0xFF0, v22;
	vm0 =	vgt.s32 v10, v5;
	v22 =	vld [tilespmem:s17+$0x50]  }
0x1a8: {  	v15 =	vnsel vm0, $0x0, v15;
	v23 =	vshrl.u32 v16, $0xC;
	v13 =	vshrl.u32 v16, $0x18;
	[tilespmem:v12+s20+$0x0] =	vst.idx.add.f32.msk vm7, v2  }
0x1a9: {  	v14 =	vadd.f32 v15, v14;
	v15 =	vand.u32 $0xFF0, v23;
	vm0 =	vgt.s32 v13, v5;
	v12 =	vld [tilespmem:s17+$0x60]  }
0x1aa: {  	v23 =	vnsel vm0, $0x0, v16;
	v24 =	vshrl.u32 v18, $0xC;
	v16 =	vshrl.u32 v18, $0x18;
	[tilespmem:v17+s20+$0x0] =	vst.idx.add.f32.msk vm6, v2  }
.Ltmp12:
0x1ab: {  	v23 =	vadd.f32 v23, v14;
	v17 =	vand.u32 $0xFF0, v24;
	vm0 =	vgt.s32 v16, v5;
	v14 =	vld [tilespmem:s17+$0x70];
	(pc) =	sbr.rel @p1 .LBB2_27-.Ltmp12, $4  }
0x1ac: {  	v24 =	vnsel vm0, $0x0, v18;
	v25 =	vshrl.u32 v22, $0xC;
	v18 =	vshrl.u32 v22, $0x18;
	[tilespmem:v19+s20+$0x0] =	vst.idx.add.f32.msk vm5, v2  }
0x1ad: {  	v23 =	vadd.f32 v24, v23;
	v19 =	vand.u32 $0xFF0, v25;
	vm0 =	vgt.s32 v18, v5;
	[tilespmem:v21+s20+$0x0] =	vst.idx.add.f32.msk vm4, v2  }
0x1ae: {  	v22 =	vnsel vm0, $0x0, v22;
	v24 =	vshrl.u32 v12, $0xC;
	v21 =	vshrl.u32 v12, $0x18;
	[tilespmem:v20+s20+$0x0] =	vst.idx.add.f32.msk vm3, v2  }
0x1af: {  	s14 =	sadd.s32 $0x20, s14;
	s15 =	sadd.s32 $0x400, s15;
	s16 =	sadd.s32 $0x80, s16;
	v20 =	vadd.f32 v22, v23;
	v22 =	vand.u32 $0xFF0, v24;
	vm3 =	vgt.s32 v21, v5  }
0x1b0: {  	v7 =	vor.u32 v0, v7;
	vm0 =	veq.s32 v8, v5  }
0x1b1: {  	v8 =	vor.u32 v0, v9;
	vm4 =	veq.s32 v10, v5  }
0x1b2: {  	v9 =	vor.u32 v0, v11;
	vm5 =	veq.s32 v13, v5  }
0x1b3: {  	v10 =	vor.u32 v0, v15;
	vm6 =	veq.s32 v16, v5  }
0x1b4: {  	v11 =	vshrl.u32 v14, $0xC;
	v13 =	vor.u32 v0, v17;
	vm7 =	veq.s32 v18, v5  }
0x1b5: {  	v15 =	vor.u32 v0, v19;
	[tilespmem:v7+s20+$0x0] =	vst.idx.add.f32.msk vm2, v2;
	v7 =	vshrl.u32 v14, $0x18;
	vm2 =	veq.s32 v21, v5  }
0x1b6: {  	v16 =	vor.u32 v0, v22;
	v11 =	vand.u32 $0xFF0, v11;
	vm8 =	veq.s32 v7, v5;
	[tilespmem:v8+s20+$0x0] =	vst.idx.add.f32.msk vm0, v2  }
0x1b7: {  	s14 =	sshll.u32 s13, $0x6;
	v8 =	vor.u32 v0, v11;
	[tilespmem:v9+s20+$0x0] =	vst.idx.add.f32.msk vm4, v2  }
0x1b8: {  	s0 =	sadd.s32 s14, s8;
	[tilespmem:v10+s20+$0x0] =	vst.idx.add.f32.msk vm5, v2  }
0x1b9: {  	s0 =	sshll.u32 s0, $0x9;
	[tilespmem:v13+s20+$0x0] =	vst.idx.add.f32.msk vm6, v2  }
0x1ba: {  	s0 =	sadd.s32 s5, s0;
	[tilespmem:v15+s20+$0x0] =	vst.idx.add.f32.msk vm7, v2  }
0x1bb: {  	s0 =	sshrl.u32 s0, $0x3;
	[tilespmem:v16+s20+$0x0] =	vst.idx.add.f32.msk vm2, v2  }
0x1bc: {  	s1 =	simm.s32 $0x0;
	s0 =	sadd.s32 s4, s0;
	[tilespmem:v8+s20+$0x0] =	vst.idx.add.f32.msk vm8, v2  }
0x1bd: {  	[tilespmem:s1], [sflag:$0x1] =	stream.linear.gather [hbm4b:s0+s1], $0x4000, $0x38;
	[tilespmem:$0x113A0] =	vst v63  }
0x1be: {  	s29 =	sand.u32 $0x3000, s1;
	s6 =	sand.u32 $0xC00, s1;
	_ =	swait.ge [sflag:s21], $0x4000  }
0x1bf: {  	s1 =	sand.u32 $0x380, s1;
	s0 =	sor.u32 s6, s29;
	[sflag:s21] =	ssyncset.done $0x0  }
0x1c0: {  	s0 =	sor.u32 s1, s0;
	[sflag:s21] =	ssyncadd.s32 $0xFFFFC000  }
0x1c1: {  	v8 =	vld [tilespmem:s0+$0x4000];
	_ =	sdelay $0x1  }
0x1c2: {  	v10 =	vld [tilespmem:s0+$0x4010]  }
0x1c3: {  	v9 =	vnsel vm3, $0x0, v12  }
0x1c4: {  	vm0 =	vgt.s32 v7, v5;
	v9 =	vadd.f32 v9, v20;
	v12 =	vld [tilespmem:s0+$0x4020]  }
0x1c5: {  	v7 =	vnsel vm0, $0x0, v14;
	v11 =	vshrl.u32 v8, $0x18  }
0x1c6: {  	v9 =	vadd.f32 v7, v9;
	v15 =	vld [tilespmem:s0+$0x4030];
	v7 =	vshrl.u32 v8, $0xC;
	vm0 =	vgt.s32 v11, v5  }
0x1c7: {  	vm2 =	veq.s32 v11, v5;
	v11 =	vnsel vm0, $0x0, v8;
	v8 =	vshrl.u32 v10, $0x18  }
0x1c8: {  	v16 =	vld [tilespmem:s0+$0x4040];
	v13 =	vshrl.u32 v10, $0xC;
	v11 =	vadd.f32 v11, v9;
	vm0 =	vgt.s32 v8, v5  }
0x1c9: {  	v9 =	vand.u32 $0xFF0, v13;
	v13 =	vnsel vm0, $0x0, v10;
	v10 =	vshrl.u32 v12, $0x18  }
0x1ca: {  	v14 =	vshrl.u32 v12, $0xC;
	v13 =	vadd.f32 v13, v11;
	vm0 =	vgt.s32 v10, v5  }
0x1cb: {  	v11 =	vand.u32 $0xFF0, v14;
	v14 =	vnsel vm0, $0x0, v12;
	v12 =	vshrl.u32 v15, $0x18  }
0x1cc: {  	v20 =	vld [tilespmem:s0+$0x4050];
	v17 =	vshrl.u32 v15, $0xC;
	v18 =	vadd.f32 v14, v13;
	vm0 =	vgt.s32 v12, v5  }
0x1cd: {  	v13 =	vand.u32 $0xFF0, v17;
	v17 =	vnsel vm0, $0x0, v15;
	v15 =	vshrl.u32 v16, $0x18  }
0x1ce: {  	v14 =	vld [tilespmem:s0+$0x4060];
	v21 =	vadd.f32 v17, v18;
	vm0 =	vgt.s32 v15, v5  }
0x1cf: {  	v19 =	vshrl.u32 v16, $0xC;
	v16 =	vnsel vm0, $0x0, v16  }
0x1d0: {  	v21 =	vadd.f32 v16, v21;
	v16 =	vld [tilespmem:s0+$0x4070]  }
0x1d1: {  	v17 =	vand.u32 $0xFF0, v19;
	v19 =	vshrl.u32 v20, $0xC;
	v18 =	vshrl.u32 v20, $0x18  }
0x1d2: {  	v7 =	vand.u32 $0xFF0, v7;
	v19 =	vand.u32 $0xFF0, v19;
	vm0 =	vgt.s32 v18, v5  }
0x1d3: {  	s15 =	simm.s32 $0x20;
	v22 =	vnsel vm0, $0x0, v20;
	v23 =	vshrl.u32 v14, $0xC;
	v20 =	vshrl.u32 v14, $0x18  }
0x1d4: {  	s16 =	simm.s32 $0x400;
	s17 =	simm.s32 $0x80;
	s1 =	simm.s32 $0x0;
	v22 =	vadd.f32 v22, v21;
	v21 =	vand.u32 $0xFF0, v23;
	vm3 =	vgt.s32 v20, v5  }
.LBB2_29:
0x1d5: {  	s0 =	sand.u32 $0x3000, s17;
	s6 =	sand.u32 $0xC00, s16;
	s1 =	sadd.s32 $0x8, s1;
	v14 =	vnsel vm3, $0x0, v14;
	v23 =	vshrl.u32 v16, $0xC;
	v24 =	vshrl.u32 v16, $0x18  }
0x1d6: {  	s7 =	sand.u32 $0x380, s15;
	s0 =	sor.u32 s6, s0;
	p1 =	slt.u32 s1, $0x3F8;
	v14 =	vadd.f32 v14, v22;
	v22 =	vand.u32 $0xFF0, v23;
	vm0 =	vgt.s32 v24, v5  }
0x1d7: {  	v7 =	vor.u32 v0, v7;
	vm9 =	veq.s32 v8, v5;
	s22 =	sor.u32 s7, s0;
	v8 =	vnsel vm0, $0x0, v16  }
0x1d8: {  	v9 =	vor.u32 v0, v9;
	vm8 =	veq.s32 v10, v5;
	v16 =	vld [tilespmem:s22+$0x4000];
	v10 =	vadd.f32 v8, v14  }
0x1d9: {  	v11 =	vor.u32 v0, v11;
	vm7 =	veq.s32 v12, v5;
	v13 =	vor.u32 v0, v13  }
0x1da: {  	vm6 =	veq.s32 v15, v5;
	v17 =	vor.u32 v0, v17;
	vm5 =	veq.s32 v18, v5;
	v12 =	vld [tilespmem:s22+$0x4010]  }
0x1db: {  	v19 =	vor.u32 v0, v19;
	vm4 =	veq.s32 v20, v5;
	v20 =	vor.u32 v0, v21  }
0x1dc: {  	vm3 =	veq.s32 v24, v5;
	v21 =	vor.u32 v0, v22;
	v14 =	vld [tilespmem:s22+$0x4020]  }
0x1dd: {  	v8 =	vshrl.u32 v16, $0xC;
	v15 =	vshrl.u32 v16, $0x18;
	[tilespmem:v7+s20+$0x0] =	vst.idx.add.f32.msk vm2, v2  }
0x1de: {  	vm2 =	veq.s32 v15, v5;
	v7 =	vand.u32 $0xFF0, v8;
	vm0 =	vgt.s32 v15, v5;
	v15 =	vld [tilespmem:s22+$0x4030]  }
0x1df: {  	v16 =	vnsel vm0, $0x0, v16;
	v18 =	vshrl.u32 v12, $0xC;
	v8 =	vshrl.u32 v12, $0x18;
	[tilespmem:v9+s20+$0x0] =	vst.idx.add.f32.msk vm9, v2  }
0x1e0: {  	v16 =	vadd.f32 v16, v10;
	v9 =	vand.u32 $0xFF0, v18;
	vm0 =	vgt.s32 v8, v5;
	v18 =	vld [tilespmem:s22+$0x4040]  }
0x1e1: {  	v12 =	vnsel vm0, $0x0, v12;
	v22 =	vshrl.u32 v14, $0xC;
	v10 =	vshrl.u32 v14, $0x18;
	[tilespmem:v11+s20+$0x0] =	vst.idx.add.f32.msk vm8, v2  }
0x1e2: {  	v16 =	vadd.f32 v12, v16;
	v11 =	vand.u32 $0xFF0, v22;
	vm0 =	vgt.s32 v10, v5;
	v22 =	vld [tilespmem:s22+$0x4050]  }
0x1e3: {  	v14 =	vnsel vm0, $0x0, v14;
	v23 =	vshrl.u32 v15, $0xC;
	v12 =	vshrl.u32 v15, $0x18;
	[tilespmem:v13+s20+$0x0] =	vst.idx.add.f32.msk vm7, v2  }
0x1e4: {  	v16 =	vadd.f32 v14, v16;
	v13 =	vand.u32 $0xFF0, v23;
	vm0 =	vgt.s32 v12, v5;
	v14 =	vld [tilespmem:s22+$0x4060]  }
0x1e5: {  	v23 =	vnsel vm0, $0x0, v15;
	v24 =	vshrl.u32 v18, $0xC;
	v15 =	vshrl.u32 v18, $0x18;
	[tilespmem:v17+s20+$0x0] =	vst.idx.add.f32.msk vm6, v2  }
.Ltmp13:
0x1e6: {  	v23 =	vadd.f32 v23, v16;
	v17 =	vand.u32 $0xFF0, v24;
	vm0 =	vgt.s32 v15, v5;
	v16 =	vld [tilespmem:s22+$0x4070];
	(pc) =	sbr.rel @p1 .LBB2_29-.Ltmp13, $4  }
0x1e7: {  	v24 =	vnsel vm0, $0x0, v18;
	v25 =	vshrl.u32 v22, $0xC;
	v18 =	vshrl.u32 v22, $0x18;
	[tilespmem:v19+s20+$0x0] =	vst.idx.add.f32.msk vm5, v2  }
0x1e8: {  	v23 =	vadd.f32 v24, v23;
	v19 =	vand.u32 $0xFF0, v25;
	vm0 =	vgt.s32 v18, v5;
	[tilespmem:v20+s20+$0x0] =	vst.idx.add.f32.msk vm4, v2  }
0x1e9: {  	v22 =	vnsel vm0, $0x0, v22;
	v24 =	vshrl.u32 v14, $0xC;
	v20 =	vshrl.u32 v14, $0x18;
	[tilespmem:v21+s20+$0x0] =	vst.idx.add.f32.msk vm3, v2  }
0x1ea: {  	s15 =	sadd.s32 $0x20, s15;
	s16 =	sadd.s32 $0x400, s16;
	s17 =	sadd.s32 $0x80, s17;
	v22 =	vadd.f32 v22, v23;
	v21 =	vand.u32 $0xFF0, v24;
	vm3 =	vgt.s32 v20, v5  }
0x1eb: {  	v7 =	vor.u32 v0, v7  }
0x1ec: {  	vm0 =	veq.s32 v8, v5  }
0x1ed: {  	v8 =	vor.u32 v0, v9  }
0x1ee: {  	vm4 =	veq.s32 v10, v5  }
0x1ef: {  	v9 =	vor.u32 v0, v11;
	vm5 =	veq.s32 v12, v5;
	v10 =	vor.u32 v0, v13  }
0x1f0: {  	vm6 =	veq.s32 v15, v5;
	v11 =	vshrl.u32 v16, $0xC;
	[tilespmem:v7+s20+$0x0] =	vst.idx.add.f32.msk vm2, v2;
	v7 =	vshrl.u32 v16, $0x18  }
0x1f1: {  	v61 =	vor.u32 v0, v17;
	v11 =	vand.u32 $0xFF0, v11;
	vm8 =	veq.s32 v7, v5  }
0x1f2: {  	vm7 =	veq.s32 v18, v5;
	[tilespmem:v8+s20+$0x0] =	vst.idx.add.f32.msk vm0, v2;
	v8 =	vor.u32 v0, v11  }
0x1f3: {  	v62 =	vor.u32 v0, v19;
	vm2 =	veq.s32 v20, v5  }
0x1f4: {  	v63 =	vor.u32 v0, v21;
	s13 =	sadd.s32 $0x1, s13;
	[tilespmem:v9+s20+$0x0] =	vst.idx.add.f32.msk vm4, v2  }
0x1f5: {  	s0 =	sadd.s32 s14, s9;
	p1 =	sne.s32 s13, $0x3;
	[tilespmem:v10+s20+$0x0] =	vst.idx.add.f32.msk vm5, v2  }
.Ltmp14:
0x1f6: {  	s0 =	sshll.u32 s0, $0x9;
	[tilespmem:v61+s20+$0x0] =	vst.idx.add.f32.msk vm6, v2;
	(pc) =	sbr.rel @p1 .LBB2_26-.Ltmp14, $4  }
0x1f7: {  	s0 =	sadd.s32 s5, s0;
	[tilespmem:v8+s20+$0x0] =	vst.idx.add.f32.msk vm8, v2;
	v8 =	vnsel vm3, $0x0, v14  }
0x1f8: {  	s0 =	sshrl.u32 s0, $0x3;
	[tilespmem:v62+s20+$0x0] =	vst.idx.add.f32.msk vm7, v2;
	vm0 =	vgt.s32 v7, v5;
	v8 =	vadd.f32 v8, v22  }
0x1f9: {  	s0 =	sadd.s32 s4, s0;
	v7 =	vnsel vm0, $0x0, v16;
	[tilespmem:v63+s20+$0x0] =	vst.idx.add.f32.msk vm2, v2  }
0x1fa: {  	[tilespmem:s18], [sflag:$0x2] =	stream.linear.gather [hbm4b:s0+s3], $0x4000, $0x38;
	v9 =	vadd.f32 v7, v8;
	[tilespmem:$0x113A0] =	vst v63  }
0x1fb: {  	s0 =	simm.s32 $0x0  }
0x1fc: {  	_ =	swait.ge [sflag:s19], $0x4000;
	s1 =	sand.u32 $0x3000, s0;
	s2 =	sand.u32 $0xC00, s0  }
0x1fd: {  	[sflag:s19] =	ssyncset.done $0x0;
	s0 =	sand.u32 $0x380, s0;
	s1 =	sor.u32 s2, s1  }
0x1fe: {  	[sflag:s19] =	ssyncadd.s32 $0xFFFFC000;
	s0 =	sor.u32 s0, s1  }
0x1ff: {  	v8 =	vld [tilespmem:s0+$0x0];
	_ =	sdelay $0x1  }
0x200: {  	v10 =	vld [tilespmem:s0+$0x10];
	_ =	sdelay $0x1  }
0x201: {  	v12 =	vld [tilespmem:s0+$0x20]  }
0x202: {  	v11 =	vshrl.u32 v8, $0x18  }
0x203: {  	v15 =	vld [tilespmem:s0+$0x30];
	v7 =	vshrl.u32 v8, $0xC;
	vm0 =	vgt.s32 v11, v5  }
0x204: {  	vm2 =	veq.s32 v11, v5;
	v11 =	vnsel vm0, $0x0, v8;
	v8 =	vshrl.u32 v10, $0x18  }
0x205: {  	v18 =	vld [tilespmem:s0+$0x40];
	v13 =	vshrl.u32 v10, $0xC;
	v11 =	vadd.f32 v11, v9;
	vm0 =	vgt.s32 v8, v5  }
0x206: {  	v9 =	vand.u32 $0xFF0, v13;
	v13 =	vnsel vm0, $0x0, v10;
	v10 =	vshrl.u32 v12, $0x18  }
0x207: {  	v14 =	vshrl.u32 v12, $0xC;
	v13 =	vadd.f32 v13, v11;
	vm0 =	vgt.s32 v10, v5  }
0x208: {  	v11 =	vand.u32 $0xFF0, v14;
	v14 =	vnsel vm0, $0x0, v12;
	v12 =	vshrl.u32 v15, $0x18  }
0x209: {  	v20 =	vld [tilespmem:s0+$0x50];
	v16 =	vshrl.u32 v15, $0xC;
	v17 =	vadd.f32 v14, v13;
	vm0 =	vgt.s32 v12, v5  }
0x20a: {  	v14 =	vand.u32 $0xFF0, v16;
	v16 =	vshrl.u32 v18, $0x18;
	v15 =	vnsel vm0, $0x0, v15  }
0x20b: {  	v19 =	vshrl.u32 v18, $0xC;
	v13 =	vld [tilespmem:s0+$0x60];
	vm0 =	vgt.s32 v16, v5;
	v15 =	vadd.f32 v15, v17  }
0x20c: {  	v17 =	vand.u32 $0xFF0, v19;
	v19 =	vnsel vm0, $0x0, v18  }
0x20d: {  	v22 =	vadd.f32 v19, v15;
	v15 =	vld [tilespmem:s0+$0x70]  }
0x20e: {  	v21 =	vshrl.u32 v20, $0xC;
	v18 =	vshrl.u32 v20, $0x18  }
0x20f: {  	v7 =	vand.u32 $0xFF0, v7;
	vm0 =	vgt.s32 v18, v5;
	v19 =	vand.u32 $0xFF0, v21  }
0x210: {  	s13 =	simm.s32 $0x400;
	v21 =	vnsel vm0, $0x0, v20;
	v23 =	vshrl.u32 v13, $0xC;
	v20 =	vshrl.u32 v13, $0x18  }
0x211: {  	s14 =	simm.s32 $0x80;
	s2 =	simm.s32 $0x20;
	s1 =	simm.s32 $0x0;
	v22 =	vadd.f32 v21, v22;
	v21 =	vand.u32 $0xFF0, v23;
	vm3 =	vgt.s32 v20, v5  }
.LBB2_32:
0x212: {  	s0 =	sand.u32 $0x3000, s14;
	s6 =	sand.u32 $0xC00, s13;
	s1 =	sadd.s32 $0x8, s1;
	v13 =	vnsel vm3, $0x0, v13;
	v23 =	vshrl.u32 v15, $0xC;
	v24 =	vshrl.u32 v15, $0x18  }
0x213: {  	s7 =	sand.u32 $0x380, s2;
	s0 =	sor.u32 s6, s0;
	p1 =	slt.u32 s1, $0x3F8;
	v13 =	vadd.f32 v13, v22;
	v22 =	vand.u32 $0xFF0, v23;
	vm0 =	vgt.s32 v24, v5  }
0x214: {  	v7 =	vor.u32 v0, v7;
	vm9 =	veq.s32 v8, v5;
	s15 =	sor.u32 s7, s0;
	v8 =	vnsel vm0, $0x0, v15  }
0x215: {  	v9 =	vor.u32 v0, v9;
	vm8 =	veq.s32 v10, v5;
	v15 =	vld [tilespmem:s15+$0x0];
	v10 =	vadd.f32 v8, v13  }
0x216: {  	v11 =	vor.u32 v0, v11;
	vm7 =	veq.s32 v12, v5;
	v13 =	vor.u32 v0, v14  }
0x217: {  	vm6 =	veq.s32 v16, v5;
	v17 =	vor.u32 v0, v17;
	vm5 =	veq.s32 v18, v5;
	v12 =	vld [tilespmem:s15+$0x10]  }
0x218: {  	v19 =	vor.u32 v0, v19;
	vm4 =	veq.s32 v20, v5;
	v20 =	vor.u32 v0, v21  }
0x219: {  	vm3 =	veq.s32 v24, v5;
	v21 =	vor.u32 v0, v22;
	v14 =	vld [tilespmem:s15+$0x20]  }
0x21a: {  	v8 =	vshrl.u32 v15, $0xC;
	v16 =	vshrl.u32 v15, $0x18;
	[tilespmem:v7+s20+$0x0] =	vst.idx.add.f32.msk vm2, v2  }
0x21b: {  	vm2 =	veq.s32 v16, v5;
	v7 =	vand.u32 $0xFF0, v8;
	vm0 =	vgt.s32 v16, v5;
	v16 =	vld [tilespmem:s15+$0x30]  }
0x21c: {  	v15 =	vnsel vm0, $0x0, v15;
	v18 =	vshrl.u32 v12, $0xC;
	v8 =	vshrl.u32 v12, $0x18;
	[tilespmem:v9+s20+$0x0] =	vst.idx.add.f32.msk vm9, v2  }
0x21d: {  	v15 =	vadd.f32 v15, v10;
	v9 =	vand.u32 $0xFF0, v18;
	vm0 =	vgt.s32 v8, v5;
	v18 =	vld [tilespmem:s15+$0x40]  }
0x21e: {  	v12 =	vnsel vm0, $0x0, v12;
	v22 =	vshrl.u32 v14, $0xC;
	v10 =	vshrl.u32 v14, $0x18;
	[tilespmem:v11+s20+$0x0] =	vst.idx.add.f32.msk vm8, v2  }
0x21f: {  	v15 =	vadd.f32 v12, v15;
	v11 =	vand.u32 $0xFF0, v22;
	vm0 =	vgt.s32 v10, v5;
	v22 =	vld [tilespmem:s15+$0x50]  }
0x220: {  	v14 =	vnsel vm0, $0x0, v14;
	v23 =	vshrl.u32 v16, $0xC;
	v12 =	vshrl.u32 v16, $0x18;
	[tilespmem:v13+s20+$0x0] =	vst.idx.add.f32.msk vm7, v2  }
0x221: {  	v15 =	vadd.f32 v14, v15;
	v14 =	vand.u32 $0xFF0, v23;
	vm0 =	vgt.s32 v12, v5;
	v13 =	vld [tilespmem:s15+$0x60]  }
0x222: {  	v23 =	vnsel vm0, $0x0, v16;
	v24 =	vshrl.u32 v18, $0xC;
	v16 =	vshrl.u32 v18, $0x18;
	[tilespmem:v17+s20+$0x0] =	vst.idx.add.f32.msk vm6, v2  }
.Ltmp15:
0x223: {  	v23 =	vadd.f32 v23, v15;
	v17 =	vand.u32 $0xFF0, v24;
	vm0 =	vgt.s32 v16, v5;
	v15 =	vld [tilespmem:s15+$0x70];
	(pc) =	sbr.rel @p1 .LBB2_32-.Ltmp15, $4  }
0x224: {  	v24 =	vnsel vm0, $0x0, v18;
	v25 =	vshrl.u32 v22, $0xC;
	v18 =	vshrl.u32 v22, $0x18;
	[tilespmem:v19+s20+$0x0] =	vst.idx.add.f32.msk vm5, v2  }
0x225: {  	v23 =	vadd.f32 v24, v23;
	v19 =	vand.u32 $0xFF0, v25;
	vm0 =	vgt.s32 v18, v5;
	[tilespmem:v20+s20+$0x0] =	vst.idx.add.f32.msk vm4, v2  }
0x226: {  	v22 =	vnsel vm0, $0x0, v22;
	v24 =	vshrl.u32 v13, $0xC;
	v20 =	vshrl.u32 v13, $0x18;
	[tilespmem:v21+s20+$0x0] =	vst.idx.add.f32.msk vm3, v2  }
0x227: {  	s2 =	sadd.s32 $0x20, s2;
	s13 =	sadd.s32 $0x400, s13;
	s14 =	sadd.s32 $0x80, s14;
	v22 =	vadd.f32 v22, v23;
	v21 =	vand.u32 $0xFF0, v24;
	vm3 =	vgt.s32 v20, v5  }
0x228: {  	v7 =	vor.u32 v0, v7;
	vm0 =	veq.s32 v8, v5  }
0x229: {  	v8 =	vor.u32 v0, v9;
	vm4 =	veq.s32 v10, v5  }
0x22a: {  	v9 =	vor.u32 v0, v11;
	vm5 =	veq.s32 v12, v5  }
0x22b: {  	v10 =	vor.u32 v0, v14;
	vm6 =	veq.s32 v16, v5  }
0x22c: {  	v11 =	vshrl.u32 v15, $0xC;
	v12 =	vor.u32 v0, v17;
	vm7 =	veq.s32 v18, v5  }
0x22d: {  	v14 =	vor.u32 v0, v19;
	[tilespmem:v7+s20+$0x0] =	vst.idx.add.f32.msk vm2, v2;
	v7 =	vshrl.u32 v15, $0x18;
	vm2 =	veq.s32 v20, v5  }
0x22e: {  	v16 =	vor.u32 v0, v21;
	v11 =	vand.u32 $0xFF0, v11;
	vm8 =	veq.s32 v7, v5;
	[tilespmem:v8+s20+$0x0] =	vst.idx.add.f32.msk vm0, v2  }
0x22f: {  	v8 =	vor.u32 v0, v11;
	[tilespmem:v9+s20+$0x0] =	vst.idx.add.f32.msk vm4, v2  }
0x230: {  	[tilespmem:v10+s20+$0x0] =	vst.idx.add.f32.msk vm5, v2  }
0x231: {  	[tilespmem:v12+s20+$0x0] =	vst.idx.add.f32.msk vm6, v2  }
0x232: {  	[tilespmem:v14+s20+$0x0] =	vst.idx.add.f32.msk vm7, v2  }
0x233: {  	[tilespmem:v16+s20+$0x0] =	vst.idx.add.f32.msk vm2, v2  }
0x234: {  	s0 =	simm.s32 $0x0;
	[tilespmem:v8+s20+$0x0] =	vst.idx.add.f32.msk vm8, v2  }
0x235: {  	s1 =	sand.u32 $0x3000, s0;
	s2 =	sand.u32 $0xC00, s0;
	_ =	swait.ge [sflag:s21], $0x4000  }
0x236: {  	s0 =	sand.u32 $0x380, s0;
	s1 =	sor.u32 s2, s1;
	[sflag:s21] =	ssyncset.done $0x0  }
0x237: {  	s0 =	sor.u32 s0, s1;
	[sflag:s21] =	ssyncadd.s32 $0xFFFFC000  }
0x238: {  	v8 =	vld [tilespmem:s0+$0x4000];
	_ =	sdelay $0x1  }
0x239: {  	v10 =	vld [tilespmem:s0+$0x4010]  }
0x23a: {  	v9 =	vnsel vm3, $0x0, v13  }
0x23b: {  	vm0 =	vgt.s32 v7, v5;
	v9 =	vadd.f32 v9, v22;
	v12 =	vld [tilespmem:s0+$0x4020]  }
0x23c: {  	v7 =	vnsel vm0, $0x0, v15;
	v11 =	vshrl.u32 v8, $0x18  }
0x23d: {  	v9 =	vadd.f32 v7, v9;
	v15 =	vld [tilespmem:s0+$0x4030];
	v7 =	vshrl.u32 v8, $0xC;
	vm0 =	vgt.s32 v11, v5  }
0x23e: {  	vm2 =	veq.s32 v11, v5;
	v11 =	vnsel vm0, $0x0, v8;
	v8 =	vshrl.u32 v10, $0x18  }
0x23f: {  	v18 =	vld [tilespmem:s0+$0x4040];
	v13 =	vshrl.u32 v10, $0xC;
	v11 =	vadd.f32 v11, v9;
	vm0 =	vgt.s32 v8, v5  }
0x240: {  	v9 =	vand.u32 $0xFF0, v13;
	v13 =	vnsel vm0, $0x0, v10;
	v10 =	vshrl.u32 v12, $0x18  }
0x241: {  	v14 =	vshrl.u32 v12, $0xC;
	v13 =	vadd.f32 v13, v11;
	vm0 =	vgt.s32 v10, v5  }
0x242: {  	v11 =	vand.u32 $0xFF0, v14;
	v14 =	vnsel vm0, $0x0, v12;
	v12 =	vshrl.u32 v15, $0x18  }
0x243: {  	v20 =	vld [tilespmem:s0+$0x4050];
	v16 =	vshrl.u32 v15, $0xC;
	v17 =	vadd.f32 v14, v13;
	vm0 =	vgt.s32 v12, v5  }
0x244: {  	v14 =	vand.u32 $0xFF0, v16;
	v16 =	vshrl.u32 v18, $0x18;
	v15 =	vnsel vm0, $0x0, v15  }
0x245: {  	v19 =	vshrl.u32 v18, $0xC;
	v13 =	vld [tilespmem:s0+$0x4060];
	vm0 =	vgt.s32 v16, v5;
	v15 =	vadd.f32 v15, v17  }
0x246: {  	v17 =	vand.u32 $0xFF0, v19;
	v19 =	vnsel vm0, $0x0, v18  }
0x247: {  	v22 =	vadd.f32 v19, v15;
	v15 =	vld [tilespmem:s0+$0x4070]  }
0x248: {  	v21 =	vshrl.u32 v20, $0xC;
	v18 =	vshrl.u32 v20, $0x18  }
0x249: {  	v7 =	vand.u32 $0xFF0, v7;
	vm0 =	vgt.s32 v18, v5;
	v19 =	vand.u32 $0xFF0, v21  }
0x24a: {  	s13 =	simm.s32 $0x400;
	v21 =	vnsel vm0, $0x0, v20;
	v23 =	vshrl.u32 v13, $0xC;
	v20 =	vshrl.u32 v13, $0x18  }
0x24b: {  	s14 =	simm.s32 $0x80;
	s2 =	simm.s32 $0x20;
	s1 =	simm.s32 $0x0;
	v22 =	vadd.f32 v21, v22;
	v21 =	vand.u32 $0xFF0, v23;
	vm3 =	vgt.s32 v20, v5  }
.LBB2_34:
0x24c: {  	s0 =	sand.u32 $0x3000, s14;
	s6 =	sand.u32 $0xC00, s13;
	s1 =	sadd.s32 $0x8, s1;
	v13 =	vnsel vm3, $0x0, v13;
	v23 =	vshrl.u32 v15, $0xC;
	v24 =	vshrl.u32 v15, $0x18  }
0x24d: {  	s7 =	sand.u32 $0x380, s2;
	s0 =	sor.u32 s6, s0;
	p1 =	slt.u32 s1, $0x3F8;
	v13 =	vadd.f32 v13, v22;
	v22 =	vand.u32 $0xFF0, v23;
	vm0 =	vgt.s32 v24, v5  }
0x24e: {  	v7 =	vor.u32 v0, v7;
	vm9 =	veq.s32 v8, v5;
	s15 =	sor.u32 s7, s0;
	v8 =	vnsel vm0, $0x0, v15  }
0x24f: {  	v9 =	vor.u32 v0, v9;
	vm8 =	veq.s32 v10, v5;
	v15 =	vld [tilespmem:s15+$0x4000];
	v10 =	vadd.f32 v8, v13  }
0x250: {  	v11 =	vor.u32 v0, v11;
	vm7 =	veq.s32 v12, v5;
	v13 =	vor.u32 v0, v14  }
0x251: {  	vm6 =	veq.s32 v16, v5;
	v17 =	vor.u32 v0, v17;
	vm5 =	veq.s32 v18, v5;
	v12 =	vld [tilespmem:s15+$0x4010]  }
0x252: {  	v19 =	vor.u32 v0, v19;
	vm4 =	veq.s32 v20, v5;
	v20 =	vor.u32 v0, v21  }
0x253: {  	vm3 =	veq.s32 v24, v5;
	v21 =	vor.u32 v0, v22;
	v14 =	vld [tilespmem:s15+$0x4020]  }
0x254: {  	v8 =	vshrl.u32 v15, $0xC;
	v16 =	vshrl.u32 v15, $0x18;
	[tilespmem:v7+s20+$0x0] =	vst.idx.add.f32.msk vm2, v2  }
0x255: {  	vm2 =	veq.s32 v16, v5;
	v7 =	vand.u32 $0xFF0, v8;
	vm0 =	vgt.s32 v16, v5;
	v16 =	vld [tilespmem:s15+$0x4030]  }
0x256: {  	v15 =	vnsel vm0, $0x0, v15;
	v18 =	vshrl.u32 v12, $0xC;
	v8 =	vshrl.u32 v12, $0x18;
	[tilespmem:v9+s20+$0x0] =	vst.idx.add.f32.msk vm9, v2  }
0x257: {  	v15 =	vadd.f32 v15, v10;
	v9 =	vand.u32 $0xFF0, v18;
	vm0 =	vgt.s32 v8, v5;
	v18 =	vld [tilespmem:s15+$0x4040]  }
0x258: {  	v12 =	vnsel vm0, $0x0, v12;
	v22 =	vshrl.u32 v14, $0xC;
	v10 =	vshrl.u32 v14, $0x18;
	[tilespmem:v11+s20+$0x0] =	vst.idx.add.f32.msk vm8, v2  }
0x259: {  	v15 =	vadd.f32 v12, v15;
	v11 =	vand.u32 $0xFF0, v22;
	vm0 =	vgt.s32 v10, v5;
	v22 =	vld [tilespmem:s15+$0x4050]  }
0x25a: {  	v14 =	vnsel vm0, $0x0, v14;
	v23 =	vshrl.u32 v16, $0xC;
	v12 =	vshrl.u32 v16, $0x18;
	[tilespmem:v13+s20+$0x0] =	vst.idx.add.f32.msk vm7, v2  }
0x25b: {  	v15 =	vadd.f32 v14, v15;
	v14 =	vand.u32 $0xFF0, v23;
	vm0 =	vgt.s32 v12, v5;
	v13 =	vld [tilespmem:s15+$0x4060]  }
0x25c: {  	v23 =	vnsel vm0, $0x0, v16;
	v24 =	vshrl.u32 v18, $0xC;
	v16 =	vshrl.u32 v18, $0x18;
	[tilespmem:v17+s20+$0x0] =	vst.idx.add.f32.msk vm6, v2  }
.Ltmp16:
0x25d: {  	v23 =	vadd.f32 v23, v15;
	v17 =	vand.u32 $0xFF0, v24;
	vm0 =	vgt.s32 v16, v5;
	v15 =	vld [tilespmem:s15+$0x4070];
	(pc) =	sbr.rel @p1 .LBB2_34-.Ltmp16, $4  }
0x25e: {  	v24 =	vnsel vm0, $0x0, v18;
	v25 =	vshrl.u32 v22, $0xC;
	v18 =	vshrl.u32 v22, $0x18;
	[tilespmem:v19+s20+$0x0] =	vst.idx.add.f32.msk vm5, v2  }
0x25f: {  	v23 =	vadd.f32 v24, v23;
	v19 =	vand.u32 $0xFF0, v25;
	vm0 =	vgt.s32 v18, v5;
	[tilespmem:v20+s20+$0x0] =	vst.idx.add.f32.msk vm4, v2  }
0x260: {  	v22 =	vnsel vm0, $0x0, v22;
	v24 =	vshrl.u32 v13, $0xC;
	v20 =	vshrl.u32 v13, $0x18;
	[tilespmem:v21+s20+$0x0] =	vst.idx.add.f32.msk vm3, v2  }
0x261: {  	s2 =	sadd.s32 $0x20, s2;
	s13 =	sadd.s32 $0x400, s13;
	s14 =	sadd.s32 $0x80, s14;
	v22 =	vadd.f32 v22, v23;
	v21 =	vand.u32 $0xFF0, v24;
	vm3 =	vgt.s32 v20, v5  }
0x262: {  	v7 =	vor.u32 v0, v7;
	vm0 =	veq.s32 v8, v5  }
0x263: {  	v8 =	vor.u32 v0, v9;
	vm4 =	veq.s32 v10, v5  }
0x264: {  	v9 =	vor.u32 v0, v11;
	vm5 =	veq.s32 v12, v5  }
0x265: {  	v10 =	vor.u32 v0, v14;
	vm6 =	veq.s32 v16, v5  }
0x266: {  	v11 =	vshrl.u32 v15, $0xC;
	v61 =	vor.u32 v0, v17;
	vm7 =	veq.s32 v18, v5  }
0x267: {  	v62 =	vor.u32 v0, v19;
	[tilespmem:v7+s20+$0x0] =	vst.idx.add.f32.msk vm2, v2;
	v7 =	vshrl.u32 v15, $0x18;
	vm2 =	veq.s32 v20, v5  }
0x268: {  	v63 =	vor.u32 v0, v21;
	v11 =	vand.u32 $0xFF0, v11;
	vm8 =	veq.s32 v7, v5;
	[tilespmem:v8+s20+$0x0] =	vst.idx.add.f32.msk vm0, v2  }
0x269: {  	v8 =	vor.u32 v0, v11;
	[tilespmem:v9+s20+$0x0] =	vst.idx.add.f32.msk vm4, v2  }
0x26a: {  	[tilespmem:v10+s20+$0x0] =	vst.idx.add.f32.msk vm5, v2  }
0x26b: {  	[tilespmem:v61+s20+$0x0] =	vst.idx.add.f32.msk vm6, v2  }
0x26c: {  	[tilespmem:v62+s20+$0x0] =	vst.idx.add.f32.msk vm7, v2  }
0x26d: {  	[tilespmem:v63+s20+$0x0] =	vst.idx.add.f32.msk vm2, v2  }
0x26e: {  	[tilespmem:v8+s20+$0x0] =	vst.idx.add.f32.msk vm8, v2  }
0x26f: {  	s1 =	simm.s32 $0x80;
	s2 =	simm.s32 $0x400;
	s0 =	rddreg [dreg:$0x8]  }
0x270: {  	[spmem:s0] =	stream.strided.scatter [tilespmem:s20], [sflag:$0x3], $0x1000, s2, s1, $0x38;
	[tilespmem:$0x113A0] =	vst v63  }
0x271: {  	_ =	swait.ge [sflag:s10], $0x1000  }
0x272: {  	[sflag:s10] =	ssyncset.done $0x0  }
0x273: {  	[sflag:s10] =	ssyncadd.s32 $0xFFFFF000  }
0x274: {  	[bflag:$0x0] =	sbarrier.arrive $0xFFFF  }
0x275: {  	s28 =	simm.s32 $0x800;
	s29 =	simm.s32 $0xE000;
	s26 =	rddreg [dreg:$0x9]  }
0x276: {  	[tilespmem:s29], [sflag:$0x3] =	stream.strided.gather [spmem:s26], $0x1000, s20, s28, $0x38;
	[tilespmem:$0x113A0] =	vst v63  }
0x277: {  	_ =	swait.ge [sflag:s10], $0x1000  }
0x278: {  	[sflag:s10] =	ssyncset.done $0x0  }
0x279: {  	v8 =	vnsel vm3, $0x0, v13;
	s1 =	simm.s32 $0xF020;
	[sflag:s10] =	ssyncadd.s32 $0xFFFFF000  }
0x27a: {  	vm0 =	vgt.s32 v7, v5;
	v8 =	vadd.f32 v8, v22;
	[tilespmem:s1+$0xFFFFFFE0] =	vst v1  }
0x27b: {  	v7 =	vnsel vm0, $0x0, v15;
	[tilespmem:s1+$0x10] =	vst v1  }
0x27c: {  	s2 =	simm.s32 $0x0;
	v9 =	vadd.f32 v7, v8;
	[tilespmem:s1+$0x0] =	vst v1  }
.LBB2_36:
0x27d: {  	s2 =	sadd.s32 $0x4, s2  }
0x27e: {  	[tilespmem:s1+$0xFFFFFFF0] =	vst v1;
	s1 =	sadd.s32 $0x40, s1;
	p1 =	slt.u32 s2, $0xC  }
.Ltmp17:
0x27f: {  	[tilespmem:s1+$0xFFFFFFE0] =	vst v1;
	(pc) =	sbr.rel @p1 .LBB2_36-.Ltmp17, $3  }
0x280: {  	_ =	sdelay $0x1  }
0x281: {  	[tilespmem:s1+$0x10] =	vst v1  }
0x282: {  	[tilespmem:s1+$0x0] =	vst v1  }
0x283: {  	[tilespmem:s1+$0xFFFFFFF0] =	vst v1;
	s1 =	simm.s32 $0x0;
	s2 =	simm.s32 $0x0  }
.LBB2_38:
0x284: {  	s0 =	sshll.u32 s2, $0x8;
	s6 =	sshll.u32 s2, $0x7;
	s26 =	sand.u32 $0x40, s1  }
0x285: {  	s7 =	sand.u32 $0x80, s1;
	s10 =	sand.u32 $0x400, s1;
	s0 =	sand.u32 $0x800, s0  }
0x286: {  	s13 =	sand.u32 $0x380, s6;
	s7 =	sor.u32 $0xF000, s7;
	s14 =	sor.u32 $0xE000, s0  }
0x287: {  	s11 =	sor.u32 $0x30, s26;
	s0 =	simm.s32 $0xF000;
	s10 =	sadd.s32 s10, s14  }
0x288: {  	s12 =	sor.u32 s11, s7;
	v10 =	vld [tilespmem:s0+$0x0];
	s10 =	sadd.s32 s13, s10  }
0x289: {  	v8 =	vld [tilespmem:s12+$0x0];
	s11 =	sadd.s32 s11, s10  }
0x28a: {  	s15 =	sor.u32 $0x10, s26;
	s16 =	sadd.s32 s26, s10;
	v11 =	vld [tilespmem:s11+$0x0]  }
0x28b: {  	s6 =	sor.u32 $0x20, s26;
	s17 =	sadd.s32 s15, s10;
	v12 =	vld [tilespmem:s16+$0x0]  }
0x28c: {  	s22 =	simm.s32 $0x40;
	s15 =	sor.u32 s15, s7;
	s10 =	sadd.s32 s6, s10;
	v13 =	vld [tilespmem:s17+$0x0]  }
0x28d: {  	s26 =	sor.u32 s6, s7;
	s7 =	sand.u32 $0x40, s22;
	v14 =	vld [tilespmem:s10+$0x0];
	s17 =	simm.s32 $0x200  }
0x28e: {  	s6 =	sand.u32 $0x80, s22;
	s16 =	simm.s32 $0xF040;
	v15 =	vld [tilespmem:s15+$0x0];
	s23 =	sand.u32 $0x400, s17  }
0x28f: {  	s11 =	sor.u32 $0xF000, s6;
	s25 =	sor.u32 $0x30, s7;
	v16 =	vld [tilespmem:s26+$0x0];
	s24 =	sadd.s32 s23, s14  }
0x290: {  	v7 =	vld [tilespmem:s16+$0x0];
	s23 =	sor.u32 s25, s11;
	s6 =	sadd.s32 s13, s24  }
0x291: {  	s29 =	simm.s32 $0x80;
	s10 =	sadd.s32 s25, s6;
	v17 =	vadd.f32 v11, v8;
	v8 =	vld [tilespmem:s23+$0x0]  }
0x292: {  	s22 =	simm.s32 $0x4;
	s24 =	sor.u32 $0x10, s7;
	s25 =	sadd.s32 s7, s6;
	v10 =	vadd.f32 v12, v10;
	v11 =	vld [tilespmem:s10+$0x0]  }
0x293: {  	s7 =	sor.u32 $0x20, s7;
	s28 =	sor.u32 s24, s11;
	s24 =	sadd.s32 s24, s6;
	v12 =	vld [tilespmem:s25+$0x0];
	[tilespmem:s12+$0x0] =	vst v17  }
0x294: {  	s6 =	sadd.s32 s7, s6;
	s25 =	sor.u32 s7, s11;
	v13 =	vadd.f32 v13, v15;
	s7 =	simm.s32 $0xF080;
	v14 =	vadd.f32 v14, v16;
	[tilespmem:s0+$0x0] =	vst v10;
	v10 =	vld [tilespmem:s24+$0x0]  }
.LBB2_39:
0x295: {  	s0 =	sand.u32 $0x40, s29;
	s10 =	sand.u32 $0x80, s29  }
0x296: {  	v15 =	vld [tilespmem:s6+$0x0];
	s17 =	sadd.s32 $0x200, s17;
	[tilespmem:s15+$0x0] =	vst v13;
	s15 =	smov.u32 s28;
	s22 =	sadd.s32 $0x4, s22  }
0x297: {  	s6 =	sand.u32 $0x400, s17;
	s10 =	sor.u32 $0xF000, s10;
	v13 =	vld [tilespmem:s15+$0x0];
	[tilespmem:s26+$0x0] =	vst v14;
	s11 =	sor.u32 $0x30, s0  }
0x298: {  	p1 =	slt.u32 s22, $0xC;
	s12 =	sor.u32 $0x10, s0;
	s6 =	sadd.s32 s6, s14;
	v14 =	vld [tilespmem:s25+$0x0];
	v11 =	vadd.f32 v11, v8  }
.Ltmp18:
0x299: {  	s24 =	sor.u32 s11, s10;
	s6 =	sadd.s32 s13, s6;
	v12 =	vadd.f32 v12, v7;
	v7 =	vld [tilespmem:s7+$0x0];
	(pc) =	sbr.rel @p1 .LBB2_39-.Ltmp18, $4  }
0x29a: {  	s26 =	sadd.s32 s0, s6;
	s0 =	sor.u32 $0x20, s0;
	v8 =	vld [tilespmem:s24+$0x0];
	s11 =	sadd.s32 s11, s6;
	[tilespmem:s23+$0x0] =	vst v11  }
0x29b: {  	s28 =	sor.u32 s12, s10;
	s12 =	sadd.s32 s12, s6;
	s6 =	sadd.s32 s0, s6;
	v11 =	vld [tilespmem:s11+$0x0];
	[tilespmem:s16+$0x0] =	vst v12  }
0x29c: {  	s23 =	smov.u32 s24;
	v12 =	vld [tilespmem:s26+$0x0];
	v13 =	vadd.f32 v10, v13;
	s26 =	smov.u32 s25;
	s25 =	sor.u32 s0, s10  }
0x29d: {  	s29 =	sadd.s32 $0x40, s29;
	s16 =	smov.u32 s7;
	s7 =	sadd.s32 $0x40, s7;
	v10 =	vld [tilespmem:s12+$0x0];
	v14 =	vadd.f32 v15, v14  }
0x29e: {  	v15 =	vld [tilespmem:s6+$0x0]  }
0x29f: {  	v16 =	vld [tilespmem:s28+$0x0]  }
0x2a0: {  	v17 =	vld [tilespmem:s25+$0x0]  }
0x2a1: {  	s2 =	sadd.s32 $0x1, s2  }
0x2a2: {  	[tilespmem:s15+$0x0] =	vst v13;
	p1 =	sne.s32 s2, $0x10;
	v8 =	vadd.f32 v11, v8  }
.Ltmp19:
0x2a3: {  	[tilespmem:s26+$0x0] =	vst v14;
	v7 =	vadd.f32 v12, v7;
	(pc) =	sbr.rel @p1 .LBB2_38-.Ltmp19, $4  }
0x2a4: {  	[tilespmem:s23+$0x0] =	vst v8;
	v8 =	vadd.f32 v10, v16  }
0x2a5: {  	[tilespmem:s16+$0x0] =	vst v7;
	v7 =	vadd.f32 v15, v17  }
0x2a6: {  	[tilespmem:s28+$0x0] =	vst v8  }
0x2a7: {  	[tilespmem:s25+$0x0] =	vst v7  }
0x2a8: {  	s0 =	simm.s32 $0xF000  }
0x2a9: {  	v7 =	vld [tilespmem:s0+$0x0];
	_ =	sdelay $0x4  }
0x2aa: {  	(xrf2) =	vadd.scan.msk.f32 $0xffff, v7;
	_ =	sdelay $0x1  }
0x2ab: {  	s26 =	simm.s32 $0xF010  }
0x2ac: {  	v7 =	vld [tilespmem:s26+$0x0]  }
0x2ad: {  	s28 =	simm.s32 $0xF020  }
0x2ae: {  	v10 =	vld [tilespmem:s28+$0x0];
	_ =	sdelay $0x2  }
0x2af: {  	(xrf2) =	vadd.scan.msk.f32 $0xffff, v7;
	_ =	sdelay $0x1  }
0x2b0: {  	v8, _, _ =	vpop (xrf2);
	(xrf2) =	vadd.scan.msk.f32 $0xffff, v10;
	_ =	sdelay $0x1  }
0x2b1: {  	s29 =	simm.s32 $0x0  }
0x2b2: {  	s1 =	simm.s32 $0x1;
	v11 =	vmov s29;
	v8 =	vbroadcast v8, $0xF  }
0x2b3: {  	s2 =	simm.s32 $0x2;
	s6 =	simm.s32 $0x3;
	s7 =	simm.s32 $0xF030;
	vm0 =	veq.s32 v11, v0;
	v7 =	vimm.f32 $0.0e+00  }
.LBB2_42:
0x2b4: {  	v10 =	vld [tilespmem:s7+$0x0];
	p1 =	sne.s32 s6, $0xF;
	v7 =	vsel vm0, v8, v7;
	s0 =	smov.u32 s6;
	s6 =	sadd.s32 $0x1, s6  }
.Ltmp20:
0x2b5: {  	(pc) =	sbr.rel @p1 .LBB2_42-.Ltmp20, $4  }
0x2b6: {  	_ = 	snop  }
0x2b7: {  	v8, _, _ =	vpop (xrf2)  }
0x2b8: {  	v11 =	vmov s1;
	s1 =	smov.u32 s2;
	s2 =	smov.u32 s0;
	v8 =	vbroadcast v8, $0xF  }
0x2b9: {  	s7 =	sadd.s32 $0x10, s7;
	vm0 =	veq.s32 v11, v0;
	(xrf2) =	vadd.scan.msk.f32 $0xffff, v10  }
0x2ba: {  	_ =	sdelay $0x7  }
0x2bb: {  	v10, _, _ =	vpop (xrf2)  }
0x2bc: {  	v7 =	vsel vm0, v8, v7;
	v8 =	vmov s1;
	v10 =	vbroadcast v10, $0xF;
	v11, _, _ =	vpop (xrf2)  }
0x2bd: {  	vm0 =	veq.s32 v8, v0;
	v8 =	vmov s2;
	v11 =	vbroadcast v11, $0xF  }
0x2be: {  	v7 =	vsel vm0, v10, v7;
	vm0 =	veq.s32 v8, v0  }
0x2bf: {  	v7 =	vsel vm0, v11, v7  }
0x2c0: {  	s0 =	rddreg [dreg:$0xa];
	s24 =	simm.s32 $0xF100;
	s10 =	simm.s32 $0x3;
	[tilespmem:$0xF100] =	vst v7  }
0x2c1: {  	[spmem:s0] =	stream.linear.scatter [tilespmem:s24], [sflag:$0x3], $0x10, $0x38;
	[tilespmem:$0x113A0] =	vst v63  }
0x2c2: {  	_ =	swait.ge [sflag:s10], $0x10  }
0x2c3: {  	[sflag:s10] =	ssyncset.done $0x0  }
0x2c4: {  	[sflag:s10] =	ssyncadd.s32 $0xFFFFFFF0  }
0x2c5: {  	[bflag:$0x0] =	sbarrier.arrive $0xFFFF  }
0x2c6: {  	s26 =	simm.s32 $0xF180;
	s25 =	rddreg [dreg:$0x2]  }
0x2c7: {  	[tilespmem:s26], [sflag:$0x3] =	stream.linear.gather [spmem:s25], $0x100, $0x38;
	[tilespmem:$0x113A0] =	vst v63  }
0x2c8: {  	_ =	swait.ge [sflag:s10], $0x100  }
0x2c9: {  	[sflag:s10] =	ssyncset.done $0x0  }
0x2ca: {  	s28 =	simm.s32 $0xF270;
	[sflag:s10] =	ssyncadd.s32 $0xFFFFFF00  }
0x2cb: {  	v7 =	vld [tilespmem:s28+$0x0];
	_ =	sdelay $0x4  }
0x2cc: {  	v8 =	vperm.xlane v7, v3  }
0x2cd: {  	(xrf2) =	vadd.scan.msk.f32 $0xffff, v7  }
0x2ce: {  	(xrf2) =	vadd.scan.msk.f32 $0xffff, v8;
	_ =	sdelay $0x6  }
0x2cf: {  	s2 =	simm.s32 $0xF260  }
0x2d0: {  	v10 =	vld [tilespmem:s2+$0x0]  }
0x2d1: {  	v7, _, _ =	vpop (xrf2)  }
0x2d2: {  	v11 =	vimm.f32 $0.0e+00;
	v12, _, _ =	vpop (xrf2)  }
0x2d3: {  	v13 =	vadd.f32 v12, v11;
	_ =	sdelay $0x1  }
0x2d4: {  	(xrf2) =	vadd.scan.msk.f32 $0xffff, v10;
	vm0 =	vge.f32 v13, v6  }
0x2d5: {  	v10 =	vperm.xlane v10, v3;
	vm0 =	vmand vm0, vm1  }
0x2d6: {  	v14 =	vmctz.xlane vm0  }
0x2d7: {  	s29 =	simm.s32 $0xF0;
	(xrf2) =	vadd.scan.msk.f32 $0xffff, v10  }
0x2d8: {  	v7 =	vbroadcast v7, $0xF;
	v13 =	vmov s29;
	vm0 =	veq.s32 v14, v0  }
0x2d9: {  	v13 =	vadd.s32 $0xF, v13;
	v12 =	vnsel vm0, $0x0, v12  }
0x2da: {  	v7 =	vadd.f32 v7, v11;
	v13 =	vbroadcast v13, $0x0;
	(xrf2) =	vadd.scan.msk.f32 $0xffff, v12;
	_ =	sdelay $0x1  }
0x2db: {  	vm2 =	vge.f32 v7, v6;
	v13 =	vsub.s32 v13, v14;
	v14 =	vnsel vm0, $0x0, v8  }
0x2dc: {  	v15 =	vimm.s32 $0x0;
	vm3 =	vmand vm2, vm1;
	(xrf2) =	vadd.scan.msk.f32 $0xffff, v14  }
0x2dd: {  	s1 =	simm.s32 $0xE0;
	s13 =	simm.s32 $0xD0;
	vm2 =	vmor vm10, vm2;
	v8 =	vsel vm3, v13, v15;
	v12, _, _ =	vpop (xrf2)  }
.LBB2_44:
0x2de: {  	_ =	sdelay $0x1  }
0x2df: {  	p1 =	sne.s32 s13, $0x0;
	s0 =	smov.u32 s13;
	s13 =	sadd.s32 $0xFFFFFFF0, s13;
	v13, _, _ =	vpop (xrf2)  }
0x2e0: {  	_ =	sdelay $0x1  }
0x2e1: {  	v14, _, _ =	vpop (xrf2)  }
0x2e2: {  	v14 =	vbroadcast v14, $0xF  }
0x2e3: {  	v12 =	vbroadcast v12, $0xF  }
0x2e4: {  	v14 =	vadd.f32 v14, v11;
	v15, _, _ =	vpop (xrf2);
	v11 =	vmov v7  }
0x2e5: {  	v7 =	vadd.f32 v12, v7;
	v12 =	vbroadcast v15, $0xF  }
0x2e6: {  	s2 =	sadd.s32 $0xFFFFFFF0, s2;
	v15 =	vadd.f32 v13, v11  }
0x2e7: {  	v16 =	vld [tilespmem:s2+$0x0];
	v12 =	vsub.f32 v14, v12;
	_ =	sdelay $0x1  }
0x2e8: {  	v12 =	vsub.f32 v6, v12;
	_ =	sdelay $0x1  }
0x2e9: {  	vm0 =	vmneg vm2;
	v14 =	vmov s1;
	s1 =	smov.u32 s0;
	v6 =	vsel vm3, v12, v6  }
0x2ea: {  	v12 =	vperm.xlane v16, v3;
	(xrf2) =	vadd.scan.msk.f32 $0xffff, v16;
	vm3 =	vge.f32 v7, v6;
	vm4 =	vge.f32 v15, v6  }
0x2eb: {  	v14 =	vadd.s32 $0xF, v14;
	vm4 =	vmand vm4, vm0;
	vm2 =	vmor vm2, vm3  }
0x2ec: {  	v14 =	vbroadcast v14, $0x0;
	v15 =	vmctz.xlane vm4  }
0x2ed: {  	(xrf2) =	vadd.scan.msk.f32 $0xffff, v12  }
0x2ee: {  	vm3 =	vmand vm3, vm0;
	vm4 =	veq.s32 v15, v0;
	v14 =	vsub.s32 v14, v15  }
0x2ef: {  	v15 =	vnsel vm4, $0x0, v10;
	v13 =	vnsel vm4, $0x0, v13;
	v8 =	vsel vm3, v14, v8;
	v10 =	vmovc v12  }
.Ltmp21:
0x2f0: {  	(xrf2) =	vadd.scan.msk.f32 $0xffff, v13;
	(pc) =	sbr.rel @p1 .LBB2_44-.Ltmp21, $3  }
0x2f1: {  	_ =	sdelay $0x1  }
0x2f2: {  	(xrf2) =	vadd.scan.msk.f32 $0xffff, v15  }
0x2f3: {  	v12, _, _ =	vpop (xrf2)  }
0x2f4: {  	_ =	sdelay $0x4  }
0x2f5: {  	v58, _, _ =	vpop (xrf2)  }
0x2f6: {  	v14, _, _ =	vpop (xrf2)  }
0x2f7: {  	v14 =	vbroadcast v14, $0xF  }
0x2f8: {  	v15, _, _ =	vpop (xrf2)  }
0x2f9: {  	v11 =	vadd.f32 v14, v11;
	v59 =	vbroadcast v15, $0xF;
	_ =	sdelay $0x1  }
0x2fa: {  	v11 =	vsub.f32 v11, v59;
	_ =	sdelay $0x1  }
0x2fb: {  	v11 =	vsub.f32 v6, v11  }
0x2fc: {  	v60 =	vadd.f32 v58, v7  }
0x2fd: {  	v11 =	vsel vm3, v11, v6  }
0x2fe: {  	vm0 =	vmneg vm2;
	vm14 =	vge.f32 v60, v11  }
0x2ff: {  	vm2 =	vmand vm14, vm0  }
0x300: {  	v6 =	vmctz.xlane vm2  }
0x301: {  	v13 =	vimm.s32 $0x0  }
0x302: {  	v13 =	vsel vm1, $0xFFFFFFFF, v13;
	vm2 =	veq.s32 v6, v0  }
0x303: {  	[tilespmem:$0x1FFF0] =	vst v13;
	v13 =	vnsel vm2, $0x0, v58  }
0x304: {  	(xrf2) =	vadd.scan.msk.f32 $0xffff, v13  }
0x305: {  	v10 =	vnsel vm2, $0x0, v10  }
0x306: {  	(xrf2) =	vadd.scan.msk.f32 $0xffff, v10;
	_ =	sdelay $0x7  }
0x307: {  	v10, _, _ =	vpop (xrf2)  }
0x308: {  	v10 =	vbroadcast v10, $0xF  }
0x309: {  	s2 =	simm.s32 $0x8040;
	v61, _, _ =	vpop (xrf2)  }
0x30a: {  	v12 =	vbroadcast v12, $0xF;
	[tilespmem:s2+$0xFFFFFFC0] =	vst v1;
	v13 =	vbroadcast v61, $0xF;
	v10 =	vadd.f32 v10, v7  }
0x30b: {  	v62 =	vmov s1;
	[tilespmem:s2+$0x30] =	vst v1  }
0x30c: {  	v63 =	vadd.s32 $0xF, v62;
	[tilespmem:s2+$0x20] =	vst v1;
	v7 =	vadd.f32 v12, v7;
	v10 =	vsub.f32 v10, v13  }
0x30d: {  	[tilespmem:s2+$0x10] =	vst v1;
	v12 =	vbroadcast v63, $0x0  }
0x30e: {  	[tilespmem:s2+$0x0] =	vst v1;
	vm15 =	vge.f32 v7, v11;
	v7 =	vsub.f32 v11, v10  }
0x30f: {  	[tilespmem:s2+$0xFFFFFFF0] =	vst v1;
	v6 =	vsub.s32 v12, v6;
	vm0 =	vmand vm15, vm0  }
0x310: {  	s1 =	simm.s32 $0x0;
	[tilespmem:s2+$0xFFFFFFE0] =	vst v1;
	v6 =	vsel vm0, v6, v8;
	v7 =	vsel vm0, v7, v11  }
.LBB2_46:
0x311: {  	s1 =	sadd.s32 $0x8, s1;
	[tilespmem:s2+$0xFFFFFFD0] =	vst v1;
	s2 =	sadd.s32 $0x80, s2  }
0x312: {  	[tilespmem:s2+$0xFFFFFFC0] =	vst v1;
	p1 =	slt.u32 s1, $0xF8  }
0x313: {  	[tilespmem:s2+$0x30] =	vst v1  }
.Ltmp22:
0x314: {  	[tilespmem:s2+$0x20] =	vst v1;
	(pc) =	sbr.rel @p1 .LBB2_46-.Ltmp22, $4  }
0x315: {  	[tilespmem:s2+$0x10] =	vst v1  }
0x316: {  	[tilespmem:s2+$0x0] =	vst v1  }
0x317: {  	[tilespmem:s2+$0xFFFFFFF0] =	vst v1  }
0x318: {  	[tilespmem:s2+$0xFFFFFFE0] =	vst v1  }
0x319: {  	[tilespmem:s2+$0xFFFFFFD0] =	vst v1  }
0x31a: {  	s2 =	simm.s32 $0x0;
	s0 =	rddreg [dreg:$0x6]  }
0x31b: {  	v5 =	vshll.u32 v5, $0x8;
	[tilespmem:s2], [sflag:$0x1] =	stream.linear.gather [hbm4b:s0+s2], $0x4000, $0x38;
	[tilespmem:$0x113A0] =	vst v63  }
0x31c: {  	s13 =	simm.s32 $0x0;
	s29 =	rddreg [dreg:$0x7];
	v6 =	vor.u32 v5, v6  }
0x31d: {  	v11 =	vimm.s32 $0x0;
	v8 =	vor.u32 $0xFF, v6;
	[tilespmem:s18], [sflag:$0x2] =	stream.linear.gather [hbm4b:s29+s2], $0x4000, $0x38;
	[tilespmem:$0x113A0] =	vst v63  }
.LBB2_48:
0x31e: {  	_ =	swait.ge [sflag:s19], $0x4000;
	s0 =	sand.u32 $0x3000, s2;
	s1 =	sand.u32 $0xC00, s2  }
0x31f: {  	s6 =	sand.u32 $0x380, s2;
	[sflag:s19] =	ssyncset.done $0x0;
	s0 =	sor.u32 s1, s0  }
0x320: {  	[sflag:s19] =	ssyncadd.s32 $0xFFFFC000;
	s0 =	sor.u32 s6, s0  }
0x321: {  	v10 =	vld [tilespmem:s0+$0x50]  }
0x322: {  	v16 =	vld [tilespmem:s0+$0x70]  }
0x323: {  	vm0 =	vlt.s32 v11, $0x3FF;
	v5 =	vmul.u32 $0x400, v0;
	v12 =	vld [tilespmem:s0+$0x20]  }
0x324: {  	v13 =	vnsel vm0, $0x3FF, v11;
	v17 =	vld [tilespmem:s0+$0x10]  }
0x325: {  	v18 =	vadd.s32 v5, v13;
	v13 =	vld [tilespmem:s0+$0x40];
	_ =	sdelay $0x2  }
0x326: {  	v14 =	vld [tilespmem:s0+$0x0];
	v15 =	vshrl.u32 v10, $0x4  }
0x327: {  	v20 =	vshrl.u32 v10, $0x10;
	v19 =	vshrl.u32 v16, $0x4;
	v21 =	vshrl.u32 v16, $0x10  }
0x328: {  	v24 =	vshrl.u32 v12, $0x10;
	v25 =	vshrl.u32 v17, $0x4;
	v33 =	vshrl.u32 v13, $0x4  }
0x329: {  	vm4 =	veq.s32 v20, v6;
	vm2 =	vgt.s32 v20, v6;
	v15 =	vand.u32 $0xFF0, v15  }
0x32a: {  	v22 =	vand.u32 $0xFF0, v19;
	vm6 =	veq.s32 v21, v6;
	vm0 =	vgt.s32 v21, v6  }
0x32b: {  	vm3 =	vle.s32 v21, v8;
	v21 =	vshrl.u32 v14, $0x10;
	vm5 =	vle.s32 v20, v8  }
0x32c: {  	v20 =	vshrl.u32 v17, $0x10;
	v25 =	vand.u32 $0xFF0, v25;
	vm13 =	vle.s32 v24, v8  }
0x32d: {  	v33 =	vand.u32 $0xFF0, v33;
	vm15 =	vgt.s32 v24, v6;
	v28 =	vor.u32 v0, v15  }
0x32e: {  	v29 =	vsel vm6, $0x1, v4;
	vm10 =	vmand vm0, vm3;
	vm0 =	vgt.s32 v21, v6  }
0x32f: {  	v30 =	vor.u32 v0, v22;
	vm8 =	vle.s32 v21, v8;
	vm7 =	vle.s32 v20, v8  }
0x330: {  	vm11 =	vgt.s32 v20, v6;
	v22 =	vshrl.u32 v13, $0x10;
	vm3 =	veq.s32 v24, v6  }
0x331: {  	vm9 =	veq.s32 v21, v6;
	v31 =	vsel vm4, $0x1, v4;
	v33 =	vor.u32 v0, v33  }
0x332: {  	v19 =	vld [tilespmem:s0+$0x30];
	vm7 =	vmand vm11, vm7;
	v21 =	vsel vm9, $0x1, v4;
	vm11 =	vle.s32 v22, v8  }
0x333: {  	vm0 =	vmand vm0, vm8;
	vm8 =	veq.s32 v22, v6;
	vm12 =	vgt.s32 v22, v6  }
0x334: {  	v15 =	vld [tilespmem:s0+$0x60];
	v62 =	vsel vm3, $0x1, v4;
	v27 =	vnsel vm7, $0x0, v17;
	v32 =	vadd.s32 v21, v11  }
0x335: {  	vm7 =	veq.s32 v20, v6;
	v36 =	vsel vm8, $0x1, v4;
	v37 =	vnsel vm0, $0x0, v14  }
0x336: {  	vm11 =	vmand vm12, vm11;
	vm12 =	vmand vm15, vm13;
	v11 =	vsel vm7, $0x1, v4  }
0x337: {  	v9 =	vadd.f32 v37, v9;
	v24 =	vnsel vm12, $0x0, v12;
	v26 =	vshrl.u32 v19, $0x10  }
0x338: {  	v23 =	vshrl.u32 v19, $0x4;
	v34 =	vadd.s32 v11, v32;
	v11 =	vnsel vm10, $0x0, v16  }
0x339: {  	v23 =	vand.u32 $0xFF0, v23;
	v21 =	vshrl.u32 v15, $0x10;
	v35 =	vshrl.u32 v15, $0x4  }
0x33a: {  	vm0 =	vlt.s32 v34, $0x3FF;
	vm10 =	veq.s32 v26, v6;
	vm14 =	vgt.s32 v26, v6  }
0x33b: {  	v37 =	vadd.f32 v27, v9;
	v20 =	vor.u32 v0, v23;
	v23 =	vshrl.u32 v12, $0x4  }
0x33c: {  	v22 =	vand.u32 $0xFF0, v35;
	v35 =	vadd.s32 v62, v34;
	v9 =	vsel vm10, $0x1, v4  }
0x33d: {  	v27 =	vadd.s32 v9, v35;
	vm1 =	vlt.s32 v35, $0x3FF;
	v9 =	vnsel vm0, $0x3FF, v34  }
0x33e: {  	vm0 =	vle.s32 v26, v8;
	v37 =	vadd.f32 v24, v37;
	v26 =	vnsel vm11, $0x0, v13  }
0x33f: {  	vm11 =	veq.s32 v21, v6;
	v36 =	vadd.s32 v36, v27;
	v9 =	vadd.s32 v5, v9  }
0x340: {  	vm0 =	vmand vm14, vm0;
	vm12 =	vlt.s32 v27, $0x3FF;
	vm13 =	vlt.s32 v36, $0x3FF  }
0x341: {  	[tilespmem:v28+s20+$0x0] =	vst.idx.add.f32.msk vm4, v2;
	v28 =	vnsel vm0, $0x0, v19;
	v63 =	vnsel vm13, $0x3FF, v36;
	vm13 =	vlt.s32 v32, $0x3FF  }
0x342: {  	v36 =	vadd.s32 v31, v36;
	v31 =	vsel vm11, $0x1, v4;
	v28 =	vadd.f32 v28, v37  }
0x343: {  	[tilespmem:v30+s20+$0x0] =	vst.idx.add.f32.msk vm6, v2;
	v32 =	vnsel vm13, $0x3FF, v32;
	vm13 =	vlt.s32 v36, $0x3FF;
	v30 =	vadd.s32 v5, v63  }
0x344: {  	s14 =	simm.s32 $0x0;
	[tilespmem:v33+s20+$0x0] =	vst.idx.add.f32.msk vm8, v2;
	v24 =	vadd.s32 v5, v32;
	v32 =	vadd.s32 v31, v36;
	v31 =	vnsel vm1, $0x3FF, v35  }
0x345: {  	s15 =	simm.s32 $0x20;
	s16 =	simm.s32 $0x400;
	s1 =	simm.s32 $0x80;
	[tilespmem:v20+s20+$0x0] =	vst.idx.add.f32.msk vm10, v2;
	vm0 =	vlt.s32 v32, $0x3FF;
	v20 =	vadd.s32 v29, v32;
	v29 =	vnsel vm13, $0x3FF, v36  }
.LBB2_49:
0x346: {  	s0 =	sand.u32 $0x3000, s1;
	s6 =	sand.u32 $0xC00, s16;
	s14 =	sadd.s32 $0x8, s14;
	v23 =	vand.u32 $0xFF0, v23;
	v27 =	vnsel vm12, $0x3FF, v27;
	v32 =	vnsel vm0, $0x3FF, v32  }
0x347: {  	s7 =	sand.u32 $0x380, s15;
	vm0 =	vlt.s32 v20, $0x3FF;
	s0 =	sor.u32 s6, s0;
	p1 =	slt.u32 s14, $0x3F8;
	v27 =	vadd.s32 v5, v27;
	v32 =	vadd.s32 v5, v32  }
0x348: {  	v34 =	vshrl.u32 v14, $0x4;
	v31 =	vadd.s32 v5, v31;
	v33 =	vnsel vm0, $0x3FF, v20;
	s17 =	sor.u32 s7, s0  }
0x349: {  	v25 =	vor.u32 v0, v25;
	v34 =	vand.u32 $0xFF0, v34;
	vm0 =	vgt.s32 v21, v6;
	v35 =	vld [tilespmem:s17+$0x50]  }
0x34a: {  	vm1 =	vmand vm2, vm5;
	vm2 =	vle.s32 v21, v8;
	v34 =	vor.u32 v0, v34;
	v36 =	vld [tilespmem:s17+$0x70];
	[tilespmem:v30+s30+$0x0] =	vst.idx.msk vm4, v10  }
0x34b: {  	v26 =	vadd.f32 v26, v28;
	vm0 =	vmand vm0, vm2;
	v10 =	vnsel vm1, $0x0, v10;
	v21 =	vld [tilespmem:s17+$0x0]  }
0x34c: {  	v22 =	vor.u32 v0, v22;
	v23 =	vor.u32 v0, v23;
	v28 =	vld [tilespmem:s17+$0x40];
	[tilespmem:v32+s30+$0x0] =	vst.idx.msk vm6, v16  }
0x34d: {  	v32 =	vadd.f32 v10, v26;
	v26 =	vadd.s32 v5, v29;
	v30 =	vld [tilespmem:s17+$0x20];
	[tilespmem:v31+s30+$0x0] =	vst.idx.msk vm10, v19  }
0x34e: {  	v19 =	vshrl.u32 v35, $0x4;
	[tilespmem:v25+s20+$0x0] =	vst.idx.add.f32.msk vm7, v2;
	v25 =	vnsel vm0, $0x0, v15;
	v10 =	vmov v35  }
0x34f: {  	v29 =	vshrl.u32 v10, $0x10;
	v31 =	vshrl.u32 v36, $0x4;
	[tilespmem:v34+s20+$0x0] =	vst.idx.add.f32.msk vm9, v2;
	v25 =	vadd.f32 v25, v32;
	v16 =	vmovc v36  }
0x350: {  	v32 =	vadd.s32 v5, v33;
	v33 =	vld [tilespmem:s17+$0x10];
	vm4 =	veq.s32 v29, v6;
	vm2 =	vgt.s32 v29, v6  }
0x351: {  	v34 =	vand.u32 $0xFF0, v19;
	v35 =	vshrl.u32 v16, $0x10;
	v31 =	vand.u32 $0xFF0, v31;
	[tilespmem:v22+s20+$0x0] =	vst.idx.add.f32.msk vm11, v2  }
0x352: {  	vm6 =	veq.s32 v35, v6;
	vm0 =	vgt.s32 v35, v6;
	v36 =	vshrl.u32 v30, $0x10;
	v19 =	vld [tilespmem:s17+$0x30];
	[tilespmem:v18+s30+$0x0] =	vst.idx.msk vm9, v14  }
0x353: {  	v22 =	vor.u32 v0, v34;
	vm1 =	vle.s32 v35, v8;
	v34 =	vsel vm6, $0x1, v4;
	[tilespmem:v26+s30+$0x0] =	vst.idx.msk vm11, v15  }
0x354: {  	vm5 =	vle.s32 v29, v8;
	vm10 =	vmand vm0, vm1;
	v14 =	vmovc v21;
	v26 =	vshrl.u32 v21, $0x10;
	[tilespmem:v23+s20+$0x0] =	vst.idx.add.f32.msk vm3, v2  }
0x355: {  	vm11 =	vgt.s32 v26, v6;
	v23 =	vor.u32 v0, v31;
	v21 =	vshrl.u32 v33, $0x10;
	[tilespmem:v24+s30+$0x0] =	vst.idx.msk vm7, v17  }
0x356: {  	v18 =	vmovc v32;
	vm12 =	vle.s32 v26, v8;
	v24 =	vadd.f32 v11, v25;
	vm0 =	vle.s32 v21, v8  }
0x357: {  	v11 =	vshrl.u32 v28, $0x10;
	vm1 =	vgt.s32 v21, v6;
	v29 =	vshrl.u32 v19, $0x10;
	v15 =	vld [tilespmem:s17+$0x60];
	[tilespmem:v9+s30+$0x0] =	vst.idx.msk vm3, v12;
	v12 =	vmovc v30  }
0x358: {  	v9 =	vshrl.u32 v33, $0x4;
	vm3 =	veq.s32 v36, v6;
	v25 =	vshrl.u32 v19, $0x4;
	[tilespmem:v27+s30+$0x0] =	vst.idx.msk vm8, v13;
	v13 =	vmovc v28  }
0x359: {  	vm9 =	veq.s32 v26, v6;
	v17 =	vmovc v33;
	vm0 =	vmand vm1, vm0;
	v28 =	vsel vm4, $0x1, v4;
	[tilespmem:v22+s20+$0x0] =	vst.idx.add.f32.msk vm4, v2  }
0x35a: {  	v26 =	vnsel vm0, $0x0, v17;
	v25 =	vand.u32 $0xFF0, v25;
	v22 =	vsel vm9, $0x1, v4;
	[tilespmem:v23+s20+$0x0] =	vst.idx.add.f32.msk vm6, v2  }
0x35b: {  	vm7 =	veq.s32 v21, v6;
	v30 =	vor.u32 v0, v25;
	v20 =	vadd.s32 v22, v20  }
0x35c: {  	v21 =	vsel vm7, $0x1, v4;
	v27 =	vshrl.u32 v13, $0x4;
	v23 =	vshrl.u32 v12, $0x4  }
0x35d: {  	vm0 =	vle.s32 v11, v8;
	v31 =	vadd.s32 v21, v20;
	v21 =	vshrl.u32 v15, $0x10  }
0x35e: {  	vm1 =	vmand vm11, vm12;
	vm8 =	veq.s32 v11, v6;
	v22 =	vshrl.u32 v15, $0x4  }
0x35f: {  	vm11 =	vgt.s32 v11, v6;
	v11 =	vnsel vm10, $0x0, v16;
	v25 =	vand.u32 $0xFF0, v9  }
0x360: {  	vm12 =	vle.s32 v36, v8;
	v9 =	vsel vm8, $0x1, v4;
	v22 =	vand.u32 $0xFF0, v22  }
0x361: {  	v32 =	vnsel vm1, $0x0, v14;
	vm10 =	veq.s32 v29, v6;
	vm1 =	vlt.s32 v31, $0x3FF  }
0x362: {  	v33 =	vsel vm3, $0x1, v4;
	vm14 =	vgt.s32 v29, v6;
	v35 =	vand.u32 $0xFF0, v27  }
0x363: {  	v24 =	vadd.f32 v32, v24;
	v27 =	vsel vm10, $0x1, v4;
	v33 =	vadd.s32 v33, v31  }
0x364: {  	vm15 =	vgt.s32 v36, v6;
	vm13 =	vlt.s32 v33, $0x3FF;
	v27 =	vadd.s32 v27, v33  }
0x365: {  	vm0 =	vmand vm11, vm0;
	v32 =	vadd.f32 v26, v24;
	v36 =	vadd.s32 v9, v27  }
0x366: {  	vm12 =	vmand vm15, vm12;
	v35 =	vor.u32 v0, v35;
	vm11 =	vlt.s32 v36, $0x3FF  }
0x367: {  	v9 =	vnsel vm1, $0x3FF, v31;
	vm1 =	vle.s32 v29, v8;
	v29 =	vnsel vm11, $0x3FF, v36;
	[tilespmem:v30+s20+$0x0] =	vst.idx.add.f32.msk vm10, v2  }
0x368: {  	v9 =	vadd.s32 v5, v9;
	vm1 =	vmand vm14, vm1;
	vm11 =	vlt.s32 v20, $0x3FF  }
0x369: {  	v26 =	vnsel vm0, $0x0, v13;
	v20 =	vnsel vm11, $0x3FF, v20;
	vm11 =	veq.s32 v21, v6  }
.Ltmp23:
0x36a: {  	v24 =	vadd.s32 v5, v20;
	v20 =	vnsel vm12, $0x0, v12;
	v30 =	vnsel vm1, $0x0, v19;
	(pc) =	sbr.rel @p1 .LBB2_49-.Ltmp23, $4  }
0x36b: {  	v20 =	vadd.f32 v20, v32;
	[tilespmem:v35+s20+$0x0] =	vst.idx.add.f32.msk vm8, v2;
	v35 =	vadd.s32 v28, v36;
	v28 =	vsel vm11, $0x1, v4  }
0x36c: {  	vm12 =	vlt.s32 v27, $0x3FF;
	vm1 =	vlt.s32 v35, $0x3FF;
	v32 =	vadd.s32 v28, v35  }
0x36d: {  	v28 =	vadd.f32 v30, v20;
	vm0 =	vlt.s32 v32, $0x3FF;
	v20 =	vadd.s32 v34, v32  }
0x36e: {  	s15 =	sadd.s32 $0x20, s15;
	s16 =	sadd.s32 $0x400, s16;
	s1 =	sadd.s32 $0x80, s1;
	v31 =	vnsel vm13, $0x3FF, v33;
	v30 =	vadd.s32 v5, v29;
	v29 =	vnsel vm1, $0x3FF, v35  }
0x36f: {  	_ = 	snop  }
0x370: {  	v31 =	vadd.s32 v5, v31  }
0x371: {  	v32 =	vnsel vm0, $0x3FF, v32;
	v25 =	vor.u32 v0, v25  }
0x372: {  	v32 =	vadd.s32 v5, v32  }
0x373: {  	v33 =	vshrl.u32 v14, $0x4;
	v22 =	vor.u32 v0, v22  }
0x374: {  	[tilespmem:v30+s30+$0x0] =	vst.idx.msk vm4, v10;
	v33 =	vand.u32 $0xFF0, v33  }
0x375: {  	v33 =	vor.u32 v0, v33;
	[tilespmem:v31+s30+$0x0] =	vst.idx.msk vm10, v19  }
0x376: {  	[tilespmem:v25+s20+$0x0] =	vst.idx.add.f32.msk vm7, v2  }
0x377: {  	v19 =	vadd.s32 v5, v29;
	[tilespmem:v32+s30+$0x0] =	vst.idx.msk vm6, v16;
	v16 =	vand.u32 $0xFF0, v23  }
0x378: {  	[tilespmem:v22+s20+$0x0] =	vst.idx.add.f32.msk vm11, v2;
	v23 =	vnsel vm12, $0x3FF, v27;
	v16 =	vor.u32 v0, v16  }
0x379: {  	[tilespmem:v24+s30+$0x0] =	vst.idx.msk vm7, v17;
	v22 =	vadd.s32 v5, v23  }
0x37a: {  	s14 =	sshll.u32 s13, $0x6;
	[tilespmem:v33+s20+$0x0] =	vst.idx.add.f32.msk vm9, v2  }
0x37b: {  	s0 =	sadd.s32 s14, s8;
	[tilespmem:v18+s30+$0x0] =	vst.idx.msk vm9, v14  }
0x37c: {  	s0 =	sshll.u32 s0, $0x9;
	[tilespmem:v19+s30+$0x0] =	vst.idx.msk vm11, v15  }
0x37d: {  	s0 =	sadd.s32 s5, s0;
	[tilespmem:v16+s20+$0x0] =	vst.idx.add.f32.msk vm3, v2  }
0x37e: {  	s0 =	sshrl.u32 s0, $0x3;
	[tilespmem:v22+s30+$0x0] =	vst.idx.msk vm8, v13  }
0x37f: {  	s1 =	simm.s32 $0x0;
	s0 =	sadd.s32 s4, s0;
	[tilespmem:v9+s30+$0x0] =	vst.idx.msk vm3, v12  }
0x380: {  	[tilespmem:s1], [sflag:$0x1] =	stream.linear.gather [hbm4b:s0+s1], $0x4000, $0x38;
	[tilespmem:$0x113A0] =	vst v63  }
0x381: {  	s29 =	sand.u32 $0x3000, s1;
	s6 =	sand.u32 $0xC00, s1;
	_ =	swait.ge [sflag:s21], $0x4000  }
0x382: {  	s1 =	sand.u32 $0x380, s1;
	s0 =	sor.u32 s6, s29;
	[sflag:s21] =	ssyncset.done $0x0  }
0x383: {  	vm0 =	vmand vm2, vm5;
	v12 =	vadd.f32 v26, v28;
	s0 =	sor.u32 s1, s0;
	[sflag:s21] =	ssyncadd.s32 $0xFFFFC000  }
0x384: {  	vm1 =	vgt.s32 v21, v6;
	vm2 =	vle.s32 v21, v8;
	v10 =	vnsel vm0, $0x0, v10;
	v9 =	vld [tilespmem:s0+$0x4070]  }
0x385: {  	vm0 =	vmand vm1, vm2;
	v10 =	vadd.f32 v10, v12;
	v18 =	vld [tilespmem:s0+$0x4060]  }
0x386: {  	v12 =	vnsel vm0, $0x0, v15;
	vm0 =	vlt.s32 v20, $0x3FF;
	v13 =	vld [tilespmem:s0+$0x4050]  }
0x387: {  	v14 =	vnsel vm0, $0x3FF, v20;
	v12 =	vadd.f32 v12, v10;
	v10 =	vld [tilespmem:s0+$0x4030]  }
0x388: {  	v17 =	vadd.s32 v5, v14;
	v14 =	vld [tilespmem:s0+$0x4010];
	_ =	sdelay $0x1  }
0x389: {  	v11 =	vadd.f32 v11, v12;
	v15 =	vshrl.u32 v9, $0x10  }
0x38a: {  	v12 =	vld [tilespmem:s0+$0x4020];
	v16 =	vshrl.u32 v9, $0x4;
	v22 =	vshrl.u32 v18, $0x10;
	v21 =	vshrl.u32 v13, $0x4  }
0x38b: {  	v23 =	vshrl.u32 v13, $0x10;
	v19 =	vshrl.u32 v18, $0x4;
	v24 =	vshrl.u32 v10, $0x10  }
0x38c: {  	v27 =	vshrl.u32 v10, $0x4;
	v28 =	vshrl.u32 v14, $0x4;
	v29 =	vshrl.u32 v14, $0x10  }
0x38d: {  	vm5 =	veq.s32 v15, v6;
	vm2 =	veq.s32 v22, v6;
	vm10 =	vle.s32 v22, v8  }
0x38e: {  	v26 =	vand.u32 $0xFF0, v16;
	vm0 =	vgt.s32 v15, v6;
	vm1 =	vle.s32 v15, v8  }
0x38f: {  	vm3 =	vle.s32 v24, v8;
	v25 =	vand.u32 $0xFF0, v19;
	v30 =	vshrl.u32 v12, $0x10  }
0x390: {  	vm6 =	vgt.s32 v23, v6;
	vm8 =	vle.s32 v23, v8;
	v39 =	vand.u32 $0xFF0, v27  }
0x391: {  	vm0 =	vmand vm0, vm1;
	vm1 =	vgt.s32 v24, v6;
	v61 =	vor.u32 v0, v25  }
0x392: {  	v25 =	vand.u32 $0xFF0, v21;
	vm7 =	vle.s32 v30, v8;
	vm4 =	veq.s32 v30, v6  }
0x393: {  	v16 =	vld [tilespmem:s0+$0x4000];
	v40 =	vsel vm5, $0x1, v4;
	v41 =	vor.u32 v0, v26;
	v15 =	vnsel vm0, $0x0, v9  }
0x394: {  	v19 =	vld [tilespmem:s0+$0x4040];
	vm0 =	vmand vm1, vm3;
	vm1 =	vgt.s32 v29, v6;
	vm3 =	veq.s32 v24, v6  }
0x395: {  	v62 =	vor.u32 v0, v25;
	v24 =	vand.u32 $0xFF0, v28;
	v37 =	vsel vm4, $0x1, v4  }
0x396: {  	v21 =	vnsel vm0, $0x0, v10;
	vm0 =	vle.s32 v29, v8;
	v34 =	vor.u32 v0, v24  }
0x397: {  	v63 =	vsel vm3, $0x1, v4;
	vm0 =	vmand vm1, vm0;
	vm1 =	vgt.s32 v30, v6  }
0x398: {  	v30 =	vsel vm2, $0x1, v4;
	v31 =	vshrl.u32 v16, $0x10;
	v25 =	vshrl.u32 v16, $0x4  }
0x399: {  	v35 =	vnsel vm0, $0x0, v14;
	v28 =	vshrl.u32 v19, $0x10;
	vm0 =	vgt.s32 v22, v6  }
0x39a: {  	vm1 =	vmand vm1, vm7;
	v24 =	vshrl.u32 v19, $0x4;
	vm7 =	veq.s32 v29, v6  }
0x39b: {  	v22 =	vshrl.u32 v12, $0x4;
	v36 =	vnsel vm1, $0x0, v12;
	vm1 =	vle.s32 v28, v8  }
0x39c: {  	vm9 =	veq.s32 v31, v6;
	v29 =	vand.u32 $0xFF0, v24;
	v24 =	vand.u32 $0xFF0, v25  }
0x39d: {  	vm11 =	vgt.s32 v31, v6;
	vm12 =	vle.s32 v31, v8;
	v31 =	vsel vm7, $0x1, v4  }
0x39e: {  	vm0 =	vmand vm0, vm10;
	vm10 =	vgt.s32 v28, v6;
	v25 =	vsel vm9, $0x1, v4  }
0x39f: {  	vm12 =	vmand vm11, vm12;
	v38 =	vor.u32 v0, v29;
	vm11 =	veq.s32 v23, v6  }
0x3a0: {  	v25 =	vadd.s32 v25, v20;
	v20 =	vnsel vm0, $0x0, v18;
	vm0 =	vmand vm10, vm1  }
0x3a1: {  	v29 =	vnsel vm12, $0x0, v16;
	vm10 =	veq.s32 v28, v6;
	v27 =	vadd.s32 v31, v25  }
0x3a2: {  	[tilespmem:v61+s20+$0x0] =	vst.idx.add.f32.msk vm2, v2;
	v26 =	vsel vm11, $0x1, v4;
	v11 =	vadd.f32 v29, v11;
	v28 =	vadd.s32 v37, v27  }
0x3a3: {  	[tilespmem:v41+s20+$0x0] =	vst.idx.add.f32.msk vm5, v2;
	v23 =	vnsel vm0, $0x0, v19;
	v31 =	vsel vm10, $0x1, v4;
	v29 =	vadd.s32 v63, v28  }
0x3a4: {  	[tilespmem:v34+s20+$0x0] =	vst.idx.add.f32.msk vm7, v2;
	vm12 =	vlt.s32 v28, $0x3FF;
	v11 =	vadd.f32 v35, v11;
	v32 =	vadd.s32 v31, v29  }
0x3a5: {  	vm15 =	vlt.s32 v29, $0x3FF;
	[tilespmem:v62+s20+$0x0] =	vst.idx.add.f32.msk vm11, v2;
	vm13 =	vlt.s32 v32, $0x3FF;
	v33 =	vadd.s32 v26, v32  }
0x3a6: {  	s15 =	simm.s32 $0x0;
	v26 =	vor.u32 v0, v39;
	v31 =	vadd.f32 v36, v11;
	v30 =	vadd.s32 v30, v33  }
0x3a7: {  	s16 =	simm.s32 $0x20;
	s17 =	simm.s32 $0x400;
	s1 =	simm.s32 $0x80;
	[tilespmem:v38+s20+$0x0] =	vst.idx.add.f32.msk vm10, v2;
	vm0 =	vlt.s32 v33, $0x3FF;
	vm14 =	vlt.s32 v30, $0x3FF;
	v11 =	vadd.s32 v40, v30  }
.LBB2_51:
0x3a8: {  	vm1 =	vlt.s32 v27, $0x3FF  }
0x3a9: {  	s0 =	sand.u32 $0x3000, s1;
	s6 =	sand.u32 $0xC00, s17;
	s15 =	sadd.s32 $0x8, s15;
	v32 =	vnsel vm13, $0x3FF, v32;
	v33 =	vnsel vm0, $0x3FF, v33;
	vm13 =	vmmov vm5  }
0x3aa: {  	s7 =	sand.u32 $0x380, s16;
	v29 =	vnsel vm15, $0x3FF, v29;
	s0 =	sor.u32 s6, s0;
	p1 =	slt.u32 s15, $0x3F8;
	v27 =	vnsel vm1, $0x3FF, v27;
	v21 =	vadd.f32 v21, v31  }
0x3ab: {  	vm0 =	vlt.s32 v25, $0x3FF;
	v31 =	vadd.s32 v5, v33;
	s22 =	sor.u32 s7, s0;
	v27 =	vadd.s32 v5, v27  }
0x3ac: {  	v24 =	vor.u32 v0, v24;
	v28 =	vnsel vm12, $0x3FF, v28;
	v25 =	vnsel vm0, $0x3FF, v25;
	v33 =	vld [tilespmem:s22+$0x4070]  }
0x3ad: {  	vm0 =	vlt.s32 v11, $0x3FF;
	v28 =	vadd.s32 v5, v28;
	vm1 =	vmand vm6, vm8;
	v34 =	vld [tilespmem:s22+$0x4060]  }
0x3ae: {  	v32 =	vadd.s32 v5, v32;
	v35 =	vnsel vm0, $0x3FF, v11;
	v37 =	vnsel vm1, $0x0, v13;
	v36 =	vld [tilespmem:s22+$0x4050]  }
0x3af: {  	v22 =	vand.u32 $0xFF0, v22;
	v29 =	vadd.s32 v5, v29;
	v35 =	vadd.s32 v5, v35;
	v38 =	vld [tilespmem:s22+$0x4010]  }
0x3b0: {  	v25 =	vadd.s32 v5, v25;
	v21 =	vadd.f32 v23, v21;
	[tilespmem:v31+s30+$0x0] =	vst.idx.msk vm2, v18;
	v18 =	vnsel vm14, $0x3FF, v30  }
0x3b1: {  	v23 =	vld [tilespmem:s22+$0x4030];
	v30 =	vshrl.u32 v33, $0x4;
	v31 =	vshrl.u32 v33, $0x10;
	v39 =	vadd.s32 v5, v18  }
0x3b2: {  	v21 =	vadd.f32 v37, v21;
	v40 =	vshrl.u32 v34, $0x10;
	vm5 =	veq.s32 v31, v6;
	[tilespmem:v24+s20+$0x0] =	vst.idx.add.f32.msk vm9, v2  }
0x3b3: {  	v30 =	vand.u32 $0xFF0, v30;
	v24 =	vld [tilespmem:s22+$0x4020];
	vm2 =	veq.s32 v40, v6;
	vm12 =	vle.s32 v40, v8;
	[tilespmem:v32+s30+$0x0] =	vst.idx.msk vm11, v13  }
0x3b4: {  	v22 =	vor.u32 v0, v22;
	v32 =	vshrl.u32 v36, $0x4;
	v37 =	vshrl.u32 v36, $0x10;
	v18 =	vmovc v34;
	[tilespmem:v26+s20+$0x0] =	vst.idx.add.f32.msk vm3, v2  }
0x3b5: {  	vm0 =	vgt.s32 v31, v6;
	vm1 =	vle.s32 v31, v8;
	v26 =	vshrl.u32 v18, $0x4;
	[tilespmem:v17+s30+$0x0] =	vst.idx.msk vm9, v16;
	v16 =	vld [tilespmem:s22+$0x4000]  }
0x3b6: {  	vm0 =	vmand vm0, vm1;
	v13 =	vmovc v36;
	v31 =	vshrl.u32 v23, $0x4;
	v34 =	vshrl.u32 v23, $0x10;
	[tilespmem:v39+s30+$0x0] =	vst.idx.msk vm13, v9;
	v9 =	vmovc v33  }
0x3b7: {  	vm1 =	vgt.s32 v34, v6;
	vm6 =	vle.s32 v34, v8;
	v33 =	vnsel vm0, $0x0, v9;
	[tilespmem:v29+s30+$0x0] =	vst.idx.msk vm10, v19  }
0x3b8: {  	v20 =	vadd.f32 v20, v21;
	v26 =	vand.u32 $0xFF0, v26;
	v17 =	vmovc v35;
	vm0 =	vmand vm1, vm6;
	[tilespmem:v25+s30+$0x0] =	vst.idx.msk vm7, v14  }
0x3b9: {  	v29 =	vshrl.u32 v38, $0x10;
	v25 =	vshrl.u32 v38, $0x4;
	v35 =	vshrl.u32 v24, $0x10;
	v14 =	vmovc v38;
	v19 =	vld [tilespmem:s22+$0x4040];
	[tilespmem:v28+s30+$0x0] =	vst.idx.msk vm3, v10;
	v10 =	vmovc v23  }
0x3ba: {  	v26 =	vor.u32 v0, v26;
	vm6 =	vgt.s32 v37, v6;
	v23 =	vshrl.u32 v16, $0x10;
	[tilespmem:v22+s20+$0x0] =	vst.idx.add.f32.msk vm4, v2  }
0x3bb: {  	vm1 =	vgt.s32 v29, v6;
	v22 =	vand.u32 $0xFF0, v32;
	v32 =	vadd.f32 v15, v20;
	[tilespmem:v27+s30+$0x0] =	vst.idx.msk vm4, v12  }
0x3bc: {  	vm3 =	veq.s32 v34, v6;
	v21 =	vnsel vm0, $0x0, v10;
	v15 =	vmovc v33;
	v34 =	vor.u32 v0, v22;
	v12 =	vmovc v24  }
0x3bd: {  	vm8 =	vle.s32 v37, v8;
	vm7 =	vle.s32 v35, v8;
	vm0 =	vle.s32 v29, v8  }
0x3be: {  	v20 =	vand.u32 $0xFF0, v25;
	vm0 =	vmand vm1, vm0;
	vm1 =	vgt.s32 v35, v6  }
0x3bf: {  	v24 =	vshrl.u32 v16, $0x4;
	v27 =	vor.u32 v0, v20;
	v33 =	vnsel vm0, $0x0, v14;
	[tilespmem:v26+s20+$0x0] =	vst.idx.add.f32.msk vm2, v2  }
0x3c0: {  	vm4 =	veq.s32 v35, v6;
	vm0 =	vgt.s32 v40, v6;
	v26 =	vshrl.u32 v19, $0x10  }
0x3c1: {  	v35 =	vsel vm2, $0x1, v4;
	vm1 =	vmand vm1, vm7;
	v20 =	vshrl.u32 v19, $0x4  }
0x3c2: {  	vm7 =	veq.s32 v29, v6;
	v36 =	vnsel vm1, $0x0, v12;
	vm1 =	vle.s32 v26, v8  }
0x3c3: {  	vm9 =	veq.s32 v23, v6;
	v22 =	vshrl.u32 v12, $0x4;
	v20 =	vand.u32 $0xFF0, v20  }
0x3c4: {  	v24 =	vand.u32 $0xFF0, v24;
	v25 =	vsel vm9, $0x1, v4;
	v28 =	vsel vm4, $0x1, v4  }
0x3c5: {  	vm10 =	vgt.s32 v23, v6;
	vm11 =	vle.s32 v23, v8;
	v25 =	vadd.s32 v25, v11  }
0x3c6: {  	vm10 =	vmand vm10, vm11;
	v11 =	vsel vm7, $0x1, v4;
	vm0 =	vmand vm0, vm12  }
0x3c7: {  	v38 =	vor.u32 v0, v20;
	vm11 =	vgt.s32 v26, v6;
	v20 =	vnsel vm0, $0x0, v18  }
0x3c8: {  	v31 =	vand.u32 $0xFF0, v31;
	vm0 =	vmand vm11, vm1;
	vm11 =	veq.s32 v37, v6;
	[tilespmem:v27+s20+$0x0] =	vst.idx.add.f32.msk vm7, v2  }
0x3c9: {  	v29 =	vnsel vm10, $0x0, v16;
	vm10 =	veq.s32 v26, v6;
	v27 =	vadd.s32 v11, v25  }
0x3ca: {  	v37 =	vsel vm5, $0x1, v4;
	v23 =	vnsel vm0, $0x0, v19;
	v11 =	vsel vm10, $0x1, v4  }
0x3cb: {  	v39 =	vor.u32 v0, v30;
	v26 =	vsel vm3, $0x1, v4;
	v28 =	vadd.s32 v28, v27  }
.Ltmp24:
0x3cc: {  	v30 =	vadd.f32 v29, v32;
	v29 =	vadd.s32 v26, v28;
	v26 =	vsel vm11, $0x1, v4;
	(pc) =	sbr.rel @p1 .LBB2_51-.Ltmp24, $4  }
0x3cd: {  	vm12 =	vlt.s32 v28, $0x3FF;
	vm15 =	vlt.s32 v29, $0x3FF;
	v32 =	vadd.s32 v11, v29  }
0x3ce: {  	v11 =	vadd.f32 v33, v30;
	vm13 =	vlt.s32 v32, $0x3FF;
	v33 =	vadd.s32 v26, v32;
	[tilespmem:v34+s20+$0x0] =	vst.idx.add.f32.msk vm11, v2  }
0x3cf: {  	v26 =	vor.u32 v0, v31;
	vm0 =	vlt.s32 v33, $0x3FF;
	v30 =	vadd.s32 v35, v33;
	[tilespmem:v38+s20+$0x0] =	vst.idx.add.f32.msk vm10, v2  }
0x3d0: {  	s16 =	sadd.s32 $0x20, s16;
	s17 =	sadd.s32 $0x400, s17;
	s1 =	sadd.s32 $0x80, s1;
	v31 =	vadd.f32 v36, v11;
	vm14 =	vlt.s32 v30, $0x3FF;
	v11 =	vadd.s32 v37, v30;
	[tilespmem:v39+s20+$0x0] =	vst.idx.add.f32.msk vm5, v2  }
0x3d1: {  	_ = 	snop  }
0x3d2: {  	v33 =	vnsel vm0, $0x3FF, v33;
	v24 =	vor.u32 v0, v24  }
0x3d3: {  	v30 =	vnsel vm14, $0x3FF, v30;
	v33 =	vadd.s32 v5, v33  }
0x3d4: {  	v32 =	vnsel vm13, $0x3FF, v32;
	v60 =	vadd.s32 v5, v30  }
0x3d5: {  	v32 =	vadd.s32 v5, v32  }
0x3d6: {  	v61 =	vnsel vm12, $0x3FF, v28;
	[tilespmem:v26+s20+$0x0] =	vst.idx.add.f32.msk vm3, v2  }
0x3d7: {  	v29 =	vnsel vm15, $0x3FF, v29;
	vm1 =	vlt.s32 v25, $0x3FF;
	[tilespmem:v24+s20+$0x0] =	vst.idx.add.f32.msk vm9, v2;
	v24 =	vadd.s32 v5, v61  }
0x3d8: {  	vm15 =	vlt.s32 v27, $0x3FF;
	v22 =	vand.u32 $0xFF0, v22;
	v29 =	vadd.s32 v5, v29;
	[tilespmem:v33+s30+$0x0] =	vst.idx.msk vm2, v18  }
0x3d9: {  	v25 =	vnsel vm1, $0x3FF, v25;
	v22 =	vor.u32 v0, v22;
	[tilespmem:v60+s30+$0x0] =	vst.idx.msk vm5, v9;
	v9 =	vadd.f32 v21, v31  }
0x3da: {  	v62 =	vnsel vm15, $0x3FF, v27;
	v25 =	vadd.s32 v5, v25;
	[tilespmem:v32+s30+$0x0] =	vst.idx.msk vm11, v13  }
0x3db: {  	vm0 =	vmand vm6, vm8;
	s13 =	sadd.s32 $0x1, s13;
	v63 =	vadd.s32 v5, v62;
	[tilespmem:v17+s30+$0x0] =	vst.idx.msk vm9, v16;
	v9 =	vadd.f32 v23, v9  }
0x3dc: {  	s0 =	sadd.s32 s14, s9;
	p1 =	sne.s32 s13, $0x3;
	[tilespmem:v24+s30+$0x0] =	vst.idx.msk vm3, v10;
	v10 =	vnsel vm0, $0x0, v13  }
.Ltmp25:
0x3dd: {  	s0 =	sshll.u32 s0, $0x9;
	[tilespmem:v29+s30+$0x0] =	vst.idx.msk vm10, v19;
	v9 =	vadd.f32 v10, v9;
	(pc) =	sbr.rel @p1 .LBB2_48-.Ltmp25, $4  }
0x3de: {  	s0 =	sadd.s32 s5, s0;
	[tilespmem:v22+s20+$0x0] =	vst.idx.add.f32.msk vm4, v2  }
0x3df: {  	s0 =	sshrl.u32 s0, $0x3;
	[tilespmem:v25+s30+$0x0] =	vst.idx.msk vm7, v14;
	v9 =	vadd.f32 v20, v9  }
0x3e0: {  	s0 =	sadd.s32 s4, s0;
	[tilespmem:v63+s30+$0x0] =	vst.idx.msk vm4, v12  }
0x3e1: {  	vm13 =	vmmov vm5;
	[tilespmem:s18], [sflag:$0x2] =	stream.linear.gather [hbm4b:s0+s3], $0x4000, $0x38;
	v9 =	vadd.f32 v15, v9;
	[tilespmem:$0x113A0] =	vst v63  }
0x3e2: {  	s0 =	simm.s32 $0x0  }
0x3e3: {  	_ =	swait.ge [sflag:s19], $0x4000;
	s1 =	sand.u32 $0x3000, s0;
	s2 =	sand.u32 $0xC00, s0  }
0x3e4: {  	[sflag:s19] =	ssyncset.done $0x0;
	s0 =	sand.u32 $0x380, s0;
	s1 =	sor.u32 s2, s1  }
0x3e5: {  	[sflag:s19] =	ssyncadd.s32 $0xFFFFC000;
	s0 =	sor.u32 s0, s1  }
0x3e6: {  	v10 =	vld [tilespmem:s0+$0x70]  }
0x3e7: {  	v19 =	vld [tilespmem:s0+$0x60]  }
0x3e8: {  	v12 =	vld [tilespmem:s0+$0x50]  }
0x3e9: {  	v13 =	vld [tilespmem:s0+$0x30]  }
0x3ea: {  	vm0 =	vlt.s32 v11, $0x3FF;
	v16 =	vld [tilespmem:s0+$0x10]  }
0x3eb: {  	v14 =	vnsel vm0, $0x3FF, v11;
	v15 =	vld [tilespmem:s0+$0x20]  }
0x3ec: {  	v18 =	vadd.s32 v5, v14;
	v14 =	vshrl.u32 v10, $0x10  }
0x3ed: {  	v17 =	vshrl.u32 v10, $0x4;
	v22 =	vshrl.u32 v19, $0x10;
	v21 =	vshrl.u32 v12, $0x4  }
0x3ee: {  	v23 =	vshrl.u32 v12, $0x10;
	v20 =	vshrl.u32 v19, $0x4;
	v24 =	vshrl.u32 v13, $0x10  }
0x3ef: {  	v27 =	vshrl.u32 v13, $0x4;
	v28 =	vshrl.u32 v16, $0x4;
	v29 =	vshrl.u32 v16, $0x10  }
0x3f0: {  	v30 =	vshrl.u32 v15, $0x10;
	vm5 =	veq.s32 v14, v6;
	vm2 =	veq.s32 v22, v6  }
0x3f1: {  	vm10 =	vle.s32 v22, v8;
	v26 =	vand.u32 $0xFF0, v17;
	vm0 =	vgt.s32 v14, v6  }
0x3f2: {  	vm1 =	vle.s32 v14, v8;
	vm3 =	vle.s32 v24, v8;
	v25 =	vand.u32 $0xFF0, v20  }
0x3f3: {  	vm6 =	vgt.s32 v23, v6;
	vm7 =	vle.s32 v30, v8;
	vm8 =	vle.s32 v23, v8  }
0x3f4: {  	vm4 =	veq.s32 v30, v6;
	v39 =	vand.u32 $0xFF0, v27;
	vm0 =	vmand vm0, vm1  }
0x3f5: {  	vm1 =	vgt.s32 v24, v6;
	v32 =	vor.u32 v0, v25;
	v25 =	vand.u32 $0xFF0, v21  }
0x3f6: {  	v17 =	vld [tilespmem:s0+$0x0];
	v37 =	vsel vm4, $0x1, v4;
	v40 =	vsel vm5, $0x1, v4;
	v41 =	vor.u32 v0, v26  }
0x3f7: {  	v20 =	vld [tilespmem:s0+$0x40];
	v14 =	vnsel vm0, $0x0, v10;
	vm0 =	vmand vm1, vm3;
	vm1 =	vgt.s32 v29, v6  }
0x3f8: {  	vm3 =	veq.s32 v24, v6;
	v33 =	vor.u32 v0, v25;
	v24 =	vand.u32 $0xFF0, v28  }
0x3f9: {  	v21 =	vnsel vm0, $0x0, v13;
	vm0 =	vle.s32 v29, v8;
	v34 =	vor.u32 v0, v24  }
0x3fa: {  	v63 =	vsel vm3, $0x1, v4;
	vm0 =	vmand vm1, vm0;
	vm1 =	vgt.s32 v30, v6  }
0x3fb: {  	v30 =	vsel vm2, $0x1, v4;
	v31 =	vshrl.u32 v17, $0x10;
	v25 =	vshrl.u32 v17, $0x4  }
0x3fc: {  	v35 =	vnsel vm0, $0x0, v16;
	v28 =	vshrl.u32 v20, $0x10;
	vm0 =	vgt.s32 v22, v6  }
0x3fd: {  	vm1 =	vmand vm1, vm7;
	v24 =	vshrl.u32 v20, $0x4;
	vm7 =	veq.s32 v29, v6  }
0x3fe: {  	v22 =	vshrl.u32 v15, $0x4;
	v36 =	vnsel vm1, $0x0, v15;
	vm1 =	vle.s32 v28, v8  }
0x3ff: {  	vm9 =	veq.s32 v31, v6;
	v29 =	vand.u32 $0xFF0, v24;
	v24 =	vand.u32 $0xFF0, v25  }
0x400: {  	vm11 =	vgt.s32 v31, v6;
	vm12 =	vle.s32 v31, v8;
	v31 =	vsel vm7, $0x1, v4  }
0x401: {  	vm0 =	vmand vm0, vm10;
	vm10 =	vgt.s32 v28, v6;
	v25 =	vsel vm9, $0x1, v4  }
0x402: {  	vm12 =	vmand vm11, vm12;
	v38 =	vor.u32 v0, v29;
	vm11 =	veq.s32 v23, v6  }
0x403: {  	v25 =	vadd.s32 v25, v11;
	v11 =	vnsel vm0, $0x0, v19;
	vm0 =	vmand vm10, vm1  }
0x404: {  	v29 =	vnsel vm12, $0x0, v17;
	vm10 =	veq.s32 v28, v6;
	v27 =	vadd.s32 v31, v25  }
0x405: {  	[tilespmem:v32+s20+$0x0] =	vst.idx.add.f32.msk vm2, v2;
	v26 =	vsel vm11, $0x1, v4;
	v9 =	vadd.f32 v29, v9;
	v28 =	vadd.s32 v37, v27  }
0x406: {  	[tilespmem:v41+s20+$0x0] =	vst.idx.add.f32.msk vm5, v2;
	v23 =	vnsel vm0, $0x0, v20;
	v31 =	vsel vm10, $0x1, v4;
	v29 =	vadd.s32 v63, v28  }
0x407: {  	[tilespmem:v34+s20+$0x0] =	vst.idx.add.f32.msk vm7, v2;
	vm12 =	vlt.s32 v28, $0x3FF;
	v9 =	vadd.f32 v35, v9;
	v32 =	vadd.s32 v31, v29  }
0x408: {  	vm15 =	vlt.s32 v29, $0x3FF;
	[tilespmem:v33+s20+$0x0] =	vst.idx.add.f32.msk vm11, v2;
	vm13 =	vlt.s32 v32, $0x3FF;
	v33 =	vadd.s32 v26, v32  }
0x409: {  	s13 =	simm.s32 $0x20;
	v26 =	vor.u32 v0, v39;
	v31 =	vadd.f32 v36, v9;
	v30 =	vadd.s32 v30, v33  }
0x40a: {  	s14 =	simm.s32 $0x400;
	s2 =	simm.s32 $0x0;
	s1 =	simm.s32 $0x80;
	[tilespmem:v38+s20+$0x0] =	vst.idx.add.f32.msk vm10, v2;
	vm0 =	vlt.s32 v33, $0x3FF;
	vm14 =	vlt.s32 v30, $0x3FF;
	v9 =	vadd.s32 v40, v30  }
.LBB2_54:
0x40b: {  	vm1 =	vlt.s32 v27, $0x3FF  }
0x40c: {  	s0 =	sand.u32 $0x3000, s1;
	s6 =	sand.u32 $0xC00, s14;
	s2 =	sadd.s32 $0x8, s2;
	v32 =	vnsel vm13, $0x3FF, v32;
	v33 =	vnsel vm0, $0x3FF, v33;
	vm13 =	vmmov vm5  }
0x40d: {  	s7 =	sand.u32 $0x380, s13;
	v29 =	vnsel vm15, $0x3FF, v29;
	s0 =	sor.u32 s6, s0;
	p1 =	slt.u32 s2, $0x3F8;
	v27 =	vnsel vm1, $0x3FF, v27;
	v21 =	vadd.f32 v21, v31  }
0x40e: {  	vm0 =	vlt.s32 v25, $0x3FF;
	v31 =	vadd.s32 v5, v33;
	s15 =	sor.u32 s7, s0;
	v27 =	vadd.s32 v5, v27  }
0x40f: {  	v24 =	vor.u32 v0, v24;
	v28 =	vnsel vm12, $0x3FF, v28;
	v25 =	vnsel vm0, $0x3FF, v25;
	v33 =	vld [tilespmem:s15+$0x70]  }
0x410: {  	vm0 =	vlt.s32 v9, $0x3FF;
	v28 =	vadd.s32 v5, v28;
	vm1 =	vmand vm6, vm8;
	v34 =	vld [tilespmem:s15+$0x60]  }
0x411: {  	v32 =	vadd.s32 v5, v32;
	v35 =	vnsel vm0, $0x3FF, v9;
	v37 =	vnsel vm1, $0x0, v12;
	v36 =	vld [tilespmem:s15+$0x50]  }
0x412: {  	v22 =	vand.u32 $0xFF0, v22;
	v29 =	vadd.s32 v5, v29;
	v35 =	vadd.s32 v5, v35;
	v38 =	vld [tilespmem:s15+$0x10]  }
0x413: {  	v25 =	vadd.s32 v5, v25;
	v21 =	vadd.f32 v23, v21;
	[tilespmem:v31+s30+$0x0] =	vst.idx.msk vm2, v19;
	v19 =	vnsel vm14, $0x3FF, v30  }
0x414: {  	v23 =	vld [tilespmem:s15+$0x30];
	v30 =	vshrl.u32 v33, $0x4;
	v31 =	vshrl.u32 v33, $0x10;
	v39 =	vadd.s32 v5, v19  }
0x415: {  	v21 =	vadd.f32 v37, v21;
	v40 =	vshrl.u32 v34, $0x10;
	vm5 =	veq.s32 v31, v6;
	[tilespmem:v24+s20+$0x0] =	vst.idx.add.f32.msk vm9, v2  }
0x416: {  	v30 =	vand.u32 $0xFF0, v30;
	v24 =	vld [tilespmem:s15+$0x20];
	vm2 =	veq.s32 v40, v6;
	vm12 =	vle.s32 v40, v8;
	[tilespmem:v32+s30+$0x0] =	vst.idx.msk vm11, v12  }
0x417: {  	v22 =	vor.u32 v0, v22;
	v32 =	vshrl.u32 v36, $0x4;
	v37 =	vshrl.u32 v36, $0x10;
	v19 =	vmovc v34;
	[tilespmem:v26+s20+$0x0] =	vst.idx.add.f32.msk vm3, v2  }
0x418: {  	vm0 =	vgt.s32 v31, v6;
	vm1 =	vle.s32 v31, v8;
	v26 =	vshrl.u32 v19, $0x4;
	[tilespmem:v18+s30+$0x0] =	vst.idx.msk vm9, v17;
	v17 =	vld [tilespmem:s15+$0x0]  }
0x419: {  	vm0 =	vmand vm0, vm1;
	v12 =	vmovc v36;
	v31 =	vshrl.u32 v23, $0x4;
	v34 =	vshrl.u32 v23, $0x10;
	[tilespmem:v39+s30+$0x0] =	vst.idx.msk vm13, v10;
	v10 =	vmovc v33  }
0x41a: {  	vm1 =	vgt.s32 v34, v6;
	vm6 =	vle.s32 v34, v8;
	v33 =	vnsel vm0, $0x0, v10;
	[tilespmem:v29+s30+$0x0] =	vst.idx.msk vm10, v20  }
0x41b: {  	v11 =	vadd.f32 v11, v21;
	v26 =	vand.u32 $0xFF0, v26;
	v18 =	vmovc v35;
	vm0 =	vmand vm1, vm6;
	[tilespmem:v25+s30+$0x0] =	vst.idx.msk vm7, v16  }
0x41c: {  	v29 =	vshrl.u32 v38, $0x10;
	v25 =	vshrl.u32 v38, $0x4;
	v35 =	vshrl.u32 v24, $0x10;
	v16 =	vmovc v38;
	v20 =	vld [tilespmem:s15+$0x40];
	[tilespmem:v28+s30+$0x0] =	vst.idx.msk vm3, v13;
	v13 =	vmovc v23  }
0x41d: {  	v26 =	vor.u32 v0, v26;
	vm6 =	vgt.s32 v37, v6;
	v23 =	vshrl.u32 v17, $0x10;
	[tilespmem:v22+s20+$0x0] =	vst.idx.add.f32.msk vm4, v2  }
0x41e: {  	vm1 =	vgt.s32 v29, v6;
	v22 =	vand.u32 $0xFF0, v32;
	v32 =	vadd.f32 v14, v11;
	[tilespmem:v27+s30+$0x0] =	vst.idx.msk vm4, v15  }
0x41f: {  	vm3 =	veq.s32 v34, v6;
	v21 =	vnsel vm0, $0x0, v13;
	v14 =	vmovc v33;
	v34 =	vor.u32 v0, v22;
	v15 =	vmovc v24  }
0x420: {  	vm8 =	vle.s32 v37, v8;
	vm7 =	vle.s32 v35, v8;
	vm0 =	vle.s32 v29, v8  }
0x421: {  	v11 =	vand.u32 $0xFF0, v25;
	vm0 =	vmand vm1, vm0;
	vm1 =	vgt.s32 v35, v6  }
0x422: {  	v24 =	vshrl.u32 v17, $0x4;
	v27 =	vor.u32 v0, v11;
	v33 =	vnsel vm0, $0x0, v16;
	[tilespmem:v26+s20+$0x0] =	vst.idx.add.f32.msk vm2, v2  }
0x423: {  	vm4 =	veq.s32 v35, v6;
	vm0 =	vgt.s32 v40, v6;
	v26 =	vshrl.u32 v20, $0x10  }
0x424: {  	v35 =	vsel vm2, $0x1, v4;
	vm1 =	vmand vm1, vm7;
	v11 =	vshrl.u32 v20, $0x4  }
0x425: {  	vm7 =	veq.s32 v29, v6;
	v36 =	vnsel vm1, $0x0, v15;
	vm1 =	vle.s32 v26, v8  }
0x426: {  	vm9 =	veq.s32 v23, v6;
	v22 =	vshrl.u32 v15, $0x4;
	v11 =	vand.u32 $0xFF0, v11  }
0x427: {  	v24 =	vand.u32 $0xFF0, v24;
	v25 =	vsel vm9, $0x1, v4;
	v28 =	vsel vm4, $0x1, v4  }
0x428: {  	vm10 =	vgt.s32 v23, v6;
	vm11 =	vle.s32 v23, v8;
	v25 =	vadd.s32 v25, v9  }
0x429: {  	vm10 =	vmand vm10, vm11;
	v9 =	vsel vm7, $0x1, v4;
	vm0 =	vmand vm0, vm12  }
0x42a: {  	v38 =	vor.u32 v0, v11;
	vm11 =	vgt.s32 v26, v6;
	v11 =	vnsel vm0, $0x0, v19  }
0x42b: {  	v31 =	vand.u32 $0xFF0, v31;
	vm0 =	vmand vm11, vm1;
	vm11 =	veq.s32 v37, v6;
	[tilespmem:v27+s20+$0x0] =	vst.idx.add.f32.msk vm7, v2  }
0x42c: {  	v29 =	vnsel vm10, $0x0, v17;
	vm10 =	veq.s32 v26, v6;
	v27 =	vadd.s32 v9, v25  }
0x42d: {  	v37 =	vsel vm5, $0x1, v4;
	v23 =	vnsel vm0, $0x0, v20;
	v9 =	vsel vm10, $0x1, v4  }
0x42e: {  	v39 =	vor.u32 v0, v30;
	v26 =	vsel vm3, $0x1, v4;
	v28 =	vadd.s32 v28, v27  }
.Ltmp26:
0x42f: {  	v30 =	vadd.f32 v29, v32;
	v29 =	vadd.s32 v26, v28;
	v26 =	vsel vm11, $0x1, v4;
	(pc) =	sbr.rel @p1 .LBB2_54-.Ltmp26, $4  }
0x430: {  	vm12 =	vlt.s32 v28, $0x3FF;
	vm15 =	vlt.s32 v29, $0x3FF;
	v32 =	vadd.s32 v9, v29  }
0x431: {  	v9 =	vadd.f32 v33, v30;
	vm13 =	vlt.s32 v32, $0x3FF;
	v33 =	vadd.s32 v26, v32;
	[tilespmem:v34+s20+$0x0] =	vst.idx.add.f32.msk vm11, v2  }
0x432: {  	v26 =	vor.u32 v0, v31;
	vm0 =	vlt.s32 v33, $0x3FF;
	v30 =	vadd.s32 v35, v33;
	[tilespmem:v38+s20+$0x0] =	vst.idx.add.f32.msk vm10, v2  }
0x433: {  	s13 =	sadd.s32 $0x20, s13;
	s14 =	sadd.s32 $0x400, s14;
	s1 =	sadd.s32 $0x80, s1;
	v31 =	vadd.f32 v36, v9;
	vm14 =	vlt.s32 v30, $0x3FF;
	v9 =	vadd.s32 v37, v30;
	[tilespmem:v39+s20+$0x0] =	vst.idx.add.f32.msk vm5, v2  }
0x434: {  	_ = 	snop  }
0x435: {  	v33 =	vnsel vm0, $0x3FF, v33;
	v24 =	vor.u32 v0, v24  }
0x436: {  	v32 =	vnsel vm13, $0x3FF, v32;
	v33 =	vadd.s32 v5, v33  }
0x437: {  	v32 =	vadd.s32 v5, v32  }
0x438: {  	v29 =	vnsel vm15, $0x3FF, v29  }
0x439: {  	vm1 =	vlt.s32 v25, $0x3FF;
	v22 =	vand.u32 $0xFF0, v22;
	[tilespmem:v26+s20+$0x0] =	vst.idx.add.f32.msk vm3, v2;
	v29 =	vadd.s32 v5, v29  }
0x43a: {  	v25 =	vnsel vm1, $0x3FF, v25;
	v22 =	vor.u32 v0, v22;
	[tilespmem:v24+s20+$0x0] =	vst.idx.add.f32.msk vm9, v2  }
0x43b: {  	v30 =	vnsel vm14, $0x3FF, v30;
	v25 =	vadd.s32 v5, v25;
	[tilespmem:v33+s30+$0x0] =	vst.idx.msk vm2, v19  }
0x43c: {  	vm1 =	vlt.s32 v27, $0x3FF;
	v24 =	vnsel vm12, $0x3FF, v28;
	v19 =	vadd.s32 v5, v30;
	[tilespmem:v32+s30+$0x0] =	vst.idx.msk vm11, v12  }
0x43d: {  	v26 =	vnsel vm1, $0x3FF, v27;
	v24 =	vadd.s32 v5, v24;
	[tilespmem:v18+s30+$0x0] =	vst.idx.msk vm9, v17  }
0x43e: {  	v17 =	vadd.s32 v5, v26;
	[tilespmem:v29+s30+$0x0] =	vst.idx.msk vm10, v20  }
0x43f: {  	[tilespmem:v22+s20+$0x0] =	vst.idx.add.f32.msk vm4, v2  }
0x440: {  	[tilespmem:v25+s30+$0x0] =	vst.idx.msk vm7, v16  }
0x441: {  	[tilespmem:v19+s30+$0x0] =	vst.idx.msk vm5, v10  }
0x442: {  	[tilespmem:v24+s30+$0x0] =	vst.idx.msk vm3, v13  }
0x443: {  	s0 =	simm.s32 $0x0;
	[tilespmem:v17+s30+$0x0] =	vst.idx.msk vm4, v15  }
0x444: {  	s1 =	sand.u32 $0x3000, s0;
	s2 =	sand.u32 $0xC00, s0;
	v10 =	vadd.f32 v21, v31;
	_ =	swait.ge [sflag:s21], $0x4000  }
0x445: {  	vm0 =	vmmov vm5;
	s0 =	sand.u32 $0x380, s0;
	s1 =	sor.u32 s2, s1;
	[sflag:s21] =	ssyncset.done $0x0  }
0x446: {  	vm0 =	vmand vm6, vm8;
	s0 =	sor.u32 s0, s1;
	v13 =	vadd.f32 v23, v10;
	[sflag:s21] =	ssyncadd.s32 $0xFFFFC000  }
0x447: {  	v12 =	vnsel vm0, $0x0, v12;
	vm0 =	vlt.s32 v9, $0x3FF;
	v10 =	vld [tilespmem:s0+$0x4070]  }
0x448: {  	v15 =	vnsel vm0, $0x3FF, v9;
	v12 =	vadd.f32 v12, v13;
	v18 =	vld [tilespmem:s0+$0x4060]  }
0x449: {  	v17 =	vadd.s32 v5, v15;
	v15 =	vld [tilespmem:s0+$0x4010]  }
0x44a: {  	v13 =	vadd.f32 v11, v12  }
0x44b: {  	v12 =	vld [tilespmem:s0+$0x4050]  }
0x44c: {  	v11 =	vld [tilespmem:s0+$0x4030];
	v26 =	vadd.f32 v14, v13;
	v13 =	vshrl.u32 v10, $0x10  }
0x44d: {  	v16 =	vshrl.u32 v10, $0x4;
	v20 =	vshrl.u32 v18, $0x10;
	v19 =	vshrl.u32 v18, $0x4  }
0x44e: {  	v25 =	vshrl.u32 v15, $0x4;
	v28 =	vshrl.u32 v15, $0x10;
	vm5 =	veq.s32 v13, v6  }
0x44f: {  	vm2 =	veq.s32 v20, v6;
	vm10 =	vle.s32 v20, v8;
	v29 =	vand.u32 $0xFF0, v16  }
0x450: {  	vm0 =	vgt.s32 v13, v6;
	vm1 =	vle.s32 v13, v8;
	v24 =	vand.u32 $0xFF0, v19  }
0x451: {  	v14 =	vld [tilespmem:s0+$0x4020];
	v21 =	vshrl.u32 v12, $0x4;
	v23 =	vshrl.u32 v12, $0x10;
	v22 =	vshrl.u32 v11, $0x10  }
0x452: {  	vm0 =	vmand vm0, vm1;
	v27 =	vshrl.u32 v11, $0x4;
	v62 =	vor.u32 v0, v24  }
0x453: {  	v36 =	vsel vm2, $0x1, v4;
	v40 =	vsel vm5, $0x1, v4;
	v41 =	vor.u32 v0, v29  }
0x454: {  	vm1 =	vgt.s32 v22, v6;
	vm3 =	vle.s32 v22, v8;
	v13 =	vnsel vm0, $0x0, v10  }
0x455: {  	v16 =	vld [tilespmem:s0+$0x4000];
	vm6 =	vgt.s32 v23, v6;
	v24 =	vand.u32 $0xFF0, v21;
	vm8 =	vle.s32 v23, v8  }
0x456: {  	v19 =	vld [tilespmem:s0+$0x4040];
	v38 =	vand.u32 $0xFF0, v27;
	vm0 =	vmand vm1, vm3;
	v30 =	vshrl.u32 v14, $0x10  }
0x457: {  	vm1 =	vgt.s32 v28, v6;
	vm3 =	veq.s32 v22, v6;
	v63 =	vor.u32 v0, v24  }
0x458: {  	v22 =	vand.u32 $0xFF0, v25;
	v21 =	vnsel vm0, $0x0, v11;
	vm0 =	vle.s32 v28, v8  }
0x459: {  	vm7 =	vle.s32 v30, v8;
	v34 =	vor.u32 v0, v22;
	vm4 =	veq.s32 v30, v6  }
0x45a: {  	v22 =	vshrl.u32 v14, $0x4;
	v31 =	vshrl.u32 v16, $0x10;
	vm0 =	vmand vm1, vm0  }
0x45b: {  	vm1 =	vgt.s32 v30, v6;
	v24 =	vshrl.u32 v16, $0x4;
	v30 =	vshrl.u32 v19, $0x10  }
0x45c: {  	v35 =	vnsel vm0, $0x0, v15;
	vm0 =	vgt.s32 v20, v6;
	vm1 =	vmand vm1, vm7  }
0x45d: {  	v20 =	vshrl.u32 v19, $0x4;
	vm7 =	veq.s32 v28, v6;
	vm9 =	veq.s32 v31, v6  }
0x45e: {  	v24 =	vand.u32 $0xFF0, v24;
	v28 =	vsel vm4, $0x1, v4;
	vm11 =	vgt.s32 v31, v6  }
0x45f: {  	vm12 =	vle.s32 v31, v8;
	v37 =	vnsel vm1, $0x0, v14;
	vm1 =	vle.s32 v30, v8  }
0x460: {  	v20 =	vand.u32 $0xFF0, v20;
	v25 =	vsel vm9, $0x1, v4;
	vm12 =	vmand vm11, vm12  }
0x461: {  	vm0 =	vmand vm0, vm10;
	vm10 =	vgt.s32 v30, v6;
	vm11 =	veq.s32 v23, v6  }
0x462: {  	v25 =	vadd.s32 v25, v9;
	v9 =	vsel vm7, $0x1, v4;
	v31 =	vor.u32 v0, v20  }
0x463: {  	v20 =	vnsel vm0, $0x0, v18;
	vm0 =	vmand vm10, vm1;
	v39 =	vnsel vm12, $0x0, v16  }
0x464: {  	vm10 =	veq.s32 v30, v6;
	v30 =	vsel vm3, $0x1, v4;
	v27 =	vadd.s32 v9, v25  }
0x465: {  	[tilespmem:v62+s20+$0x0] =	vst.idx.add.f32.msk vm2, v2;
	v23 =	vnsel vm0, $0x0, v19;
	v9 =	vsel vm10, $0x1, v4;
	v28 =	vadd.s32 v28, v27  }
0x466: {  	[tilespmem:v41+s20+$0x0] =	vst.idx.add.f32.msk vm5, v2;
	v26 =	vadd.f32 v39, v26;
	v29 =	vadd.s32 v30, v28;
	v30 =	vsel vm11, $0x1, v4  }
0x467: {  	vm12 =	vlt.s32 v28, $0x3FF;
	[tilespmem:v34+s20+$0x0] =	vst.idx.add.f32.msk vm7, v2;
	vm15 =	vlt.s32 v29, $0x3FF;
	v32 =	vadd.s32 v9, v29  }
0x468: {  	v9 =	vadd.f32 v35, v26;
	v26 =	vor.u32 v0, v38;
	v33 =	vadd.s32 v30, v32  }
0x469: {  	s13 =	simm.s32 $0x20;
	[tilespmem:v63+s20+$0x0] =	vst.idx.add.f32.msk vm11, v2;
	vm13 =	vlt.s32 v32, $0x3FF;
	vm0 =	vlt.s32 v33, $0x3FF;
	v30 =	vadd.s32 v36, v33  }
0x46a: {  	s14 =	simm.s32 $0x400;
	s2 =	simm.s32 $0x0;
	s1 =	simm.s32 $0x80;
	[tilespmem:v31+s20+$0x0] =	vst.idx.add.f32.msk vm10, v2;
	v31 =	vadd.f32 v37, v9;
	vm14 =	vlt.s32 v30, $0x3FF;
	v9 =	vadd.s32 v40, v30  }
.LBB2_56:
0x46b: {  	vm1 =	vlt.s32 v27, $0x3FF  }
0x46c: {  	s0 =	sand.u32 $0x3000, s1;
	s6 =	sand.u32 $0xC00, s14;
	s2 =	sadd.s32 $0x8, s2;
	v32 =	vnsel vm13, $0x3FF, v32;
	v33 =	vnsel vm0, $0x3FF, v33;
	vm13 =	vmmov vm5  }
0x46d: {  	s7 =	sand.u32 $0x380, s13;
	v29 =	vnsel vm15, $0x3FF, v29;
	s0 =	sor.u32 s6, s0;
	p1 =	slt.u32 s2, $0x3F8;
	v27 =	vnsel vm1, $0x3FF, v27;
	v21 =	vadd.f32 v21, v31  }
0x46e: {  	vm0 =	vlt.s32 v25, $0x3FF;
	v31 =	vadd.s32 v5, v33;
	s15 =	sor.u32 s7, s0;
	v27 =	vadd.s32 v5, v27  }
0x46f: {  	v24 =	vor.u32 v0, v24;
	v28 =	vnsel vm12, $0x3FF, v28;
	v25 =	vnsel vm0, $0x3FF, v25;
	v33 =	vld [tilespmem:s15+$0x4070]  }
0x470: {  	vm0 =	vlt.s32 v9, $0x3FF;
	v28 =	vadd.s32 v5, v28;
	vm1 =	vmand vm6, vm8;
	v34 =	vld [tilespmem:s15+$0x4060]  }
0x471: {  	v32 =	vadd.s32 v5, v32;
	v35 =	vnsel vm0, $0x3FF, v9;
	v37 =	vnsel vm1, $0x0, v12;
	v36 =	vld [tilespmem:s15+$0x4050]  }
0x472: {  	v22 =	vand.u32 $0xFF0, v22;
	v29 =	vadd.s32 v5, v29;
	v35 =	vadd.s32 v5, v35;
	v38 =	vld [tilespmem:s15+$0x4010]  }
0x473: {  	v25 =	vadd.s32 v5, v25;
	v21 =	vadd.f32 v23, v21;
	[tilespmem:v31+s30+$0x0] =	vst.idx.msk vm2, v18;
	v18 =	vnsel vm14, $0x3FF, v30  }
0x474: {  	v23 =	vld [tilespmem:s15+$0x4030];
	v30 =	vshrl.u32 v33, $0x4;
	v31 =	vshrl.u32 v33, $0x10;
	v39 =	vadd.s32 v5, v18  }
0x475: {  	v21 =	vadd.f32 v37, v21;
	v40 =	vshrl.u32 v34, $0x10;
	vm5 =	veq.s32 v31, v6;
	[tilespmem:v24+s20+$0x0] =	vst.idx.add.f32.msk vm9, v2  }
0x476: {  	v30 =	vand.u32 $0xFF0, v30;
	v24 =	vld [tilespmem:s15+$0x4020];
	vm2 =	veq.s32 v40, v6;
	vm12 =	vle.s32 v40, v8;
	[tilespmem:v32+s30+$0x0] =	vst.idx.msk vm11, v12  }
0x477: {  	v22 =	vor.u32 v0, v22;
	v32 =	vshrl.u32 v36, $0x4;
	v37 =	vshrl.u32 v36, $0x10;
	v18 =	vmovc v34;
	[tilespmem:v26+s20+$0x0] =	vst.idx.add.f32.msk vm3, v2  }
0x478: {  	vm0 =	vgt.s32 v31, v6;
	vm1 =	vle.s32 v31, v8;
	v26 =	vshrl.u32 v18, $0x4;
	[tilespmem:v17+s30+$0x0] =	vst.idx.msk vm9, v16;
	v16 =	vld [tilespmem:s15+$0x4000]  }
0x479: {  	vm0 =	vmand vm0, vm1;
	v12 =	vmovc v36;
	v31 =	vshrl.u32 v23, $0x4;
	v34 =	vshrl.u32 v23, $0x10;
	[tilespmem:v39+s30+$0x0] =	vst.idx.msk vm13, v10;
	v10 =	vmovc v33  }
0x47a: {  	vm1 =	vgt.s32 v34, v6;
	vm6 =	vle.s32 v34, v8;
	v33 =	vnsel vm0, $0x0, v10;
	[tilespmem:v29+s30+$0x0] =	vst.idx.msk vm10, v19  }
0x47b: {  	v20 =	vadd.f32 v20, v21;
	v26 =	vand.u32 $0xFF0, v26;
	v17 =	vmovc v35;
	vm0 =	vmand vm1, vm6;
	[tilespmem:v25+s30+$0x0] =	vst.idx.msk vm7, v15  }
0x47c: {  	v29 =	vshrl.u32 v38, $0x10;
	v25 =	vshrl.u32 v38, $0x4;
	v35 =	vshrl.u32 v24, $0x10;
	v15 =	vmovc v38;
	v19 =	vld [tilespmem:s15+$0x4040];
	[tilespmem:v28+s30+$0x0] =	vst.idx.msk vm3, v11;
	v11 =	vmovc v23  }
0x47d: {  	v26 =	vor.u32 v0, v26;
	vm6 =	vgt.s32 v37, v6;
	v23 =	vshrl.u32 v16, $0x10;
	[tilespmem:v22+s20+$0x0] =	vst.idx.add.f32.msk vm4, v2  }
0x47e: {  	vm1 =	vgt.s32 v29, v6;
	v22 =	vand.u32 $0xFF0, v32;
	v32 =	vadd.f32 v13, v20;
	[tilespmem:v27+s30+$0x0] =	vst.idx.msk vm4, v14  }
0x47f: {  	vm3 =	veq.s32 v34, v6;
	v21 =	vnsel vm0, $0x0, v11;
	v13 =	vmovc v33;
	v34 =	vor.u32 v0, v22;
	v14 =	vmovc v24  }
0x480: {  	vm8 =	vle.s32 v37, v8;
	vm7 =	vle.s32 v35, v8;
	vm0 =	vle.s32 v29, v8  }
0x481: {  	v20 =	vand.u32 $0xFF0, v25;
	vm0 =	vmand vm1, vm0;
	vm1 =	vgt.s32 v35, v6  }
0x482: {  	v24 =	vshrl.u32 v16, $0x4;
	v27 =	vor.u32 v0, v20;
	v33 =	vnsel vm0, $0x0, v15;
	[tilespmem:v26+s20+$0x0] =	vst.idx.add.f32.msk vm2, v2  }
0x483: {  	vm4 =	veq.s32 v35, v6;
	vm0 =	vgt.s32 v40, v6;
	v26 =	vshrl.u32 v19, $0x10  }
0x484: {  	v35 =	vsel vm2, $0x1, v4;
	vm1 =	vmand vm1, vm7;
	v20 =	vshrl.u32 v19, $0x4  }
0x485: {  	vm7 =	veq.s32 v29, v6;
	v36 =	vnsel vm1, $0x0, v14;
	vm1 =	vle.s32 v26, v8  }
0x486: {  	vm9 =	veq.s32 v23, v6;
	v22 =	vshrl.u32 v14, $0x4;
	v20 =	vand.u32 $0xFF0, v20  }
0x487: {  	v24 =	vand.u32 $0xFF0, v24;
	v25 =	vsel vm9, $0x1, v4;
	v28 =	vsel vm4, $0x1, v4  }
0x488: {  	vm10 =	vgt.s32 v23, v6;
	vm11 =	vle.s32 v23, v8;
	v25 =	vadd.s32 v25, v9  }
0x489: {  	vm10 =	vmand vm10, vm11;
	v9 =	vsel vm7, $0x1, v4;
	vm0 =	vmand vm0, vm12  }
0x48a: {  	v38 =	vor.u32 v0, v20;
	vm11 =	vgt.s32 v26, v6;
	v20 =	vnsel vm0, $0x0, v18  }
0x48b: {  	v31 =	vand.u32 $0xFF0, v31;
	vm0 =	vmand vm11, vm1;
	vm11 =	veq.s32 v37, v6;
	[tilespmem:v27+s20+$0x0] =	vst.idx.add.f32.msk vm7, v2  }
0x48c: {  	v29 =	vnsel vm10, $0x0, v16;
	vm10 =	veq.s32 v26, v6;
	v27 =	vadd.s32 v9, v25  }
0x48d: {  	v37 =	vsel vm5, $0x1, v4;
	v23 =	vnsel vm0, $0x0, v19;
	v9 =	vsel vm10, $0x1, v4  }
0x48e: {  	v39 =	vor.u32 v0, v30;
	v26 =	vsel vm3, $0x1, v4;
	v28 =	vadd.s32 v28, v27  }
.Ltmp27:
0x48f: {  	v30 =	vadd.f32 v29, v32;
	v29 =	vadd.s32 v26, v28;
	v26 =	vsel vm11, $0x1, v4;
	(pc) =	sbr.rel @p1 .LBB2_56-.Ltmp27, $4  }
0x490: {  	vm12 =	vlt.s32 v28, $0x3FF;
	vm15 =	vlt.s32 v29, $0x3FF;
	v32 =	vadd.s32 v9, v29  }
0x491: {  	v9 =	vadd.f32 v33, v30;
	vm13 =	vlt.s32 v32, $0x3FF;
	v33 =	vadd.s32 v26, v32;
	[tilespmem:v34+s20+$0x0] =	vst.idx.add.f32.msk vm11, v2  }
0x492: {  	v26 =	vor.u32 v0, v31;
	vm0 =	vlt.s32 v33, $0x3FF;
	v30 =	vadd.s32 v35, v33;
	[tilespmem:v38+s20+$0x0] =	vst.idx.add.f32.msk vm10, v2  }
0x493: {  	s13 =	sadd.s32 $0x20, s13;
	s14 =	sadd.s32 $0x400, s14;
	s1 =	sadd.s32 $0x80, s1;
	v31 =	vadd.f32 v36, v9;
	vm14 =	vlt.s32 v30, $0x3FF;
	v9 =	vadd.s32 v37, v30;
	[tilespmem:v39+s20+$0x0] =	vst.idx.add.f32.msk vm5, v2  }
0x494: {  	_ = 	snop  }
0x495: {  	v8 =	vnsel vm0, $0x3FF, v33;
	v24 =	vor.u32 v0, v24  }
0x496: {  	v32 =	vnsel vm13, $0x3FF, v32;
	v8 =	vadd.s32 v5, v8  }
0x497: {  	v32 =	vadd.s32 v5, v32  }
0x498: {  	v29 =	vnsel vm15, $0x3FF, v29  }
0x499: {  	vm15 =	vlt.s32 v27, $0x3FF;
	v22 =	vand.u32 $0xFF0, v22;
	[tilespmem:v26+s20+$0x0] =	vst.idx.add.f32.msk vm3, v2;
	v60 =	vadd.s32 v5, v29  }
0x49a: {  	v62 =	vnsel vm15, $0x3FF, v27;
	v22 =	vor.u32 v0, v22;
	[tilespmem:v24+s20+$0x0] =	vst.idx.add.f32.msk vm9, v2  }
0x49b: {  	v61 =	vnsel vm12, $0x3FF, v28;
	v63 =	vadd.s32 v5, v62;
	[tilespmem:v8+s30+$0x0] =	vst.idx.msk vm2, v18  }
0x49c: {  	v30 =	vnsel vm14, $0x3FF, v30;
	vm1 =	vlt.s32 v25, $0x3FF;
	v24 =	vadd.s32 v5, v61;
	[tilespmem:v32+s30+$0x0] =	vst.idx.msk vm11, v12  }
0x49d: {  	v59 =	vnsel vm1, $0x3FF, v25;
	v8 =	vadd.s32 v5, v30;
	[tilespmem:v17+s30+$0x0] =	vst.idx.msk vm9, v16  }
0x49e: {  	v18 =	vadd.s32 v5, v59;
	[tilespmem:v60+s30+$0x0] =	vst.idx.msk vm10, v19  }
0x49f: {  	[tilespmem:v22+s20+$0x0] =	vst.idx.add.f32.msk vm4, v2  }
0x4a0: {  	[tilespmem:v63+s30+$0x0] =	vst.idx.msk vm4, v14  }
0x4a1: {  	[tilespmem:v24+s30+$0x0] =	vst.idx.msk vm3, v11  }
0x4a2: {  	[tilespmem:v8+s30+$0x0] =	vst.idx.msk vm5, v10  }
0x4a3: {  	[tilespmem:v18+s30+$0x0] =	vst.idx.msk vm7, v15  }
0x4a4: {  	s1 =	simm.s32 $0x80;
	s2 =	simm.s32 $0x400;
	s0 =	rddreg [dreg:$0x8]  }
0x4a5: {  	[spmem:s0] =	stream.strided.scatter [tilespmem:s20], [sflag:$0x3], $0x1000, s2, s1, $0x38;
	[tilespmem:$0x113A0] =	vst v63  }
0x4a6: {  	_ =	swait.ge [sflag:s10], $0x1000  }
0x4a7: {  	[sflag:s10] =	ssyncset.done $0x0  }
0x4a8: {  	[sflag:s10] =	ssyncadd.s32 $0xFFFFF000  }
0x4a9: {  	v8 =	vadd.f32 v21, v31;
	[bflag:$0x0] =	sbarrier.arrive $0xFFFF  }
0x4aa: {  	s28 =	simm.s32 $0x800;
	s29 =	simm.s32 $0xE000;
	s26 =	rddreg [dreg:$0x9]  }
0x4ab: {  	vm0 =	vmand vm6, vm8;
	v8 =	vadd.f32 v23, v8;
	[tilespmem:s29], [sflag:$0x3] =	stream.strided.gather [spmem:s26], $0x1000, s20, s28, $0x38;
	[tilespmem:$0x113A0] =	vst v63  }
0x4ac: {  	v10 =	vnsel vm0, $0x0, v12;
	_ =	swait.ge [sflag:s10], $0x1000  }
0x4ad: {  	v8 =	vadd.f32 v10, v8;
	[sflag:s10] =	ssyncset.done $0x0  }
0x4ae: {  	s1 =	simm.s32 $0xF020;
	[sflag:s10] =	ssyncadd.s32 $0xFFFFF000  }
0x4af: {  	v8 =	vadd.f32 v20, v8;
	[tilespmem:s1+$0xFFFFFFE0] =	vst v1  }
0x4b0: {  	[tilespmem:s1+$0x10] =	vst v1  }
0x4b1: {  	vm13 =	vmmov vm5;
	s2 =	simm.s32 $0x0;
	v8 =	vadd.f32 v13, v8;
	[tilespmem:s1+$0x0] =	vst v1  }
.LBB2_58:
0x4b2: {  	s2 =	sadd.s32 $0x4, s2  }
0x4b3: {  	[tilespmem:s1+$0xFFFFFFF0] =	vst v1;
	s1 =	sadd.s32 $0x40, s1;
	p1 =	slt.u32 s2, $0xC  }
.Ltmp28:
0x4b4: {  	[tilespmem:s1+$0xFFFFFFE0] =	vst v1;
	(pc) =	sbr.rel @p1 .LBB2_58-.Ltmp28, $3  }
0x4b5: {  	_ =	sdelay $0x1  }
0x4b6: {  	[tilespmem:s1+$0x10] =	vst v1  }
0x4b7: {  	[tilespmem:s1+$0x0] =	vst v1  }
0x4b8: {  	[tilespmem:s1+$0xFFFFFFF0] =	vst v1  }
0x4b9: {  	v10 =	vld [tilespmem:$0x1FFF0];
	_ =	sdelay $0x4  }
0x4ba: {  	s1 =	simm.s32 $0x0;
	s2 =	simm.s32 $0x0;
	vm10 =	vmxor vm10, vm10;
	vm5 =	vnez.u8 v10  }
.LBB2_60:
0x4bb: {  	s0 =	sshll.u32 s2, $0x8;
	s6 =	sshll.u32 s2, $0x7;
	s26 =	sand.u32 $0x40, s1  }
0x4bc: {  	s7 =	sand.u32 $0x80, s1;
	s10 =	sand.u32 $0x400, s1;
	s0 =	sand.u32 $0x800, s0  }
0x4bd: {  	s13 =	sand.u32 $0x380, s6;
	s7 =	sor.u32 $0xF000, s7;
	s14 =	sor.u32 $0xE000, s0  }
0x4be: {  	s11 =	sor.u32 $0x30, s26;
	s0 =	simm.s32 $0xF000;
	s10 =	sadd.s32 s10, s14  }
0x4bf: {  	s12 =	sor.u32 s11, s7;
	v12 =	vld [tilespmem:s0+$0x0];
	s10 =	sadd.s32 s13, s10  }
0x4c0: {  	v11 =	vld [tilespmem:s12+$0x0];
	s11 =	sadd.s32 s11, s10  }
0x4c1: {  	s15 =	sor.u32 $0x10, s26;
	s16 =	sadd.s32 s26, s10;
	v13 =	vld [tilespmem:s11+$0x0]  }
0x4c2: {  	s6 =	sor.u32 $0x20, s26;
	s17 =	sadd.s32 s15, s10;
	v14 =	vld [tilespmem:s16+$0x0]  }
0x4c3: {  	s22 =	simm.s32 $0x40;
	s15 =	sor.u32 s15, s7;
	s10 =	sadd.s32 s6, s10;
	v15 =	vld [tilespmem:s17+$0x0]  }
0x4c4: {  	s26 =	sor.u32 s6, s7;
	s7 =	sand.u32 $0x40, s22;
	v16 =	vld [tilespmem:s10+$0x0];
	s17 =	simm.s32 $0x200  }
0x4c5: {  	s6 =	sand.u32 $0x80, s22;
	s16 =	simm.s32 $0xF040;
	v17 =	vld [tilespmem:s15+$0x0];
	s23 =	sand.u32 $0x400, s17  }
0x4c6: {  	s11 =	sor.u32 $0xF000, s6;
	s25 =	sor.u32 $0x30, s7;
	v18 =	vld [tilespmem:s26+$0x0];
	s24 =	sadd.s32 s23, s14  }
0x4c7: {  	v10 =	vld [tilespmem:s16+$0x0];
	s23 =	sor.u32 s25, s11;
	s6 =	sadd.s32 s13, s24  }
0x4c8: {  	s29 =	simm.s32 $0x80;
	s10 =	sadd.s32 s25, s6;
	v19 =	vadd.f32 v13, v11;
	v11 =	vld [tilespmem:s23+$0x0]  }
0x4c9: {  	s22 =	simm.s32 $0x4;
	s24 =	sor.u32 $0x10, s7;
	s25 =	sadd.s32 s7, s6;
	v12 =	vadd.f32 v14, v12;
	v13 =	vld [tilespmem:s10+$0x0]  }
0x4ca: {  	s7 =	sor.u32 $0x20, s7;
	s28 =	sor.u32 s24, s11;
	s24 =	sadd.s32 s24, s6;
	v14 =	vld [tilespmem:s25+$0x0];
	[tilespmem:s12+$0x0] =	vst v19  }
0x4cb: {  	s6 =	sadd.s32 s7, s6;
	s25 =	sor.u32 s7, s11;
	v15 =	vadd.f32 v15, v17;
	s7 =	simm.s32 $0xF080;
	v16 =	vadd.f32 v16, v18;
	[tilespmem:s0+$0x0] =	vst v12;
	v12 =	vld [tilespmem:s24+$0x0]  }
.LBB2_61:
0x4cc: {  	s0 =	sand.u32 $0x40, s29;
	s10 =	sand.u32 $0x80, s29  }
0x4cd: {  	v17 =	vld [tilespmem:s6+$0x0];
	s17 =	sadd.s32 $0x200, s17;
	[tilespmem:s15+$0x0] =	vst v15;
	s15 =	smov.u32 s28;
	s22 =	sadd.s32 $0x4, s22  }
0x4ce: {  	s6 =	sand.u32 $0x400, s17;
	s10 =	sor.u32 $0xF000, s10;
	v15 =	vld [tilespmem:s15+$0x0];
	[tilespmem:s26+$0x0] =	vst v16;
	s11 =	sor.u32 $0x30, s0  }
0x4cf: {  	p1 =	slt.u32 s22, $0xC;
	s12 =	sor.u32 $0x10, s0;
	s6 =	sadd.s32 s6, s14;
	v16 =	vld [tilespmem:s25+$0x0];
	v13 =	vadd.f32 v13, v11  }
.Ltmp29:
0x4d0: {  	s24 =	sor.u32 s11, s10;
	s6 =	sadd.s32 s13, s6;
	v14 =	vadd.f32 v14, v10;
	v10 =	vld [tilespmem:s7+$0x0];
	(pc) =	sbr.rel @p1 .LBB2_61-.Ltmp29, $4  }
0x4d1: {  	s26 =	sadd.s32 s0, s6;
	s0 =	sor.u32 $0x20, s0;
	v11 =	vld [tilespmem:s24+$0x0];
	s11 =	sadd.s32 s11, s6;
	[tilespmem:s23+$0x0] =	vst v13  }
0x4d2: {  	s28 =	sor.u32 s12, s10;
	s12 =	sadd.s32 s12, s6;
	s6 =	sadd.s32 s0, s6;
	v13 =	vld [tilespmem:s11+$0x0];
	[tilespmem:s16+$0x0] =	vst v14  }
0x4d3: {  	s23 =	smov.u32 s24;
	v14 =	vld [tilespmem:s26+$0x0];
	v15 =	vadd.f32 v12, v15;
	s26 =	smov.u32 s25;
	s25 =	sor.u32 s0, s10  }
0x4d4: {  	s29 =	sadd.s32 $0x40, s29;
	s16 =	smov.u32 s7;
	s7 =	sadd.s32 $0x40, s7;
	v12 =	vld [tilespmem:s12+$0x0];
	v16 =	vadd.f32 v17, v16  }
0x4d5: {  	v17 =	vld [tilespmem:s6+$0x0]  }
0x4d6: {  	v18 =	vld [tilespmem:s28+$0x0]  }
0x4d7: {  	v19 =	vld [tilespmem:s25+$0x0]  }
0x4d8: {  	s2 =	sadd.s32 $0x1, s2  }
0x4d9: {  	[tilespmem:s15+$0x0] =	vst v15;
	p1 =	sne.s32 s2, $0x10;
	v11 =	vadd.f32 v13, v11  }
.Ltmp30:
0x4da: {  	[tilespmem:s26+$0x0] =	vst v16;
	v10 =	vadd.f32 v14, v10;
	(pc) =	sbr.rel @p1 .LBB2_60-.Ltmp30, $4  }
0x4db: {  	[tilespmem:s23+$0x0] =	vst v11;
	v11 =	vadd.f32 v12, v18  }
0x4dc: {  	[tilespmem:s16+$0x0] =	vst v10;
	v10 =	vadd.f32 v17, v19  }
0x4dd: {  	[tilespmem:s28+$0x0] =	vst v11  }
0x4de: {  	[tilespmem:s25+$0x0] =	vst v10  }
0x4df: {  	s0 =	simm.s32 $0xF000  }
0x4e0: {  	v10 =	vld [tilespmem:s0+$0x0];
	_ =	sdelay $0x4  }
0x4e1: {  	(xrf2) =	vadd.scan.msk.f32 $0xffff, v10;
	_ =	sdelay $0x1  }
0x4e2: {  	s26 =	simm.s32 $0xF010  }
0x4e3: {  	v10 =	vld [tilespmem:s26+$0x0]  }
0x4e4: {  	s28 =	simm.s32 $0xF020  }
0x4e5: {  	v12 =	vld [tilespmem:s28+$0x0];
	_ =	sdelay $0x2  }
0x4e6: {  	(xrf2) =	vadd.scan.msk.f32 $0xffff, v10;
	_ =	sdelay $0x1  }
0x4e7: {  	v11, _, _ =	vpop (xrf2);
	(xrf2) =	vadd.scan.msk.f32 $0xffff, v12;
	_ =	sdelay $0x1  }
0x4e8: {  	s29 =	simm.s32 $0x0  }
0x4e9: {  	s1 =	simm.s32 $0x1;
	v13 =	vmov s29;
	v11 =	vbroadcast v11, $0xF  }
0x4ea: {  	s2 =	simm.s32 $0x2;
	s6 =	simm.s32 $0x3;
	s7 =	simm.s32 $0xF030;
	vm0 =	veq.s32 v13, v0;
	v10 =	vimm.f32 $0.0e+00  }
.LBB2_64:
0x4eb: {  	v12 =	vld [tilespmem:s7+$0x0];
	p1 =	sne.s32 s6, $0xF;
	v10 =	vsel vm0, v11, v10;
	s0 =	smov.u32 s6;
	s6 =	sadd.s32 $0x1, s6  }
.Ltmp31:
0x4ec: {  	(pc) =	sbr.rel @p1 .LBB2_64-.Ltmp31, $4  }
0x4ed: {  	_ = 	snop  }
0x4ee: {  	v11, _, _ =	vpop (xrf2)  }
0x4ef: {  	v13 =	vmov s1;
	s1 =	smov.u32 s2;
	s2 =	smov.u32 s0;
	v11 =	vbroadcast v11, $0xF  }
0x4f0: {  	s7 =	sadd.s32 $0x10, s7;
	vm0 =	veq.s32 v13, v0;
	(xrf2) =	vadd.scan.msk.f32 $0xffff, v12  }
0x4f1: {  	_ =	sdelay $0x7  }
0x4f2: {  	v12, _, _ =	vpop (xrf2)  }
0x4f3: {  	v10 =	vsel vm0, v11, v10;
	v11 =	vmov s1;
	v12 =	vbroadcast v12, $0xF;
	v13, _, _ =	vpop (xrf2)  }
0x4f4: {  	vm0 =	veq.s32 v11, v0;
	v11 =	vmov s2;
	v13 =	vbroadcast v13, $0xF  }
0x4f5: {  	v10 =	vsel vm0, v12, v10;
	vm0 =	veq.s32 v11, v0  }
0x4f6: {  	v10 =	vsel vm0, v13, v10  }
0x4f7: {  	s0 =	rddreg [dreg:$0xa];
	s24 =	simm.s32 $0xF100;
	s6 =	simm.s32 $0x3;
	[tilespmem:$0xF100] =	vst v10  }
0x4f8: {  	[spmem:s0] =	stream.linear.scatter [tilespmem:s24], [sflag:$0x3], $0x10, $0x38;
	[tilespmem:$0x113A0] =	vst v63  }
0x4f9: {  	_ =	swait.ge [sflag:s6], $0x10  }
0x4fa: {  	[sflag:s6] =	ssyncset.done $0x0  }
0x4fb: {  	[sflag:s6] =	ssyncadd.s32 $0xFFFFFFF0  }
0x4fc: {  	[bflag:$0x0] =	sbarrier.arrive $0xFFFF  }
0x4fd: {  	s26 =	simm.s32 $0xF180;
	s25 =	rddreg [dreg:$0x2]  }
0x4fe: {  	[tilespmem:s26], [sflag:$0x3] =	stream.linear.gather [spmem:s25], $0x100, $0x38;
	[tilespmem:$0x113A0] =	vst v63  }
0x4ff: {  	_ =	swait.ge [sflag:s6], $0x100  }
0x500: {  	[sflag:s6] =	ssyncset.done $0x0  }
0x501: {  	s28 =	simm.s32 $0xF270;
	[sflag:s6] =	ssyncadd.s32 $0xFFFFFF00  }
0x502: {  	v10 =	vld [tilespmem:s28+$0x0];
	_ =	sdelay $0x4  }
0x503: {  	v11 =	vperm.xlane v10, v3  }
0x504: {  	(xrf2) =	vadd.scan.msk.f32 $0xffff, v10  }
0x505: {  	(xrf2) =	vadd.scan.msk.f32 $0xffff, v11;
	_ =	sdelay $0x6  }
0x506: {  	s2 =	simm.s32 $0xF260  }
0x507: {  	v12 =	vld [tilespmem:s2+$0x0]  }
0x508: {  	v10, _, _ =	vpop (xrf2)  }
0x509: {  	v13 =	vimm.f32 $0.0e+00;
	v14, _, _ =	vpop (xrf2)  }
0x50a: {  	v15 =	vadd.f32 v14, v13;
	_ =	sdelay $0x1  }
0x50b: {  	(xrf2) =	vadd.scan.msk.f32 $0xffff, v12;
	vm0 =	vge.f32 v15, v7  }
0x50c: {  	v12 =	vperm.xlane v12, v3;
	vm0 =	vmand vm0, vm5  }
0x50d: {  	v16 =	vmctz.xlane vm0  }
0x50e: {  	(xrf2) =	vadd.scan.msk.f32 $0xffff, v12  }
0x50f: {  	s29 =	simm.s32 $0xF0;
	v10 =	vbroadcast v10, $0xF;
	vm0 =	veq.s32 v16, v0  }
0x510: {  	v15 =	vmov s29;
	v14 =	vnsel vm0, $0x0, v14  }
0x511: {  	v10 =	vadd.f32 v10, v13;
	v15 =	vadd.s32 $0xF, v15;
	(xrf2) =	vadd.scan.msk.f32 $0xffff, v14  }
0x512: {  	v15 =	vbroadcast v15, $0x0  }
0x513: {  	vm1 =	vge.f32 v10, v7;
	v63 =	vnsel vm0, $0x0, v11  }
0x514: {  	v17 =	vimm.s32 $0x0;
	vm3 =	vmand vm1, vm5;
	v15 =	vsub.s32 v15, v16;
	(xrf2) =	vadd.scan.msk.f32 $0xffff, v63  }
0x515: {  	s1 =	simm.s32 $0xE0;
	s13 =	simm.s32 $0xD0;
	vm2 =	vmor vm10, vm1;
	v11 =	vsel vm3, v15, v17;
	v14, _, _ =	vpop (xrf2)  }
.LBB2_66:
0x516: {  	_ =	sdelay $0x1  }
0x517: {  	p1 =	sne.s32 s13, $0x0;
	s0 =	smov.u32 s13;
	s13 =	sadd.s32 $0xFFFFFFF0, s13;
	v15, _, _ =	vpop (xrf2)  }
0x518: {  	_ =	sdelay $0x1  }
0x519: {  	v16, _, _ =	vpop (xrf2)  }
0x51a: {  	v16 =	vbroadcast v16, $0xF  }
0x51b: {  	v14 =	vbroadcast v14, $0xF  }
0x51c: {  	v16 =	vadd.f32 v16, v13;
	v17, _, _ =	vpop (xrf2);
	v13 =	vmov v10  }
0x51d: {  	v10 =	vadd.f32 v14, v10;
	v14 =	vbroadcast v17, $0xF  }
0x51e: {  	s2 =	sadd.s32 $0xFFFFFFF0, s2;
	v17 =	vadd.f32 v15, v13  }
0x51f: {  	v18 =	vld [tilespmem:s2+$0x0];
	v14 =	vsub.f32 v16, v14;
	_ =	sdelay $0x1  }
0x520: {  	v14 =	vsub.f32 v7, v14;
	_ =	sdelay $0x1  }
0x521: {  	vm0 =	vmneg vm2;
	v16 =	vmov s1;
	s1 =	smov.u32 s0;
	v7 =	vsel vm3, v14, v7  }
0x522: {  	v14 =	vperm.xlane v18, v3;
	(xrf2) =	vadd.scan.msk.f32 $0xffff, v18;
	vm1 =	vge.f32 v10, v7;
	vm3 =	vge.f32 v17, v7  }
0x523: {  	v16 =	vadd.s32 $0xF, v16;
	vm3 =	vmand vm3, vm0;
	vm2 =	vmor vm2, vm1  }
0x524: {  	v16 =	vbroadcast v16, $0x0;
	v17 =	vmctz.xlane vm3  }
0x525: {  	(xrf2) =	vadd.scan.msk.f32 $0xffff, v14  }
0x526: {  	vm3 =	vmand vm1, vm0;
	vm4 =	veq.s32 v17, v0;
	v16 =	vsub.s32 v16, v17  }
0x527: {  	v17 =	vnsel vm4, $0x0, v12;
	v15 =	vnsel vm4, $0x0, v15;
	v11 =	vsel vm3, v16, v11;
	v12 =	vmovc v14  }
.Ltmp32:
0x528: {  	(xrf2) =	vadd.scan.msk.f32 $0xffff, v15;
	(pc) =	sbr.rel @p1 .LBB2_66-.Ltmp32, $3  }
0x529: {  	_ =	sdelay $0x1  }
0x52a: {  	(xrf2) =	vadd.scan.msk.f32 $0xffff, v17  }
0x52b: {  	v14, _, _ =	vpop (xrf2)  }
0x52c: {  	_ =	sdelay $0x4  }
0x52d: {  	v15, _, _ =	vpop (xrf2)  }
0x52e: {  	v16, _, _ =	vpop (xrf2)  }
0x52f: {  	v16 =	vbroadcast v16, $0xF  }
0x530: {  	v17, _, _ =	vpop (xrf2)  }
0x531: {  	v13 =	vadd.f32 v16, v13;
	v57 =	vbroadcast v17, $0xF;
	_ =	sdelay $0x1  }
0x532: {  	v13 =	vsub.f32 v13, v57;
	_ =	sdelay $0x1  }
0x533: {  	v13 =	vsub.f32 v7, v13  }
0x534: {  	v58 =	vadd.f32 v15, v10  }
0x535: {  	v7 =	vsel vm3, v13, v7  }
0x536: {  	vm2 =	vmneg vm2;
	vm0 =	vge.f32 v58, v7  }
0x537: {  	vm0 =	vmand vm0, vm2  }
0x538: {  	v59 =	vmctz.xlane vm0;
	_ =	sdelay $0x1  }
0x539: {  	vm0 =	veq.s32 v59, v0  }
0x53a: {  	v15 =	vnsel vm0, $0x0, v15  }
0x53b: {  	(xrf2) =	vadd.scan.msk.f32 $0xffff, v15  }
0x53c: {  	v12 =	vnsel vm0, $0x0, v12  }
0x53d: {  	(xrf2) =	vadd.scan.msk.f32 $0xffff, v12;
	_ =	sdelay $0x1  }
0x53e: {  	s13 =	simm.s32 $0x8040  }
0x53f: {  	[tilespmem:s13+$0x30] =	vst v1  }
0x540: {  	[tilespmem:s13+$0xFFFFFFF0] =	vst v1  }
0x541: {  	[tilespmem:s13+$0xFFFFFFC0] =	vst v1  }
0x542: {  	[tilespmem:s13+$0xFFFFFFE0] =	vst v1  }
0x543: {  	[tilespmem:s13+$0x10] =	vst v1  }
0x544: {  	[tilespmem:s13+$0x20] =	vst v1;
	v60, _, _ =	vpop (xrf2)  }
0x545: {  	[tilespmem:s13+$0x0] =	vst v1;
	v12 =	vbroadcast v60, $0xF  }
0x546: {  	s2 =	simm.s32 $0x9040;
	[tilespmem:s13+$0xFFFFFFD0] =	vst v1;
	v61, _, _ =	vpop (xrf2)  }
0x547: {  	v14 =	vbroadcast v14, $0xF;
	[tilespmem:s2+$0xFFFFFFC0] =	vst v1;
	v15 =	vbroadcast v61, $0xF;
	v12 =	vadd.f32 v12, v10  }
0x548: {  	v62 =	vmov s1;
	[tilespmem:s2+$0x30] =	vst v1  }
0x549: {  	v63 =	vadd.s32 $0xF, v62;
	[tilespmem:s2+$0x20] =	vst v1;
	v10 =	vadd.f32 v14, v10;
	v12 =	vsub.f32 v12, v15  }
0x54a: {  	[tilespmem:s2+$0x10] =	vst v1;
	v14 =	vbroadcast v63, $0x0  }
0x54b: {  	[tilespmem:s2+$0xFFFFFFE0] =	vst v1;
	vm15 =	vge.f32 v10, v7;
	v12 =	vsub.f32 v7, v12  }
0x54c: {  	[tilespmem:s2+$0x0] =	vst v1;
	v10 =	vsub.s32 v14, v59;
	vm0 =	vmand vm15, vm2  }
0x54d: {  	s1 =	simm.s32 $0x0;
	[tilespmem:s2+$0xFFFFFFF0] =	vst v1;
	v10 =	vsel vm0, v10, v11;
	v7 =	vsel vm0, v12, v7  }
.LBB2_68:
0x54e: {  	s1 =	sadd.s32 $0x8, s1;
	[tilespmem:s2+$0xFFFFFFD0] =	vst v1;
	s13 =	sadd.s32 $0x80, s13;
	s2 =	sadd.s32 $0x80, s2  }
0x54f: {  	[tilespmem:s13+$0x30] =	vst v1;
	p1 =	slt.u32 s1, $0xF8  }
0x550: {  	[tilespmem:s13+$0xFFFFFFF0] =	vst v1  }
0x551: {  	[tilespmem:s13+$0xFFFFFFC0] =	vst v1  }
0x552: {  	[tilespmem:s2+$0xFFFFFFC0] =	vst v1  }
0x553: {  	[tilespmem:s2+$0x30] =	vst v1  }
0x554: {  	[tilespmem:s13+$0xFFFFFFE0] =	vst v1  }
0x555: {  	[tilespmem:s13+$0x10] =	vst v1  }
0x556: {  	[tilespmem:s13+$0x20] =	vst v1  }
0x557: {  	[tilespmem:s2+$0x20] =	vst v1  }
0x558: {  	[tilespmem:s2+$0x10] =	vst v1  }
.Ltmp33:
0x559: {  	[tilespmem:s2+$0xFFFFFFE0] =	vst v1;
	(pc) =	sbr.rel @p1 .LBB2_68-.Ltmp33, $4  }
0x55a: {  	[tilespmem:s13+$0x0] =	vst v1  }
0x55b: {  	[tilespmem:s2+$0x0] =	vst v1  }
0x55c: {  	[tilespmem:s2+$0xFFFFFFF0] =	vst v1  }
0x55d: {  	[tilespmem:s13+$0xFFFFFFD0] =	vst v1  }
0x55e: {  	v11 =	vxor.u32 $0x80000000, v9  }
0x55f: {  	(xrf0) =	vmax.scan.msk.u32 $0xffff, v11;
	_ =	sdelay $0x5  }
0x560: {  	v11, _, _ =	vpop (xrf0)  }
0x561: {  	(v2sf) =	vpush v11, $0xF;
	_ =	sdelay $0xe  }
0x562: {  	s0 =	spop (v2sf)  }
0x563: {  	s1 =	sxor.u32 $0x80000000, s0  }
0x564: {  	p1 =	slt.s32 s1, $0x1  }
.Ltmp34:
0x565: {  	_ = 	snop;
	(pc) =	sbr.rel @p1 .LBB2_73-.Ltmp34, $3  }
0x566: {  	_ =	sdelay $0x1  }
0x567: {  	v6 =	vshll.u32 v6, $0x8  }
0x568: {  	[tilespmem:s2+$0xFFFFFFD0] =	vst v1;
	s2 =	simm.s32 $0x0;
	v6 =	vor.u32 v6, v10  }
0x569: {  	v10 =	vmov s2  }
0x56a: {  	vm0 =	vlt.s32 v10, v9  }
0x56b: {  	v10 =	vadd.s32 s2, v5;
	_ =	sdelay $0x4  }
0x56c: {  	v10 =	vld.idx.msk [tilespmem:v10+s30+$0x0], vm0;
	_ =	sdelay $0x1  }
0x56d: {  	p1 =	sne.s32 s1, $0x1  }
.Ltmp35:
0x56e: {  	_ = 	snop;
	(pc) =	sbr.rel @!p1 .LBB2_72-.Ltmp35, $4  }
0x56f: {  	_ = 	snop  }
0x570: {  	v11 =	vshrl.u32 v10, $0x8  }
0x571: {  	v12 =	vshll.u32 v10, $0x4;
	vm1 =	veq.s32 v11, v6;
	vm3 =	vgt.s32 v11, v6  }
0x572: {  	s2 =	simm.s32 $0x1;
	v11 =	vor.u32 v0, v12;
	vm2 =	vmand vm0, vm1;
	vm0 =	vmand vm0, vm3  }
.LBB2_71:
0x573: {  	v12 =	vmov s2;
	v11 =	vand.u32 $0xFFF, v11;
	v13 =	vnsel vm0, $0x0, v10;
	s0 =	smov.u32 s2  }
0x574: {  	s2 =	sadd.s32 $0x1, s2;
	vm0 =	vlt.s32 v12, v9;
	v8 =	vadd.f32 v13, v8  }
0x575: {  	v12 =	vadd.s32 s0, v5;
	p1 =	sne.s32 s1, s2;
	_ =	sdelay $0x2  }
0x576: {  	[tilespmem:v11+s20+$0x0] =	vst.idx.add.f32.msk vm2, v2  }
0x577: {  	[tilespmem:v11+s31+$0x0] =	vst.idx.add.f32.msk vm2, v10  }
0x578: {  	v10 =	vld.idx.msk [tilespmem:v12+s30+$0x0], vm0;
	_ =	sdelay $0x3  }
.Ltmp36:
0x579: {  	(pc) =	sbr.rel @p1 .LBB2_71-.Ltmp36, $4  }
0x57a: {  	_ = 	snop  }
0x57b: {  	v11 =	vshrl.u32 v10, $0x8  }
0x57c: {  	v12 =	vshll.u32 v10, $0x4;
	vm1 =	veq.s32 v11, v6;
	vm3 =	vgt.s32 v11, v6  }
0x57d: {  	v11 =	vor.u32 v0, v12;
	vm2 =	vmand vm0, vm1;
	vm0 =	vmand vm0, vm3  }
.LBB2_72:
0x57e: {  	v5 =	vand.u32 $0xFFF, v11;
	_ =	sdelay $0x4  }
0x57f: {  	v9 =	vnsel vm0, $0x0, v10;
	[tilespmem:v5+s20+$0x0] =	vst.idx.add.f32.msk vm2, v2  }
0x580: {  	v8 =	vadd.f32 v9, v8;
	[tilespmem:v5+s31+$0x0] =	vst.idx.add.f32.msk vm2, v10  }
.LBB2_73:
0x581: {  	s0 =	rddreg [dreg:$0x8];
	s1 =	simm.s32 $0x80;
	s2 =	simm.s32 $0x400  }
0x582: {  	[spmem:s0] =	stream.strided.scatter [tilespmem:s20], [sflag:$0x3], $0x1000, s2, s1, $0x38;
	[tilespmem:$0x113A0] =	vst v63  }
0x583: {  	_ =	swait.ge [sflag:s6], $0x1000  }
0x584: {  	[sflag:s6] =	ssyncset.done $0x0  }
0x585: {  	s25 =	rddreg [dreg:$0xb];
	[sflag:s6] =	ssyncadd.s32 $0xFFFFF000  }
0x586: {  	[spmem:s25] =	stream.strided.scatter [tilespmem:s31], [sflag:$0x3], $0x1000, s2, s1, $0x38;
	[tilespmem:$0x113A0] =	vst v63  }
0x587: {  	_ =	swait.ge [sflag:s6], $0x1000  }
0x588: {  	[sflag:s6] =	ssyncset.done $0x0  }
0x589: {  	[sflag:s6] =	ssyncadd.s32 $0xFFFFF000  }
0x58a: {  	[bflag:$0x0] =	sbarrier.arrive $0xFFFF  }
0x58b: {  	s28 =	simm.s32 $0x800;
	s29 =	simm.s32 $0xE000;
	s26 =	rddreg [dreg:$0x9]  }
0x58c: {  	[tilespmem:s29], [sflag:$0x3] =	stream.strided.gather [spmem:s26], $0x1000, s20, s28, $0x38;
	[tilespmem:$0x113A0] =	vst v63  }
0x58d: {  	_ =	swait.ge [sflag:s6], $0x1000  }
0x58e: {  	[sflag:s6] =	ssyncset.done $0x0  }
0x58f: {  	s1 =	simm.s32 $0xF020;
	[sflag:s6] =	ssyncadd.s32 $0xFFFFF000  }
0x590: {  	[tilespmem:s1+$0xFFFFFFE0] =	vst v1  }
0x591: {  	[tilespmem:s1+$0x10] =	vst v1  }
0x592: {  	s2 =	simm.s32 $0x0;
	[tilespmem:s1+$0x0] =	vst v1  }
.LBB2_74:
0x593: {  	s2 =	sadd.s32 $0x4, s2  }
0x594: {  	[tilespmem:s1+$0xFFFFFFF0] =	vst v1;
	s1 =	sadd.s32 $0x40, s1;
	p1 =	slt.u32 s2, $0xC  }
.Ltmp37:
0x595: {  	[tilespmem:s1+$0xFFFFFFE0] =	vst v1;
	(pc) =	sbr.rel @p1 .LBB2_74-.Ltmp37, $3  }
0x596: {  	_ =	sdelay $0x1  }
0x597: {  	[tilespmem:s1+$0x10] =	vst v1  }
0x598: {  	[tilespmem:s1+$0x0] =	vst v1  }
0x599: {  	[tilespmem:s1+$0xFFFFFFF0] =	vst v1;
	s1 =	simm.s32 $0x0;
	s2 =	simm.s32 $0x0  }
.LBB2_76:
0x59a: {  	s0 =	sshll.u32 s2, $0x8;
	s6 =	sshll.u32 s2, $0x7;
	s26 =	sand.u32 $0x40, s1  }
0x59b: {  	s7 =	sand.u32 $0x80, s1;
	s10 =	sand.u32 $0x400, s1;
	s0 =	sand.u32 $0x800, s0  }
0x59c: {  	s13 =	sand.u32 $0x380, s6;
	s7 =	sor.u32 $0xF000, s7;
	s14 =	sor.u32 $0xE000, s0  }
0x59d: {  	s11 =	sor.u32 $0x30, s26;
	s0 =	simm.s32 $0xF000;
	s10 =	sadd.s32 s10, s14  }
0x59e: {  	s12 =	sor.u32 s11, s7;
	v10 =	vld [tilespmem:s0+$0x0];
	s10 =	sadd.s32 s13, s10  }
0x59f: {  	v9 =	vld [tilespmem:s12+$0x0];
	s11 =	sadd.s32 s11, s10  }
0x5a0: {  	s15 =	sor.u32 $0x10, s26;
	s16 =	sadd.s32 s26, s10;
	v11 =	vld [tilespmem:s11+$0x0]  }
0x5a1: {  	s6 =	sor.u32 $0x20, s26;
	s17 =	sadd.s32 s15, s10;
	v12 =	vld [tilespmem:s16+$0x0]  }
0x5a2: {  	s22 =	simm.s32 $0x40;
	s15 =	sor.u32 s15, s7;
	s10 =	sadd.s32 s6, s10;
	v13 =	vld [tilespmem:s17+$0x0]  }
0x5a3: {  	s26 =	sor.u32 s6, s7;
	s7 =	sand.u32 $0x40, s22;
	v14 =	vld [tilespmem:s10+$0x0];
	s17 =	simm.s32 $0x200  }
0x5a4: {  	s6 =	sand.u32 $0x80, s22;
	s16 =	simm.s32 $0xF040;
	v15 =	vld [tilespmem:s15+$0x0];
	s23 =	sand.u32 $0x400, s17  }
0x5a5: {  	s11 =	sor.u32 $0xF000, s6;
	s25 =	sor.u32 $0x30, s7;
	v16 =	vld [tilespmem:s26+$0x0];
	s24 =	sadd.s32 s23, s14  }
0x5a6: {  	v5 =	vld [tilespmem:s16+$0x0];
	s23 =	sor.u32 s25, s11;
	s6 =	sadd.s32 s13, s24  }
0x5a7: {  	s29 =	simm.s32 $0x80;
	s10 =	sadd.s32 s25, s6;
	v17 =	vadd.f32 v11, v9;
	v9 =	vld [tilespmem:s23+$0x0]  }
0x5a8: {  	s22 =	simm.s32 $0x4;
	s24 =	sor.u32 $0x10, s7;
	s25 =	sadd.s32 s7, s6;
	v10 =	vadd.f32 v12, v10;
	v11 =	vld [tilespmem:s10+$0x0]  }
0x5a9: {  	s7 =	sor.u32 $0x20, s7;
	s28 =	sor.u32 s24, s11;
	s24 =	sadd.s32 s24, s6;
	v12 =	vld [tilespmem:s25+$0x0];
	[tilespmem:s12+$0x0] =	vst v17  }
0x5aa: {  	s6 =	sadd.s32 s7, s6;
	s25 =	sor.u32 s7, s11;
	v13 =	vadd.f32 v13, v15;
	s7 =	simm.s32 $0xF080;
	v14 =	vadd.f32 v14, v16;
	[tilespmem:s0+$0x0] =	vst v10;
	v10 =	vld [tilespmem:s24+$0x0]  }
.LBB2_77:
0x5ab: {  	s0 =	sand.u32 $0x40, s29;
	s10 =	sand.u32 $0x80, s29  }
0x5ac: {  	v15 =	vld [tilespmem:s6+$0x0];
	s17 =	sadd.s32 $0x200, s17;
	[tilespmem:s15+$0x0] =	vst v13;
	s15 =	smov.u32 s28;
	s22 =	sadd.s32 $0x4, s22  }
0x5ad: {  	s6 =	sand.u32 $0x400, s17;
	s10 =	sor.u32 $0xF000, s10;
	v13 =	vld [tilespmem:s15+$0x0];
	[tilespmem:s26+$0x0] =	vst v14;
	s11 =	sor.u32 $0x30, s0  }
0x5ae: {  	p1 =	slt.u32 s22, $0xC;
	s12 =	sor.u32 $0x10, s0;
	s6 =	sadd.s32 s6, s14;
	v14 =	vld [tilespmem:s25+$0x0];
	v11 =	vadd.f32 v11, v9  }
.Ltmp38:
0x5af: {  	s24 =	sor.u32 s11, s10;
	s6 =	sadd.s32 s13, s6;
	v12 =	vadd.f32 v12, v5;
	v5 =	vld [tilespmem:s7+$0x0];
	(pc) =	sbr.rel @p1 .LBB2_77-.Ltmp38, $4  }
0x5b0: {  	s26 =	sadd.s32 s0, s6;
	s0 =	sor.u32 $0x20, s0;
	v9 =	vld [tilespmem:s24+$0x0];
	s11 =	sadd.s32 s11, s6;
	[tilespmem:s23+$0x0] =	vst v11  }
0x5b1: {  	s28 =	sor.u32 s12, s10;
	s12 =	sadd.s32 s12, s6;
	s6 =	sadd.s32 s0, s6;
	v11 =	vld [tilespmem:s11+$0x0];
	[tilespmem:s16+$0x0] =	vst v12  }
0x5b2: {  	s23 =	smov.u32 s24;
	v12 =	vld [tilespmem:s26+$0x0];
	v13 =	vadd.f32 v10, v13;
	s26 =	smov.u32 s25;
	s25 =	sor.u32 s0, s10  }
0x5b3: {  	s29 =	sadd.s32 $0x40, s29;
	s16 =	smov.u32 s7;
	s7 =	sadd.s32 $0x40, s7;
	v10 =	vld [tilespmem:s12+$0x0];
	v14 =	vadd.f32 v15, v14  }
0x5b4: {  	v15 =	vld [tilespmem:s6+$0x0]  }
0x5b5: {  	v16 =	vld [tilespmem:s28+$0x0]  }
0x5b6: {  	v17 =	vld [tilespmem:s25+$0x0]  }
0x5b7: {  	s2 =	sadd.s32 $0x1, s2  }
0x5b8: {  	[tilespmem:s15+$0x0] =	vst v13;
	p1 =	sne.s32 s2, $0x10;
	v9 =	vadd.f32 v11, v9  }
.Ltmp39:
0x5b9: {  	[tilespmem:s26+$0x0] =	vst v14;
	v5 =	vadd.f32 v12, v5;
	(pc) =	sbr.rel @p1 .LBB2_76-.Ltmp39, $4  }
0x5ba: {  	[tilespmem:s23+$0x0] =	vst v9;
	v9 =	vadd.f32 v10, v16  }
0x5bb: {  	[tilespmem:s16+$0x0] =	vst v5;
	v5 =	vadd.f32 v15, v17  }
0x5bc: {  	[tilespmem:s28+$0x0] =	vst v9  }
0x5bd: {  	[tilespmem:s25+$0x0] =	vst v5  }
0x5be: {  	s0 =	simm.s32 $0xF000  }
0x5bf: {  	v5 =	vld [tilespmem:s0+$0x0];
	_ =	sdelay $0x4  }
0x5c0: {  	(xrf2) =	vadd.scan.msk.f32 $0xffff, v5;
	_ =	sdelay $0x1  }
0x5c1: {  	s26 =	simm.s32 $0xF010  }
0x5c2: {  	v5 =	vld [tilespmem:s26+$0x0]  }
0x5c3: {  	s28 =	simm.s32 $0xF020  }
0x5c4: {  	v10 =	vld [tilespmem:s28+$0x0];
	_ =	sdelay $0x2  }
0x5c5: {  	(xrf2) =	vadd.scan.msk.f32 $0xffff, v5;
	_ =	sdelay $0x1  }
0x5c6: {  	v9, _, _ =	vpop (xrf2);
	(xrf2) =	vadd.scan.msk.f32 $0xffff, v10;
	_ =	sdelay $0x1  }
0x5c7: {  	s29 =	simm.s32 $0x0  }
0x5c8: {  	s1 =	simm.s32 $0x1;
	v11 =	vmov s29;
	v9 =	vbroadcast v9, $0xF  }
0x5c9: {  	s2 =	simm.s32 $0x2;
	s6 =	simm.s32 $0x3;
	s7 =	simm.s32 $0xF030;
	vm0 =	veq.s32 v11, v0;
	v5 =	vimm.f32 $0.0e+00  }
.LBB2_80:
0x5ca: {  	v10 =	vld [tilespmem:s7+$0x0];
	p1 =	sne.s32 s6, $0xF;
	v5 =	vsel vm0, v9, v5;
	s0 =	smov.u32 s6;
	s6 =	sadd.s32 $0x1, s6  }
.Ltmp40:
0x5cb: {  	(pc) =	sbr.rel @p1 .LBB2_80-.Ltmp40, $4  }
0x5cc: {  	_ = 	snop  }
0x5cd: {  	v9, _, _ =	vpop (xrf2)  }
0x5ce: {  	v11 =	vmov s1;
	s1 =	smov.u32 s2;
	s2 =	smov.u32 s0;
	v9 =	vbroadcast v9, $0xF  }
0x5cf: {  	s7 =	sadd.s32 $0x10, s7;
	vm0 =	veq.s32 v11, v0;
	(xrf2) =	vadd.scan.msk.f32 $0xffff, v10  }
0x5d0: {  	_ =	sdelay $0x7  }
0x5d1: {  	v10, _, _ =	vpop (xrf2)  }
0x5d2: {  	v5 =	vsel vm0, v9, v5;
	v9 =	vmov s1;
	v10 =	vbroadcast v10, $0xF;
	v11, _, _ =	vpop (xrf2)  }
0x5d3: {  	vm14 =	veq.s32 v9, v0;
	v9 =	vmov s2;
	v11 =	vbroadcast v11, $0xF  }
0x5d4: {  	vm15 =	veq.s32 v9, v0;
	v5 =	vsel vm14, v10, v5  }
0x5d5: {  	v5 =	vsel vm15, v11, v5  }
0x5d6: {  	s0 =	rddreg [dreg:$0xa];
	s25 =	simm.s32 $0xF100;
	s26 =	simm.s32 $0x3;
	[tilespmem:$0xF100] =	vst v5  }
0x5d7: {  	[spmem:s0] =	stream.linear.scatter [tilespmem:s25], [sflag:$0x3], $0x10, $0x38;
	[tilespmem:$0x113A0] =	vst v63  }
0x5d8: {  	_ =	swait.ge [sflag:s26], $0x10  }
0x5d9: {  	s29 =	simm.s32 $0x800;
	[sflag:s26] =	ssyncset.done $0x0  }
0x5da: {  	s6 =	simm.s32 $0xE000;
	s28 =	rddreg [dreg:$0xc];
	[sflag:s26] =	ssyncadd.s32 $0xFFFFFFF0  }
0x5db: {  	[tilespmem:s6], [sflag:$0x3] =	stream.strided.gather [spmem:s28], $0x1000, s20, s29, $0x38;
	[tilespmem:$0x113A0] =	vst v63  }
0x5dc: {  	_ =	swait.ge [sflag:s26], $0x1000  }
0x5dd: {  	[sflag:s26] =	ssyncset.done $0x0  }
0x5de: {  	s1 =	simm.s32 $0xF020;
	[sflag:s26] =	ssyncadd.s32 $0xFFFFF000  }
0x5df: {  	[tilespmem:s1+$0xFFFFFFE0] =	vst v1  }
0x5e0: {  	[tilespmem:s1+$0x10] =	vst v1  }
0x5e1: {  	s2 =	simm.s32 $0x0;
	[tilespmem:s1+$0x0] =	vst v1  }
.LBB2_82:
0x5e2: {  	s2 =	sadd.s32 $0x4, s2  }
0x5e3: {  	[tilespmem:s1+$0xFFFFFFF0] =	vst v1;
	s1 =	sadd.s32 $0x40, s1;
	p1 =	slt.u32 s2, $0xC  }
.Ltmp41:
0x5e4: {  	[tilespmem:s1+$0xFFFFFFE0] =	vst v1;
	(pc) =	sbr.rel @p1 .LBB2_82-.Ltmp41, $3  }
0x5e5: {  	_ =	sdelay $0x1  }
0x5e6: {  	[tilespmem:s1+$0x10] =	vst v1  }
0x5e7: {  	[tilespmem:s1+$0x0] =	vst v1  }
0x5e8: {  	[tilespmem:s1+$0xFFFFFFF0] =	vst v1;
	s1 =	simm.s32 $0x0;
	s2 =	simm.s32 $0x0  }
.LBB2_84:
0x5e9: {  	s0 =	sshll.u32 s2, $0x8;
	s6 =	sshll.u32 s2, $0x7;
	s26 =	sand.u32 $0x40, s1  }
0x5ea: {  	s7 =	sand.u32 $0x80, s1;
	s10 =	sand.u32 $0x400, s1;
	s0 =	sand.u32 $0x800, s0  }
0x5eb: {  	s13 =	sand.u32 $0x380, s6;
	s7 =	sor.u32 $0xF000, s7;
	s14 =	sor.u32 $0xE000, s0  }
0x5ec: {  	s11 =	sor.u32 $0x30, s26;
	s0 =	simm.s32 $0xF000;
	s10 =	sadd.s32 s10, s14  }
0x5ed: {  	s12 =	sor.u32 s11, s7;
	v10 =	vld [tilespmem:s0+$0x0];
	s10 =	sadd.s32 s13, s10  }
0x5ee: {  	v9 =	vld [tilespmem:s12+$0x0];
	s11 =	sadd.s32 s11, s10  }
0x5ef: {  	s15 =	sor.u32 $0x10, s26;
	s16 =	sadd.s32 s26, s10;
	v11 =	vld [tilespmem:s11+$0x0]  }
0x5f0: {  	s6 =	sor.u32 $0x20, s26;
	s17 =	sadd.s32 s15, s10;
	v12 =	vld [tilespmem:s16+$0x0]  }
0x5f1: {  	s22 =	simm.s32 $0x40;
	s15 =	sor.u32 s15, s7;
	s10 =	sadd.s32 s6, s10;
	v13 =	vld [tilespmem:s17+$0x0]  }
0x5f2: {  	s26 =	sor.u32 s6, s7;
	s7 =	sand.u32 $0x40, s22;
	v14 =	vld [tilespmem:s10+$0x0];
	s17 =	simm.s32 $0x200  }
0x5f3: {  	s6 =	sand.u32 $0x80, s22;
	s16 =	simm.s32 $0xF040;
	v15 =	vld [tilespmem:s15+$0x0];
	s23 =	sand.u32 $0x400, s17  }
0x5f4: {  	s11 =	sor.u32 $0xF000, s6;
	s25 =	sor.u32 $0x30, s7;
	v16 =	vld [tilespmem:s26+$0x0];
	s24 =	sadd.s32 s23, s14  }
0x5f5: {  	v5 =	vld [tilespmem:s16+$0x0];
	s23 =	sor.u32 s25, s11;
	s6 =	sadd.s32 s13, s24  }
0x5f6: {  	s29 =	simm.s32 $0x80;
	s10 =	sadd.s32 s25, s6;
	v17 =	vadd.f32 v11, v9;
	v9 =	vld [tilespmem:s23+$0x0]  }
0x5f7: {  	s22 =	simm.s32 $0x4;
	s24 =	sor.u32 $0x10, s7;
	s25 =	sadd.s32 s7, s6;
	v10 =	vadd.f32 v12, v10;
	v11 =	vld [tilespmem:s10+$0x0]  }
0x5f8: {  	s7 =	sor.u32 $0x20, s7;
	s28 =	sor.u32 s24, s11;
	s24 =	sadd.s32 s24, s6;
	v12 =	vld [tilespmem:s25+$0x0];
	[tilespmem:s12+$0x0] =	vst v17  }
0x5f9: {  	s6 =	sadd.s32 s7, s6;
	s25 =	sor.u32 s7, s11;
	v13 =	vadd.f32 v13, v15;
	s7 =	simm.s32 $0xF080;
	v14 =	vadd.f32 v14, v16;
	[tilespmem:s0+$0x0] =	vst v10;
	v10 =	vld [tilespmem:s24+$0x0]  }
.LBB2_85:
0x5fa: {  	s0 =	sand.u32 $0x40, s29;
	s10 =	sand.u32 $0x80, s29  }
0x5fb: {  	v15 =	vld [tilespmem:s6+$0x0];
	s17 =	sadd.s32 $0x200, s17;
	[tilespmem:s15+$0x0] =	vst v13;
	s15 =	smov.u32 s28;
	s22 =	sadd.s32 $0x4, s22  }
0x5fc: {  	s6 =	sand.u32 $0x400, s17;
	s10 =	sor.u32 $0xF000, s10;
	v13 =	vld [tilespmem:s15+$0x0];
	[tilespmem:s26+$0x0] =	vst v14;
	s11 =	sor.u32 $0x30, s0  }
0x5fd: {  	p1 =	slt.u32 s22, $0xC;
	s12 =	sor.u32 $0x10, s0;
	s6 =	sadd.s32 s6, s14;
	v14 =	vld [tilespmem:s25+$0x0];
	v11 =	vadd.f32 v11, v9  }
.Ltmp42:
0x5fe: {  	s24 =	sor.u32 s11, s10;
	s6 =	sadd.s32 s13, s6;
	v12 =	vadd.f32 v12, v5;
	v5 =	vld [tilespmem:s7+$0x0];
	(pc) =	sbr.rel @p1 .LBB2_85-.Ltmp42, $4  }
0x5ff: {  	s26 =	sadd.s32 s0, s6;
	s0 =	sor.u32 $0x20, s0;
	v9 =	vld [tilespmem:s24+$0x0];
	s11 =	sadd.s32 s11, s6;
	[tilespmem:s23+$0x0] =	vst v11  }
0x600: {  	s28 =	sor.u32 s12, s10;
	s12 =	sadd.s32 s12, s6;
	s6 =	sadd.s32 s0, s6;
	v11 =	vld [tilespmem:s11+$0x0];
	[tilespmem:s16+$0x0] =	vst v12  }
0x601: {  	s23 =	smov.u32 s24;
	v12 =	vld [tilespmem:s26+$0x0];
	v13 =	vadd.f32 v10, v13;
	s26 =	smov.u32 s25;
	s25 =	sor.u32 s0, s10  }
0x602: {  	s29 =	sadd.s32 $0x40, s29;
	s16 =	smov.u32 s7;
	s7 =	sadd.s32 $0x40, s7;
	v10 =	vld [tilespmem:s12+$0x0];
	v14 =	vadd.f32 v15, v14  }
0x603: {  	v15 =	vld [tilespmem:s6+$0x0]  }
0x604: {  	v16 =	vld [tilespmem:s28+$0x0]  }
0x605: {  	v17 =	vld [tilespmem:s25+$0x0]  }
0x606: {  	s2 =	sadd.s32 $0x1, s2  }
0x607: {  	[tilespmem:s15+$0x0] =	vst v13;
	p1 =	sne.s32 s2, $0x10;
	v9 =	vadd.f32 v11, v9  }
.Ltmp43:
0x608: {  	[tilespmem:s26+$0x0] =	vst v14;
	v5 =	vadd.f32 v12, v5;
	(pc) =	sbr.rel @p1 .LBB2_84-.Ltmp43, $4  }
0x609: {  	[tilespmem:s23+$0x0] =	vst v9;
	v9 =	vadd.f32 v10, v16  }
0x60a: {  	[tilespmem:s16+$0x0] =	vst v5;
	v5 =	vadd.f32 v15, v17  }
0x60b: {  	[tilespmem:s28+$0x0] =	vst v9  }
0x60c: {  	[tilespmem:s25+$0x0] =	vst v5  }
0x60d: {  	s0 =	simm.s32 $0xF000  }
0x60e: {  	v5 =	vld [tilespmem:s0+$0x0];
	_ =	sdelay $0x4  }
0x60f: {  	(xrf2) =	vadd.scan.msk.f32 $0xffff, v5;
	_ =	sdelay $0x1  }
0x610: {  	s26 =	simm.s32 $0xF010  }
0x611: {  	v5 =	vld [tilespmem:s26+$0x0]  }
0x612: {  	s28 =	simm.s32 $0xF020  }
0x613: {  	v10 =	vld [tilespmem:s28+$0x0];
	_ =	sdelay $0x2  }
0x614: {  	(xrf2) =	vadd.scan.msk.f32 $0xffff, v5;
	_ =	sdelay $0x1  }
0x615: {  	v9, _, _ =	vpop (xrf2);
	(xrf2) =	vadd.scan.msk.f32 $0xffff, v10;
	_ =	sdelay $0x1  }
0x616: {  	s29 =	simm.s32 $0x0  }
0x617: {  	s1 =	simm.s32 $0x1;
	v11 =	vmov s29;
	v9 =	vbroadcast v9, $0xF  }
0x618: {  	s2 =	simm.s32 $0x2;
	s6 =	simm.s32 $0x3;
	s7 =	simm.s32 $0xF030;
	vm0 =	veq.s32 v11, v0;
	v5 =	vimm.f32 $0.0e+00  }
.LBB2_88:
0x619: {  	v10 =	vld [tilespmem:s7+$0x0];
	p1 =	sne.s32 s6, $0xF;
	v5 =	vsel vm0, v9, v5;
	s0 =	smov.u32 s6;
	s6 =	sadd.s32 $0x1, s6  }
.Ltmp44:
0x61a: {  	(pc) =	sbr.rel @p1 .LBB2_88-.Ltmp44, $4  }
0x61b: {  	_ = 	snop  }
0x61c: {  	v9, _, _ =	vpop (xrf2)  }
0x61d: {  	v11 =	vmov s1;
	s1 =	smov.u32 s2;
	s2 =	smov.u32 s0;
	v9 =	vbroadcast v9, $0xF  }
0x61e: {  	s7 =	sadd.s32 $0x10, s7;
	vm0 =	veq.s32 v11, v0;
	(xrf2) =	vadd.scan.msk.f32 $0xffff, v10  }
0x61f: {  	_ =	sdelay $0x7  }
0x620: {  	v10, _, _ =	vpop (xrf2)  }
0x621: {  	v5 =	vsel vm0, v9, v5;
	v9 =	vmov s1;
	v10 =	vbroadcast v10, $0xF;
	v11, _, _ =	vpop (xrf2)  }
0x622: {  	vm0 =	veq.s32 v9, v0;
	v9 =	vmov s2;
	v11 =	vbroadcast v11, $0xF  }
0x623: {  	v5 =	vsel vm0, v10, v5;
	vm0 =	veq.s32 v9, v0  }
0x624: {  	v5 =	vsel vm0, v11, v5  }
0x625: {  	s0 =	rddreg [dreg:$0xd];
	s17 =	simm.s32 $0xF100;
	s11 =	simm.s32 $0x3;
	[tilespmem:$0xF100] =	vst v5  }
0x626: {  	[spmem:s0] =	stream.linear.scatter [tilespmem:s17], [sflag:$0x3], $0x10, $0x38;
	[tilespmem:$0x113A0] =	vst v63  }
0x627: {  	_ =	swait.ge [sflag:s11], $0x10  }
0x628: {  	[sflag:s11] =	ssyncset.done $0x0  }
0x629: {  	[sflag:s11] =	ssyncadd.s32 $0xFFFFFFF0  }
0x62a: {  	[bflag:$0x0] =	sbarrier.arrive $0xFFFF  }
0x62b: {  	s23 =	simm.s32 $0xF180;
	s22 =	rddreg [dreg:$0x2]  }
0x62c: {  	[tilespmem:s23], [sflag:$0x3] =	stream.linear.gather [spmem:s22], $0x100, $0x38;
	[tilespmem:$0x113A0] =	vst v63  }
0x62d: {  	_ =	swait.ge [sflag:s11], $0x100  }
0x62e: {  	[sflag:s11] =	ssyncset.done $0x0  }
0x62f: {  	[sflag:s11] =	ssyncadd.s32 $0xFFFFFF00  }
0x630: {  	s25 =	simm.s32 $0xF280;
	s24 =	rddreg [dreg:$0x4]  }
0x631: {  	[tilespmem:s25], [sflag:$0x3] =	stream.linear.gather [spmem:s24], $0x100, $0x38;
	[tilespmem:$0x113A0] =	vst v63  }
0x632: {  	_ =	swait.ge [sflag:s11], $0x100  }
0x633: {  	[sflag:s11] =	ssyncset.done $0x0  }
0x634: {  	s26 =	simm.s32 $0xF270;
	[sflag:s11] =	ssyncadd.s32 $0xFFFFFF00  }
0x635: {  	v5 =	vld [tilespmem:s26+$0x0];
	_ =	sdelay $0x4  }
0x636: {  	v9 =	vperm.xlane v5, v3  }
0x637: {  	(xrf2) =	vadd.scan.msk.f32 $0xffff, v5  }
0x638: {  	(xrf2) =	vadd.scan.msk.f32 $0xffff, v9;
	_ =	sdelay $0x6  }
0x639: {  	s28 =	simm.s32 $0xF370  }
0x63a: {  	v11 =	vld [tilespmem:s28+$0x0]  }
0x63b: {  	v10, _, _ =	vpop (xrf2)  }
0x63c: {  	s2 =	simm.s32 $0xF260;
	v5 =	vimm.f32 $0.0e+00;
	v12, _, _ =	vpop (xrf2)  }
0x63d: {  	v15 =	vld [tilespmem:s2+$0x0];
	v13 =	vadd.f32 v12, v5;
	_ =	sdelay $0x1  }
0x63e: {  	vm0 =	vge.f32 v13, v7;
	v13 =	vperm.xlane v11, v3  }
0x63f: {  	(xrf2) =	vadd.scan.msk.f32 $0xffff, v11;
	vm0 =	vmand vm0, vm5  }
0x640: {  	v11 =	vmctz.xlane vm0;
	(xrf2) =	vadd.scan.msk.f32 $0xffff, v13  }
0x641: {  	v14 =	vperm.xlane v15, v3  }
0x642: {  	(xrf2) =	vadd.scan.msk.f32 $0xffff, v15;
	vm0 =	veq.s32 v11, v0  }
0x643: {  	(xrf2) =	vadd.scan.msk.f32 $0xffff, v14;
	v12 =	vnsel vm0, $0x0, v12  }
0x644: {  	(xrf2) =	vadd.scan.msk.f32 $0xffff, v12;
	_ =	sdelay $0x1  }
0x645: {  	s29 =	simm.s32 $0xF0  }
0x646: {  	v9 =	vnsel vm0, $0x0, v9;
	v12 =	vmov s29  }
0x647: {  	(xrf2) =	vadd.scan.msk.f32 $0xffff, v9;
	v9 =	vbroadcast v10, $0xF  }
0x648: {  	v16, _, _ =	vpop (xrf2)  }
0x649: {  	v10 =	vadd.f32 v9, v5;
	v9 =	vadd.s32 $0xF, v12;
	v12, _, _ =	vpop (xrf2)  }
0x64a: {  	v9 =	vbroadcast v9, $0x0;
	v12 =	vnsel vm0, $0x0, v12  }
0x64b: {  	v17 =	vimm.s32 $0x0;
	vm1 =	vge.f32 v10, v7;
	v18, _, _ =	vpop (xrf2);
	(xrf2) =	vadd.scan.msk.f32 $0xffff, v12  }
0x64c: {  	vm2 =	vmand vm1, vm5;
	v9 =	vsub.s32 v9, v11;
	v11 =	vbroadcast v16, $0xF;
	v15, _, _ =	vpop (xrf2)  }
0x64d: {  	v9 =	vsel vm2, v9, v17;
	v17 =	vnsel vm0, $0x0, v13;
	v16, _, _ =	vpop (xrf2)  }
0x64e: {  	s13 =	simm.s32 $0xF360;
	v11 =	vadd.f32 v11, v5;
	(xrf2) =	vadd.scan.msk.f32 $0xffff, v17;
	v19 =	vbroadcast v16, $0xF  }
0x64f: {  	v17 =	vld [tilespmem:s13+$0x0]  }
0x650: {  	vm1 =	vmor vm10, vm1  }
0x651: {  	vm2 =	vmmov vm2;
	v13 =	vbroadcast v18, $0xF;
	v12 =	vsel vm1, v5, v11  }
0x652: {  	s1 =	simm.s32 $0xE0;
	s14 =	simm.s32 $0xD0;
	v16 =	vadd.f32 v15, v10;
	v11 =	vmov v10;
	v18 =	vadd.f32 v19, v5;
	v19, _, _ =	vpop (xrf2)  }
.LBB2_90:
0x653: {  	p1 =	sne.s32 s14, $0x0  }
0x654: {  	v20 =	vperm.xlane v17, v3;
	s2 =	sadd.s32 $0xFFFFFFF0, s2;
	(xrf2) =	vadd.scan.msk.f32 $0xffff, v17;
	s0 =	smov.u32 s14;
	s14 =	sadd.s32 $0xFFFFFFF0, s14  }
0x655: {  	v22 =	vbroadcast v19, $0xF;
	v17 =	vld [tilespmem:s2+$0x0];
	v21, _, _ =	vpop (xrf2);
	_ =	sdelay $0x1  }
0x656: {  	v18 =	vsub.f32 v18, v22;
	(xrf2) =	vadd.scan.msk.f32 $0xffff, v20  }
0x657: {  	(v2sf) =	vpush v21, $0xF;
	v19, _, _ =	vpop (xrf2)  }
0x658: {  	v18 =	vsub.f32 v7, v18;
	(v2sf) =	vpush v19, $0xF  }
0x659: {  	v19 =	vperm.xlane v17, v3;
	(xrf2) =	vadd.scan.msk.f32 $0xffff, v17  }
0x65a: {  	s13 =	sadd.s32 $0xFFFFFFF0, s13;
	v7 =	vsel vm2, v18, v7  }
0x65b: {  	vm0 =	vmneg vm1;
	vm3 =	vge.f32 v16, v7;
	v16 =	vmov s1;
	s1 =	smov.u32 s0  }
0x65c: {  	v10 =	vadd.f32 v13, v10;
	vm3 =	vmand vm3, vm0;
	v13 =	vadd.s32 $0xF, v16  }
0x65d: {  	v16 =	vmctz.xlane vm3;
	v13 =	vbroadcast v13, $0x0;
	v18, _, _ =	vpop (xrf2)  }
0x65e: {  	vm4 =	vge.f32 v10, v7;
	(xrf2) =	vadd.scan.msk.f32 $0xffff, v19  }
0x65f: {  	vm3 =	vmand vm4, vm0;
	vm5 =	veq.s32 v16, v0;
	v13 =	vsub.s32 v13, v16  }
0x660: {  	vm1 =	vmor vm1, vm4;
	v16 =	vnsel vm5, $0x0, v14;
	v21 =	vnsel vm5, $0x0, v15;
	v15, _, _ =	vpop (xrf2)  }
0x661: {  	v9 =	vsel vm3, v13, v9;
	v17 =	vnsel vm5, $0x0, v20;
	v14 =	vmovc v19;
	v15 =	vnsel vm5, $0x0, v15;
	(xrf2) =	vadd.scan.msk.f32 $0xffff, v21;
	_ =	sdelay $0x1  }
0x662: {  	v13, _, _ =	vpop (xrf2)  }
0x663: {  	v13 =	vbroadcast v13, $0xF;
	(xrf2) =	vadd.scan.msk.f32 $0xffff, v16;
	_ =	sdelay $0x1  }
0x664: {  	s0 =	spop (v2sf)  }
0x665: {  	(xrf2) =	vadd.scan.msk.f32 $0xffff, v15;
	s6 =	spop (v2sf)  }
0x666: {  	v15, _, _ =	vpop (xrf2);
	s0 =	ssub.f32 s0, s6;
	_ =	sdelay $0x1  }
0x667: {  	(xrf2) =	vadd.scan.msk.f32 $0xffff, v17;
	v5 =	vadd.f32 s0, v5  }
.Ltmp45:
0x668: {  	v18 =	vbroadcast v18, $0xF;
	v17 =	vld [tilespmem:s13+$0x0];
	v19, _, _ =	vpop (xrf2);
	(pc) =	sbr.rel @p1 .LBB2_90-.Ltmp45, $4  }
0x669: {  	v16 =	vadd.f32 v15, v10;
	v20 =	vbroadcast v19, $0xF;
	v5 =	vsel vm2, v5, v12  }
0x66a: {  	vm2 =	vmmov vm3;
	v12 =	vadd.f32 v18, v5  }
0x66b: {  	v18 =	vadd.f32 v20, v11;
	v19, _, _ =	vpop (xrf2);
	v11 =	vmov v10  }
0x66c: {  	v12 =	vsel vm1, v5, v12  }
0x66d: {  	v19 =	vbroadcast v19, $0xF  }
0x66e: {  	v20 =	vperm.xlane v17, v3  }
0x66f: {  	(xrf2) =	vadd.scan.msk.f32 $0xffff, v17;
	v45 =	vsub.f32 v18, v19  }
0x670: {  	(xrf2) =	vadd.scan.msk.f32 $0xffff, v20  }
0x671: {  	v17 =	vsub.f32 v7, v45;
	_ =	sdelay $0x1  }
0x672: {  	v7 =	vsel vm2, v17, v7  }
0x673: {  	vm3 =	vmneg vm1;
	vm0 =	vge.f32 v16, v7  }
0x674: {  	vm0 =	vmand vm0, vm3  }
0x675: {  	v46 =	vmctz.xlane vm0  }
0x676: {  	v47, _, _ =	vpop (xrf2)  }
0x677: {  	v48, _, _ =	vpop (xrf2);
	vm0 =	veq.s32 v46, v0  }
0x678: {  	v49, _, _ =	vpop (xrf2);
	v15 =	vnsel vm0, $0x0, v15  }
0x679: {  	v14 =	vnsel vm0, $0x0, v14;
	v50, _, _ =	vpop (xrf2);
	(xrf2) =	vadd.scan.msk.f32 $0xffff, v15  }
0x67a: {  	v51 =	vnsel vm0, $0x0, v50;
	(xrf2) =	vadd.scan.msk.f32 $0xffff, v14  }
0x67b: {  	v52 =	vnsel vm0, $0x0, v20;
	(xrf2) =	vadd.scan.msk.f32 $0xffff, v51  }
0x67c: {  	(xrf2) =	vadd.scan.msk.f32 $0xffff, v52;
	_ =	sdelay $0x6  }
0x67d: {  	v53, _, _ =	vpop (xrf2)  }
0x67e: {  	(v2sf) =	vpush v47, $0xF;
	v54, _, _ =	vpop (xrf2)  }
0x67f: {  	(v2sf) =	vpush v48, $0xF;
	v55, _, _ =	vpop (xrf2)  }
0x680: {  	(v2sf) =	vpush v55, $0xF;
	v56, _, _ =	vpop (xrf2)  }
0x681: {  	(v2sf) =	vpush v56, $0xF;
	_ =	sdelay $0xb  }
0x682: {  	s0 =	spop (v2sf)  }
0x683: {  	s2 =	spop (v2sf)  }
0x684: {  	s6 =	spop (v2sf)  }
0x685: {  	s7 =	spop (v2sf)  }
0x686: {  	[bflag:$0x0] =	sbarrier.arrive $0xFFFF  }
0x687: {  	s12 =	simm.s32 $0xF100;
	[tilespmem:$0xF100] =	vst v8;
	s10 =	rddreg [dreg:$0xa]  }
0x688: {  	[spmem:s10] =	stream.linear.scatter [tilespmem:s12], [sflag:$0x3], $0x10, $0x38;
	[tilespmem:$0x113A0] =	vst v63  }
0x689: {  	_ =	swait.ge [sflag:s11], $0x10  }
0x68a: {  	[sflag:s11] =	ssyncset.done $0x0  }
0x68b: {  	[sflag:s11] =	ssyncadd.s32 $0xFFFFFFF0  }
0x68c: {  	[bflag:$0x0] =	sbarrier.arrive $0xFFFF  }
0x68d: {  	s25 =	simm.s32 $0xF180;
	s24 =	rddreg [dreg:$0x2]  }
0x68e: {  	[tilespmem:s25], [sflag:$0x3] =	stream.linear.gather [spmem:s24], $0x100, $0x38;
	[tilespmem:$0x113A0] =	vst v63  }
0x68f: {  	_ =	swait.ge [sflag:s11], $0x100  }
0x690: {  	[sflag:s11] =	ssyncset.done $0x0  }
0x691: {  	[sflag:s11] =	ssyncadd.s32 $0xFFFFFF00  }
0x692: {  	v8 =	vld @!p0 [tilespmem:$0xF180];
	_ =	sdelay $0x1  }
0x693: {  	v17 =	vld @!p0 [tilespmem:$0xF190];
	_ =	sdelay $0x1  }
0x694: {  	v18 =	vld @!p0 [tilespmem:$0xF1A0]  }
0x695: {  	v8 =	vadd.f32 @!p0 $0.0e+00, v8  }
0x696: {  	v20 =	vld @!p0 [tilespmem:$0xF1B0]  }
0x697: {  	v8 =	vadd.f32 @!p0 v17, v8  }
0x698: {  	v17 =	vld @!p0 [tilespmem:$0xF1C0]  }
0x699: {  	v8 =	vadd.f32 @!p0 v18, v8  }
0x69a: {  	v18 =	vld @!p0 [tilespmem:$0xF1D0]  }
0x69b: {  	v8 =	vadd.f32 @!p0 v20, v8  }
0x69c: {  	v20 =	vld @!p0 [tilespmem:$0xF1E0]  }
0x69d: {  	v8 =	vadd.f32 @!p0 v17, v8  }
0x69e: {  	v17 =	vld @!p0 [tilespmem:$0xF1F0]  }
0x69f: {  	v8 =	vadd.f32 @!p0 v18, v8  }
0x6a0: {  	v18 =	vld @!p0 [tilespmem:$0xF200]  }
0x6a1: {  	v8 =	vadd.f32 @!p0 v20, v8  }
0x6a2: {  	v20 =	vld @!p0 [tilespmem:$0xF210]  }
0x6a3: {  	v8 =	vadd.f32 @!p0 v17, v8  }
0x6a4: {  	v17 =	vld @!p0 [tilespmem:$0xF220]  }
0x6a5: {  	v8 =	vadd.f32 @!p0 v18, v8  }
0x6a6: {  	v18 =	vld @!p0 [tilespmem:$0xF230]  }
0x6a7: {  	v8 =	vadd.f32 @!p0 v20, v8  }
0x6a8: {  	v20 =	vld @!p0 [tilespmem:$0xF240]  }
0x6a9: {  	v8 =	vadd.f32 @!p0 v17, v8  }
0x6aa: {  	v17 =	vld @!p0 [tilespmem:$0xF250]  }
0x6ab: {  	v8 =	vadd.f32 @!p0 v18, v8  }
0x6ac: {  	v18 =	vld @!p0 [tilespmem:$0xF260]  }
0x6ad: {  	v8 =	vadd.f32 @!p0 v20, v8  }
0x6ae: {  	v20 =	vld @!p0 [tilespmem:$0xF270]  }
0x6af: {  	v8 =	vadd.f32 @!p0 v17, v8;
	_ =	sdelay $0x1  }
0x6b0: {  	v8 =	vadd.f32 @!p0 v18, v8;
	_ =	sdelay $0x1  }
0x6b1: {  	v8 =	vadd.f32 @!p0 v20, v8;
	_ =	sdelay $0x1  }
0x6b2: {  	(xrf2) =	vadd.scan.msk.f32 @!p0 $0xffff, v8;
	_ =	sdelay $0x2  }
0x6b3: {  	v10 =	vadd.f32 v13, v10  }
0x6b4: {  	s0 =	ssub.f32 s0, s2;
	v58 =	vbroadcast v53, $0xF  }
0x6b5: {  	v57 =	vmov s1;
	v6 =	vshll.u32 @!p0 v6, $0x8;
	vm14 =	vge.f32 v10, v7  }
0x6b6: {  	v5 =	vadd.f32 s0, v5;
	v60 =	vbroadcast v54, $0xF;
	v59 =	vadd.f32 v58, v11  }
0x6b7: {  	vm3 =	vmand vm14, vm3;
	v61 =	vbroadcast v49, $0xF;
	v8 =	vadd.s32 $0xF, v57  }
0x6b8: {  	v5 =	vsel vm2, v5, v12;
	v10 =	vsub.f32 v59, v60;
	s26 =	ssub.f32 s6, s7;
	v8 =	vbroadcast v8, $0x0  }
0x6b9: {  	vm15 =	vmmov vm3;
	vm0 =	vmor vm1, vm14;
	v62 =	vadd.f32 v61, v5  }
0x6ba: {  	v10 =	vsub.f32 v7, v10;
	v63 =	vadd.f32 s26, v5;
	v8 =	vsub.s32 v8, v46;
	v12, _, _ =	vpop @!p0 (xrf2)  }
0x6bb: {  	v5 =	vsel vm0, v5, v62;
	v8 =	vsel vm3, v8, v9;
	v9 =	vbroadcast @!p0 v12, $0xF  }
0x6bc: {  	v7 =	vsel vm15, v10, v7;
	v5 =	vsel vm15, v63, v5;
	v6 =	vor.u32 @!p0 v6, v8  }
0x6bd: {  	v6 =	vmul.f32 @!p0 v6, v7;
	v5 =	vadd.f32 @!p0 v9, v5;
	_ =	sdelay $0x1  }
0x6be: {  	v5 =	vadd.f32 @!p0 v5, v6;
	_ =	sdelay $0x1  }
0x6bf: {  	s1 =	simm.s32 @!p0 $0xF100;
	s0 =	simm.s32 @!p0 $0x0;
	s2 =	rddreg [dreg:$0xe];
	[tilespmem:$0xF100] =	vst @!p0 v5  }
0x6c0: {  	[hbm4b:s2+s0] =	stream.linear.scatter @!p0 [tilespmem:s1], [sflag:$0x3], $0x80, $0x38;
	[tilespmem:$0x113A0] =	vst v63  }
0x6c1: {  	s0 =	simm.s32 @!p0 $0x3  }
0x6c2: {  	_ =	swait.ge @!p0 [sflag:s0], $0x80  }
0x6c3: {  	s28 =	rddreg [dreg:$0x10]  }
0x6c4: {  	s29 =	rddreg [dreg:$0xf];
	s2 =	sadd.s32 $0x1, s28  }
0x6c5: {  	p1 =	sne.s32 s2, s29  }
.Ltmp46:
0x6c6: {  	_ = 	snop;
	(pc) =	sbr.rel @p1 .LBB2_1-.Ltmp46, $3  }
0x6c7: {  	_ =	sdelay $0x1  }
0x6c8: {  	[sflag:s0] =	ssyncset.done @!p0 $0x0  }
0x6c9: {  	[sflag:s0] =	ssyncadd.s32 @!p0 $0xFFFFFF80  }
0x6ca: {  	_ =	sfence.sel $0x180000  }
0x6cb: {  	[bflag:$0x0] =	sbarrier.arrive $0xFFFF  }
0x6cc: {  	_ =	strace $0x90000047  }
0x6cd: {  	[bflag:$0x2] =	sbarrier.arrive $0xFFFF  }
0x6ce: {  	s0 =	rddreg [dreg:$0x5]  }
0x6cf: {  	s0 =	sadd.s32 @!p0 $0x100000, s0  }
0x6d0: {  	[sflag:s0] =	ssyncadd.tile.s32 @!p0 $0x1;
	_ =	shalt  }
.Lfunc_end2:
_tile_overlayer_lowered:
.L_overlay_start_2:
0x6d1: {  	(tag) =	ssettag $0x2  }
0x6d2: {  	s0 =	rddreg [dreg:$0x0];
	s2 =	stileid.u32  }
0x6d3: {  	s1 =	rddreg [dreg:$0x1];
	p0 =	sne.s32 s2, $0x0  }
0x6d4: {  	s3 =	rddreg [dreg:$0x2];
	[bflag:$0x3] =	sbarrier.arrive $0xFFFF;
	s2 =	simm.s32 @!p0 $0x1C03  }
0x6d5: {  	[timem:s3], [sflag:s2] =	dma.local @!p0 [hbm:s0], s1  }
0x6d6: {  	s0 =	simm.s32 @!p0 $0x3  }
0x6d7: {  	_ =	swait.ge @!p0 [sflag:s0], s1  }
0x6d8: {  	s1 =	ssub.s32 @!p0 $0x0, s1;
	[sflag:s0] =	ssyncset.done @!p0 $0x0  }
0x6d9: {  	[sflag:s0] =	ssyncadd.s32 @!p0 s1  }
0x6da: {  	[bflag:$0x3] =	sbarrier.arrive $0xFFFF  }
0x6db: {  	_ =	shalt  }

</sc_bundles>
